<compile_context>
chip_gen: v7x
topology: tpu7x:2x2x1
jax: 0.10.2.dev20260603
libtpu: 0.0.44.dev20260713+nightly
codegen_flags: <defaults>
</compile_context>

<pallas_src>
import functools
import math

import jax
import jax.numpy as jnp
from jax import lax
from jax.experimental import pallas as pl
from jax.experimental.pallas import tpu as pltpu
from jax.experimental.pallas import tpu_sc as plsc

N = 10000
C = 128
G = 64
G3 = G * G * G
K27 = 27
EPS = 1e-4

NSC = 2
NT = 16
NW = NSC * NT
BN = 320
NP = NW * BN
TRASH = BN
GCH = G3 // NW
NB16 = BN // 16
NSLOT = K27 * NB16
GK = (NSLOT * 16 + 127) // 128
CH = 128
SPC = CH // 16
KMAX = GK

_MESH = plsc.VectorSubcoreMesh(core_axis_name="c", subcore_axis_name="s")
_SC_PARAMS = pltpu.CompilerParams(needs_layout_passes=False)


def _iota16():
    return lax.iota(jnp.int32, 16)


@functools.partial(
    pl.kernel,
    out_type=jax.ShapeDtypeStruct((G3,), jnp.int32),
    compiler_params=_SC_PARAMS,
    mesh=_MESH,
    scratch_types=[
        pltpu.VMEM((N * 3,), jnp.float32),
        pltpu.VMEM((GCH,), jnp.int32),
    ],
)
def _grid_kernel(pos_hbm, grid_hbm, posv, gchunk):
    c = lax.axis_index("c")
    s = lax.axis_index("s")
    w = c * NT + s
    base = w * GCH
    pltpu.sync_copy(pos_hbm, posv)

    def fill(i, _):
        gchunk[pl.ds(i * 16, 16)] = jnp.full((16,), -1, jnp.int32)
        return 0

    lax.fori_loop(0, GCH // 16, fill, 0)

    def scan(i, _):
        n = i * 16 + _iota16()
        f = n * 3
        xi = plsc.load_gather(posv, [f]).astype(jnp.int32)
        yi = plsc.load_gather(posv, [f + 1]).astype(jnp.int32)
        zi = plsc.load_gather(posv, [f + 2]).astype(jnp.int32)
        key = xi * (G * G) + yi * G + zi
        m = (key >= base) & (key < base + GCH)
        plsc.store_scatter(gchunk, [key - base], n, mask=m)
        return 0

    lax.fori_loop(0, N // 16, scan, 0)
    pltpu.sync_copy(gchunk, grid_hbm.at[pl.ds(base, GCH)])


@functools.partial(
    pl.kernel,
    out_type=(
        jax.ShapeDtypeStruct((NW, KMAX, CH), jnp.int32),
        jax.ShapeDtypeStruct((NW, KMAX, CH), jnp.int32),
        jax.ShapeDtypeStruct((NW, 16), jnp.int32),
    ),
    compiler_params=_SC_PARAMS,
    mesh=_MESH,
    scratch_types=[
        pltpu.VMEM((N * 3,), jnp.float32),
        pltpu.VMEM((GK, 128), jnp.int32),
        pltpu.VMEM((GK, 128), jnp.int32),
        pltpu.VMEM((GK, 128), jnp.int32),
        pltpu.VMEM((KMAX, CH), jnp.int32),
        pltpu.VMEM((KMAX, CH), jnp.int32),
        pltpu.VMEM((16,), jnp.int32),
        pltpu.SemaphoreType.DMA,
    ],
)
def _edge_kernel(pos_hbm, grid_hbm, ridx_hbm, dstl_hbm, cnt_hbm,
                 posv, nkv, inbv, gv, rv, dv, cv, sem):
    c = lax.axis_index("c")
    s = lax.axis_index("s")
    w = c * NT + s
    base_n = w * BN
    pltpu.sync_copy(pos_hbm, posv)

    def ibody(i, _):
        ln = i * 16 + _iota16()
        n = base_n + ln
        f = jnp.minimum(n, N - 1) * 3
        xi = plsc.load_gather(posv, [f]).astype(jnp.int32)
        yi = plsc.load_gather(posv, [f + 1]).astype(jnp.int32)
        zi = plsc.load_gather(posv, [f + 2]).astype(jnp.int32)
        real = n < N

        def kbody(k, _):
            dx = k // 9 - 1
            dy = (k // 3) % 3 - 1
            dz = k % 3 - 1
            nx = xi + dx
            ny = yi + dy
            nz = zi + dz
            inb = ((nx | ny | nz).astype(jnp.uint32) < G) & real
            nkey = nx * (G * G) + ny * G + nz
            j = k * NB16 + i
            row = j // 8
            col = (j % 8) * 16
            nkv[row, pl.ds(col, 16)] = jnp.where(inb, nkey, 0)
            inbv[row, pl.ds(col, 16)] = inb.astype(jnp.int32)
            return 0

        lax.fori_loop(0, K27, kbody, 0)
        return 0

    lax.fori_loop(0, NB16, ibody, 0)

    def fire(j, _):
        pltpu.async_copy(grid_hbm.at[nkv.at[j]], gv.at[j], sem)
        return 0

    lax.fori_loop(0, GK, fire, 0)
    pltpu.make_async_copy(ridx_hbm.at[w], rv, sem).wait()

    def prefill(j, _):
        row = j // SPC
        col = (j % SPC) * 16
        rv[row, pl.ds(col, 16)] = jnp.zeros((16,), jnp.int32)
        dv[row, pl.ds(col, 16)] = jnp.full((16,), TRASH, jnp.int32)
        return 0

    lax.fori_loop(0, KMAX * SPC, prefill, 0)

    def kbody2(k, ptr):
        def ibody2(i, ptr):
            j = k * NB16 + i
            row = j // 8
            col = (j % 8) * 16
            g = gv[row, pl.ds(col, 16)]
            inb = inbv[row, pl.ds(col, 16)]
            valid = (inb > 0) & (g >= 0) & (k != 13)
            ln = i * 16 + _iota16()
            f = ptr * 16 + _iota16()
            plsc.store_scatter(rv, [f >> 7, f & (CH - 1)],
                               k * NP + g, mask=valid)
            plsc.store_scatter(dv, [f >> 7, f & (CH - 1)], ln, mask=valid)
            return ptr + valid.astype(jnp.int32)

        return lax.fori_loop(0, NB16, ibody2, ptr)

    ptr = lax.fori_loop(0, K27, kbody2, jnp.zeros((16,), jnp.int32))
    cv[...] = ptr
    pltpu.sync_copy(rv, ridx_hbm.at[w])
    pltpu.sync_copy(dv, dstl_hbm.at[w])
    pltpu.sync_copy(cv, cnt_hbm.at[w])


@functools.partial(
    pl.kernel,
    out_type=jax.ShapeDtypeStruct((NP, C), jnp.float32),
    compiler_params=_SC_PARAMS,
    mesh=_MESH,
    scratch_types=[
        pltpu.VMEM((KMAX, CH), jnp.int32),
        pltpu.VMEM((KMAX, CH), jnp.int32),
        pltpu.VMEM((16,), jnp.int32),
        pltpu.VMEM((CH, C), jnp.float32),
        pltpu.VMEM((32 * C,), jnp.float32),
        pltpu.VMEM((BN * C,), jnp.float32),
        pltpu.VMEM((BN + 1, C), jnp.float32),
        pltpu.SemaphoreType.DMA,
    ],
)
def _acc_kernel(yflat_hbm, init_hbm, ridx_hbm, dstl_hbm, cnt_hbm,
                out_hbm, rixv, dixv, cv, gbuf, dummy, yself, acc, sem):
    c = lax.axis_index("c")
    s = lax.axis_index("s")
    w = c * NT + s
    pltpu.sync_copy(ridx_hbm.at[w], rixv)
    pltpu.sync_copy(dstl_hbm.at[w], dixv)
    pltpu.sync_copy(cnt_hbm.at[w], cv)
    pltpu.sync_copy(init_hbm.at[pl.ds(w * BN, BN)], acc.at[pl.ds(0, BN)])
    pltpu.sync_copy(yflat_hbm.at[pl.ds((13 * NP + w * BN) * C, BN * C)],
                    yself)

    def selfadd(i, _):
        r = i // 8
        col = (i % 8) * 16
        acc[r, pl.ds(col, 16)] += yself[pl.ds(r * C + col, 16)]
        return 0

    lax.fori_loop(0, BN * 8, selfadd, 0)
    nslots = jnp.max(cv[...])
    nch = (nslots + SPC - 1) // SPC

    lanes = [jj * 16 + _iota16() for jj in range(SPC)]

    def chunk(t, _):
        for sub in range(4):
            def fire_e(e, _):
                vec = rixv[t, pl.ds((e // 16) * 16, 16)]
                idx = jnp.max(jnp.where(_iota16() == (e & 15), vec, 0))
                pltpu.async_copy(yflat_hbm.at[pl.ds(idx * C, C)],
                                 gbuf.at[e], sem)
                return 0

            lax.fori_loop(sub * 32, (sub + 1) * 32, fire_e, 0)
            pltpu.make_async_copy(yflat_hbm.at[pl.ds(0, 32 * C)], dummy,
                                  sem).wait()
        dvecs = [dixv[t, pl.ds(jj * 16, 16)] for jj in range(SPC)]

        def cbody(ch, _):
            cc = jnp.zeros((16,), jnp.int32) + ch
            vals = [plsc.load_gather(gbuf, [lanes[jj], cc])
                    for jj in range(SPC)]
            for jj in range(SPC):
                plsc.addupdate_scatter(acc, [dvecs[jj], cc], vals[jj])
            return 0

        lax.fori_loop(0, C, cbody, 0)
        return 0

    lax.fori_loop(0, nch, chunk, 0)
    pltpu.sync_copy(acc.at[pl.ds(0, BN)], out_hbm.at[pl.ds(w * BN, BN)])


_BM = 512
_SCALE = 1.0 / math.sqrt(1.0 + EPS)


def _mm_body(x_ref, w_ref, g_ref, b_ref, o_ref):
    h = jnp.maximum(x_ref[...] * (g_ref[...] * _SCALE) + b_ref[...], 0.0)
    y = jnp.dot(h, w_ref[...], preferred_element_type=jnp.float32)
    for k in range(K27):
        o_ref[k] = y[:, k * C:(k + 1) * C]


def _bn_relu_mm(x, wcat, gamma, beta):
    m = x.shape[0]
    grid = (m + _BM - 1) // _BM
    return pl.pallas_call(
        _mm_body,
        grid=(grid,),
        in_specs=[
            pl.BlockSpec((_BM, C), lambda i: (i, 0)),
            pl.BlockSpec((C, K27 * C), lambda i: (0, 0)),
            pl.BlockSpec((1, C), lambda i: (0, 0)),
            pl.BlockSpec((1, C), lambda i: (0, 0)),
        ],
        out_specs=pl.BlockSpec((K27, _BM, C), lambda i: (0, i, 0)),
        out_shape=jax.ShapeDtypeStruct((K27, m, C), jnp.float32),
    )(x, wcat, gamma.reshape(1, C), beta.reshape(1, C))


def kernel(feat, pos, training, W1, W2, gamma1, beta1, gamma2, beta2):
    del training
    feat_p = jnp.pad(feat, ((0, NP - N), (0, 0)))
    pos_f = pos.reshape(N * 3)
    grid = _grid_kernel(pos_f)
    ridx, dstl, cnt = _edge_kernel(pos_f, grid)

    w1c = jnp.transpose(W1, (1, 0, 2)).reshape(C, K27 * C)
    w2c = jnp.transpose(W2, (1, 0, 2)).reshape(C, K27 * C)

    y1 = _bn_relu_mm(feat_p, w1c, gamma1, beta1).reshape(K27 * NP, C)
    h1 = _acc_kernel(y1.reshape(K27 * NP * C),
                     jnp.zeros((NP, C), jnp.float32), ridx, dstl, cnt)
    y2 = _bn_relu_mm(h1, w2c, gamma2, beta2).reshape(K27 * NP, C)
    out = _acc_kernel(y2.reshape(K27 * NP * C), feat_p, ridx, dstl, cnt)
    return out[:N]

# --- scband reference (transcript-rebuilt; emitter-appended) ---
"""Pipeline reference for scband-residual-block-13365938225630 (READ-ONLY COPY).

The authoritative reference and input builder live on the scoring server;
editing this copy changes nothing except your own understanding.
"""

import jax, jax.numpy as jnp
import numpy as np

G = 64
N = 10000
C = 128
EPS = 1e-4


def setup_inputs(seed: int = 0) -> dict:
    key = jax.random.key(seed)
    k1, k2, k3, k4 = jax.random.split(key, 4)
    # unique voxel positions on a GxGxG grid (submanifold conv assumes unique active sites)
    lin = jax.random.permutation(k1, G * G * G)[:N]
    x = lin // (G * G)
    y = (lin // G) % G
    z = lin % G
    pos = jnp.stack([x, y, z], axis=1).astype(jnp.float32)
    feat = jax.random.normal(k2, (N, C), dtype=jnp.float32)
    W1 = jax.random.normal(k3, (27, C, C), dtype=jnp.float32) * 0.05
    W2 = jax.random.normal(k4, (27, C, C), dtype=jnp.float32) * 0.05
    gamma1 = jnp.ones((C,), dtype=jnp.float32)
    beta1 = jnp.zeros((C,), dtype=jnp.float32)
    gamma2 = jnp.ones((C,), dtype=jnp.float32)
    beta2 = jnp.zeros((C,), dtype=jnp.float32)
    return {"feat": feat, "pos": pos, "training": False, "W1": W1, "W2": W2,
            "gamma1": gamma1, "beta1": beta1, "gamma2": gamma2, "beta2": beta2}


def _neighbors(pos):
    coords = pos.astype(jnp.int32)
    keys = coords[:, 0] * G * G + coords[:, 1] * G + coords[:, 2]
    grid = jnp.full((G * G * G,), -1, dtype=jnp.int32).at[keys].set(
        jnp.arange(N, dtype=jnp.int32))
    offs = jnp.stack(jnp.meshgrid(jnp.arange(-1, 2), jnp.arange(-1, 2),
                                  jnp.arange(-1, 2), indexing='ij'),
                     axis=-1).reshape(27, 3)
    nc = coords[:, None, :] + offs[None, :, :]  # [N,27,3]
    inb = jnp.all((nc >= 0) & (nc < G), axis=-1)
    ncc = jnp.clip(nc, 0, G - 1)
    nkeys = ncc[..., 0] * G * G + ncc[..., 1] * G + ncc[..., 2]
    nidx = grid[nkeys]
    valid = inb & (nidx >= 0)
    return jnp.where(valid, nidx, 0), valid


def _bn_inference(x, gamma, beta):
    # fresh BatchNormalization in inference mode: moving_mean=0, moving_var=1, eps=1e-4
    return gamma * (x / jnp.sqrt(1.0 + EPS)) + beta


def _submanifold_conv(feat, nidx, valid, W):
    gathered = feat[nidx] * valid[..., None].astype(feat.dtype)  # [N,27,C]
    return jnp.einsum('nkc,kcd->nd', gathered, W)


def reference(feat, pos, training, W1, W2, gamma1, beta1, gamma2, beta2):
    nidx, valid = _neighbors(pos)
    # NetworkInNetwork with nIn == nOut -> identity
    out1 = feat
    h = jax.nn.relu(_bn_inference(feat, gamma1, beta1))
    h = _submanifold_conv(h, nidx, valid, W1)
    h = jax.nn.relu(_bn_inference(h, gamma2, beta2))
    out2 = _submanifold_conv(h, nidx, valid, W2)
    return out1 + out2

if __name__ == "__main__":
    import jax
    _d = setup_inputs()
    print(jax.jit(kernel)(*tuple(_d.values())))

</pallas_src>

<mosaic_0001>
#map = affine_map<(d0, d1) -> (0)>
#map1 = affine_map<(d0, d1) -> (0, 0)>
#map2 = affine_map<(d0, d1) -> (0, 0, 0)>
module attributes {stable_mosaic.version = 14 : i64} {
  func.func @_acc_kernel(%arg0: i32, %arg1: i32, %arg2: memref<35389440xf32, #tpu.memory_space<hbm>>, %arg3: memref<10240x128xf32, #tpu.memory_space<hbm>>, %arg4: memref<32x68x128xi32, #tpu.memory_space<hbm>>, %arg5: memref<32x68x128xi32, #tpu.memory_space<hbm>>, %arg6: memref<32x16xi32, #tpu.memory_space<hbm>>, %arg7: memref<10240x128xf32, #tpu.memory_space<hbm>>, %arg8: memref<68x128xi32, #tpu.memory_space<vmem>>, %arg9: memref<68x128xi32, #tpu.memory_space<vmem>>, %arg10: memref<16xi32, #tpu.memory_space<vmem>>, %arg11: memref<128x128xf32, #tpu.memory_space<vmem>>, %arg12: memref<4096xf32, #tpu.memory_space<vmem>>, %arg13: memref<40960xf32, #tpu.memory_space<vmem>>, %arg14: memref<321x128xf32, #tpu.memory_space<vmem>>, %arg15: memref<!tpu.dma_semaphore, #tpu.memory_space<semaphore_mem>>) attributes {dimension_semantics = [#tpu.dimension_semantics<core_parallel>, #tpu.dimension_semantics<subcore_parallel>], iteration_bounds = array<i64: 2, 16>, scalar_prefetch = 0 : i64, scratch_operands = 8 : i64, tpu.core_type = #tpu.core_type<sc_vector_subcore>, window_params = [{transform_indices = #map}, {transform_indices = #map1}, {transform_indices = #map2}, {transform_indices = #map2}, {transform_indices = #map1}, {transform_indices = #map1}]} {
    %mul3A = arith.constant 16 : i32
    %mul3A_0 = arith.muli %arg0, %mul3A : i32
    %add3A = arith.addi %mul3A_0, %arg1 : i32
    "tpu.region"() ({
      %run_scoped3A = tpu.sem_alloc : memref<!tpu.dma_semaphore, #tpu.memory_space<semaphore_mem>>
      %dma_start3A = arith.constant 0 : i32
      %dma_start3A_87 = arith.constant 0 : i32
      %dma_start3A_88 = tpu.memref_slice %arg4[%add3A, %dma_start3A, %dma_start3A_87] : memref<32x68x128xi32, #tpu.memory_space<hbm>> -> memref<1x68x128xi32, #tpu.memory_space<hbm>>
      %dma_start3A_89 = tpu.memref_squeeze %dma_start3A_88 : memref<1x68x128xi32, #tpu.memory_space<hbm>> -> memref<68x128xi32, #tpu.memory_space<hbm>>
      %dma_start3A_90 = arith.constant 0 : i32
      %dma_start3A_91 = arith.constant 0 : i32
      %dma_start3A_92 = tpu.memref_slice %arg4[%add3A, %dma_start3A_90, %dma_start3A_91] : memref<32x68x128xi32, #tpu.memory_space<hbm>> -> memref<1x68x128xi32, #tpu.memory_space<hbm>>
      %dma_start3A_93 = tpu.memref_squeeze %dma_start3A_92 : memref<1x68x128xi32, #tpu.memory_space<hbm>> -> memref<68x128xi32, #tpu.memory_space<hbm>>
      tpu.enqueue_dma source(%dma_start3A_93 : memref<68x128xi32, #tpu.memory_space<hbm>>) target(%arg8 : memref<68x128xi32, #tpu.memory_space<vmem>>) target_semaphore(%run_scoped3A : memref<!tpu.dma_semaphore, #tpu.memory_space<semaphore_mem>>)
      %dma_wait3A = arith.constant 0 : i32
      %dma_wait3A_94 = arith.constant 0 : i32
      %dma_wait3A_95 = tpu.memref_slice %arg4[%add3A, %dma_wait3A, %dma_wait3A_94] : memref<32x68x128xi32, #tpu.memory_space<hbm>> -> memref<1x68x128xi32, #tpu.memory_space<hbm>>
      %dma_wait3A_96 = tpu.memref_squeeze %dma_wait3A_95 : memref<1x68x128xi32, #tpu.memory_space<hbm>> -> memref<68x128xi32, #tpu.memory_space<hbm>>
      %dma_wait3A_97 = arith.constant 0 : i32
      %dma_wait3A_98 = arith.constant 0 : i32
      %dma_wait3A_99 = tpu.memref_slice %arg4[%add3A, %dma_wait3A_97, %dma_wait3A_98] : memref<32x68x128xi32, #tpu.memory_space<hbm>> -> memref<1x68x128xi32, #tpu.memory_space<hbm>>
      %dma_wait3A_100 = tpu.memref_squeeze %dma_wait3A_99 : memref<1x68x128xi32, #tpu.memory_space<hbm>> -> memref<68x128xi32, #tpu.memory_space<hbm>>
      tpu.wait_dma2 semaphore(%run_scoped3A : memref<!tpu.dma_semaphore, #tpu.memory_space<semaphore_mem>>) src(%dma_wait3A_100 : memref<68x128xi32, #tpu.memory_space<hbm>>) dst(%arg8 : memref<68x128xi32, #tpu.memory_space<vmem>>)
      tpu.yield
    }) : () -> ()
    "tpu.region"() ({
      %run_scoped3A = tpu.sem_alloc : memref<!tpu.dma_semaphore, #tpu.memory_space<semaphore_mem>>
      %dma_start3A = arith.constant 0 : i32
      %dma_start3A_87 = arith.constant 0 : i32
      %dma_start3A_88 = tpu.memref_slice %arg5[%add3A, %dma_start3A, %dma_start3A_87] : memref<32x68x128xi32, #tpu.memory_space<hbm>> -> memref<1x68x128xi32, #tpu.memory_space<hbm>>
      %dma_start3A_89 = tpu.memref_squeeze %dma_start3A_88 : memref<1x68x128xi32, #tpu.memory_space<hbm>> -> memref<68x128xi32, #tpu.memory_space<hbm>>
      %dma_start3A_90 = arith.constant 0 : i32
      %dma_start3A_91 = arith.constant 0 : i32
      %dma_start3A_92 = tpu.memref_slice %arg5[%add3A, %dma_start3A_90, %dma_start3A_91] : memref<32x68x128xi32, #tpu.memory_space<hbm>> -> memref<1x68x128xi32, #tpu.memory_space<hbm>>
      %dma_start3A_93 = tpu.memref_squeeze %dma_start3A_92 : memref<1x68x128xi32, #tpu.memory_space<hbm>> -> memref<68x128xi32, #tpu.memory_space<hbm>>
      tpu.enqueue_dma source(%dma_start3A_93 : memref<68x128xi32, #tpu.memory_space<hbm>>) target(%arg9 : memref<68x128xi32, #tpu.memory_space<vmem>>) target_semaphore(%run_scoped3A : memref<!tpu.dma_semaphore, #tpu.memory_space<semaphore_mem>>)
      %dma_wait3A = arith.constant 0 : i32
      %dma_wait3A_94 = arith.constant 0 : i32
      %dma_wait3A_95 = tpu.memref_slice %arg5[%add3A, %dma_wait3A, %dma_wait3A_94] : memref<32x68x128xi32, #tpu.memory_space<hbm>> -> memref<1x68x128xi32, #tpu.memory_space<hbm>>
      %dma_wait3A_96 = tpu.memref_squeeze %dma_wait3A_95 : memref<1x68x128xi32, #tpu.memory_space<hbm>> -> memref<68x128xi32, #tpu.memory_space<hbm>>
      %dma_wait3A_97 = arith.constant 0 : i32
      %dma_wait3A_98 = arith.constant 0 : i32
      %dma_wait3A_99 = tpu.memref_slice %arg5[%add3A, %dma_wait3A_97, %dma_wait3A_98] : memref<32x68x128xi32, #tpu.memory_space<hbm>> -> memref<1x68x128xi32, #tpu.memory_space<hbm>>
      %dma_wait3A_100 = tpu.memref_squeeze %dma_wait3A_99 : memref<1x68x128xi32, #tpu.memory_space<hbm>> -> memref<68x128xi32, #tpu.memory_space<hbm>>
      tpu.wait_dma2 semaphore(%run_scoped3A : memref<!tpu.dma_semaphore, #tpu.memory_space<semaphore_mem>>) src(%dma_wait3A_100 : memref<68x128xi32, #tpu.memory_space<hbm>>) dst(%arg9 : memref<68x128xi32, #tpu.memory_space<vmem>>)
      tpu.yield
    }) : () -> ()
    "tpu.region"() ({
      %run_scoped3A = tpu.sem_alloc : memref<!tpu.dma_semaphore, #tpu.memory_space<semaphore_mem>>
      %dma_start3A = arith.constant 0 : i32
      %dma_start3A_87 = tpu.memref_slice %arg6[%add3A, %dma_start3A] : memref<32x16xi32, #tpu.memory_space<hbm>> -> memref<1x16xi32, #tpu.memory_space<hbm>>
      %dma_start3A_88 = tpu.memref_squeeze %dma_start3A_87 : memref<1x16xi32, #tpu.memory_space<hbm>> -> memref<16xi32, #tpu.memory_space<hbm>>
      %dma_start3A_89 = arith.constant 0 : i32
      %dma_start3A_90 = tpu.memref_slice %arg6[%add3A, %dma_start3A_89] : memref<32x16xi32, #tpu.memory_space<hbm>> -> memref<1x16xi32, #tpu.memory_space<hbm>>
      %dma_start3A_91 = tpu.memref_squeeze %dma_start3A_90 : memref<1x16xi32, #tpu.memory_space<hbm>> -> memref<16xi32, #tpu.memory_space<hbm>>
      tpu.enqueue_dma source(%dma_start3A_91 : memref<16xi32, #tpu.memory_space<hbm>>) target(%arg10 : memref<16xi32, #tpu.memory_space<vmem>>) target_semaphore(%run_scoped3A : memref<!tpu.dma_semaphore, #tpu.memory_space<semaphore_mem>>)
      %dma_wait3A = arith.constant 0 : i32
      %dma_wait3A_92 = tpu.memref_slice %arg6[%add3A, %dma_wait3A] : memref<32x16xi32, #tpu.memory_space<hbm>> -> memref<1x16xi32, #tpu.memory_space<hbm>>
      %dma_wait3A_93 = tpu.memref_squeeze %dma_wait3A_92 : memref<1x16xi32, #tpu.memory_space<hbm>> -> memref<16xi32, #tpu.memory_space<hbm>>
      %dma_wait3A_94 = arith.constant 0 : i32
      %dma_wait3A_95 = tpu.memref_slice %arg6[%add3A, %dma_wait3A_94] : memref<32x16xi32, #tpu.memory_space<hbm>> -> memref<1x16xi32, #tpu.memory_space<hbm>>
      %dma_wait3A_96 = tpu.memref_squeeze %dma_wait3A_95 : memref<1x16xi32, #tpu.memory_space<hbm>> -> memref<16xi32, #tpu.memory_space<hbm>>
      tpu.wait_dma2 semaphore(%run_scoped3A : memref<!tpu.dma_semaphore, #tpu.memory_space<semaphore_mem>>) src(%dma_wait3A_96 : memref<16xi32, #tpu.memory_space<hbm>>) dst(%arg10 : memref<16xi32, #tpu.memory_space<vmem>>)
      tpu.yield
    }) : () -> ()
    %mul3A_1 = arith.constant 320 : i32
    %mul3A_2 = arith.muli %add3A, %mul3A_1 : i32
    "tpu.region"() ({
      %run_scoped3A = tpu.sem_alloc : memref<!tpu.dma_semaphore, #tpu.memory_space<semaphore_mem>>
      %dma_start3A = arith.constant 0 : i32
      %dma_start3A_87 = arith.constant 0 : i32
      %dma_start3A_88 = tpu.memref_slice %arg14[%dma_start3A, %dma_start3A_87] : memref<321x128xf32, #tpu.memory_space<vmem>> -> memref<320x128xf32, #tpu.memory_space<vmem>>
      %dma_start3A_89 = arith.constant 0 : i32
      %dma_start3A_90 = tpu.memref_slice %arg3[%mul3A_2, %dma_start3A_89] : memref<10240x128xf32, #tpu.memory_space<hbm>> -> memref<320x128xf32, #tpu.memory_space<hbm>>
      %dma_start3A_91 = arith.constant 0 : i32
      %dma_start3A_92 = arith.constant 0 : i32
      %dma_start3A_93 = tpu.memref_slice %arg14[%dma_start3A_91, %dma_start3A_92] : memref<321x128xf32, #tpu.memory_space<vmem>> -> memref<320x128xf32, #tpu.memory_space<vmem>>
      %dma_start3A_94 = arith.constant 0 : i32
      %dma_start3A_95 = tpu.memref_slice %arg3[%mul3A_2, %dma_start3A_94] : memref<10240x128xf32, #tpu.memory_space<hbm>> -> memref<320x128xf32, #tpu.memory_space<hbm>>
      tpu.enqueue_dma source(%dma_start3A_95 : memref<320x128xf32, #tpu.memory_space<hbm>>) target(%dma_start3A_93 : memref<320x128xf32, #tpu.memory_space<vmem>>) target_semaphore(%run_scoped3A : memref<!tpu.dma_semaphore, #tpu.memory_space<semaphore_mem>>)
      %dma_wait3A = arith.constant 0 : i32
      %dma_wait3A_96 = arith.constant 0 : i32
      %dma_wait3A_97 = tpu.memref_slice %arg14[%dma_wait3A, %dma_wait3A_96] : memref<321x128xf32, #tpu.memory_space<vmem>> -> memref<320x128xf32, #tpu.memory_space<vmem>>
      %dma_wait3A_98 = arith.constant 0 : i32
      %dma_wait3A_99 = tpu.memref_slice %arg3[%mul3A_2, %dma_wait3A_98] : memref<10240x128xf32, #tpu.memory_space<hbm>> -> memref<320x128xf32, #tpu.memory_space<hbm>>
      %dma_wait3A_100 = arith.constant 0 : i32
      %dma_wait3A_101 = arith.constant 0 : i32
      %dma_wait3A_102 = tpu.memref_slice %arg14[%dma_wait3A_100, %dma_wait3A_101] : memref<321x128xf32, #tpu.memory_space<vmem>> -> memref<320x128xf32, #tpu.memory_space<vmem>>
      %dma_wait3A_103 = arith.constant 0 : i32
      %dma_wait3A_104 = tpu.memref_slice %arg3[%mul3A_2, %dma_wait3A_103] : memref<10240x128xf32, #tpu.memory_space<hbm>> -> memref<320x128xf32, #tpu.memory_space<hbm>>
      tpu.wait_dma2 semaphore(%run_scoped3A : memref<!tpu.dma_semaphore, #tpu.memory_space<semaphore_mem>>) src(%dma_wait3A_104 : memref<320x128xf32, #tpu.memory_space<hbm>>) dst(%dma_wait3A_102 : memref<320x128xf32, #tpu.memory_space<vmem>>)
      tpu.yield
    }) : () -> ()
    %mul3A_3 = arith.constant 320 : i32
    %mul3A_4 = arith.muli %add3A, %mul3A_3 : i32
    %add3A_5 = arith.constant 133120 : i32
    %add3A_6 = arith.addi %add3A_5, %mul3A_4 : i32
    %mul3A_7 = arith.constant 128 : i32
    %mul3A_8 = arith.muli %add3A_6, %mul3A_7 : i32
    "tpu.region"() ({
      %run_scoped3A = tpu.sem_alloc : memref<!tpu.dma_semaphore, #tpu.memory_space<semaphore_mem>>
      %dma_start3A = tpu.memref_slice %arg2[%mul3A_8] : memref<35389440xf32, #tpu.memory_space<hbm>> -> memref<40960xf32, #tpu.memory_space<hbm>>
      %dma_start3A_87 = tpu.memref_slice %arg2[%mul3A_8] : memref<35389440xf32, #tpu.memory_space<hbm>> -> memref<40960xf32, #tpu.memory_space<hbm>>
      tpu.enqueue_dma source(%dma_start3A_87 : memref<40960xf32, #tpu.memory_space<hbm>>) target(%arg13 : memref<40960xf32, #tpu.memory_space<vmem>>) target_semaphore(%run_scoped3A : memref<!tpu.dma_semaphore, #tpu.memory_space<semaphore_mem>>)
      %dma_wait3A = tpu.memref_slice %arg2[%mul3A_8] : memref<35389440xf32, #tpu.memory_space<hbm>> -> memref<40960xf32, #tpu.memory_space<hbm>>
      %dma_wait3A_88 = tpu.memref_slice %arg2[%mul3A_8] : memref<35389440xf32, #tpu.memory_space<hbm>> -> memref<40960xf32, #tpu.memory_space<hbm>>
      tpu.wait_dma2 semaphore(%run_scoped3A : memref<!tpu.dma_semaphore, #tpu.memory_space<semaphore_mem>>) src(%dma_wait3A_88 : memref<40960xf32, #tpu.memory_space<hbm>>) dst(%arg13 : memref<40960xf32, #tpu.memory_space<vmem>>)
      tpu.yield
    }) : () -> ()
    %scan3A = arith.constant 0 : i32
    %scan3A_9 = arith.constant 0 : i32
    %scan3A_10 = arith.constant 2560 : i32
    %scan3A_11 = arith.addi %scan3A_9, %scan3A_10 : i32
    %scan3A_12 = arith.constant 1 : i32
    %scan3A_13 = scf.for %scan3A_87 = %scan3A_9 to %scan3A_11 step %scan3A_12 iter_args(%scan3A_88 = %scan3A) -> (i32)  : i32 {
      %jit3A_89 = arith.constant 8 : i32
      %div3A_90 = arith.divsi %scan3A_87, %jit3A_89 : i32
      %sign3A_91 = arith.constant 0 : i32
      %sign3A_92 = arith.cmpi sgt, %scan3A_87, %sign3A_91 : i32
      %sign3A_93 = arith.extui %sign3A_92 : i1 to i32
      %sign3A_94 = arith.constant 0 : i32
      %sign3A_95 = arith.cmpi slt, %scan3A_87, %sign3A_94 : i32
      %sign3A_96 = arith.extui %sign3A_95 : i1 to i32
      %sign3A_97 = arith.subi %sign3A_93, %sign3A_96 : i32
      %sign3A_98 = arith.constant 0 : i32
      %sign3A_99 = arith.cmpi sgt, %jit3A_89, %sign3A_98 : i32
      %sign3A_100 = arith.extui %sign3A_99 : i1 to i32
      %sign3A_101 = arith.constant 0 : i32
      %sign3A_102 = arith.cmpi slt, %jit3A_89, %sign3A_101 : i32
      %sign3A_103 = arith.extui %sign3A_102 : i1 to i32
      %sign3A_104 = arith.subi %sign3A_100, %sign3A_103 : i32
      %ne3A_105 = arith.cmpi ne, %sign3A_97, %sign3A_104 : i32
      %rem3A_106 = arith.remsi %scan3A_87, %jit3A_89 : i32
      %ne3A_107 = arith.constant 0 : i32
      %ne3A_108 = arith.cmpi ne, %rem3A_106, %ne3A_107 : i32
      %and3A_109 = arith.andi %ne3A_105, %ne3A_108 : i1
      %sub3A_110 = arith.constant 1 : i32
      %sub3A_111 = arith.subi %div3A_90, %sub3A_110 : i32
      %select_n3A_112 = arith.select %and3A_109, %sub3A_111, %div3A_90 : i32
      %jit3A_113 = arith.constant 8 : i32
      %eq3A = arith.constant 0 : i32
      %eq3A_114 = arith.cmpi eq, %jit3A_113, %eq3A : i32
      %jit3A_115 = arith.constant 1 : i32
      %select_n3A_116 = arith.select %eq3A_114, %jit3A_115, %jit3A_113 : i32
      %rem3A_117 = arith.remsi %scan3A_87, %select_n3A_116 : i32
      %ne3A_118 = arith.constant 0 : i32
      %ne3A_119 = arith.cmpi ne, %rem3A_117, %ne3A_118 : i32
      %lt3A = arith.constant 0 : i32
      %lt3A_120 = arith.cmpi slt, %rem3A_117, %lt3A : i32
      %lt3A_121 = arith.constant 0 : i32
      %lt3A_122 = arith.cmpi slt, %select_n3A_116, %lt3A_121 : i32
      %ne3A_123 = arith.xori %lt3A_120, %lt3A_122 : i1
      %and3A_124 = arith.andi %ne3A_123, %ne3A_119 : i1
      %add3A_125 = arith.addi %rem3A_117, %select_n3A_116 : i32
      %select_n3A_126 = arith.select %and3A_124, %add3A_125, %rem3A_117 : i32
      %mul3A_127 = arith.constant 16 : i32
      %mul3A_128 = arith.muli %select_n3A_126, %mul3A_127 : i32
      %get3A_129 = arith.index_cast %select_n3A_112 : i32 to index
      %get3A_130 = arith.index_cast %mul3A_128 : i32 to index
      %get3A_131 = tpu.vector_load %arg14[%get3A_129, %get3A_130] {strides = array<i32>} : memref<321x128xf32, #tpu.memory_space<vmem>>, vector<16xf32>,
      %mul3A_132 = arith.constant 128 : i32
      %mul3A_133 = arith.muli %select_n3A_112, %mul3A_132 : i32
      %add3A_134 = arith.addi %mul3A_133, %mul3A_128 : i32
      %get3A_135 = arith.index_cast %add3A_134 : i32 to index
      %get3A_136 = tpu.vector_load %arg13[%get3A_135] {strides = array<i32>} : memref<40960xf32, #tpu.memory_space<vmem>>, vector<16xf32>,
      %add3A_137 = arith.addf %get3A_131, %get3A_136 : vector<16xf32>
      %swap3A = arith.index_cast %select_n3A_112 : i32 to index
      %swap3A_138 = arith.index_cast %mul3A_128 : i32 to index
      %swap3A_139 = tpu.vector_load %arg14[%swap3A, %swap3A_138] {strides = array<i32>} : memref<321x128xf32, #tpu.memory_space<vmem>>, vector<16xf32>,
      tpu.vector_store %arg14[%swap3A, %swap3A_138], %add3A_137 {strides = array<i32>} : memref<321x128xf32, #tpu.memory_space<vmem>>, vector<16xf32>,
      %scan3A_140 = arith.constant 0 : i32
      scf.yield %scan3A_140 : i32
    }
    %scan3A_14 = arith.constant 2560 : i32
    %get3A = arith.constant 0 : index
    %get3A_15 = tpu.vector_load %arg10[%get3A] {strides = array<i32>} : memref<16xi32, #tpu.memory_space<vmem>>, vector<16xi32>,
    %reduce_max3A = arith.constant true
    %reduce_max3A_16 = vector.broadcast %reduce_max3A : i1 to vector<16xi1>
    %reduce_max3A_17 = arith.constant -2147483648 : i32
    %reduce_max3A_18 = vector.broadcast %reduce_max3A_17 : i32 to vector<16xi32>
    %reduce_max3A_19 = arith.xori %get3A_15, %reduce_max3A_18 : vector<16xi32>
    %reduce_max3A_20 = tpu.scan <max>, %reduce_max3A_19 masked %reduce_max3A_16 : vector<16xi32>, vector<16xi1> -> vector<16xi32>
    %reduce_max3A_21 = arith.xori %reduce_max3A_20, %reduce_max3A_18 : vector<16xi32>
    %reduce_max3A_22 = vector.extract %reduce_max3A_21[15] : i32 from vector<16xi32>
    %add3A_23 = arith.constant 8 : i32
    %add3A_24 = arith.addi %reduce_max3A_22, %add3A_23 : i32
    %sub3A = arith.constant 1 : i32
    %sub3A_25 = arith.subi %add3A_24, %sub3A : i32
    %jit3A = arith.constant 8 : i32
    %div3A = arith.divsi %sub3A_25, %jit3A : i32
    %sign3A = arith.constant 0 : i32
    %sign3A_26 = arith.cmpi sgt, %sub3A_25, %sign3A : i32
    %sign3A_27 = arith.extui %sign3A_26 : i1 to i32
    %sign3A_28 = arith.constant 0 : i32
    %sign3A_29 = arith.cmpi slt, %sub3A_25, %sign3A_28 : i32
    %sign3A_30 = arith.extui %sign3A_29 : i1 to i32
    %sign3A_31 = arith.subi %sign3A_27, %sign3A_30 : i32
    %sign3A_32 = arith.constant 0 : i32
    %sign3A_33 = arith.cmpi sgt, %jit3A, %sign3A_32 : i32
    %sign3A_34 = arith.extui %sign3A_33 : i1 to i32
    %sign3A_35 = arith.constant 0 : i32
    %sign3A_36 = arith.cmpi slt, %jit3A, %sign3A_35 : i32
    %sign3A_37 = arith.extui %sign3A_36 : i1 to i32
    %sign3A_38 = arith.subi %sign3A_34, %sign3A_37 : i32
    %ne3A = arith.cmpi ne, %sign3A_31, %sign3A_38 : i32
    %rem3A = arith.remsi %sub3A_25, %jit3A : i32
    %ne3A_39 = arith.constant 0 : i32
    %ne3A_40 = arith.cmpi ne, %rem3A, %ne3A_39 : i32
    %and3A = arith.andi %ne3A, %ne3A_40 : i1
    %sub3A_41 = arith.constant 1 : i32
    %sub3A_42 = arith.subi %div3A, %sub3A_41 : i32
    %select_n3A = arith.select %and3A, %sub3A_42, %div3A : i32
    %iota3A = tpu.iota {dimensions = array<i32: 0>} : vector<16xi32>
    %add3A_43 = arith.constant 0 : i32
    %add3A_44 = vector.broadcast %add3A_43 : i32 to vector<16xi32>
    %add3A_45 = arith.addi %add3A_44, %iota3A : vector<16xi32>
    %iota3A_46 = tpu.iota {dimensions = array<i32: 0>} : vector<16xi32>
    %add3A_47 = arith.constant 16 : i32
    %add3A_48 = vector.broadcast %add3A_47 : i32 to vector<16xi32>
    %add3A_49 = arith.addi %add3A_48, %iota3A_46 : vector<16xi32>
    %iota3A_50 = tpu.iota {dimensions = array<i32: 0>} : vector<16xi32>
    %add3A_51 = arith.constant 32 : i32
    %add3A_52 = vector.broadcast %add3A_51 : i32 to vector<16xi32>
    %add3A_53 = arith.addi %add3A_52, %iota3A_50 : vector<16xi32>
    %iota3A_54 = tpu.iota {dimensions = array<i32: 0>} : vector<16xi32>
    %add3A_55 = arith.constant 48 : i32
    %add3A_56 = vector.broadcast %add3A_55 : i32 to vector<16xi32>
    %add3A_57 = arith.addi %add3A_56, %iota3A_54 : vector<16xi32>
    %iota3A_58 = tpu.iota {dimensions = array<i32: 0>} : vector<16xi32>
    %add3A_59 = arith.constant 64 : i32
    %add3A_60 = vector.broadcast %add3A_59 : i32 to vector<16xi32>
    %add3A_61 = arith.addi %add3A_60, %iota3A_58 : vector<16xi32>
    %iota3A_62 = tpu.iota {dimensions = array<i32: 0>} : vector<16xi32>
    %add3A_63 = arith.constant 80 : i32
    %add3A_64 = vector.broadcast %add3A_63 : i32 to vector<16xi32>
    %add3A_65 = arith.addi %add3A_64, %iota3A_62 : vector<16xi32>
    %iota3A_66 = tpu.iota {dimensions = array<i32: 0>} : vector<16xi32>
    %add3A_67 = arith.constant 96 : i32
    %add3A_68 = vector.broadcast %add3A_67 : i32 to vector<16xi32>
    %add3A_69 = arith.addi %add3A_68, %iota3A_66 : vector<16xi32>
    %iota3A_70 = tpu.iota {dimensions = array<i32: 0>} : vector<16xi32>
    %add3A_71 = arith.constant 112 : i32
    %add3A_72 = vector.broadcast %add3A_71 : i32 to vector<16xi32>
    %add3A_73 = arith.addi %add3A_72, %iota3A_70 : vector<16xi32>
    %while3A = arith.constant 0 : i32
    %while3A_74 = arith.constant 0 : i32
    %while3A_75 = arith.subi %select_n3A, %while3A : i32
    %while3A_76 = arith.addi %while3A, %while3A_75 : i32
    %while3A_77 = arith.constant 1 : i32
    %while3A_78 = arith.divsi %while3A_75, %while3A_77 : i32
    %while3A_79 = arith.muli %while3A_78, %while3A_77 : i32
    %while3A_80 = arith.addi %while3A, %while3A_79 : i32
    %while3A_81 = arith.constant 1 : i32
    %while3A_82 = scf.for %while3A_87 = %while3A to %while3A_80 step %while3A_81 iter_args(%while3A_88 = %while3A_74) -> (i32)  : i32 {
      %scan3A_89 = arith.constant 0 : i32
      %scan3A_90 = arith.constant 0 : i32
      %scan3A_91 = arith.constant 32 : i32
      %scan3A_92 = arith.addi %scan3A_90, %scan3A_91 : i32
      %scan3A_93 = arith.constant 1 : i32
      %scan3A_94 = scf.for %scan3A_164 = %scan3A_90 to %scan3A_92 step %scan3A_93 iter_args(%scan3A_165 = %scan3A_89) -> (i32)  : i32 {
        %jit3A_166 = arith.constant 16 : i32
        %div3A_167 = arith.divsi %scan3A_164, %jit3A_166 : i32
        %sign3A_168 = arith.constant 0 : i32
        %sign3A_169 = arith.cmpi sgt, %scan3A_164, %sign3A_168 : i32
        %sign3A_170 = arith.extui %sign3A_169 : i1 to i32
        %sign3A_171 = arith.constant 0 : i32
        %sign3A_172 = arith.cmpi slt, %scan3A_164, %sign3A_171 : i32
        %sign3A_173 = arith.extui %sign3A_172 : i1 to i32
        %sign3A_174 = arith.subi %sign3A_170, %sign3A_173 : i32
        %sign3A_175 = arith.constant 0 : i32
        %sign3A_176 = arith.cmpi sgt, %jit3A_166, %sign3A_175 : i32
        %sign3A_177 = arith.extui %sign3A_176 : i1 to i32
        %sign3A_178 = arith.constant 0 : i32
        %sign3A_179 = arith.cmpi slt, %jit3A_166, %sign3A_178 : i32
        %sign3A_180 = arith.extui %sign3A_179 : i1 to i32
        %sign3A_181 = arith.subi %sign3A_177, %sign3A_180 : i32
        %ne3A_182 = arith.cmpi ne, %sign3A_174, %sign3A_181 : i32
        %rem3A_183 = arith.remsi %scan3A_164, %jit3A_166 : i32
        %ne3A_184 = arith.constant 0 : i32
        %ne3A_185 = arith.cmpi ne, %rem3A_183, %ne3A_184 : i32
        %and3A_186 = arith.andi %ne3A_182, %ne3A_185 : i1
        %sub3A_187 = arith.constant 1 : i32
        %sub3A_188 = arith.subi %div3A_167, %sub3A_187 : i32
        %select_n3A_189 = arith.select %and3A_186, %sub3A_188, %div3A_167 : i32
        %mul3A_190 = arith.constant 16 : i32
        %mul3A_191 = arith.muli %select_n3A_189, %mul3A_190 : i32
        %get3A_192 = arith.index_cast %while3A_87 : i32 to index
        %get3A_193 = arith.index_cast %mul3A_191 : i32 to index
        %get3A_194 = tpu.vector_load %arg8[%get3A_192, %get3A_193] {strides = array<i32>} : memref<68x128xi32, #tpu.memory_space<vmem>>, vector<16xi32>,
        %iota3A_195 = tpu.iota {dimensions = array<i32: 0>} : vector<16xi32>
        %and3A_196 = arith.constant 15 : i32
        %and3A_197 = arith.andi %scan3A_164, %and3A_196 : i32
        %eq3A = vector.broadcast %and3A_197 : i32 to vector<16xi32>
        %eq3A_198 = arith.cmpi eq, %iota3A_195, %eq3A : vector<16xi32>
        %jit3A_199 = arith.constant 0 : i32
        %broadcast_in_dim3A = vector.broadcast %jit3A_199 : i32 to vector<16xi32>
        %select_n3A_200 = arith.select %eq3A_198, %get3A_194, %broadcast_in_dim3A : vector<16xi1>, vector<16xi32>
        %reduce_max3A_201 = arith.constant true
        %reduce_max3A_202 = vector.broadcast %reduce_max3A_201 : i1 to vector<16xi1>
        %reduce_max3A_203 = arith.constant -2147483648 : i32
        %reduce_max3A_204 = vector.broadcast %reduce_max3A_203 : i32 to vector<16xi32>
        %reduce_max3A_205 = arith.xori %select_n3A_200, %reduce_max3A_204 : vector<16xi32>
        %reduce_max3A_206 = tpu.scan <max>, %reduce_max3A_205 masked %reduce_max3A_202 : vector<16xi32>, vector<16xi1> -> vector<16xi32>
        %reduce_max3A_207 = arith.xori %reduce_max3A_206, %reduce_max3A_204 : vector<16xi32>
        %reduce_max3A_208 = vector.extract %reduce_max3A_207[15] : i32 from vector<16xi32>
        %mul3A_209 = arith.constant 128 : i32
        %mul3A_210 = arith.muli %reduce_max3A_208, %mul3A_209 : i32
        %dma_start3A = arith.constant 0 : i32
        %dma_start3A_211 = tpu.memref_slice %arg11[%scan3A_164, %dma_start3A] : memref<128x128xf32, #tpu.memory_space<vmem>> -> memref<1x128xf32, #tpu.memory_space<vmem>>
        %dma_start3A_212 = tpu.memref_squeeze %dma_start3A_211 : memref<1x128xf32, #tpu.memory_space<vmem>> -> memref<128xf32, #tpu.memory_space<vmem>>
        %dma_start3A_213 = tpu.memref_slice %arg2[%mul3A_210] : memref<35389440xf32, #tpu.memory_space<hbm>> -> memref<128xf32, #tpu.memory_space<hbm>>
        %dma_start3A_214 = arith.constant 0 : i32
        %dma_start3A_215 = tpu.memref_slice %arg11[%scan3A_164, %dma_start3A_214] : memref<128x128xf32, #tpu.memory_space<vmem>> -> memref<1x128xf32, #tpu.memory_space<vmem>>
        %dma_start3A_216 = tpu.memref_squeeze %dma_start3A_215 : memref<1x128xf32, #tpu.memory_space<vmem>> -> memref<128xf32, #tpu.memory_space<vmem>>
        %dma_start3A_217 = tpu.memref_slice %arg2[%mul3A_210] : memref<35389440xf32, #tpu.memory_space<hbm>> -> memref<128xf32, #tpu.memory_space<hbm>>
        tpu.enqueue_dma source(%dma_start3A_217 : memref<128xf32, #tpu.memory_space<hbm>>) target(%dma_start3A_216 : memref<128xf32, #tpu.memory_space<vmem>>) target_semaphore(%arg15 : memref<!tpu.dma_semaphore, #tpu.memory_space<semaphore_mem>>)
        %scan3A_218 = arith.constant 0 : i32
        scf.yield %scan3A_218 : i32
      }
      %scan3A_95 = arith.constant 32 : i32
      %dma_wait3A = arith.constant 0 : i32
      %dma_wait3A_96 = tpu.memref_slice %arg2[%dma_wait3A] : memref<35389440xf32, #tpu.memory_space<hbm>> -> memref<4096xf32, #tpu.memory_space<hbm>>
      %dma_wait3A_97 = arith.constant 0 : i32
      %dma_wait3A_98 = tpu.memref_slice %arg2[%dma_wait3A_97] : memref<35389440xf32, #tpu.memory_space<hbm>> -> memref<4096xf32, #tpu.memory_space<hbm>>
      tpu.wait_dma2 semaphore(%arg15 : memref<!tpu.dma_semaphore, #tpu.memory_space<semaphore_mem>>) src(%dma_wait3A_98 : memref<4096xf32, #tpu.memory_space<hbm>>) dst(%arg12 : memref<4096xf32, #tpu.memory_space<vmem>>)
      %scan3A_99 = arith.constant 0 : i32
      %scan3A_100 = arith.constant 32 : i32
      %scan3A_101 = arith.constant 32 : i32
      %scan3A_102 = arith.addi %scan3A_100, %scan3A_101 : i32
      %scan3A_103 = arith.constant 1 : i32
      %scan3A_104 = scf.for %scan3A_164 = %scan3A_100 to %scan3A_102 step %scan3A_103 iter_args(%scan3A_165 = %scan3A_99) -> (i32)  : i32 {
        %jit3A_166 = arith.constant 16 : i32
        %div3A_167 = arith.divsi %scan3A_164, %jit3A_166 : i32
        %sign3A_168 = arith.constant 0 : i32
        %sign3A_169 = arith.cmpi sgt, %scan3A_164, %sign3A_168 : i32
        %sign3A_170 = arith.extui %sign3A_169 : i1 to i32
        %sign3A_171 = arith.constant 0 : i32
        %sign3A_172 = arith.cmpi slt, %scan3A_164, %sign3A_171 : i32
        %sign3A_173 = arith.extui %sign3A_172 : i1 to i32
        %sign3A_174 = arith.subi %sign3A_170, %sign3A_173 : i32
        %sign3A_175 = arith.constant 0 : i32
        %sign3A_176 = arith.cmpi sgt, %jit3A_166, %sign3A_175 : i32
        %sign3A_177 = arith.extui %sign3A_176 : i1 to i32
        %sign3A_178 = arith.constant 0 : i32
        %sign3A_179 = arith.cmpi slt, %jit3A_166, %sign3A_178 : i32
        %sign3A_180 = arith.extui %sign3A_179 : i1 to i32
        %sign3A_181 = arith.subi %sign3A_177, %sign3A_180 : i32
        %ne3A_182 = arith.cmpi ne, %sign3A_174, %sign3A_181 : i32
        %rem3A_183 = arith.remsi %scan3A_164, %jit3A_166 : i32
        %ne3A_184 = arith.constant 0 : i32
        %ne3A_185 = arith.cmpi ne, %rem3A_183, %ne3A_184 : i32
        %and3A_186 = arith.andi %ne3A_182, %ne3A_185 : i1
        %sub3A_187 = arith.constant 1 : i32
        %sub3A_188 = arith.subi %div3A_167, %sub3A_187 : i32
        %select_n3A_189 = arith.select %and3A_186, %sub3A_188, %div3A_167 : i32
        %mul3A_190 = arith.constant 16 : i32
        %mul3A_191 = arith.muli %select_n3A_189, %mul3A_190 : i32
        %get3A_192 = arith.index_cast %while3A_87 : i32 to index
        %get3A_193 = arith.index_cast %mul3A_191 : i32 to index
        %get3A_194 = tpu.vector_load %arg8[%get3A_192, %get3A_193] {strides = array<i32>} : memref<68x128xi32, #tpu.memory_space<vmem>>, vector<16xi32>,
        %iota3A_195 = tpu.iota {dimensions = array<i32: 0>} : vector<16xi32>
        %and3A_196 = arith.constant 15 : i32
        %and3A_197 = arith.andi %scan3A_164, %and3A_196 : i32
        %eq3A = vector.broadcast %and3A_197 : i32 to vector<16xi32>
        %eq3A_198 = arith.cmpi eq, %iota3A_195, %eq3A : vector<16xi32>
        %jit3A_199 = arith.constant 0 : i32
        %broadcast_in_dim3A = vector.broadcast %jit3A_199 : i32 to vector<16xi32>
        %select_n3A_200 = arith.select %eq3A_198, %get3A_194, %broadcast_in_dim3A : vector<16xi1>, vector<16xi32>
        %reduce_max3A_201 = arith.constant true
        %reduce_max3A_202 = vector.broadcast %reduce_max3A_201 : i1 to vector<16xi1>
        %reduce_max3A_203 = arith.constant -2147483648 : i32
        %reduce_max3A_204 = vector.broadcast %reduce_max3A_203 : i32 to vector<16xi32>
        %reduce_max3A_205 = arith.xori %select_n3A_200, %reduce_max3A_204 : vector<16xi32>
        %reduce_max3A_206 = tpu.scan <max>, %reduce_max3A_205 masked %reduce_max3A_202 : vector<16xi32>, vector<16xi1> -> vector<16xi32>
        %reduce_max3A_207 = arith.xori %reduce_max3A_206, %reduce_max3A_204 : vector<16xi32>
        %reduce_max3A_208 = vector.extract %reduce_max3A_207[15] : i32 from vector<16xi32>
        %mul3A_209 = arith.constant 128 : i32
        %mul3A_210 = arith.muli %reduce_max3A_208, %mul3A_209 : i32
        %dma_start3A = arith.constant 0 : i32
        %dma_start3A_211 = tpu.memref_slice %arg11[%scan3A_164, %dma_start3A] : memref<128x128xf32, #tpu.memory_space<vmem>> -> memref<1x128xf32, #tpu.memory_space<vmem>>
        %dma_start3A_212 = tpu.memref_squeeze %dma_start3A_211 : memref<1x128xf32, #tpu.memory_space<vmem>> -> memref<128xf32, #tpu.memory_space<vmem>>
        %dma_start3A_213 = tpu.memref_slice %arg2[%mul3A_210] : memref<35389440xf32, #tpu.memory_space<hbm>> -> memref<128xf32, #tpu.memory_space<hbm>>
        %dma_start3A_214 = arith.constant 0 : i32
        %dma_start3A_215 = tpu.memref_slice %arg11[%scan3A_164, %dma_start3A_214] : memref<128x128xf32, #tpu.memory_space<vmem>> -> memref<1x128xf32, #tpu.memory_space<vmem>>
        %dma_start3A_216 = tpu.memref_squeeze %dma_start3A_215 : memref<1x128xf32, #tpu.memory_space<vmem>> -> memref<128xf32, #tpu.memory_space<vmem>>
        %dma_start3A_217 = tpu.memref_slice %arg2[%mul3A_210] : memref<35389440xf32, #tpu.memory_space<hbm>> -> memref<128xf32, #tpu.memory_space<hbm>>
        tpu.enqueue_dma source(%dma_start3A_217 : memref<128xf32, #tpu.memory_space<hbm>>) target(%dma_start3A_216 : memref<128xf32, #tpu.memory_space<vmem>>) target_semaphore(%arg15 : memref<!tpu.dma_semaphore, #tpu.memory_space<semaphore_mem>>)
        %scan3A_218 = arith.constant 0 : i32
        scf.yield %scan3A_218 : i32
      }
      %scan3A_105 = arith.constant 32 : i32
      %dma_wait3A_106 = arith.constant 0 : i32
      %dma_wait3A_107 = tpu.memref_slice %arg2[%dma_wait3A_106] : memref<35389440xf32, #tpu.memory_space<hbm>> -> memref<4096xf32, #tpu.memory_space<hbm>>
      %dma_wait3A_108 = arith.constant 0 : i32
      %dma_wait3A_109 = tpu.memref_slice %arg2[%dma_wait3A_108] : memref<35389440xf32, #tpu.memory_space<hbm>> -> memref<4096xf32, #tpu.memory_space<hbm>>
      tpu.wait_dma2 semaphore(%arg15 : memref<!tpu.dma_semaphore, #tpu.memory_space<semaphore_mem>>) src(%dma_wait3A_109 : memref<4096xf32, #tpu.memory_space<hbm>>) dst(%arg12 : memref<4096xf32, #tpu.memory_space<vmem>>)
      %scan3A_110 = arith.constant 0 : i32
      %scan3A_111 = arith.constant 64 : i32
      %scan3A_112 = arith.constant 32 : i32
      %scan3A_113 = arith.addi %scan3A_111, %scan3A_112 : i32
      %scan3A_114 = arith.constant 1 : i32
      %scan3A_115 = scf.for %scan3A_164 = %scan3A_111 to %scan3A_113 step %scan3A_114 iter_args(%scan3A_165 = %scan3A_110) -> (i32)  : i32 {
        %jit3A_166 = arith.constant 16 : i32
        %div3A_167 = arith.divsi %scan3A_164, %jit3A_166 : i32
        %sign3A_168 = arith.constant 0 : i32
        %sign3A_169 = arith.cmpi sgt, %scan3A_164, %sign3A_168 : i32
        %sign3A_170 = arith.extui %sign3A_169 : i1 to i32
        %sign3A_171 = arith.constant 0 : i32
        %sign3A_172 = arith.cmpi slt, %scan3A_164, %sign3A_171 : i32
        %sign3A_173 = arith.extui %sign3A_172 : i1 to i32
        %sign3A_174 = arith.subi %sign3A_170, %sign3A_173 : i32
        %sign3A_175 = arith.constant 0 : i32
        %sign3A_176 = arith.cmpi sgt, %jit3A_166, %sign3A_175 : i32
        %sign3A_177 = arith.extui %sign3A_176 : i1 to i32
        %sign3A_178 = arith.constant 0 : i32
        %sign3A_179 = arith.cmpi slt, %jit3A_166, %sign3A_178 : i32
        %sign3A_180 = arith.extui %sign3A_179 : i1 to i32
        %sign3A_181 = arith.subi %sign3A_177, %sign3A_180 : i32
        %ne3A_182 = arith.cmpi ne, %sign3A_174, %sign3A_181 : i32
        %rem3A_183 = arith.remsi %scan3A_164, %jit3A_166 : i32
        %ne3A_184 = arith.constant 0 : i32
        %ne3A_185 = arith.cmpi ne, %rem3A_183, %ne3A_184 : i32
        %and3A_186 = arith.andi %ne3A_182, %ne3A_185 : i1
        %sub3A_187 = arith.constant 1 : i32
        %sub3A_188 = arith.subi %div3A_167, %sub3A_187 : i32
        %select_n3A_189 = arith.select %and3A_186, %sub3A_188, %div3A_167 : i32
        %mul3A_190 = arith.constant 16 : i32
        %mul3A_191 = arith.muli %select_n3A_189, %mul3A_190 : i32
        %get3A_192 = arith.index_cast %while3A_87 : i32 to index
        %get3A_193 = arith.index_cast %mul3A_191 : i32 to index
        %get3A_194 = tpu.vector_load %arg8[%get3A_192, %get3A_193] {strides = array<i32>} : memref<68x128xi32, #tpu.memory_space<vmem>>, vector<16xi32>,
        %iota3A_195 = tpu.iota {dimensions = array<i32: 0>} : vector<16xi32>
        %and3A_196 = arith.constant 15 : i32
        %and3A_197 = arith.andi %scan3A_164, %and3A_196 : i32
        %eq3A = vector.broadcast %and3A_197 : i32 to vector<16xi32>
        %eq3A_198 = arith.cmpi eq, %iota3A_195, %eq3A : vector<16xi32>
        %jit3A_199 = arith.constant 0 : i32
        %broadcast_in_dim3A = vector.broadcast %jit3A_199 : i32 to vector<16xi32>
        %select_n3A_200 = arith.select %eq3A_198, %get3A_194, %broadcast_in_dim3A : vector<16xi1>, vector<16xi32>
        %reduce_max3A_201 = arith.constant true
        %reduce_max3A_202 = vector.broadcast %reduce_max3A_201 : i1 to vector<16xi1>
        %reduce_max3A_203 = arith.constant -2147483648 : i32
        %reduce_max3A_204 = vector.broadcast %reduce_max3A_203 : i32 to vector<16xi32>
        %reduce_max3A_205 = arith.xori %select_n3A_200, %reduce_max3A_204 : vector<16xi32>
        %reduce_max3A_206 = tpu.scan <max>, %reduce_max3A_205 masked %reduce_max3A_202 : vector<16xi32>, vector<16xi1> -> vector<16xi32>
        %reduce_max3A_207 = arith.xori %reduce_max3A_206, %reduce_max3A_204 : vector<16xi32>
        %reduce_max3A_208 = vector.extract %reduce_max3A_207[15] : i32 from vector<16xi32>
        %mul3A_209 = arith.constant 128 : i32
        %mul3A_210 = arith.muli %reduce_max3A_208, %mul3A_209 : i32
        %dma_start3A = arith.constant 0 : i32
        %dma_start3A_211 = tpu.memref_slice %arg11[%scan3A_164, %dma_start3A] : memref<128x128xf32, #tpu.memory_space<vmem>> -> memref<1x128xf32, #tpu.memory_space<vmem>>
        %dma_start3A_212 = tpu.memref_squeeze %dma_start3A_211 : memref<1x128xf32, #tpu.memory_space<vmem>> -> memref<128xf32, #tpu.memory_space<vmem>>
        %dma_start3A_213 = tpu.memref_slice %arg2[%mul3A_210] : memref<35389440xf32, #tpu.memory_space<hbm>> -> memref<128xf32, #tpu.memory_space<hbm>>
        %dma_start3A_214 = arith.constant 0 : i32
        %dma_start3A_215 = tpu.memref_slice %arg11[%scan3A_164, %dma_start3A_214] : memref<128x128xf32, #tpu.memory_space<vmem>> -> memref<1x128xf32, #tpu.memory_space<vmem>>
        %dma_start3A_216 = tpu.memref_squeeze %dma_start3A_215 : memref<1x128xf32, #tpu.memory_space<vmem>> -> memref<128xf32, #tpu.memory_space<vmem>>
        %dma_start3A_217 = tpu.memref_slice %arg2[%mul3A_210] : memref<35389440xf32, #tpu.memory_space<hbm>> -> memref<128xf32, #tpu.memory_space<hbm>>
        tpu.enqueue_dma source(%dma_start3A_217 : memref<128xf32, #tpu.memory_space<hbm>>) target(%dma_start3A_216 : memref<128xf32, #tpu.memory_space<vmem>>) target_semaphore(%arg15 : memref<!tpu.dma_semaphore, #tpu.memory_space<semaphore_mem>>)
        %scan3A_218 = arith.constant 0 : i32
        scf.yield %scan3A_218 : i32
      }
      %scan3A_116 = arith.constant 32 : i32
      %dma_wait3A_117 = arith.constant 0 : i32
      %dma_wait3A_118 = tpu.memref_slice %arg2[%dma_wait3A_117] : memref<35389440xf32, #tpu.memory_space<hbm>> -> memref<4096xf32, #tpu.memory_space<hbm>>
      %dma_wait3A_119 = arith.constant 0 : i32
      %dma_wait3A_120 = tpu.memref_slice %arg2[%dma_wait3A_119] : memref<35389440xf32, #tpu.memory_space<hbm>> -> memref<4096xf32, #tpu.memory_space<hbm>>
      tpu.wait_dma2 semaphore(%arg15 : memref<!tpu.dma_semaphore, #tpu.memory_space<semaphore_mem>>) src(%dma_wait3A_120 : memref<4096xf32, #tpu.memory_space<hbm>>) dst(%arg12 : memref<4096xf32, #tpu.memory_space<vmem>>)
      %scan3A_121 = arith.constant 0 : i32
      %scan3A_122 = arith.constant 96 : i32
      %scan3A_123 = arith.constant 32 : i32
      %scan3A_124 = arith.addi %scan3A_122, %scan3A_123 : i32
      %scan3A_125 = arith.constant 1 : i32
      %scan3A_126 = scf.for %scan3A_164 = %scan3A_122 to %scan3A_124 step %scan3A_125 iter_args(%scan3A_165 = %scan3A_121) -> (i32)  : i32 {
        %jit3A_166 = arith.constant 16 : i32
        %div3A_167 = arith.divsi %scan3A_164, %jit3A_166 : i32
        %sign3A_168 = arith.constant 0 : i32
        %sign3A_169 = arith.cmpi sgt, %scan3A_164, %sign3A_168 : i32
        %sign3A_170 = arith.extui %sign3A_169 : i1 to i32
        %sign3A_171 = arith.constant 0 : i32
        %sign3A_172 = arith.cmpi slt, %scan3A_164, %sign3A_171 : i32
        %sign3A_173 = arith.extui %sign3A_172 : i1 to i32
        %sign3A_174 = arith.subi %sign3A_170, %sign3A_173 : i32
        %sign3A_175 = arith.constant 0 : i32
        %sign3A_176 = arith.cmpi sgt, %jit3A_166, %sign3A_175 : i32
        %sign3A_177 = arith.extui %sign3A_176 : i1 to i32
        %sign3A_178 = arith.constant 0 : i32
        %sign3A_179 = arith.cmpi slt, %jit3A_166, %sign3A_178 : i32
        %sign3A_180 = arith.extui %sign3A_179 : i1 to i32
        %sign3A_181 = arith.subi %sign3A_177, %sign3A_180 : i32
        %ne3A_182 = arith.cmpi ne, %sign3A_174, %sign3A_181 : i32
        %rem3A_183 = arith.remsi %scan3A_164, %jit3A_166 : i32
        %ne3A_184 = arith.constant 0 : i32
        %ne3A_185 = arith.cmpi ne, %rem3A_183, %ne3A_184 : i32
        %and3A_186 = arith.andi %ne3A_182, %ne3A_185 : i1
        %sub3A_187 = arith.constant 1 : i32
        %sub3A_188 = arith.subi %div3A_167, %sub3A_187 : i32
        %select_n3A_189 = arith.select %and3A_186, %sub3A_188, %div3A_167 : i32
        %mul3A_190 = arith.constant 16 : i32
        %mul3A_191 = arith.muli %select_n3A_189, %mul3A_190 : i32
        %get3A_192 = arith.index_cast %while3A_87 : i32 to index
        %get3A_193 = arith.index_cast %mul3A_191 : i32 to index
        %get3A_194 = tpu.vector_load %arg8[%get3A_192, %get3A_193] {strides = array<i32>} : memref<68x128xi32, #tpu.memory_space<vmem>>, vector<16xi32>,
        %iota3A_195 = tpu.iota {dimensions = array<i32: 0>} : vector<16xi32>
        %and3A_196 = arith.constant 15 : i32
        %and3A_197 = arith.andi %scan3A_164, %and3A_196 : i32
        %eq3A = vector.broadcast %and3A_197 : i32 to vector<16xi32>
        %eq3A_198 = arith.cmpi eq, %iota3A_195, %eq3A : vector<16xi32>
        %jit3A_199 = arith.constant 0 : i32
        %broadcast_in_dim3A = vector.broadcast %jit3A_199 : i32 to vector<16xi32>
        %select_n3A_200 = arith.select %eq3A_198, %get3A_194, %broadcast_in_dim3A : vector<16xi1>, vector<16xi32>
        %reduce_max3A_201 = arith.constant true
        %reduce_max3A_202 = vector.broadcast %reduce_max3A_201 : i1 to vector<16xi1>
        %reduce_max3A_203 = arith.constant -2147483648 : i32
        %reduce_max3A_204 = vector.broadcast %reduce_max3A_203 : i32 to vector<16xi32>
        %reduce_max3A_205 = arith.xori %select_n3A_200, %reduce_max3A_204 : vector<16xi32>
        %reduce_max3A_206 = tpu.scan <max>, %reduce_max3A_205 masked %reduce_max3A_202 : vector<16xi32>, vector<16xi1> -> vector<16xi32>
        %reduce_max3A_207 = arith.xori %reduce_max3A_206, %reduce_max3A_204 : vector<16xi32>
        %reduce_max3A_208 = vector.extract %reduce_max3A_207[15] : i32 from vector<16xi32>
        %mul3A_209 = arith.constant 128 : i32
        %mul3A_210 = arith.muli %reduce_max3A_208, %mul3A_209 : i32
        %dma_start3A = arith.constant 0 : i32
        %dma_start3A_211 = tpu.memref_slice %arg11[%scan3A_164, %dma_start3A] : memref<128x128xf32, #tpu.memory_space<vmem>> -> memref<1x128xf32, #tpu.memory_space<vmem>>
        %dma_start3A_212 = tpu.memref_squeeze %dma_start3A_211 : memref<1x128xf32, #tpu.memory_space<vmem>> -> memref<128xf32, #tpu.memory_space<vmem>>
        %dma_start3A_213 = tpu.memref_slice %arg2[%mul3A_210] : memref<35389440xf32, #tpu.memory_space<hbm>> -> memref<128xf32, #tpu.memory_space<hbm>>
        %dma_start3A_214 = arith.constant 0 : i32
        %dma_start3A_215 = tpu.memref_slice %arg11[%scan3A_164, %dma_start3A_214] : memref<128x128xf32, #tpu.memory_space<vmem>> -> memref<1x128xf32, #tpu.memory_space<vmem>>
        %dma_start3A_216 = tpu.memref_squeeze %dma_start3A_215 : memref<1x128xf32, #tpu.memory_space<vmem>> -> memref<128xf32, #tpu.memory_space<vmem>>
        %dma_start3A_217 = tpu.memref_slice %arg2[%mul3A_210] : memref<35389440xf32, #tpu.memory_space<hbm>> -> memref<128xf32, #tpu.memory_space<hbm>>
        tpu.enqueue_dma source(%dma_start3A_217 : memref<128xf32, #tpu.memory_space<hbm>>) target(%dma_start3A_216 : memref<128xf32, #tpu.memory_space<vmem>>) target_semaphore(%arg15 : memref<!tpu.dma_semaphore, #tpu.memory_space<semaphore_mem>>)
        %scan3A_218 = arith.constant 0 : i32
        scf.yield %scan3A_218 : i32
      }
      %scan3A_127 = arith.constant 32 : i32
      %dma_wait3A_128 = arith.constant 0 : i32
      %dma_wait3A_129 = tpu.memref_slice %arg2[%dma_wait3A_128] : memref<35389440xf32, #tpu.memory_space<hbm>> -> memref<4096xf32, #tpu.memory_space<hbm>>
      %dma_wait3A_130 = arith.constant 0 : i32
      %dma_wait3A_131 = tpu.memref_slice %arg2[%dma_wait3A_130] : memref<35389440xf32, #tpu.memory_space<hbm>> -> memref<4096xf32, #tpu.memory_space<hbm>>
      tpu.wait_dma2 semaphore(%arg15 : memref<!tpu.dma_semaphore, #tpu.memory_space<semaphore_mem>>) src(%dma_wait3A_131 : memref<4096xf32, #tpu.memory_space<hbm>>) dst(%arg12 : memref<4096xf32, #tpu.memory_space<vmem>>)
      %get3A_132 = arith.index_cast %while3A_87 : i32 to index
      %get3A_133 = arith.constant 0 : index
      %get3A_134 = tpu.vector_load %arg9[%get3A_132, %get3A_133] {strides = array<i32>} : memref<68x128xi32, #tpu.memory_space<vmem>>, vector<16xi32>,
      %get3A_135 = arith.index_cast %while3A_87 : i32 to index
      %get3A_136 = arith.constant 16 : index
      %get3A_137 = tpu.vector_load %arg9[%get3A_135, %get3A_136] {strides = array<i32>} : memref<68x128xi32, #tpu.memory_space<vmem>>, vector<16xi32>,
      %get3A_138 = arith.index_cast %while3A_87 : i32 to index
      %get3A_139 = arith.constant 32 : index
      %get3A_140 = tpu.vector_load %arg9[%get3A_138, %get3A_139] {strides = array<i32>} : memref<68x128xi32, #tpu.memory_space<vmem>>, vector<16xi32>,
      %get3A_141 = arith.index_cast %while3A_87 : i32 to index
      %get3A_142 = arith.constant 48 : index
      %get3A_143 = tpu.vector_load %arg9[%get3A_141, %get3A_142] {strides = array<i32>} : memref<68x128xi32, #tpu.memory_space<vmem>>, vector<16xi32>,
      %get3A_144 = arith.index_cast %while3A_87 : i32 to index
      %get3A_145 = arith.constant 64 : index
      %get3A_146 = tpu.vector_load %arg9[%get3A_144, %get3A_145] {strides = array<i32>} : memref<68x128xi32, #tpu.memory_space<vmem>>, vector<16xi32>,
      %get3A_147 = arith.index_cast %while3A_87 : i32 to index
      %get3A_148 = arith.constant 80 : index
      %get3A_149 = tpu.vector_load %arg9[%get3A_147, %get3A_148] {strides = array<i32>} : memref<68x128xi32, #tpu.memory_space<vmem>>, vector<16xi32>,
      %get3A_150 = arith.index_cast %while3A_87 : i32 to index
      %get3A_151 = arith.constant 96 : index
      %get3A_152 = tpu.vector_load %arg9[%get3A_150, %get3A_151] {strides = array<i32>} : memref<68x128xi32, #tpu.memory_space<vmem>>, vector<16xi32>,
      %get3A_153 = arith.index_cast %while3A_87 : i32 to index
      %get3A_154 = arith.constant 112 : index
      %get3A_155 = tpu.vector_load %arg9[%get3A_153, %get3A_154] {strides = array<i32>} : memref<68x128xi32, #tpu.memory_space<vmem>>, vector<16xi32>,
      %scan3A_156 = arith.constant 0 : i32
      %scan3A_157 = arith.constant 0 : i32
      %scan3A_158 = arith.constant 128 : i32
      %scan3A_159 = arith.addi %scan3A_157, %scan3A_158 : i32
      %scan3A_160 = arith.constant 1 : i32
      %scan3A_161 = scf.for %scan3A_164 = %scan3A_157 to %scan3A_159 step %scan3A_160 iter_args(%scan3A_165 = %scan3A_156) -> (i32)  : i32 {
        %broadcast_in_dim3A = arith.constant 0 : i32
        %broadcast_in_dim3A_166 = vector.broadcast %broadcast_in_dim3A : i32 to vector<16xi32>
        %add3A_167 = vector.broadcast %scan3A_164 : i32 to vector<16xi32>
        %add3A_168 = arith.addi %broadcast_in_dim3A_166, %add3A_167 : vector<16xi32>
        %gather3A = tpu.vector_load_idx %arg11[%add3A_45, %add3A_168] : memref<128x128xf32, #tpu.memory_space<vmem>>[vector<16xi32>, vector<16xi32>], vector<16xf32>,
        %gather3A_169 = tpu.vector_load_idx %arg11[%add3A_49, %add3A_168] : memref<128x128xf32, #tpu.memory_space<vmem>>[vector<16xi32>, vector<16xi32>], vector<16xf32>,
        %gather3A_170 = tpu.vector_load_idx %arg11[%add3A_53, %add3A_168] : memref<128x128xf32, #tpu.memory_space<vmem>>[vector<16xi32>, vector<16xi32>], vector<16xf32>,
        %gather3A_171 = tpu.vector_load_idx %arg11[%add3A_57, %add3A_168] : memref<128x128xf32, #tpu.memory_space<vmem>>[vector<16xi32>, vector<16xi32>], vector<16xf32>,
        %gather3A_172 = tpu.vector_load_idx %arg11[%add3A_61, %add3A_168] : memref<128x128xf32, #tpu.memory_space<vmem>>[vector<16xi32>, vector<16xi32>], vector<16xf32>,
        %gather3A_173 = tpu.vector_load_idx %arg11[%add3A_65, %add3A_168] : memref<128x128xf32, #tpu.memory_space<vmem>>[vector<16xi32>, vector<16xi32>], vector<16xf32>,
        %gather3A_174 = tpu.vector_load_idx %arg11[%add3A_69, %add3A_168] : memref<128x128xf32, #tpu.memory_space<vmem>>[vector<16xi32>, vector<16xi32>], vector<16xf32>,
        %gather3A_175 = tpu.vector_load_idx %arg11[%add3A_73, %add3A_168] : memref<128x128xf32, #tpu.memory_space<vmem>>[vector<16xi32>, vector<16xi32>], vector<16xf32>,
        tpu.vector_store_idx %arg14[%get3A_134, %add3A_168], %gather3A {add = true} : memref<321x128xf32, #tpu.memory_space<vmem>>[vector<16xi32>, vector<16xi32>], vector<16xf32>,
        tpu.vector_store_idx %arg14[%get3A_137, %add3A_168], %gather3A_169 {add = true} : memref<321x128xf32, #tpu.memory_space<vmem>>[vector<16xi32>, vector<16xi32>], vector<16xf32>,
        tpu.vector_store_idx %arg14[%get3A_140, %add3A_168], %gather3A_170 {add = true} : memref<321x128xf32, #tpu.memory_space<vmem>>[vector<16xi32>, vector<16xi32>], vector<16xf32>,
        tpu.vector_store_idx %arg14[%get3A_143, %add3A_168], %gather3A_171 {add = true} : memref<321x128xf32, #tpu.memory_space<vmem>>[vector<16xi32>, vector<16xi32>], vector<16xf32>,
        tpu.vector_store_idx %arg14[%get3A_146, %add3A_168], %gather3A_172 {add = true} : memref<321x128xf32, #tpu.memory_space<vmem>>[vector<16xi32>, vector<16xi32>], vector<16xf32>,
        tpu.vector_store_idx %arg14[%get3A_149, %add3A_168], %gather3A_173 {add = true} : memref<321x128xf32, #tpu.memory_space<vmem>>[vector<16xi32>, vector<16xi32>], vector<16xf32>,
        tpu.vector_store_idx %arg14[%get3A_152, %add3A_168], %gather3A_174 {add = true} : memref<321x128xf32, #tpu.memory_space<vmem>>[vector<16xi32>, vector<16xi32>], vector<16xf32>,
        tpu.vector_store_idx %arg14[%get3A_155, %add3A_168], %gather3A_175 {add = true} : memref<321x128xf32, #tpu.memory_space<vmem>>[vector<16xi32>, vector<16xi32>], vector<16xf32>,
        %scan3A_176 = arith.constant 0 : i32
        scf.yield %scan3A_176 : i32
      }
      %scan3A_162 = arith.constant 128 : i32
      %while3A_163 = arith.constant 0 : i32
      scf.yield %while3A_163 : i32
    }
    %while3A_83 = arith.constant 1 : i32
    %while3A_84 = scf.for %while3A_87 = %while3A_80 to %while3A_76 step %while3A_83 iter_args(%while3A_88 = %while3A_82) -> (i32)  : i32 {
      %scan3A_89 = arith.constant 0 : i32
      %scan3A_90 = arith.constant 0 : i32
      %scan3A_91 = arith.constant 32 : i32
      %scan3A_92 = arith.addi %scan3A_90, %scan3A_91 : i32
      %scan3A_93 = arith.constant 1 : i32
      %scan3A_94 = scf.for %scan3A_164 = %scan3A_90 to %scan3A_92 step %scan3A_93 iter_args(%scan3A_165 = %scan3A_89) -> (i32)  : i32 {
        %jit3A_166 = arith.constant 16 : i32
        %div3A_167 = arith.divsi %scan3A_164, %jit3A_166 : i32
        %sign3A_168 = arith.constant 0 : i32
        %sign3A_169 = arith.cmpi sgt, %scan3A_164, %sign3A_168 : i32
        %sign3A_170 = arith.extui %sign3A_169 : i1 to i32
        %sign3A_171 = arith.constant 0 : i32
        %sign3A_172 = arith.cmpi slt, %scan3A_164, %sign3A_171 : i32
        %sign3A_173 = arith.extui %sign3A_172 : i1 to i32
        %sign3A_174 = arith.subi %sign3A_170, %sign3A_173 : i32
        %sign3A_175 = arith.constant 0 : i32
        %sign3A_176 = arith.cmpi sgt, %jit3A_166, %sign3A_175 : i32
        %sign3A_177 = arith.extui %sign3A_176 : i1 to i32
        %sign3A_178 = arith.constant 0 : i32
        %sign3A_179 = arith.cmpi slt, %jit3A_166, %sign3A_178 : i32
        %sign3A_180 = arith.extui %sign3A_179 : i1 to i32
        %sign3A_181 = arith.subi %sign3A_177, %sign3A_180 : i32
        %ne3A_182 = arith.cmpi ne, %sign3A_174, %sign3A_181 : i32
        %rem3A_183 = arith.remsi %scan3A_164, %jit3A_166 : i32
        %ne3A_184 = arith.constant 0 : i32
        %ne3A_185 = arith.cmpi ne, %rem3A_183, %ne3A_184 : i32
        %and3A_186 = arith.andi %ne3A_182, %ne3A_185 : i1
        %sub3A_187 = arith.constant 1 : i32
        %sub3A_188 = arith.subi %div3A_167, %sub3A_187 : i32
        %select_n3A_189 = arith.select %and3A_186, %sub3A_188, %div3A_167 : i32
        %mul3A_190 = arith.constant 16 : i32
        %mul3A_191 = arith.muli %select_n3A_189, %mul3A_190 : i32
        %get3A_192 = arith.index_cast %while3A_87 : i32 to index
        %get3A_193 = arith.index_cast %mul3A_191 : i32 to index
        %get3A_194 = tpu.vector_load %arg8[%get3A_192, %get3A_193] {strides = array<i32>} : memref<68x128xi32, #tpu.memory_space<vmem>>, vector<16xi32>,
        %iota3A_195 = tpu.iota {dimensions = array<i32: 0>} : vector<16xi32>
        %and3A_196 = arith.constant 15 : i32
        %and3A_197 = arith.andi %scan3A_164, %and3A_196 : i32
        %eq3A = vector.broadcast %and3A_197 : i32 to vector<16xi32>
        %eq3A_198 = arith.cmpi eq, %iota3A_195, %eq3A : vector<16xi32>
        %jit3A_199 = arith.constant 0 : i32
        %broadcast_in_dim3A = vector.broadcast %jit3A_199 : i32 to vector<16xi32>
        %select_n3A_200 = arith.select %eq3A_198, %get3A_194, %broadcast_in_dim3A : vector<16xi1>, vector<16xi32>
        %reduce_max3A_201 = arith.constant true
        %reduce_max3A_202 = vector.broadcast %reduce_max3A_201 : i1 to vector<16xi1>
        %reduce_max3A_203 = arith.constant -2147483648 : i32
        %reduce_max3A_204 = vector.broadcast %reduce_max3A_203 : i32 to vector<16xi32>
        %reduce_max3A_205 = arith.xori %select_n3A_200, %reduce_max3A_204 : vector<16xi32>
        %reduce_max3A_206 = tpu.scan <max>, %reduce_max3A_205 masked %reduce_max3A_202 : vector<16xi32>, vector<16xi1> -> vector<16xi32>
        %reduce_max3A_207 = arith.xori %reduce_max3A_206, %reduce_max3A_204 : vector<16xi32>
        %reduce_max3A_208 = vector.extract %reduce_max3A_207[15] : i32 from vector<16xi32>
        %mul3A_209 = arith.constant 128 : i32
        %mul3A_210 = arith.muli %reduce_max3A_208, %mul3A_209 : i32
        %dma_start3A = arith.constant 0 : i32
        %dma_start3A_211 = tpu.memref_slice %arg11[%scan3A_164, %dma_start3A] : memref<128x128xf32, #tpu.memory_space<vmem>> -> memref<1x128xf32, #tpu.memory_space<vmem>>
        %dma_start3A_212 = tpu.memref_squeeze %dma_start3A_211 : memref<1x128xf32, #tpu.memory_space<vmem>> -> memref<128xf32, #tpu.memory_space<vmem>>
        %dma_start3A_213 = tpu.memref_slice %arg2[%mul3A_210] : memref<35389440xf32, #tpu.memory_space<hbm>> -> memref<128xf32, #tpu.memory_space<hbm>>
        %dma_start3A_214 = arith.constant 0 : i32
        %dma_start3A_215 = tpu.memref_slice %arg11[%scan3A_164, %dma_start3A_214] : memref<128x128xf32, #tpu.memory_space<vmem>> -> memref<1x128xf32, #tpu.memory_space<vmem>>
        %dma_start3A_216 = tpu.memref_squeeze %dma_start3A_215 : memref<1x128xf32, #tpu.memory_space<vmem>> -> memref<128xf32, #tpu.memory_space<vmem>>
        %dma_start3A_217 = tpu.memref_slice %arg2[%mul3A_210] : memref<35389440xf32, #tpu.memory_space<hbm>> -> memref<128xf32, #tpu.memory_space<hbm>>
        tpu.enqueue_dma source(%dma_start3A_217 : memref<128xf32, #tpu.memory_space<hbm>>) target(%dma_start3A_216 : memref<128xf32, #tpu.memory_space<vmem>>) target_semaphore(%arg15 : memref<!tpu.dma_semaphore, #tpu.memory_space<semaphore_mem>>)
        %scan3A_218 = arith.constant 0 : i32
        scf.yield %scan3A_218 : i32
      }
      %scan3A_95 = arith.constant 32 : i32
      %dma_wait3A = arith.constant 0 : i32
      %dma_wait3A_96 = tpu.memref_slice %arg2[%dma_wait3A] : memref<35389440xf32, #tpu.memory_space<hbm>> -> memref<4096xf32, #tpu.memory_space<hbm>>
      %dma_wait3A_97 = arith.constant 0 : i32
      %dma_wait3A_98 = tpu.memref_slice %arg2[%dma_wait3A_97] : memref<35389440xf32, #tpu.memory_space<hbm>> -> memref<4096xf32, #tpu.memory_space<hbm>>
      tpu.wait_dma2 semaphore(%arg15 : memref<!tpu.dma_semaphore, #tpu.memory_space<semaphore_mem>>) src(%dma_wait3A_98 : memref<4096xf32, #tpu.memory_space<hbm>>) dst(%arg12 : memref<4096xf32, #tpu.memory_space<vmem>>)
      %scan3A_99 = arith.constant 0 : i32
      %scan3A_100 = arith.constant 32 : i32
      %scan3A_101 = arith.constant 32 : i32
      %scan3A_102 = arith.addi %scan3A_100, %scan3A_101 : i32
      %scan3A_103 = arith.constant 1 : i32
      %scan3A_104 = scf.for %scan3A_164 = %scan3A_100 to %scan3A_102 step %scan3A_103 iter_args(%scan3A_165 = %scan3A_99) -> (i32)  : i32 {
        %jit3A_166 = arith.constant 16 : i32
        %div3A_167 = arith.divsi %scan3A_164, %jit3A_166 : i32
        %sign3A_168 = arith.constant 0 : i32
        %sign3A_169 = arith.cmpi sgt, %scan3A_164, %sign3A_168 : i32
        %sign3A_170 = arith.extui %sign3A_169 : i1 to i32
        %sign3A_171 = arith.constant 0 : i32
        %sign3A_172 = arith.cmpi slt, %scan3A_164, %sign3A_171 : i32
        %sign3A_173 = arith.extui %sign3A_172 : i1 to i32
        %sign3A_174 = arith.subi %sign3A_170, %sign3A_173 : i32
        %sign3A_175 = arith.constant 0 : i32
        %sign3A_176 = arith.cmpi sgt, %jit3A_166, %sign3A_175 : i32
        %sign3A_177 = arith.extui %sign3A_176 : i1 to i32
        %sign3A_178 = arith.constant 0 : i32
        %sign3A_179 = arith.cmpi slt, %jit3A_166, %sign3A_178 : i32
        %sign3A_180 = arith.extui %sign3A_179 : i1 to i32
        %sign3A_181 = arith.subi %sign3A_177, %sign3A_180 : i32
        %ne3A_182 = arith.cmpi ne, %sign3A_174, %sign3A_181 : i32
        %rem3A_183 = arith.remsi %scan3A_164, %jit3A_166 : i32
        %ne3A_184 = arith.constant 0 : i32
        %ne3A_185 = arith.cmpi ne, %rem3A_183, %ne3A_184 : i32
        %and3A_186 = arith.andi %ne3A_182, %ne3A_185 : i1
        %sub3A_187 = arith.constant 1 : i32
        %sub3A_188 = arith.subi %div3A_167, %sub3A_187 : i32
        %select_n3A_189 = arith.select %and3A_186, %sub3A_188, %div3A_167 : i32
        %mul3A_190 = arith.constant 16 : i32
        %mul3A_191 = arith.muli %select_n3A_189, %mul3A_190 : i32
        %get3A_192 = arith.index_cast %while3A_87 : i32 to index
        %get3A_193 = arith.index_cast %mul3A_191 : i32 to index
        %get3A_194 = tpu.vector_load %arg8[%get3A_192, %get3A_193] {strides = array<i32>} : memref<68x128xi32, #tpu.memory_space<vmem>>, vector<16xi32>,
        %iota3A_195 = tpu.iota {dimensions = array<i32: 0>} : vector<16xi32>
        %and3A_196 = arith.constant 15 : i32
        %and3A_197 = arith.andi %scan3A_164, %and3A_196 : i32
        %eq3A = vector.broadcast %and3A_197 : i32 to vector<16xi32>
        %eq3A_198 = arith.cmpi eq, %iota3A_195, %eq3A : vector<16xi32>
        %jit3A_199 = arith.constant 0 : i32
        %broadcast_in_dim3A = vector.broadcast %jit3A_199 : i32 to vector<16xi32>
        %select_n3A_200 = arith.select %eq3A_198, %get3A_194, %broadcast_in_dim3A : vector<16xi1>, vector<16xi32>
        %reduce_max3A_201 = arith.constant true
        %reduce_max3A_202 = vector.broadcast %reduce_max3A_201 : i1 to vector<16xi1>
        %reduce_max3A_203 = arith.constant -2147483648 : i32
        %reduce_max3A_204 = vector.broadcast %reduce_max3A_203 : i32 to vector<16xi32>
        %reduce_max3A_205 = arith.xori %select_n3A_200, %reduce_max3A_204 : vector<16xi32>
        %reduce_max3A_206 = tpu.scan <max>, %reduce_max3A_205 masked %reduce_max3A_202 : vector<16xi32>, vector<16xi1> -> vector<16xi32>
        %reduce_max3A_207 = arith.xori %reduce_max3A_206, %reduce_max3A_204 : vector<16xi32>
        %reduce_max3A_208 = vector.extract %reduce_max3A_207[15] : i32 from vector<16xi32>
        %mul3A_209 = arith.constant 128 : i32
        %mul3A_210 = arith.muli %reduce_max3A_208, %mul3A_209 : i32
        %dma_start3A = arith.constant 0 : i32
        %dma_start3A_211 = tpu.memref_slice %arg11[%scan3A_164, %dma_start3A] : memref<128x128xf32, #tpu.memory_space<vmem>> -> memref<1x128xf32, #tpu.memory_space<vmem>>
        %dma_start3A_212 = tpu.memref_squeeze %dma_start3A_211 : memref<1x128xf32, #tpu.memory_space<vmem>> -> memref<128xf32, #tpu.memory_space<vmem>>
        %dma_start3A_213 = tpu.memref_slice %arg2[%mul3A_210] : memref<35389440xf32, #tpu.memory_space<hbm>> -> memref<128xf32, #tpu.memory_space<hbm>>
        %dma_start3A_214 = arith.constant 0 : i32
        %dma_start3A_215 = tpu.memref_slice %arg11[%scan3A_164, %dma_start3A_214] : memref<128x128xf32, #tpu.memory_space<vmem>> -> memref<1x128xf32, #tpu.memory_space<vmem>>
        %dma_start3A_216 = tpu.memref_squeeze %dma_start3A_215 : memref<1x128xf32, #tpu.memory_space<vmem>> -> memref<128xf32, #tpu.memory_space<vmem>>
        %dma_start3A_217 = tpu.memref_slice %arg2[%mul3A_210] : memref<35389440xf32, #tpu.memory_space<hbm>> -> memref<128xf32, #tpu.memory_space<hbm>>
        tpu.enqueue_dma source(%dma_start3A_217 : memref<128xf32, #tpu.memory_space<hbm>>) target(%dma_start3A_216 : memref<128xf32, #tpu.memory_space<vmem>>) target_semaphore(%arg15 : memref<!tpu.dma_semaphore, #tpu.memory_space<semaphore_mem>>)
        %scan3A_218 = arith.constant 0 : i32
        scf.yield %scan3A_218 : i32
      }
      %scan3A_105 = arith.constant 32 : i32
      %dma_wait3A_106 = arith.constant 0 : i32
      %dma_wait3A_107 = tpu.memref_slice %arg2[%dma_wait3A_106] : memref<35389440xf32, #tpu.memory_space<hbm>> -> memref<4096xf32, #tpu.memory_space<hbm>>
      %dma_wait3A_108 = arith.constant 0 : i32
      %dma_wait3A_109 = tpu.memref_slice %arg2[%dma_wait3A_108] : memref<35389440xf32, #tpu.memory_space<hbm>> -> memref<4096xf32, #tpu.memory_space<hbm>>
      tpu.wait_dma2 semaphore(%arg15 : memref<!tpu.dma_semaphore, #tpu.memory_space<semaphore_mem>>) src(%dma_wait3A_109 : memref<4096xf32, #tpu.memory_space<hbm>>) dst(%arg12 : memref<4096xf32, #tpu.memory_space<vmem>>)
      %scan3A_110 = arith.constant 0 : i32
      %scan3A_111 = arith.constant 64 : i32
      %scan3A_112 = arith.constant 32 : i32
      %scan3A_113 = arith.addi %scan3A_111, %scan3A_112 : i32
      %scan3A_114 = arith.constant 1 : i32
      %scan3A_115 = scf.for %scan3A_164 = %scan3A_111 to %scan3A_113 step %scan3A_114 iter_args(%scan3A_165 = %scan3A_110) -> (i32)  : i32 {
        %jit3A_166 = arith.constant 16 : i32
        %div3A_167 = arith.divsi %scan3A_164, %jit3A_166 : i32
        %sign3A_168 = arith.constant 0 : i32
        %sign3A_169 = arith.cmpi sgt, %scan3A_164, %sign3A_168 : i32
        %sign3A_170 = arith.extui %sign3A_169 : i1 to i32
        %sign3A_171 = arith.constant 0 : i32
        %sign3A_172 = arith.cmpi slt, %scan3A_164, %sign3A_171 : i32
        %sign3A_173 = arith.extui %sign3A_172 : i1 to i32
        %sign3A_174 = arith.subi %sign3A_170, %sign3A_173 : i32
        %sign3A_175 = arith.constant 0 : i32
        %sign3A_176 = arith.cmpi sgt, %jit3A_166, %sign3A_175 : i32
        %sign3A_177 = arith.extui %sign3A_176 : i1 to i32
        %sign3A_178 = arith.constant 0 : i32
        %sign3A_179 = arith.cmpi slt, %jit3A_166, %sign3A_178 : i32
        %sign3A_180 = arith.extui %sign3A_179 : i1 to i32
        %sign3A_181 = arith.subi %sign3A_177, %sign3A_180 : i32
        %ne3A_182 = arith.cmpi ne, %sign3A_174, %sign3A_181 : i32
        %rem3A_183 = arith.remsi %scan3A_164, %jit3A_166 : i32
        %ne3A_184 = arith.constant 0 : i32
        %ne3A_185 = arith.cmpi ne, %rem3A_183, %ne3A_184 : i32
        %and3A_186 = arith.andi %ne3A_182, %ne3A_185 : i1
        %sub3A_187 = arith.constant 1 : i32
        %sub3A_188 = arith.subi %div3A_167, %sub3A_187 : i32
        %select_n3A_189 = arith.select %and3A_186, %sub3A_188, %div3A_167 : i32
        %mul3A_190 = arith.constant 16 : i32
        %mul3A_191 = arith.muli %select_n3A_189, %mul3A_190 : i32
        %get3A_192 = arith.index_cast %while3A_87 : i32 to index
        %get3A_193 = arith.index_cast %mul3A_191 : i32 to index
        %get3A_194 = tpu.vector_load %arg8[%get3A_192, %get3A_193] {strides = array<i32>} : memref<68x128xi32, #tpu.memory_space<vmem>>, vector<16xi32>,
        %iota3A_195 = tpu.iota {dimensions = array<i32: 0>} : vector<16xi32>
        %and3A_196 = arith.constant 15 : i32
        %and3A_197 = arith.andi %scan3A_164, %and3A_196 : i32
        %eq3A = vector.broadcast %and3A_197 : i32 to vector<16xi32>
        %eq3A_198 = arith.cmpi eq, %iota3A_195, %eq3A : vector<16xi32>
        %jit3A_199 = arith.constant 0 : i32
        %broadcast_in_dim3A = vector.broadcast %jit3A_199 : i32 to vector<16xi32>
        %select_n3A_200 = arith.select %eq3A_198, %get3A_194, %broadcast_in_dim3A : vector<16xi1>, vector<16xi32>
        %reduce_max3A_201 = arith.constant true
        %reduce_max3A_202 = vector.broadcast %reduce_max3A_201 : i1 to vector<16xi1>
        %reduce_max3A_203 = arith.constant -2147483648 : i32
        %reduce_max3A_204 = vector.broadcast %reduce_max3A_203 : i32 to vector<16xi32>
        %reduce_max3A_205 = arith.xori %select_n3A_200, %reduce_max3A_204 : vector<16xi32>
        %reduce_max3A_206 = tpu.scan <max>, %reduce_max3A_205 masked %reduce_max3A_202 : vector<16xi32>, vector<16xi1> -> vector<16xi32>
        %reduce_max3A_207 = arith.xori %reduce_max3A_206, %reduce_max3A_204 : vector<16xi32>
        %reduce_max3A_208 = vector.extract %reduce_max3A_207[15] : i32 from vector<16xi32>
        %mul3A_209 = arith.constant 128 : i32
        %mul3A_210 = arith.muli %reduce_max3A_208, %mul3A_209 : i32
        %dma_start3A = arith.constant 0 : i32
        %dma_start3A_211 = tpu.memref_slice %arg11[%scan3A_164, %dma_start3A] : memref<128x128xf32, #tpu.memory_space<vmem>> -> memref<1x128xf32, #tpu.memory_space<vmem>>
        %dma_start3A_212 = tpu.memref_squeeze %dma_start3A_211 : memref<1x128xf32, #tpu.memory_space<vmem>> -> memref<128xf32, #tpu.memory_space<vmem>>
        %dma_start3A_213 = tpu.memref_slice %arg2[%mul3A_210] : memref<35389440xf32, #tpu.memory_space<hbm>> -> memref<128xf32, #tpu.memory_space<hbm>>
        %dma_start3A_214 = arith.constant 0 : i32
        %dma_start3A_215 = tpu.memref_slice %arg11[%scan3A_164, %dma_start3A_214] : memref<128x128xf32, #tpu.memory_space<vmem>> -> memref<1x128xf32, #tpu.memory_space<vmem>>
        %dma_start3A_216 = tpu.memref_squeeze %dma_start3A_215 : memref<1x128xf32, #tpu.memory_space<vmem>> -> memref<128xf32, #tpu.memory_space<vmem>>
        %dma_start3A_217 = tpu.memref_slice %arg2[%mul3A_210] : memref<35389440xf32, #tpu.memory_space<hbm>> -> memref<128xf32, #tpu.memory_space<hbm>>
        tpu.enqueue_dma source(%dma_start3A_217 : memref<128xf32, #tpu.memory_space<hbm>>) target(%dma_start3A_216 : memref<128xf32, #tpu.memory_space<vmem>>) target_semaphore(%arg15 : memref<!tpu.dma_semaphore, #tpu.memory_space<semaphore_mem>>)
        %scan3A_218 = arith.constant 0 : i32
        scf.yield %scan3A_218 : i32
      }
      %scan3A_116 = arith.constant 32 : i32
      %dma_wait3A_117 = arith.constant 0 : i32
      %dma_wait3A_118 = tpu.memref_slice %arg2[%dma_wait3A_117] : memref<35389440xf32, #tpu.memory_space<hbm>> -> memref<4096xf32, #tpu.memory_space<hbm>>
      %dma_wait3A_119 = arith.constant 0 : i32
      %dma_wait3A_120 = tpu.memref_slice %arg2[%dma_wait3A_119] : memref<35389440xf32, #tpu.memory_space<hbm>> -> memref<4096xf32, #tpu.memory_space<hbm>>
      tpu.wait_dma2 semaphore(%arg15 : memref<!tpu.dma_semaphore, #tpu.memory_space<semaphore_mem>>) src(%dma_wait3A_120 : memref<4096xf32, #tpu.memory_space<hbm>>) dst(%arg12 : memref<4096xf32, #tpu.memory_space<vmem>>)
      %scan3A_121 = arith.constant 0 : i32
      %scan3A_122 = arith.constant 96 : i32
      %scan3A_123 = arith.constant 32 : i32
      %scan3A_124 = arith.addi %scan3A_122, %scan3A_123 : i32
      %scan3A_125 = arith.constant 1 : i32
      %scan3A_126 = scf.for %scan3A_164 = %scan3A_122 to %scan3A_124 step %scan3A_125 iter_args(%scan3A_165 = %scan3A_121) -> (i32)  : i32 {
        %jit3A_166 = arith.constant 16 : i32
        %div3A_167 = arith.divsi %scan3A_164, %jit3A_166 : i32
        %sign3A_168 = arith.constant 0 : i32
        %sign3A_169 = arith.cmpi sgt, %scan3A_164, %sign3A_168 : i32
        %sign3A_170 = arith.extui %sign3A_169 : i1 to i32
        %sign3A_171 = arith.constant 0 : i32
        %sign3A_172 = arith.cmpi slt, %scan3A_164, %sign3A_171 : i32
        %sign3A_173 = arith.extui %sign3A_172 : i1 to i32
        %sign3A_174 = arith.subi %sign3A_170, %sign3A_173 : i32
        %sign3A_175 = arith.constant 0 : i32
        %sign3A_176 = arith.cmpi sgt, %jit3A_166, %sign3A_175 : i32
        %sign3A_177 = arith.extui %sign3A_176 : i1 to i32
        %sign3A_178 = arith.constant 0 : i32
        %sign3A_179 = arith.cmpi slt, %jit3A_166, %sign3A_178 : i32
        %sign3A_180 = arith.extui %sign3A_179 : i1 to i32
        %sign3A_181 = arith.subi %sign3A_177, %sign3A_180 : i32
        %ne3A_182 = arith.cmpi ne, %sign3A_174, %sign3A_181 : i32
        %rem3A_183 = arith.remsi %scan3A_164, %jit3A_166 : i32
        %ne3A_184 = arith.constant 0 : i32
        %ne3A_185 = arith.cmpi ne, %rem3A_183, %ne3A_184 : i32
        %and3A_186 = arith.andi %ne3A_182, %ne3A_185 : i1
        %sub3A_187 = arith.constant 1 : i32
        %sub3A_188 = arith.subi %div3A_167, %sub3A_187 : i32
        %select_n3A_189 = arith.select %and3A_186, %sub3A_188, %div3A_167 : i32
        %mul3A_190 = arith.constant 16 : i32
        %mul3A_191 = arith.muli %select_n3A_189, %mul3A_190 : i32
        %get3A_192 = arith.index_cast %while3A_87 : i32 to index
        %get3A_193 = arith.index_cast %mul3A_191 : i32 to index
        %get3A_194 = tpu.vector_load %arg8[%get3A_192, %get3A_193] {strides = array<i32>} : memref<68x128xi32, #tpu.memory_space<vmem>>, vector<16xi32>,
        %iota3A_195 = tpu.iota {dimensions = array<i32: 0>} : vector<16xi32>
        %and3A_196 = arith.constant 15 : i32
        %and3A_197 = arith.andi %scan3A_164, %and3A_196 : i32
        %eq3A = vector.broadcast %and3A_197 : i32 to vector<16xi32>
        %eq3A_198 = arith.cmpi eq, %iota3A_195, %eq3A : vector<16xi32>
        %jit3A_199 = arith.constant 0 : i32
        %broadcast_in_dim3A = vector.broadcast %jit3A_199 : i32 to vector<16xi32>
        %select_n3A_200 = arith.select %eq3A_198, %get3A_194, %broadcast_in_dim3A : vector<16xi1>, vector<16xi32>
        %reduce_max3A_201 = arith.constant true
        %reduce_max3A_202 = vector.broadcast %reduce_max3A_201 : i1 to vector<16xi1>
        %reduce_max3A_203 = arith.constant -2147483648 : i32
        %reduce_max3A_204 = vector.broadcast %reduce_max3A_203 : i32 to vector<16xi32>
        %reduce_max3A_205 = arith.xori %select_n3A_200, %reduce_max3A_204 : vector<16xi32>
        %reduce_max3A_206 = tpu.scan <max>, %reduce_max3A_205 masked %reduce_max3A_202 : vector<16xi32>, vector<16xi1> -> vector<16xi32>
        %reduce_max3A_207 = arith.xori %reduce_max3A_206, %reduce_max3A_204 : vector<16xi32>
        %reduce_max3A_208 = vector.extract %reduce_max3A_207[15] : i32 from vector<16xi32>
        %mul3A_209 = arith.constant 128 : i32
        %mul3A_210 = arith.muli %reduce_max3A_208, %mul3A_209 : i32
        %dma_start3A = arith.constant 0 : i32
        %dma_start3A_211 = tpu.memref_slice %arg11[%scan3A_164, %dma_start3A] : memref<128x128xf32, #tpu.memory_space<vmem>> -> memref<1x128xf32, #tpu.memory_space<vmem>>
        %dma_start3A_212 = tpu.memref_squeeze %dma_start3A_211 : memref<1x128xf32, #tpu.memory_space<vmem>> -> memref<128xf32, #tpu.memory_space<vmem>>
        %dma_start3A_213 = tpu.memref_slice %arg2[%mul3A_210] : memref<35389440xf32, #tpu.memory_space<hbm>> -> memref<128xf32, #tpu.memory_space<hbm>>
        %dma_start3A_214 = arith.constant 0 : i32
        %dma_start3A_215 = tpu.memref_slice %arg11[%scan3A_164, %dma_start3A_214] : memref<128x128xf32, #tpu.memory_space<vmem>> -> memref<1x128xf32, #tpu.memory_space<vmem>>
        %dma_start3A_216 = tpu.memref_squeeze %dma_start3A_215 : memref<1x128xf32, #tpu.memory_space<vmem>> -> memref<128xf32, #tpu.memory_space<vmem>>
        %dma_start3A_217 = tpu.memref_slice %arg2[%mul3A_210] : memref<35389440xf32, #tpu.memory_space<hbm>> -> memref<128xf32, #tpu.memory_space<hbm>>
        tpu.enqueue_dma source(%dma_start3A_217 : memref<128xf32, #tpu.memory_space<hbm>>) target(%dma_start3A_216 : memref<128xf32, #tpu.memory_space<vmem>>) target_semaphore(%arg15 : memref<!tpu.dma_semaphore, #tpu.memory_space<semaphore_mem>>)
        %scan3A_218 = arith.constant 0 : i32
        scf.yield %scan3A_218 : i32
      }
      %scan3A_127 = arith.constant 32 : i32
      %dma_wait3A_128 = arith.constant 0 : i32
      %dma_wait3A_129 = tpu.memref_slice %arg2[%dma_wait3A_128] : memref<35389440xf32, #tpu.memory_space<hbm>> -> memref<4096xf32, #tpu.memory_space<hbm>>
      %dma_wait3A_130 = arith.constant 0 : i32
      %dma_wait3A_131 = tpu.memref_slice %arg2[%dma_wait3A_130] : memref<35389440xf32, #tpu.memory_space<hbm>> -> memref<4096xf32, #tpu.memory_space<hbm>>
      tpu.wait_dma2 semaphore(%arg15 : memref<!tpu.dma_semaphore, #tpu.memory_space<semaphore_mem>>) src(%dma_wait3A_131 : memref<4096xf32, #tpu.memory_space<hbm>>) dst(%arg12 : memref<4096xf32, #tpu.memory_space<vmem>>)
      %get3A_132 = arith.index_cast %while3A_87 : i32 to index
      %get3A_133 = arith.constant 0 : index
      %get3A_134 = tpu.vector_load %arg9[%get3A_132, %get3A_133] {strides = array<i32>} : memref<68x128xi32, #tpu.memory_space<vmem>>, vector<16xi32>,
      %get3A_135 = arith.index_cast %while3A_87 : i32 to index
      %get3A_136 = arith.constant 16 : index
      %get3A_137 = tpu.vector_load %arg9[%get3A_135, %get3A_136] {strides = array<i32>} : memref<68x128xi32, #tpu.memory_space<vmem>>, vector<16xi32>,
      %get3A_138 = arith.index_cast %while3A_87 : i32 to index
      %get3A_139 = arith.constant 32 : index
      %get3A_140 = tpu.vector_load %arg9[%get3A_138, %get3A_139] {strides = array<i32>} : memref<68x128xi32, #tpu.memory_space<vmem>>, vector<16xi32>,
      %get3A_141 = arith.index_cast %while3A_87 : i32 to index
      %get3A_142 = arith.constant 48 : index
      %get3A_143 = tpu.vector_load %arg9[%get3A_141, %get3A_142] {strides = array<i32>} : memref<68x128xi32, #tpu.memory_space<vmem>>, vector<16xi32>,
      %get3A_144 = arith.index_cast %while3A_87 : i32 to index
      %get3A_145 = arith.constant 64 : index
      %get3A_146 = tpu.vector_load %arg9[%get3A_144, %get3A_145] {strides = array<i32>} : memref<68x128xi32, #tpu.memory_space<vmem>>, vector<16xi32>,
      %get3A_147 = arith.index_cast %while3A_87 : i32 to index
      %get3A_148 = arith.constant 80 : index
      %get3A_149 = tpu.vector_load %arg9[%get3A_147, %get3A_148] {strides = array<i32>} : memref<68x128xi32, #tpu.memory_space<vmem>>, vector<16xi32>,
      %get3A_150 = arith.index_cast %while3A_87 : i32 to index
      %get3A_151 = arith.constant 96 : index
      %get3A_152 = tpu.vector_load %arg9[%get3A_150, %get3A_151] {strides = array<i32>} : memref<68x128xi32, #tpu.memory_space<vmem>>, vector<16xi32>,
      %get3A_153 = arith.index_cast %while3A_87 : i32 to index
      %get3A_154 = arith.constant 112 : index
      %get3A_155 = tpu.vector_load %arg9[%get3A_153, %get3A_154] {strides = array<i32>} : memref<68x128xi32, #tpu.memory_space<vmem>>, vector<16xi32>,
      %scan3A_156 = arith.constant 0 : i32
      %scan3A_157 = arith.constant 0 : i32
      %scan3A_158 = arith.constant 128 : i32
      %scan3A_159 = arith.addi %scan3A_157, %scan3A_158 : i32
      %scan3A_160 = arith.constant 1 : i32
      %scan3A_161 = scf.for %scan3A_164 = %scan3A_157 to %scan3A_159 step %scan3A_160 iter_args(%scan3A_165 = %scan3A_156) -> (i32)  : i32 {
        %broadcast_in_dim3A = arith.constant 0 : i32
        %broadcast_in_dim3A_166 = vector.broadcast %broadcast_in_dim3A : i32 to vector<16xi32>
        %add3A_167 = vector.broadcast %scan3A_164 : i32 to vector<16xi32>
        %add3A_168 = arith.addi %broadcast_in_dim3A_166, %add3A_167 : vector<16xi32>
        %gather3A = tpu.vector_load_idx %arg11[%add3A_45, %add3A_168] : memref<128x128xf32, #tpu.memory_space<vmem>>[vector<16xi32>, vector<16xi32>], vector<16xf32>,
        %gather3A_169 = tpu.vector_load_idx %arg11[%add3A_49, %add3A_168] : memref<128x128xf32, #tpu.memory_space<vmem>>[vector<16xi32>, vector<16xi32>], vector<16xf32>,
        %gather3A_170 = tpu.vector_load_idx %arg11[%add3A_53, %add3A_168] : memref<128x128xf32, #tpu.memory_space<vmem>>[vector<16xi32>, vector<16xi32>], vector<16xf32>,
        %gather3A_171 = tpu.vector_load_idx %arg11[%add3A_57, %add3A_168] : memref<128x128xf32, #tpu.memory_space<vmem>>[vector<16xi32>, vector<16xi32>], vector<16xf32>,
        %gather3A_172 = tpu.vector_load_idx %arg11[%add3A_61, %add3A_168] : memref<128x128xf32, #tpu.memory_space<vmem>>[vector<16xi32>, vector<16xi32>], vector<16xf32>,
        %gather3A_173 = tpu.vector_load_idx %arg11[%add3A_65, %add3A_168] : memref<128x128xf32, #tpu.memory_space<vmem>>[vector<16xi32>, vector<16xi32>], vector<16xf32>,
        %gather3A_174 = tpu.vector_load_idx %arg11[%add3A_69, %add3A_168] : memref<128x128xf32, #tpu.memory_space<vmem>>[vector<16xi32>, vector<16xi32>], vector<16xf32>,
        %gather3A_175 = tpu.vector_load_idx %arg11[%add3A_73, %add3A_168] : memref<128x128xf32, #tpu.memory_space<vmem>>[vector<16xi32>, vector<16xi32>], vector<16xf32>,
        tpu.vector_store_idx %arg14[%get3A_134, %add3A_168], %gather3A {add = true} : memref<321x128xf32, #tpu.memory_space<vmem>>[vector<16xi32>, vector<16xi32>], vector<16xf32>,
        tpu.vector_store_idx %arg14[%get3A_137, %add3A_168], %gather3A_169 {add = true} : memref<321x128xf32, #tpu.memory_space<vmem>>[vector<16xi32>, vector<16xi32>], vector<16xf32>,
        tpu.vector_store_idx %arg14[%get3A_140, %add3A_168], %gather3A_170 {add = true} : memref<321x128xf32, #tpu.memory_space<vmem>>[vector<16xi32>, vector<16xi32>], vector<16xf32>,
        tpu.vector_store_idx %arg14[%get3A_143, %add3A_168], %gather3A_171 {add = true} : memref<321x128xf32, #tpu.memory_space<vmem>>[vector<16xi32>, vector<16xi32>], vector<16xf32>,
        tpu.vector_store_idx %arg14[%get3A_146, %add3A_168], %gather3A_172 {add = true} : memref<321x128xf32, #tpu.memory_space<vmem>>[vector<16xi32>, vector<16xi32>], vector<16xf32>,
        tpu.vector_store_idx %arg14[%get3A_149, %add3A_168], %gather3A_173 {add = true} : memref<321x128xf32, #tpu.memory_space<vmem>>[vector<16xi32>, vector<16xi32>], vector<16xf32>,
        tpu.vector_store_idx %arg14[%get3A_152, %add3A_168], %gather3A_174 {add = true} : memref<321x128xf32, #tpu.memory_space<vmem>>[vector<16xi32>, vector<16xi32>], vector<16xf32>,
        tpu.vector_store_idx %arg14[%get3A_155, %add3A_168], %gather3A_175 {add = true} : memref<321x128xf32, #tpu.memory_space<vmem>>[vector<16xi32>, vector<16xi32>], vector<16xf32>,
        %scan3A_176 = arith.constant 0 : i32
        scf.yield %scan3A_176 : i32
      }
      %scan3A_162 = arith.constant 128 : i32
      %while3A_163 = arith.constant 0 : i32
      scf.yield %while3A_163 : i32
    }
    %mul3A_85 = arith.constant 320 : i32
    %mul3A_86 = arith.muli %add3A, %mul3A_85 : i32
    "tpu.region"() ({
      %run_scoped3A = tpu.sem_alloc : memref<!tpu.dma_semaphore, #tpu.memory_space<semaphore_mem>>
      %dma_start3A = arith.constant 0 : i32
      %dma_start3A_87 = arith.constant 0 : i32
      %dma_start3A_88 = tpu.memref_slice %arg14[%dma_start3A, %dma_start3A_87] : memref<321x128xf32, #tpu.memory_space<vmem>> -> memref<320x128xf32, #tpu.memory_space<vmem>>
      %dma_start3A_89 = arith.constant 0 : i32
      %dma_start3A_90 = tpu.memref_slice %arg7[%mul3A_86, %dma_start3A_89] : memref<10240x128xf32, #tpu.memory_space<hbm>> -> memref<320x128xf32, #tpu.memory_space<hbm>>
      %dma_start3A_91 = arith.constant 0 : i32
      %dma_start3A_92 = tpu.memref_slice %arg7[%mul3A_86, %dma_start3A_91] : memref<10240x128xf32, #tpu.memory_space<hbm>> -> memref<320x128xf32, #tpu.memory_space<hbm>>
      %dma_start3A_93 = arith.constant 0 : i32
      %dma_start3A_94 = arith.constant 0 : i32
      %dma_start3A_95 = tpu.memref_slice %arg14[%dma_start3A_93, %dma_start3A_94] : memref<321x128xf32, #tpu.memory_space<vmem>> -> memref<320x128xf32, #tpu.memory_space<vmem>>
      tpu.enqueue_dma source(%dma_start3A_95 : memref<320x128xf32, #tpu.memory_space<vmem>>) target(%dma_start3A_92 : memref<320x128xf32, #tpu.memory_space<hbm>>) target_semaphore(%run_scoped3A : memref<!tpu.dma_semaphore, #tpu.memory_space<semaphore_mem>>)
      %dma_wait3A = arith.constant 0 : i32
      %dma_wait3A_96 = arith.constant 0 : i32
      %dma_wait3A_97 = tpu.memref_slice %arg14[%dma_wait3A, %dma_wait3A_96] : memref<321x128xf32, #tpu.memory_space<vmem>> -> memref<320x128xf32, #tpu.memory_space<vmem>>
      %dma_wait3A_98 = arith.constant 0 : i32
      %dma_wait3A_99 = tpu.memref_slice %arg7[%mul3A_86, %dma_wait3A_98] : memref<10240x128xf32, #tpu.memory_space<hbm>> -> memref<320x128xf32, #tpu.memory_space<hbm>>
      %dma_wait3A_100 = arith.constant 0 : i32
      %dma_wait3A_101 = tpu.memref_slice %arg7[%mul3A_86, %dma_wait3A_100] : memref<10240x128xf32, #tpu.memory_space<hbm>> -> memref<320x128xf32, #tpu.memory_space<hbm>>
      %dma_wait3A_102 = arith.constant 0 : i32
      %dma_wait3A_103 = arith.constant 0 : i32
      %dma_wait3A_104 = tpu.memref_slice %arg14[%dma_wait3A_102, %dma_wait3A_103] : memref<321x128xf32, #tpu.memory_space<vmem>> -> memref<320x128xf32, #tpu.memory_space<vmem>>
      tpu.wait_dma2 semaphore(%run_scoped3A : memref<!tpu.dma_semaphore, #tpu.memory_space<semaphore_mem>>) src(%dma_wait3A_104 : memref<320x128xf32, #tpu.memory_space<vmem>>) dst(%dma_wait3A_101 : memref<320x128xf32, #tpu.memory_space<hbm>>)
      tpu.yield
    }) : () -> ()
    return
  }
}

#map = affine_map<(d0, d1) -> (0)>
#map1 = affine_map<(d0, d1) -> (0, 0, 0)>
#map2 = affine_map<(d0, d1) -> (0, 0)>
module attributes {stable_mosaic.version = 14 : i64} {
  func.func @_edge_kernel(%arg0: i32, %arg1: i32, %arg2: memref<30000xf32, #tpu.memory_space<hbm>>, %arg3: memref<262144xi32, #tpu.memory_space<hbm>>, %arg4: memref<32x68x128xi32, #tpu.memory_space<hbm>>, %arg5: memref<32x68x128xi32, #tpu.memory_space<hbm>>, %arg6: memref<32x16xi32, #tpu.memory_space<hbm>>, %arg7: memref<30000xf32, #tpu.memory_space<vmem>>, %arg8: memref<68x128xi32, #tpu.memory_space<vmem>>, %arg9: memref<68x128xi32, #tpu.memory_space<vmem>>, %arg10: memref<68x128xi32, #tpu.memory_space<vmem>>, %arg11: memref<68x128xi32, #tpu.memory_space<vmem>>, %arg12: memref<68x128xi32, #tpu.memory_space<vmem>>, %arg13: memref<16xi32, #tpu.memory_space<vmem>>, %arg14: memref<!tpu.dma_semaphore, #tpu.memory_space<semaphore_mem>>) attributes {dimension_semantics = [#tpu.dimension_semantics<core_parallel>, #tpu.dimension_semantics<subcore_parallel>], iteration_bounds = array<i64: 2, 16>, scalar_prefetch = 0 : i64, scratch_operands = 8 : i64, tpu.core_type = #tpu.core_type<sc_vector_subcore>, window_params = [{transform_indices = #map}, {transform_indices = #map}, {transform_indices = #map1}, {transform_indices = #map1}, {transform_indices = #map2}]} {
    %mul3A = arith.constant 16 : i32
    %mul3A_0 = arith.muli %arg0, %mul3A : i32
    %add3A = arith.addi %mul3A_0, %arg1 : i32
    %mul3A_1 = arith.constant 320 : i32
    %mul3A_2 = arith.muli %add3A, %mul3A_1 : i32
    "tpu.region"() ({
      %run_scoped3A = tpu.sem_alloc : memref<!tpu.dma_semaphore, #tpu.memory_space<semaphore_mem>>
      tpu.enqueue_dma source(%arg2 : memref<30000xf32, #tpu.memory_space<hbm>>) target(%arg7 : memref<30000xf32, #tpu.memory_space<vmem>>) target_semaphore(%run_scoped3A : memref<!tpu.dma_semaphore, #tpu.memory_space<semaphore_mem>>)
      tpu.wait_dma2 semaphore(%run_scoped3A : memref<!tpu.dma_semaphore, #tpu.memory_space<semaphore_mem>>) src(%arg2 : memref<30000xf32, #tpu.memory_space<hbm>>) dst(%arg7 : memref<30000xf32, #tpu.memory_space<vmem>>)
      tpu.yield
    }) : () -> ()
    %scan3A = arith.constant 0 : i32
    %scan3A_3 = arith.constant 0 : i32
    %scan3A_4 = arith.constant 20 : i32
    %scan3A_5 = arith.addi %scan3A_3, %scan3A_4 : i32
    %scan3A_6 = arith.constant 1 : i32
    %scan3A_7 = scf.for %scan3A_38 = %scan3A_3 to %scan3A_5 step %scan3A_6 iter_args(%scan3A_39 = %scan3A) -> (i32)  : i32 {
      %mul3A_40 = arith.constant 16 : i32
      %mul3A_41 = arith.muli %scan3A_38, %mul3A_40 : i32
      %iota3A = tpu.iota {dimensions = array<i32: 0>} : vector<16xi32>
      %add3A_42 = vector.broadcast %mul3A_41 : i32 to vector<16xi32>
      %add3A_43 = arith.addi %add3A_42, %iota3A : vector<16xi32>
      %add3A_44 = vector.broadcast %mul3A_2 : i32 to vector<16xi32>
      %add3A_45 = arith.addi %add3A_44, %add3A_43 : vector<16xi32>
      %min3A = arith.constant 9999 : i32
      %min3A_46 = vector.broadcast %min3A : i32 to vector<16xi32>
      %min3A_47 = arith.minsi %add3A_45, %min3A_46 : vector<16xi32>
      %mul3A_48 = arith.constant 3 : i32
      %mul3A_49 = vector.broadcast %mul3A_48 : i32 to vector<16xi32>
      %mul3A_50 = arith.muli %min3A_47, %mul3A_49 : vector<16xi32>
      %gather3A = tpu.vector_load_idx %arg7[%mul3A_50] : memref<30000xf32, #tpu.memory_space<vmem>>[vector<16xi32>], vector<16xf32>,
      %convert_element_type3A = arith.fptosi %gather3A : vector<16xf32> to vector<16xi32>
      %add3A_51 = arith.constant 1 : i32
      %add3A_52 = vector.broadcast %add3A_51 : i32 to vector<16xi32>
      %add3A_53 = arith.addi %mul3A_50, %add3A_52 : vector<16xi32>
      %gather3A_54 = tpu.vector_load_idx %arg7[%add3A_53] : memref<30000xf32, #tpu.memory_space<vmem>>[vector<16xi32>], vector<16xf32>,
      %convert_element_type3A_55 = arith.fptosi %gather3A_54 : vector<16xf32> to vector<16xi32>
      %add3A_56 = arith.constant 2 : i32
      %add3A_57 = vector.broadcast %add3A_56 : i32 to vector<16xi32>
      %add3A_58 = arith.addi %mul3A_50, %add3A_57 : vector<16xi32>
      %gather3A_59 = tpu.vector_load_idx %arg7[%add3A_58] : memref<30000xf32, #tpu.memory_space<vmem>>[vector<16xi32>], vector<16xf32>,
      %convert_element_type3A_60 = arith.fptosi %gather3A_59 : vector<16xf32> to vector<16xi32>
      %lt3A = arith.constant 10000 : i32
      %lt3A_61 = vector.broadcast %lt3A : i32 to vector<16xi32>
      %lt3A_62 = arith.cmpi slt, %add3A_45, %lt3A_61 : vector<16xi32>
      %scan3A_63 = arith.constant 0 : i32
      %scan3A_64 = arith.constant 0 : i32
      %scan3A_65 = arith.constant 27 : i32
      %scan3A_66 = arith.addi %scan3A_64, %scan3A_65 : i32
      %scan3A_67 = arith.constant 1 : i32
      %scan3A_68 = scf.for %scan3A_71 = %scan3A_64 to %scan3A_66 step %scan3A_67 iter_args(%scan3A_72 = %scan3A_63) -> (i32)  : i32 {
        %jit3A = arith.constant 9 : i32
        %div3A = arith.divsi %scan3A_71, %jit3A : i32
        %sign3A = arith.constant 0 : i32
        %sign3A_73 = arith.cmpi sgt, %scan3A_71, %sign3A : i32
        %sign3A_74 = arith.extui %sign3A_73 : i1 to i32
        %sign3A_75 = arith.constant 0 : i32
        %sign3A_76 = arith.cmpi slt, %scan3A_71, %sign3A_75 : i32
        %sign3A_77 = arith.extui %sign3A_76 : i1 to i32
        %sign3A_78 = arith.subi %sign3A_74, %sign3A_77 : i32
        %sign3A_79 = arith.constant 0 : i32
        %sign3A_80 = arith.cmpi sgt, %jit3A, %sign3A_79 : i32
        %sign3A_81 = arith.extui %sign3A_80 : i1 to i32
        %sign3A_82 = arith.constant 0 : i32
        %sign3A_83 = arith.cmpi slt, %jit3A, %sign3A_82 : i32
        %sign3A_84 = arith.extui %sign3A_83 : i1 to i32
        %sign3A_85 = arith.subi %sign3A_81, %sign3A_84 : i32
        %ne3A = arith.cmpi ne, %sign3A_78, %sign3A_85 : i32
        %rem3A = arith.remsi %scan3A_71, %jit3A : i32
        %ne3A_86 = arith.constant 0 : i32
        %ne3A_87 = arith.cmpi ne, %rem3A, %ne3A_86 : i32
        %and3A = arith.andi %ne3A, %ne3A_87 : i1
        %sub3A = arith.constant 1 : i32
        %sub3A_88 = arith.subi %div3A, %sub3A : i32
        %select_n3A = arith.select %and3A, %sub3A_88, %div3A : i32
        %sub3A_89 = arith.constant 1 : i32
        %sub3A_90 = arith.subi %select_n3A, %sub3A_89 : i32
        %jit3A_91 = arith.constant 3 : i32
        %div3A_92 = arith.divsi %scan3A_71, %jit3A_91 : i32
        %sign3A_93 = arith.constant 0 : i32
        %sign3A_94 = arith.cmpi sgt, %scan3A_71, %sign3A_93 : i32
        %sign3A_95 = arith.extui %sign3A_94 : i1 to i32
        %sign3A_96 = arith.constant 0 : i32
        %sign3A_97 = arith.cmpi slt, %scan3A_71, %sign3A_96 : i32
        %sign3A_98 = arith.extui %sign3A_97 : i1 to i32
        %sign3A_99 = arith.subi %sign3A_95, %sign3A_98 : i32
        %sign3A_100 = arith.constant 0 : i32
        %sign3A_101 = arith.cmpi sgt, %jit3A_91, %sign3A_100 : i32
        %sign3A_102 = arith.extui %sign3A_101 : i1 to i32
        %sign3A_103 = arith.constant 0 : i32
        %sign3A_104 = arith.cmpi slt, %jit3A_91, %sign3A_103 : i32
        %sign3A_105 = arith.extui %sign3A_104 : i1 to i32
        %sign3A_106 = arith.subi %sign3A_102, %sign3A_105 : i32
        %ne3A_107 = arith.cmpi ne, %sign3A_99, %sign3A_106 : i32
        %rem3A_108 = arith.remsi %scan3A_71, %jit3A_91 : i32
        %ne3A_109 = arith.constant 0 : i32
        %ne3A_110 = arith.cmpi ne, %rem3A_108, %ne3A_109 : i32
        %and3A_111 = arith.andi %ne3A_107, %ne3A_110 : i1
        %sub3A_112 = arith.constant 1 : i32
        %sub3A_113 = arith.subi %div3A_92, %sub3A_112 : i32
        %select_n3A_114 = arith.select %and3A_111, %sub3A_113, %div3A_92 : i32
        %jit3A_115 = arith.constant 3 : i32
        %eq3A = arith.constant 0 : i32
        %eq3A_116 = arith.cmpi eq, %jit3A_115, %eq3A : i32
        %jit3A_117 = arith.constant 1 : i32
        %select_n3A_118 = arith.select %eq3A_116, %jit3A_117, %jit3A_115 : i32
        %rem3A_119 = arith.remsi %select_n3A_114, %select_n3A_118 : i32
        %ne3A_120 = arith.constant 0 : i32
        %ne3A_121 = arith.cmpi ne, %rem3A_119, %ne3A_120 : i32
        %lt3A_122 = arith.constant 0 : i32
        %lt3A_123 = arith.cmpi slt, %rem3A_119, %lt3A_122 : i32
        %lt3A_124 = arith.constant 0 : i32
        %lt3A_125 = arith.cmpi slt, %select_n3A_118, %lt3A_124 : i32
        %ne3A_126 = arith.xori %lt3A_123, %lt3A_125 : i1
        %and3A_127 = arith.andi %ne3A_126, %ne3A_121 : i1
        %add3A_128 = arith.addi %rem3A_119, %select_n3A_118 : i32
        %select_n3A_129 = arith.select %and3A_127, %add3A_128, %rem3A_119 : i32
        %sub3A_130 = arith.constant 1 : i32
        %sub3A_131 = arith.subi %select_n3A_129, %sub3A_130 : i32
        %jit3A_132 = arith.constant 3 : i32
        %eq3A_133 = arith.constant 0 : i32
        %eq3A_134 = arith.cmpi eq, %jit3A_132, %eq3A_133 : i32
        %jit3A_135 = arith.constant 1 : i32
        %select_n3A_136 = arith.select %eq3A_134, %jit3A_135, %jit3A_132 : i32
        %rem3A_137 = arith.remsi %scan3A_71, %select_n3A_136 : i32
        %ne3A_138 = arith.constant 0 : i32
        %ne3A_139 = arith.cmpi ne, %rem3A_137, %ne3A_138 : i32
        %lt3A_140 = arith.constant 0 : i32
        %lt3A_141 = arith.cmpi slt, %rem3A_137, %lt3A_140 : i32
        %lt3A_142 = arith.constant 0 : i32
        %lt3A_143 = arith.cmpi slt, %select_n3A_136, %lt3A_142 : i32
        %ne3A_144 = arith.xori %lt3A_141, %lt3A_143 : i1
        %and3A_145 = arith.andi %ne3A_144, %ne3A_139 : i1
        %add3A_146 = arith.addi %rem3A_137, %select_n3A_136 : i32
        %select_n3A_147 = arith.select %and3A_145, %add3A_146, %rem3A_137 : i32
        %sub3A_148 = arith.constant 1 : i32
        %sub3A_149 = arith.subi %select_n3A_147, %sub3A_148 : i32
        %add3A_150 = vector.broadcast %sub3A_90 : i32 to vector<16xi32>
        %add3A_151 = arith.addi %convert_element_type3A, %add3A_150 : vector<16xi32>
        %add3A_152 = vector.broadcast %sub3A_131 : i32 to vector<16xi32>
        %add3A_153 = arith.addi %convert_element_type3A_55, %add3A_152 : vector<16xi32>
        %add3A_154 = vector.broadcast %sub3A_149 : i32 to vector<16xi32>
        %add3A_155 = arith.addi %convert_element_type3A_60, %add3A_154 : vector<16xi32>
        %or3A = arith.ori %add3A_151, %add3A_153 : vector<16xi32>
        %or3A_156 = arith.ori %or3A, %add3A_155 : vector<16xi32>
        %lt3A_157 = arith.constant 64 : i32
        %lt3A_158 = vector.broadcast %lt3A_157 : i32 to vector<16xi32>
        %lt3A_159 = arith.cmpi ult, %or3A_156, %lt3A_158 : vector<16xi32>
        %and3A_160 = arith.andi %lt3A_159, %lt3A_62 : vector<16xi1>
        %mul3A_161 = arith.constant 4096 : i32
        %mul3A_162 = vector.broadcast %mul3A_161 : i32 to vector<16xi32>
        %mul3A_163 = arith.muli %add3A_151, %mul3A_162 : vector<16xi32>
        %mul3A_164 = arith.constant 64 : i32
        %mul3A_165 = vector.broadcast %mul3A_164 : i32 to vector<16xi32>
        %mul3A_166 = arith.muli %add3A_153, %mul3A_165 : vector<16xi32>
        %add3A_167 = arith.addi %mul3A_163, %mul3A_166 : vector<16xi32>
        %add3A_168 = arith.addi %add3A_167, %add3A_155 : vector<16xi32>
        %mul3A_169 = arith.constant 20 : i32
        %mul3A_170 = arith.muli %scan3A_71, %mul3A_169 : i32
        %add3A_171 = arith.addi %mul3A_170, %scan3A_38 : i32
        %jit3A_172 = arith.constant 8 : i32
        %div3A_173 = arith.divsi %add3A_171, %jit3A_172 : i32
        %sign3A_174 = arith.constant 0 : i32
        %sign3A_175 = arith.cmpi sgt, %add3A_171, %sign3A_174 : i32
        %sign3A_176 = arith.extui %sign3A_175 : i1 to i32
        %sign3A_177 = arith.constant 0 : i32
        %sign3A_178 = arith.cmpi slt, %add3A_171, %sign3A_177 : i32
        %sign3A_179 = arith.extui %sign3A_178 : i1 to i32
        %sign3A_180 = arith.subi %sign3A_176, %sign3A_179 : i32
        %sign3A_181 = arith.constant 0 : i32
        %sign3A_182 = arith.cmpi sgt, %jit3A_172, %sign3A_181 : i32
        %sign3A_183 = arith.extui %sign3A_182 : i1 to i32
        %sign3A_184 = arith.constant 0 : i32
        %sign3A_185 = arith.cmpi slt, %jit3A_172, %sign3A_184 : i32
        %sign3A_186 = arith.extui %sign3A_185 : i1 to i32
        %sign3A_187 = arith.subi %sign3A_183, %sign3A_186 : i32
        %ne3A_188 = arith.cmpi ne, %sign3A_180, %sign3A_187 : i32
        %rem3A_189 = arith.remsi %add3A_171, %jit3A_172 : i32
        %ne3A_190 = arith.constant 0 : i32
        %ne3A_191 = arith.cmpi ne, %rem3A_189, %ne3A_190 : i32
        %and3A_192 = arith.andi %ne3A_188, %ne3A_191 : i1
        %sub3A_193 = arith.constant 1 : i32
        %sub3A_194 = arith.subi %div3A_173, %sub3A_193 : i32
        %select_n3A_195 = arith.select %and3A_192, %sub3A_194, %div3A_173 : i32
        %jit3A_196 = arith.constant 8 : i32
        %eq3A_197 = arith.constant 0 : i32
        %eq3A_198 = arith.cmpi eq, %jit3A_196, %eq3A_197 : i32
        %jit3A_199 = arith.constant 1 : i32
        %select_n3A_200 = arith.select %eq3A_198, %jit3A_199, %jit3A_196 : i32
        %rem3A_201 = arith.remsi %add3A_171, %select_n3A_200 : i32
        %ne3A_202 = arith.constant 0 : i32
        %ne3A_203 = arith.cmpi ne, %rem3A_201, %ne3A_202 : i32
        %lt3A_204 = arith.constant 0 : i32
        %lt3A_205 = arith.cmpi slt, %rem3A_201, %lt3A_204 : i32
        %lt3A_206 = arith.constant 0 : i32
        %lt3A_207 = arith.cmpi slt, %select_n3A_200, %lt3A_206 : i32
        %ne3A_208 = arith.xori %lt3A_205, %lt3A_207 : i1
        %and3A_209 = arith.andi %ne3A_208, %ne3A_203 : i1
        %add3A_210 = arith.addi %rem3A_201, %select_n3A_200 : i32
        %select_n3A_211 = arith.select %and3A_209, %add3A_210, %rem3A_201 : i32
        %mul3A_212 = arith.constant 16 : i32
        %mul3A_213 = arith.muli %select_n3A_211, %mul3A_212 : i32
        %jit3A_214 = arith.constant 0 : i32
        %broadcast_in_dim3A_215 = vector.broadcast %jit3A_214 : i32 to vector<16xi32>
        %select_n3A_216 = arith.select %and3A_160, %add3A_168, %broadcast_in_dim3A_215 : vector<16xi1>, vector<16xi32>
        %swap3A_217 = arith.index_cast %select_n3A_195 : i32 to index
        %swap3A_218 = arith.index_cast %mul3A_213 : i32 to index
        %swap3A_219 = tpu.vector_load %arg8[%swap3A_217, %swap3A_218] {strides = array<i32>} : memref<68x128xi32, #tpu.memory_space<vmem>>, vector<16xi32>,
        tpu.vector_store %arg8[%swap3A_217, %swap3A_218], %select_n3A_216 {strides = array<i32>} : memref<68x128xi32, #tpu.memory_space<vmem>>, vector<16xi32>,
        %convert_element_type3A_220 = arith.extui %and3A_160 : vector<16xi1> to vector<16xi32>
        %swap3A_221 = arith.index_cast %select_n3A_195 : i32 to index
        %swap3A_222 = arith.index_cast %mul3A_213 : i32 to index
        %swap3A_223 = tpu.vector_load %arg9[%swap3A_221, %swap3A_222] {strides = array<i32>} : memref<68x128xi32, #tpu.memory_space<vmem>>, vector<16xi32>,
        tpu.vector_store %arg9[%swap3A_221, %swap3A_222], %convert_element_type3A_220 {strides = array<i32>} : memref<68x128xi32, #tpu.memory_space<vmem>>, vector<16xi32>,
        %scan3A_224 = arith.constant 0 : i32
        scf.yield %scan3A_224 : i32
      }
      %scan3A_69 = arith.constant 27 : i32
      %scan3A_70 = arith.constant 0 : i32
      scf.yield %scan3A_70 : i32
    }
    %scan3A_8 = arith.constant 20 : i32
    %scan3A_9 = arith.constant 0 : i32
    %scan3A_10 = arith.constant 0 : i32
    %scan3A_11 = arith.constant 68 : i32
    %scan3A_12 = arith.addi %scan3A_10, %scan3A_11 : i32
    %scan3A_13 = arith.constant 1 : i32
    %scan3A_14 = scf.for %scan3A_38 = %scan3A_10 to %scan3A_12 step %scan3A_13 iter_args(%scan3A_39 = %scan3A_9) -> (i32)  : i32 {
      %dma_start3A = arith.constant 0 : i32
      %dma_start3A_40 = tpu.memref_slice %arg10[%scan3A_38, %dma_start3A] : memref<68x128xi32, #tpu.memory_space<vmem>> -> memref<1x128xi32, #tpu.memory_space<vmem>>
      %dma_start3A_41 = tpu.memref_squeeze %dma_start3A_40 : memref<1x128xi32, #tpu.memory_space<vmem>> -> memref<128xi32, #tpu.memory_space<vmem>>
      %dma_start3A_42 = arith.constant 0 : i32
      %dma_start3A_43 = tpu.memref_slice %arg8[%scan3A_38, %dma_start3A_42] : memref<68x128xi32, #tpu.memory_space<vmem>> -> memref<1x128xi32, #tpu.memory_space<vmem>>
      %dma_start3A_44 = tpu.memref_squeeze %dma_start3A_43 : memref<1x128xi32, #tpu.memory_space<vmem>> -> memref<128xi32, #tpu.memory_space<vmem>>
      %dma_start3A_45 = arith.constant 0 : i32
      %dma_start3A_46 = tpu.memref_slice %arg3[%dma_start3A_45] : memref<262144xi32, #tpu.memory_space<hbm>> -> memref<262144xi32, #tpu.memory_space<hbm>>
      tpu.enqueue_indirect_dma source(%dma_start3A_46 : memref<262144xi32, #tpu.memory_space<hbm>>) target(%dma_start3A_41 : memref<128xi32, #tpu.memory_space<vmem>>) offsets(%dma_start3A_44 : memref<128xi32, #tpu.memory_space<vmem>>) semaphore(%arg14 : memref<!tpu.dma_semaphore, #tpu.memory_space<semaphore_mem>>)
      %scan3A_47 = arith.constant 0 : i32
      scf.yield %scan3A_47 : i32
    }
    %scan3A_15 = arith.constant 68 : i32
    %dma_wait3A = arith.constant 0 : i32
    %dma_wait3A_16 = arith.constant 0 : i32
    %dma_wait3A_17 = tpu.memref_slice %arg4[%add3A, %dma_wait3A, %dma_wait3A_16] : memref<32x68x128xi32, #tpu.memory_space<hbm>> -> memref<1x68x128xi32, #tpu.memory_space<hbm>>
    %dma_wait3A_18 = tpu.memref_squeeze %dma_wait3A_17 : memref<1x68x128xi32, #tpu.memory_space<hbm>> -> memref<68x128xi32, #tpu.memory_space<hbm>>
    %dma_wait3A_19 = arith.constant 0 : i32
    %dma_wait3A_20 = arith.constant 0 : i32
    %dma_wait3A_21 = tpu.memref_slice %arg4[%add3A, %dma_wait3A_19, %dma_wait3A_20] : memref<32x68x128xi32, #tpu.memory_space<hbm>> -> memref<1x68x128xi32, #tpu.memory_space<hbm>>
    %dma_wait3A_22 = tpu.memref_squeeze %dma_wait3A_21 : memref<1x68x128xi32, #tpu.memory_space<hbm>> -> memref<68x128xi32, #tpu.memory_space<hbm>>
    tpu.wait_dma2 semaphore(%arg14 : memref<!tpu.dma_semaphore, #tpu.memory_space<semaphore_mem>>) src(%dma_wait3A_22 : memref<68x128xi32, #tpu.memory_space<hbm>>) dst(%arg11 : memref<68x128xi32, #tpu.memory_space<vmem>>)
    %scan3A_23 = arith.constant 0 : i32
    %scan3A_24 = arith.constant 0 : i32
    %scan3A_25 = arith.constant 544 : i32
    %scan3A_26 = arith.addi %scan3A_24, %scan3A_25 : i32
    %scan3A_27 = arith.constant 1 : i32
    %scan3A_28 = scf.for %scan3A_38 = %scan3A_24 to %scan3A_26 step %scan3A_27 iter_args(%scan3A_39 = %scan3A_23) -> (i32)  : i32 {
      %jit3A = arith.constant 8 : i32
      %div3A = arith.divsi %scan3A_38, %jit3A : i32
      %sign3A = arith.constant 0 : i32
      %sign3A_40 = arith.cmpi sgt, %scan3A_38, %sign3A : i32
      %sign3A_41 = arith.extui %sign3A_40 : i1 to i32
      %sign3A_42 = arith.constant 0 : i32
      %sign3A_43 = arith.cmpi slt, %scan3A_38, %sign3A_42 : i32
      %sign3A_44 = arith.extui %sign3A_43 : i1 to i32
      %sign3A_45 = arith.subi %sign3A_41, %sign3A_44 : i32
      %sign3A_46 = arith.constant 0 : i32
      %sign3A_47 = arith.cmpi sgt, %jit3A, %sign3A_46 : i32
      %sign3A_48 = arith.extui %sign3A_47 : i1 to i32
      %sign3A_49 = arith.constant 0 : i32
      %sign3A_50 = arith.cmpi slt, %jit3A, %sign3A_49 : i32
      %sign3A_51 = arith.extui %sign3A_50 : i1 to i32
      %sign3A_52 = arith.subi %sign3A_48, %sign3A_51 : i32
      %ne3A = arith.cmpi ne, %sign3A_45, %sign3A_52 : i32
      %rem3A = arith.remsi %scan3A_38, %jit3A : i32
      %ne3A_53 = arith.constant 0 : i32
      %ne3A_54 = arith.cmpi ne, %rem3A, %ne3A_53 : i32
      %and3A = arith.andi %ne3A, %ne3A_54 : i1
      %sub3A = arith.constant 1 : i32
      %sub3A_55 = arith.subi %div3A, %sub3A : i32
      %select_n3A = arith.select %and3A, %sub3A_55, %div3A : i32
      %jit3A_56 = arith.constant 8 : i32
      %eq3A = arith.constant 0 : i32
      %eq3A_57 = arith.cmpi eq, %jit3A_56, %eq3A : i32
      %jit3A_58 = arith.constant 1 : i32
      %select_n3A_59 = arith.select %eq3A_57, %jit3A_58, %jit3A_56 : i32
      %rem3A_60 = arith.remsi %scan3A_38, %select_n3A_59 : i32
      %ne3A_61 = arith.constant 0 : i32
      %ne3A_62 = arith.cmpi ne, %rem3A_60, %ne3A_61 : i32
      %lt3A = arith.constant 0 : i32
      %lt3A_63 = arith.cmpi slt, %rem3A_60, %lt3A : i32
      %lt3A_64 = arith.constant 0 : i32
      %lt3A_65 = arith.cmpi slt, %select_n3A_59, %lt3A_64 : i32
      %ne3A_66 = arith.xori %lt3A_63, %lt3A_65 : i1
      %and3A_67 = arith.andi %ne3A_66, %ne3A_62 : i1
      %add3A_68 = arith.addi %rem3A_60, %select_n3A_59 : i32
      %select_n3A_69 = arith.select %and3A_67, %add3A_68, %rem3A_60 : i32
      %mul3A_70 = arith.constant 16 : i32
      %mul3A_71 = arith.muli %select_n3A_69, %mul3A_70 : i32
      %broadcast_in_dim3A_72 = arith.constant 0 : i32
      %broadcast_in_dim3A_73 = vector.broadcast %broadcast_in_dim3A_72 : i32 to vector<16xi32>
      %swap3A_74 = arith.index_cast %select_n3A : i32 to index
      %swap3A_75 = arith.index_cast %mul3A_71 : i32 to index
      %swap3A_76 = tpu.vector_load %arg11[%swap3A_74, %swap3A_75] {strides = array<i32>} : memref<68x128xi32, #tpu.memory_space<vmem>>, vector<16xi32>,
      tpu.vector_store %arg11[%swap3A_74, %swap3A_75], %broadcast_in_dim3A_73 {strides = array<i32>} : memref<68x128xi32, #tpu.memory_space<vmem>>, vector<16xi32>,
      %broadcast_in_dim3A_77 = arith.constant 320 : i32
      %broadcast_in_dim3A_78 = vector.broadcast %broadcast_in_dim3A_77 : i32 to vector<16xi32>
      %swap3A_79 = arith.index_cast %select_n3A : i32 to index
      %swap3A_80 = arith.index_cast %mul3A_71 : i32 to index
      %swap3A_81 = tpu.vector_load %arg12[%swap3A_79, %swap3A_80] {strides = array<i32>} : memref<68x128xi32, #tpu.memory_space<vmem>>, vector<16xi32>,
      tpu.vector_store %arg12[%swap3A_79, %swap3A_80], %broadcast_in_dim3A_78 {strides = array<i32>} : memref<68x128xi32, #tpu.memory_space<vmem>>, vector<16xi32>,
      %scan3A_82 = arith.constant 0 : i32
      scf.yield %scan3A_82 : i32
    }
    %scan3A_29 = arith.constant 544 : i32
    %broadcast_in_dim3A = arith.constant 0 : i32
    %broadcast_in_dim3A_30 = vector.broadcast %broadcast_in_dim3A : i32 to vector<16xi32>
    %scan3A_31 = arith.constant 0 : i32
    %scan3A_32 = arith.constant 27 : i32
    %scan3A_33 = arith.addi %scan3A_31, %scan3A_32 : i32
    %scan3A_34 = arith.constant 1 : i32
    %scan3A_35 = scf.for %scan3A_38 = %scan3A_31 to %scan3A_33 step %scan3A_34 iter_args(%scan3A_39 = %broadcast_in_dim3A_30) -> (vector<16xi32>)  : i32 {
      %scan3A_40 = arith.constant 0 : i32
      %scan3A_41 = arith.constant 20 : i32
      %scan3A_42 = arith.addi %scan3A_40, %scan3A_41 : i32
      %scan3A_43 = arith.constant 1 : i32
      %scan3A_44 = scf.for %scan3A_46 = %scan3A_40 to %scan3A_42 step %scan3A_43 iter_args(%scan3A_47 = %scan3A_39) -> (vector<16xi32>)  : i32 {
        %mul3A_48 = arith.constant 20 : i32
        %mul3A_49 = arith.muli %scan3A_38, %mul3A_48 : i32
        %add3A_50 = arith.addi %mul3A_49, %scan3A_46 : i32
        %jit3A = arith.constant 8 : i32
        %div3A = arith.divsi %add3A_50, %jit3A : i32
        %sign3A = arith.constant 0 : i32
        %sign3A_51 = arith.cmpi sgt, %add3A_50, %sign3A : i32
        %sign3A_52 = arith.extui %sign3A_51 : i1 to i32
        %sign3A_53 = arith.constant 0 : i32
        %sign3A_54 = arith.cmpi slt, %add3A_50, %sign3A_53 : i32
        %sign3A_55 = arith.extui %sign3A_54 : i1 to i32
        %sign3A_56 = arith.subi %sign3A_52, %sign3A_55 : i32
        %sign3A_57 = arith.constant 0 : i32
        %sign3A_58 = arith.cmpi sgt, %jit3A, %sign3A_57 : i32
        %sign3A_59 = arith.extui %sign3A_58 : i1 to i32
        %sign3A_60 = arith.constant 0 : i32
        %sign3A_61 = arith.cmpi slt, %jit3A, %sign3A_60 : i32
        %sign3A_62 = arith.extui %sign3A_61 : i1 to i32
        %sign3A_63 = arith.subi %sign3A_59, %sign3A_62 : i32
        %ne3A = arith.cmpi ne, %sign3A_56, %sign3A_63 : i32
        %rem3A = arith.remsi %add3A_50, %jit3A : i32
        %ne3A_64 = arith.constant 0 : i32
        %ne3A_65 = arith.cmpi ne, %rem3A, %ne3A_64 : i32
        %and3A = arith.andi %ne3A, %ne3A_65 : i1
        %sub3A = arith.constant 1 : i32
        %sub3A_66 = arith.subi %div3A, %sub3A : i32
        %select_n3A = arith.select %and3A, %sub3A_66, %div3A : i32
        %jit3A_67 = arith.constant 8 : i32
        %eq3A = arith.constant 0 : i32
        %eq3A_68 = arith.cmpi eq, %jit3A_67, %eq3A : i32
        %jit3A_69 = arith.constant 1 : i32
        %select_n3A_70 = arith.select %eq3A_68, %jit3A_69, %jit3A_67 : i32
        %rem3A_71 = arith.remsi %add3A_50, %select_n3A_70 : i32
        %ne3A_72 = arith.constant 0 : i32
        %ne3A_73 = arith.cmpi ne, %rem3A_71, %ne3A_72 : i32
        %lt3A = arith.constant 0 : i32
        %lt3A_74 = arith.cmpi slt, %rem3A_71, %lt3A : i32
        %lt3A_75 = arith.constant 0 : i32
        %lt3A_76 = arith.cmpi slt, %select_n3A_70, %lt3A_75 : i32
        %ne3A_77 = arith.xori %lt3A_74, %lt3A_76 : i1
        %and3A_78 = arith.andi %ne3A_77, %ne3A_73 : i1
        %add3A_79 = arith.addi %rem3A_71, %select_n3A_70 : i32
        %select_n3A_80 = arith.select %and3A_78, %add3A_79, %rem3A_71 : i32
        %mul3A_81 = arith.constant 16 : i32
        %mul3A_82 = arith.muli %select_n3A_80, %mul3A_81 : i32
        %get3A = arith.index_cast %select_n3A : i32 to index
        %get3A_83 = arith.index_cast %mul3A_82 : i32 to index
        %get3A_84 = tpu.vector_load %arg10[%get3A, %get3A_83] {strides = array<i32>} : memref<68x128xi32, #tpu.memory_space<vmem>>, vector<16xi32>,
        %get3A_85 = arith.index_cast %select_n3A : i32 to index
        %get3A_86 = arith.index_cast %mul3A_82 : i32 to index
        %get3A_87 = tpu.vector_load %arg9[%get3A_85, %get3A_86] {strides = array<i32>} : memref<68x128xi32, #tpu.memory_space<vmem>>, vector<16xi32>,
        %gt3A = arith.constant 0 : i32
        %gt3A_88 = vector.broadcast %gt3A : i32 to vector<16xi32>
        %gt3A_89 = arith.cmpi sgt, %get3A_87, %gt3A_88 : vector<16xi32>
        %ge3A = arith.constant 0 : i32
        %ge3A_90 = vector.broadcast %ge3A : i32 to vector<16xi32>
        %ge3A_91 = arith.cmpi sge, %get3A_84, %ge3A_90 : vector<16xi32>
        %and3A_92 = arith.andi %gt3A_89, %ge3A_91 : vector<16xi1>
        %ne3A_93 = arith.constant 13 : i32
        %ne3A_94 = arith.cmpi ne, %scan3A_38, %ne3A_93 : i32
        %and3A_95 = vector.broadcast %ne3A_94 : i1 to vector<16xi1>
        %and3A_96 = arith.andi %and3A_92, %and3A_95 : vector<16xi1>
        %mul3A_97 = arith.constant 16 : i32
        %mul3A_98 = arith.muli %scan3A_46, %mul3A_97 : i32
        %iota3A = tpu.iota {dimensions = array<i32: 0>} : vector<16xi32>
        %add3A_99 = vector.broadcast %mul3A_98 : i32 to vector<16xi32>
        %add3A_100 = arith.addi %add3A_99, %iota3A : vector<16xi32>
        %mul3A_101 = arith.constant 16 : i32
        %mul3A_102 = vector.broadcast %mul3A_101 : i32 to vector<16xi32>
        %mul3A_103 = arith.muli %scan3A_47, %mul3A_102 : vector<16xi32>
        %iota3A_104 = tpu.iota {dimensions = array<i32: 0>} : vector<16xi32>
        %add3A_105 = arith.addi %mul3A_103, %iota3A_104 : vector<16xi32>
        %shift_right_arithmetic3A = arith.constant 7 : i32
        %shift_right_arithmetic3A_106 = vector.broadcast %shift_right_arithmetic3A : i32 to vector<16xi32>
        %shift_right_arithmetic3A_107 = arith.shrsi %add3A_105, %shift_right_arithmetic3A_106 : vector<16xi32>
        %and3A_108 = arith.constant 127 : i32
        %and3A_109 = vector.broadcast %and3A_108 : i32 to vector<16xi32>
        %and3A_110 = arith.andi %add3A_105, %and3A_109 : vector<16xi32>
        %mul3A_111 = arith.constant 10240 : i32
        %mul3A_112 = arith.muli %scan3A_38, %mul3A_111 : i32
        %add3A_113 = vector.broadcast %mul3A_112 : i32 to vector<16xi32>
        %add3A_114 = arith.addi %add3A_113, %get3A_84 : vector<16xi32>
        tpu.vector_store_idx %arg11[%shift_right_arithmetic3A_107, %and3A_110], %add3A_114 masked %and3A_96 : memref<68x128xi32, #tpu.memory_space<vmem>>[vector<16xi32>, vector<16xi32>], vector<16xi32>, vector<16xi1>
        %shift_right_arithmetic3A_115 = arith.constant 7 : i32
        %shift_right_arithmetic3A_116 = vector.broadcast %shift_right_arithmetic3A_115 : i32 to vector<16xi32>
        %shift_right_arithmetic3A_117 = arith.shrsi %add3A_105, %shift_right_arithmetic3A_116 : vector<16xi32>
        %and3A_118 = arith.constant 127 : i32
        %and3A_119 = vector.broadcast %and3A_118 : i32 to vector<16xi32>
        %and3A_120 = arith.andi %add3A_105, %and3A_119 : vector<16xi32>
        tpu.vector_store_idx %arg12[%shift_right_arithmetic3A_117, %and3A_120], %add3A_100 masked %and3A_96 : memref<68x128xi32, #tpu.memory_space<vmem>>[vector<16xi32>, vector<16xi32>], vector<16xi32>, vector<16xi1>
        %convert_element_type3A = arith.extui %and3A_96 : vector<16xi1> to vector<16xi32>
        %add3A_121 = arith.addi %scan3A_47, %convert_element_type3A : vector<16xi32>
        scf.yield %add3A_121 : vector<16xi32>
      }
      %scan3A_45 = arith.constant 20 : i32
      scf.yield %scan3A_44 : vector<16xi32>
    }
    %scan3A_36 = arith.constant 27 : i32
    %swap3A = arith.constant 0 : index
    %swap3A_37 = tpu.vector_load %arg13[%swap3A] {strides = array<i32>} : memref<16xi32, #tpu.memory_space<vmem>>, vector<16xi32>,
    tpu.vector_store %arg13[%swap3A], %scan3A_35 {strides = array<i32>} : memref<16xi32, #tpu.memory_space<vmem>>, vector<16xi32>,
    "tpu.region"() ({
      %run_scoped3A = tpu.sem_alloc : memref<!tpu.dma_semaphore, #tpu.memory_space<semaphore_mem>>
      %dma_start3A = arith.constant 0 : i32
      %dma_start3A_38 = arith.constant 0 : i32
      %dma_start3A_39 = tpu.memref_slice %arg4[%add3A, %dma_start3A, %dma_start3A_38] : memref<32x68x128xi32, #tpu.memory_space<hbm>> -> memref<1x68x128xi32, #tpu.memory_space<hbm>>
      %dma_start3A_40 = tpu.memref_squeeze %dma_start3A_39 : memref<1x68x128xi32, #tpu.memory_space<hbm>> -> memref<68x128xi32, #tpu.memory_space<hbm>>
      %dma_start3A_41 = arith.constant 0 : i32
      %dma_start3A_42 = arith.constant 0 : i32
      %dma_start3A_43 = tpu.memref_slice %arg4[%add3A, %dma_start3A_41, %dma_start3A_42] : memref<32x68x128xi32, #tpu.memory_space<hbm>> -> memref<1x68x128xi32, #tpu.memory_space<hbm>>
      %dma_start3A_44 = tpu.memref_squeeze %dma_start3A_43 : memref<1x68x128xi32, #tpu.memory_space<hbm>> -> memref<68x128xi32, #tpu.memory_space<hbm>>
      tpu.enqueue_dma source(%arg11 : memref<68x128xi32, #tpu.memory_space<vmem>>) target(%dma_start3A_44 : memref<68x128xi32, #tpu.memory_space<hbm>>) target_semaphore(%run_scoped3A : memref<!tpu.dma_semaphore, #tpu.memory_space<semaphore_mem>>)
      %dma_wait3A_45 = arith.constant 0 : i32
      %dma_wait3A_46 = arith.constant 0 : i32
      %dma_wait3A_47 = tpu.memref_slice %arg4[%add3A, %dma_wait3A_45, %dma_wait3A_46] : memref<32x68x128xi32, #tpu.memory_space<hbm>> -> memref<1x68x128xi32, #tpu.memory_space<hbm>>
      %dma_wait3A_48 = tpu.memref_squeeze %dma_wait3A_47 : memref<1x68x128xi32, #tpu.memory_space<hbm>> -> memref<68x128xi32, #tpu.memory_space<hbm>>
      %dma_wait3A_49 = arith.constant 0 : i32
      %dma_wait3A_50 = arith.constant 0 : i32
      %dma_wait3A_51 = tpu.memref_slice %arg4[%add3A, %dma_wait3A_49, %dma_wait3A_50] : memref<32x68x128xi32, #tpu.memory_space<hbm>> -> memref<1x68x128xi32, #tpu.memory_space<hbm>>
      %dma_wait3A_52 = tpu.memref_squeeze %dma_wait3A_51 : memref<1x68x128xi32, #tpu.memory_space<hbm>> -> memref<68x128xi32, #tpu.memory_space<hbm>>
      tpu.wait_dma2 semaphore(%run_scoped3A : memref<!tpu.dma_semaphore, #tpu.memory_space<semaphore_mem>>) src(%arg11 : memref<68x128xi32, #tpu.memory_space<vmem>>) dst(%dma_wait3A_52 : memref<68x128xi32, #tpu.memory_space<hbm>>)
      tpu.yield
    }) : () -> ()
    "tpu.region"() ({
      %run_scoped3A = tpu.sem_alloc : memref<!tpu.dma_semaphore, #tpu.memory_space<semaphore_mem>>
      %dma_start3A = arith.constant 0 : i32
      %dma_start3A_38 = arith.constant 0 : i32
      %dma_start3A_39 = tpu.memref_slice %arg5[%add3A, %dma_start3A, %dma_start3A_38] : memref<32x68x128xi32, #tpu.memory_space<hbm>> -> memref<1x68x128xi32, #tpu.memory_space<hbm>>
      %dma_start3A_40 = tpu.memref_squeeze %dma_start3A_39 : memref<1x68x128xi32, #tpu.memory_space<hbm>> -> memref<68x128xi32, #tpu.memory_space<hbm>>
      %dma_start3A_41 = arith.constant 0 : i32
      %dma_start3A_42 = arith.constant 0 : i32
      %dma_start3A_43 = tpu.memref_slice %arg5[%add3A, %dma_start3A_41, %dma_start3A_42] : memref<32x68x128xi32, #tpu.memory_space<hbm>> -> memref<1x68x128xi32, #tpu.memory_space<hbm>>
      %dma_start3A_44 = tpu.memref_squeeze %dma_start3A_43 : memref<1x68x128xi32, #tpu.memory_space<hbm>> -> memref<68x128xi32, #tpu.memory_space<hbm>>
      tpu.enqueue_dma source(%arg12 : memref<68x128xi32, #tpu.memory_space<vmem>>) target(%dma_start3A_44 : memref<68x128xi32, #tpu.memory_space<hbm>>) target_semaphore(%run_scoped3A : memref<!tpu.dma_semaphore, #tpu.memory_space<semaphore_mem>>)
      %dma_wait3A_45 = arith.constant 0 : i32
      %dma_wait3A_46 = arith.constant 0 : i32
      %dma_wait3A_47 = tpu.memref_slice %arg5[%add3A, %dma_wait3A_45, %dma_wait3A_46] : memref<32x68x128xi32, #tpu.memory_space<hbm>> -> memref<1x68x128xi32, #tpu.memory_space<hbm>>
      %dma_wait3A_48 = tpu.memref_squeeze %dma_wait3A_47 : memref<1x68x128xi32, #tpu.memory_space<hbm>> -> memref<68x128xi32, #tpu.memory_space<hbm>>
      %dma_wait3A_49 = arith.constant 0 : i32
      %dma_wait3A_50 = arith.constant 0 : i32
      %dma_wait3A_51 = tpu.memref_slice %arg5[%add3A, %dma_wait3A_49, %dma_wait3A_50] : memref<32x68x128xi32, #tpu.memory_space<hbm>> -> memref<1x68x128xi32, #tpu.memory_space<hbm>>
      %dma_wait3A_52 = tpu.memref_squeeze %dma_wait3A_51 : memref<1x68x128xi32, #tpu.memory_space<hbm>> -> memref<68x128xi32, #tpu.memory_space<hbm>>
      tpu.wait_dma2 semaphore(%run_scoped3A : memref<!tpu.dma_semaphore, #tpu.memory_space<semaphore_mem>>) src(%arg12 : memref<68x128xi32, #tpu.memory_space<vmem>>) dst(%dma_wait3A_52 : memref<68x128xi32, #tpu.memory_space<hbm>>)
      tpu.yield
    }) : () -> ()
    "tpu.region"() ({
      %run_scoped3A = tpu.sem_alloc : memref<!tpu.dma_semaphore, #tpu.memory_space<semaphore_mem>>
      %dma_start3A = arith.constant 0 : i32
      %dma_start3A_38 = tpu.memref_slice %arg6[%add3A, %dma_start3A] : memref<32x16xi32, #tpu.memory_space<hbm>> -> memref<1x16xi32, #tpu.memory_space<hbm>>
      %dma_start3A_39 = tpu.memref_squeeze %dma_start3A_38 : memref<1x16xi32, #tpu.memory_space<hbm>> -> memref<16xi32, #tpu.memory_space<hbm>>
      %dma_start3A_40 = arith.constant 0 : i32
      %dma_start3A_41 = tpu.memref_slice %arg6[%add3A, %dma_start3A_40] : memref<32x16xi32, #tpu.memory_space<hbm>> -> memref<1x16xi32, #tpu.memory_space<hbm>>
      %dma_start3A_42 = tpu.memref_squeeze %dma_start3A_41 : memref<1x16xi32, #tpu.memory_space<hbm>> -> memref<16xi32, #tpu.memory_space<hbm>>
      tpu.enqueue_dma source(%arg13 : memref<16xi32, #tpu.memory_space<vmem>>) target(%dma_start3A_42 : memref<16xi32, #tpu.memory_space<hbm>>) target_semaphore(%run_scoped3A : memref<!tpu.dma_semaphore, #tpu.memory_space<semaphore_mem>>)
      %dma_wait3A_43 = arith.constant 0 : i32
      %dma_wait3A_44 = tpu.memref_slice %arg6[%add3A, %dma_wait3A_43] : memref<32x16xi32, #tpu.memory_space<hbm>> -> memref<1x16xi32, #tpu.memory_space<hbm>>
      %dma_wait3A_45 = tpu.memref_squeeze %dma_wait3A_44 : memref<1x16xi32, #tpu.memory_space<hbm>> -> memref<16xi32, #tpu.memory_space<hbm>>
      %dma_wait3A_46 = arith.constant 0 : i32
      %dma_wait3A_47 = tpu.memref_slice %arg6[%add3A, %dma_wait3A_46] : memref<32x16xi32, #tpu.memory_space<hbm>> -> memref<1x16xi32, #tpu.memory_space<hbm>>
      %dma_wait3A_48 = tpu.memref_squeeze %dma_wait3A_47 : memref<1x16xi32, #tpu.memory_space<hbm>> -> memref<16xi32, #tpu.memory_space<hbm>>
      tpu.wait_dma2 semaphore(%run_scoped3A : memref<!tpu.dma_semaphore, #tpu.memory_space<semaphore_mem>>) src(%arg13 : memref<16xi32, #tpu.memory_space<vmem>>) dst(%dma_wait3A_48 : memref<16xi32, #tpu.memory_space<hbm>>)
      tpu.yield
    }) : () -> ()
    return
  }
}

#map = affine_map<(d0, d1) -> (0)>
module attributes {stable_mosaic.version = 14 : i64} {
  func.func @_grid_kernel(%arg0: i32, %arg1: i32, %arg2: memref<30000xf32, #tpu.memory_space<hbm>>, %arg3: memref<262144xi32, #tpu.memory_space<hbm>>, %arg4: memref<30000xf32, #tpu.memory_space<vmem>>, %arg5: memref<8192xi32, #tpu.memory_space<vmem>>) attributes {dimension_semantics = [#tpu.dimension_semantics<core_parallel>, #tpu.dimension_semantics<subcore_parallel>], iteration_bounds = array<i64: 2, 16>, scalar_prefetch = 0 : i64, scratch_operands = 2 : i64, tpu.core_type = #tpu.core_type<sc_vector_subcore>, window_params = [{transform_indices = #map}, {transform_indices = #map}]} {
    %mul3A = arith.constant 16 : i32
    %mul3A_0 = arith.muli %arg0, %mul3A : i32
    %add3A = arith.addi %mul3A_0, %arg1 : i32
    %mul3A_1 = arith.constant 8192 : i32
    %mul3A_2 = arith.muli %add3A, %mul3A_1 : i32
    "tpu.region"() ({
      %run_scoped3A = tpu.sem_alloc : memref<!tpu.dma_semaphore, #tpu.memory_space<semaphore_mem>>
      tpu.enqueue_dma source(%arg2 : memref<30000xf32, #tpu.memory_space<hbm>>) target(%arg4 : memref<30000xf32, #tpu.memory_space<vmem>>) target_semaphore(%run_scoped3A : memref<!tpu.dma_semaphore, #tpu.memory_space<semaphore_mem>>)
      tpu.wait_dma2 semaphore(%run_scoped3A : memref<!tpu.dma_semaphore, #tpu.memory_space<semaphore_mem>>) src(%arg2 : memref<30000xf32, #tpu.memory_space<hbm>>) dst(%arg4 : memref<30000xf32, #tpu.memory_space<vmem>>)
      tpu.yield
    }) : () -> ()
    %scan3A = arith.constant 0 : i32
    %scan3A_3 = arith.constant 0 : i32
    %scan3A_4 = arith.constant 512 : i32
    %scan3A_5 = arith.addi %scan3A_3, %scan3A_4 : i32
    %scan3A_6 = arith.constant 1 : i32
    %scan3A_7 = scf.for %scan3A_16 = %scan3A_3 to %scan3A_5 step %scan3A_6 iter_args(%scan3A_17 = %scan3A) -> (i32)  : i32 {
      %broadcast_in_dim3A = arith.constant -1 : i32
      %broadcast_in_dim3A_18 = vector.broadcast %broadcast_in_dim3A : i32 to vector<16xi32>
      %mul3A_19 = arith.constant 16 : i32
      %mul3A_20 = arith.muli %scan3A_16, %mul3A_19 : i32
      %swap3A = arith.index_cast %mul3A_20 : i32 to index
      %swap3A_21 = tpu.vector_load %arg5[%swap3A] {strides = array<i32>} : memref<8192xi32, #tpu.memory_space<vmem>>, vector<16xi32>,
      tpu.vector_store %arg5[%swap3A], %broadcast_in_dim3A_18 {strides = array<i32>} : memref<8192xi32, #tpu.memory_space<vmem>>, vector<16xi32>,
      %scan3A_22 = arith.constant 0 : i32
      scf.yield %scan3A_22 : i32
    }
    %scan3A_8 = arith.constant 512 : i32
    %scan3A_9 = arith.constant 0 : i32
    %scan3A_10 = arith.constant 0 : i32
    %scan3A_11 = arith.constant 625 : i32
    %scan3A_12 = arith.addi %scan3A_10, %scan3A_11 : i32
    %scan3A_13 = arith.constant 1 : i32
    %scan3A_14 = scf.for %scan3A_16 = %scan3A_10 to %scan3A_12 step %scan3A_13 iter_args(%scan3A_17 = %scan3A_9) -> (i32)  : i32 {
      %mul3A_18 = arith.constant 16 : i32
      %mul3A_19 = arith.muli %scan3A_16, %mul3A_18 : i32
      %iota3A = tpu.iota {dimensions = array<i32: 0>} : vector<16xi32>
      %add3A_20 = vector.broadcast %mul3A_19 : i32 to vector<16xi32>
      %add3A_21 = arith.addi %add3A_20, %iota3A : vector<16xi32>
      %mul3A_22 = arith.constant 3 : i32
      %mul3A_23 = vector.broadcast %mul3A_22 : i32 to vector<16xi32>
      %mul3A_24 = arith.muli %add3A_21, %mul3A_23 : vector<16xi32>
      %gather3A = tpu.vector_load_idx %arg4[%mul3A_24] : memref<30000xf32, #tpu.memory_space<vmem>>[vector<16xi32>], vector<16xf32>,
      %convert_element_type3A = arith.fptosi %gather3A : vector<16xf32> to vector<16xi32>
      %add3A_25 = arith.constant 1 : i32
      %add3A_26 = vector.broadcast %add3A_25 : i32 to vector<16xi32>
      %add3A_27 = arith.addi %mul3A_24, %add3A_26 : vector<16xi32>
      %gather3A_28 = tpu.vector_load_idx %arg4[%add3A_27] : memref<30000xf32, #tpu.memory_space<vmem>>[vector<16xi32>], vector<16xf32>,
      %convert_element_type3A_29 = arith.fptosi %gather3A_28 : vector<16xf32> to vector<16xi32>
      %add3A_30 = arith.constant 2 : i32
      %add3A_31 = vector.broadcast %add3A_30 : i32 to vector<16xi32>
      %add3A_32 = arith.addi %mul3A_24, %add3A_31 : vector<16xi32>
      %gather3A_33 = tpu.vector_load_idx %arg4[%add3A_32] : memref<30000xf32, #tpu.memory_space<vmem>>[vector<16xi32>], vector<16xf32>,
      %convert_element_type3A_34 = arith.fptosi %gather3A_33 : vector<16xf32> to vector<16xi32>
      %mul3A_35 = arith.constant 4096 : i32
      %mul3A_36 = vector.broadcast %mul3A_35 : i32 to vector<16xi32>
      %mul3A_37 = arith.muli %convert_element_type3A, %mul3A_36 : vector<16xi32>
      %mul3A_38 = arith.constant 64 : i32
      %mul3A_39 = vector.broadcast %mul3A_38 : i32 to vector<16xi32>
      %mul3A_40 = arith.muli %convert_element_type3A_29, %mul3A_39 : vector<16xi32>
      %add3A_41 = arith.addi %mul3A_37, %mul3A_40 : vector<16xi32>
      %add3A_42 = arith.addi %add3A_41, %convert_element_type3A_34 : vector<16xi32>
      %ge3A = vector.broadcast %mul3A_2 : i32 to vector<16xi32>
      %ge3A_43 = arith.cmpi sge, %add3A_42, %ge3A : vector<16xi32>
      %add3A_44 = arith.constant 8192 : i32
      %add3A_45 = arith.addi %mul3A_2, %add3A_44 : i32
      %lt3A = vector.broadcast %add3A_45 : i32 to vector<16xi32>
      %lt3A_46 = arith.cmpi slt, %add3A_42, %lt3A : vector<16xi32>
      %and3A = arith.andi %ge3A_43, %lt3A_46 : vector<16xi1>
      %sub3A = vector.broadcast %mul3A_2 : i32 to vector<16xi32>
      %sub3A_47 = arith.subi %add3A_42, %sub3A : vector<16xi32>
      tpu.vector_store_idx %arg5[%sub3A_47], %add3A_21 masked %and3A : memref<8192xi32, #tpu.memory_space<vmem>>[vector<16xi32>], vector<16xi32>, vector<16xi1>
      %scan3A_48 = arith.constant 0 : i32
      scf.yield %scan3A_48 : i32
    }
    %scan3A_15 = arith.constant 625 : i32
    "tpu.region"() ({
      %run_scoped3A = tpu.sem_alloc : memref<!tpu.dma_semaphore, #tpu.memory_space<semaphore_mem>>
      %dma_start3A = tpu.memref_slice %arg3[%mul3A_2] : memref<262144xi32, #tpu.memory_space<hbm>> -> memref<8192xi32, #tpu.memory_space<hbm>>
      %dma_start3A_16 = tpu.memref_slice %arg3[%mul3A_2] : memref<262144xi32, #tpu.memory_space<hbm>> -> memref<8192xi32, #tpu.memory_space<hbm>>
      tpu.enqueue_dma source(%arg5 : memref<8192xi32, #tpu.memory_space<vmem>>) target(%dma_start3A_16 : memref<8192xi32, #tpu.memory_space<hbm>>) target_semaphore(%run_scoped3A : memref<!tpu.dma_semaphore, #tpu.memory_space<semaphore_mem>>)
      %dma_wait3A = tpu.memref_slice %arg3[%mul3A_2] : memref<262144xi32, #tpu.memory_space<hbm>> -> memref<8192xi32, #tpu.memory_space<hbm>>
      %dma_wait3A_17 = tpu.memref_slice %arg3[%mul3A_2] : memref<262144xi32, #tpu.memory_space<hbm>> -> memref<8192xi32, #tpu.memory_space<hbm>>
      tpu.wait_dma2 semaphore(%run_scoped3A : memref<!tpu.dma_semaphore, #tpu.memory_space<semaphore_mem>>) src(%arg5 : memref<8192xi32, #tpu.memory_space<vmem>>) dst(%dma_wait3A_17 : memref<8192xi32, #tpu.memory_space<hbm>>)
      tpu.yield
    }) : () -> ()
    return
  }
}

#map = affine_map<(d0, d1) -> (0)>
#map1 = affine_map<(d0, d1) -> (0, 0)>
#map2 = affine_map<(d0, d1) -> (0, 0, 0)>
module attributes {stable_mosaic.version = 14 : i64} {
  func.func @_acc_kernel(%arg0: i32, %arg1: i32, %arg2: memref<35389440xf32, #tpu.memory_space<hbm>>, %arg3: memref<10240x128xf32, #tpu.memory_space<hbm>>, %arg4: memref<32x68x128xi32, #tpu.memory_space<hbm>>, %arg5: memref<32x68x128xi32, #tpu.memory_space<hbm>>, %arg6: memref<32x16xi32, #tpu.memory_space<hbm>>, %arg7: memref<10240x128xf32, #tpu.memory_space<hbm>>, %arg8: memref<68x128xi32, #tpu.memory_space<vmem>>, %arg9: memref<68x128xi32, #tpu.memory_space<vmem>>, %arg10: memref<16xi32, #tpu.memory_space<vmem>>, %arg11: memref<128x128xf32, #tpu.memory_space<vmem>>, %arg12: memref<4096xf32, #tpu.memory_space<vmem>>, %arg13: memref<40960xf32, #tpu.memory_space<vmem>>, %arg14: memref<321x128xf32, #tpu.memory_space<vmem>>, %arg15: memref<!tpu.dma_semaphore, #tpu.memory_space<semaphore_mem>>) attributes {dimension_semantics = [#tpu.dimension_semantics<core_parallel>, #tpu.dimension_semantics<subcore_parallel>], iteration_bounds = array<i64: 2, 16>, scalar_prefetch = 0 : i64, scratch_operands = 8 : i64, tpu.core_type = #tpu.core_type<sc_vector_subcore>, window_params = [{transform_indices = #map}, {transform_indices = #map1}, {transform_indices = #map2}, {transform_indices = #map2}, {transform_indices = #map1}, {transform_indices = #map1}]} {
    %mul3A = arith.constant 16 : i32
    %mul3A_0 = arith.muli %arg0, %mul3A : i32
    %add3A = arith.addi %mul3A_0, %arg1 : i32
    "tpu.region"() ({
      %run_scoped3A = tpu.sem_alloc : memref<!tpu.dma_semaphore, #tpu.memory_space<semaphore_mem>>
      %dma_start3A = arith.constant 0 : i32
      %dma_start3A_87 = arith.constant 0 : i32
      %dma_start3A_88 = tpu.memref_slice %arg4[%add3A, %dma_start3A, %dma_start3A_87] : memref<32x68x128xi32, #tpu.memory_space<hbm>> -> memref<1x68x128xi32, #tpu.memory_space<hbm>>
      %dma_start3A_89 = tpu.memref_squeeze %dma_start3A_88 : memref<1x68x128xi32, #tpu.memory_space<hbm>> -> memref<68x128xi32, #tpu.memory_space<hbm>>
      %dma_start3A_90 = arith.constant 0 : i32
      %dma_start3A_91 = arith.constant 0 : i32
      %dma_start3A_92 = tpu.memref_slice %arg4[%add3A, %dma_start3A_90, %dma_start3A_91] : memref<32x68x128xi32, #tpu.memory_space<hbm>> -> memref<1x68x128xi32, #tpu.memory_space<hbm>>
      %dma_start3A_93 = tpu.memref_squeeze %dma_start3A_92 : memref<1x68x128xi32, #tpu.memory_space<hbm>> -> memref<68x128xi32, #tpu.memory_space<hbm>>
      tpu.enqueue_dma source(%dma_start3A_93 : memref<68x128xi32, #tpu.memory_space<hbm>>) target(%arg8 : memref<68x128xi32, #tpu.memory_space<vmem>>) target_semaphore(%run_scoped3A : memref<!tpu.dma_semaphore, #tpu.memory_space<semaphore_mem>>)
      %dma_wait3A = arith.constant 0 : i32
      %dma_wait3A_94 = arith.constant 0 : i32
      %dma_wait3A_95 = tpu.memref_slice %arg4[%add3A, %dma_wait3A, %dma_wait3A_94] : memref<32x68x128xi32, #tpu.memory_space<hbm>> -> memref<1x68x128xi32, #tpu.memory_space<hbm>>
      %dma_wait3A_96 = tpu.memref_squeeze %dma_wait3A_95 : memref<1x68x128xi32, #tpu.memory_space<hbm>> -> memref<68x128xi32, #tpu.memory_space<hbm>>
      %dma_wait3A_97 = arith.constant 0 : i32
      %dma_wait3A_98 = arith.constant 0 : i32
      %dma_wait3A_99 = tpu.memref_slice %arg4[%add3A, %dma_wait3A_97, %dma_wait3A_98] : memref<32x68x128xi32, #tpu.memory_space<hbm>> -> memref<1x68x128xi32, #tpu.memory_space<hbm>>
      %dma_wait3A_100 = tpu.memref_squeeze %dma_wait3A_99 : memref<1x68x128xi32, #tpu.memory_space<hbm>> -> memref<68x128xi32, #tpu.memory_space<hbm>>
      tpu.wait_dma2 semaphore(%run_scoped3A : memref<!tpu.dma_semaphore, #tpu.memory_space<semaphore_mem>>) src(%dma_wait3A_100 : memref<68x128xi32, #tpu.memory_space<hbm>>) dst(%arg8 : memref<68x128xi32, #tpu.memory_space<vmem>>)
      tpu.yield
    }) : () -> ()
    "tpu.region"() ({
      %run_scoped3A = tpu.sem_alloc : memref<!tpu.dma_semaphore, #tpu.memory_space<semaphore_mem>>
      %dma_start3A = arith.constant 0 : i32
      %dma_start3A_87 = arith.constant 0 : i32
      %dma_start3A_88 = tpu.memref_slice %arg5[%add3A, %dma_start3A, %dma_start3A_87] : memref<32x68x128xi32, #tpu.memory_space<hbm>> -> memref<1x68x128xi32, #tpu.memory_space<hbm>>
      %dma_start3A_89 = tpu.memref_squeeze %dma_start3A_88 : memref<1x68x128xi32, #tpu.memory_space<hbm>> -> memref<68x128xi32, #tpu.memory_space<hbm>>
      %dma_start3A_90 = arith.constant 0 : i32
      %dma_start3A_91 = arith.constant 0 : i32
      %dma_start3A_92 = tpu.memref_slice %arg5[%add3A, %dma_start3A_90, %dma_start3A_91] : memref<32x68x128xi32, #tpu.memory_space<hbm>> -> memref<1x68x128xi32, #tpu.memory_space<hbm>>
      %dma_start3A_93 = tpu.memref_squeeze %dma_start3A_92 : memref<1x68x128xi32, #tpu.memory_space<hbm>> -> memref<68x128xi32, #tpu.memory_space<hbm>>
      tpu.enqueue_dma source(%dma_start3A_93 : memref<68x128xi32, #tpu.memory_space<hbm>>) target(%arg9 : memref<68x128xi32, #tpu.memory_space<vmem>>) target_semaphore(%run_scoped3A : memref<!tpu.dma_semaphore, #tpu.memory_space<semaphore_mem>>)
      %dma_wait3A = arith.constant 0 : i32
      %dma_wait3A_94 = arith.constant 0 : i32
      %dma_wait3A_95 = tpu.memref_slice %arg5[%add3A, %dma_wait3A, %dma_wait3A_94] : memref<32x68x128xi32, #tpu.memory_space<hbm>> -> memref<1x68x128xi32, #tpu.memory_space<hbm>>
      %dma_wait3A_96 = tpu.memref_squeeze %dma_wait3A_95 : memref<1x68x128xi32, #tpu.memory_space<hbm>> -> memref<68x128xi32, #tpu.memory_space<hbm>>
      %dma_wait3A_97 = arith.constant 0 : i32
      %dma_wait3A_98 = arith.constant 0 : i32
      %dma_wait3A_99 = tpu.memref_slice %arg5[%add3A, %dma_wait3A_97, %dma_wait3A_98] : memref<32x68x128xi32, #tpu.memory_space<hbm>> -> memref<1x68x128xi32, #tpu.memory_space<hbm>>
      %dma_wait3A_100 = tpu.memref_squeeze %dma_wait3A_99 : memref<1x68x128xi32, #tpu.memory_space<hbm>> -> memref<68x128xi32, #tpu.memory_space<hbm>>
      tpu.wait_dma2 semaphore(%run_scoped3A : memref<!tpu.dma_semaphore, #tpu.memory_space<semaphore_mem>>) src(%dma_wait3A_100 : memref<68x128xi32, #tpu.memory_space<hbm>>) dst(%arg9 : memref<68x128xi32, #tpu.memory_space<vmem>>)
      tpu.yield
    }) : () -> ()
    "tpu.region"() ({
      %run_scoped3A = tpu.sem_alloc : memref<!tpu.dma_semaphore, #tpu.memory_space<semaphore_mem>>
      %dma_start3A = arith.constant 0 : i32
      %dma_start3A_87 = tpu.memref_slice %arg6[%add3A, %dma_start3A] : memref<32x16xi32, #tpu.memory_space<hbm>> -> memref<1x16xi32, #tpu.memory_space<hbm>>
      %dma_start3A_88 = tpu.memref_squeeze %dma_start3A_87 : memref<1x16xi32, #tpu.memory_space<hbm>> -> memref<16xi32, #tpu.memory_space<hbm>>
      %dma_start3A_89 = arith.constant 0 : i32
      %dma_start3A_90 = tpu.memref_slice %arg6[%add3A, %dma_start3A_89] : memref<32x16xi32, #tpu.memory_space<hbm>> -> memref<1x16xi32, #tpu.memory_space<hbm>>
      %dma_start3A_91 = tpu.memref_squeeze %dma_start3A_90 : memref<1x16xi32, #tpu.memory_space<hbm>> -> memref<16xi32, #tpu.memory_space<hbm>>
      tpu.enqueue_dma source(%dma_start3A_91 : memref<16xi32, #tpu.memory_space<hbm>>) target(%arg10 : memref<16xi32, #tpu.memory_space<vmem>>) target_semaphore(%run_scoped3A : memref<!tpu.dma_semaphore, #tpu.memory_space<semaphore_mem>>)
      %dma_wait3A = arith.constant 0 : i32
      %dma_wait3A_92 = tpu.memref_slice %arg6[%add3A, %dma_wait3A] : memref<32x16xi32, #tpu.memory_space<hbm>> -> memref<1x16xi32, #tpu.memory_space<hbm>>
      %dma_wait3A_93 = tpu.memref_squeeze %dma_wait3A_92 : memref<1x16xi32, #tpu.memory_space<hbm>> -> memref<16xi32, #tpu.memory_space<hbm>>
      %dma_wait3A_94 = arith.constant 0 : i32
      %dma_wait3A_95 = tpu.memref_slice %arg6[%add3A, %dma_wait3A_94] : memref<32x16xi32, #tpu.memory_space<hbm>> -> memref<1x16xi32, #tpu.memory_space<hbm>>
      %dma_wait3A_96 = tpu.memref_squeeze %dma_wait3A_95 : memref<1x16xi32, #tpu.memory_space<hbm>> -> memref<16xi32, #tpu.memory_space<hbm>>
      tpu.wait_dma2 semaphore(%run_scoped3A : memref<!tpu.dma_semaphore, #tpu.memory_space<semaphore_mem>>) src(%dma_wait3A_96 : memref<16xi32, #tpu.memory_space<hbm>>) dst(%arg10 : memref<16xi32, #tpu.memory_space<vmem>>)
      tpu.yield
    }) : () -> ()
    %mul3A_1 = arith.constant 320 : i32
    %mul3A_2 = arith.muli %add3A, %mul3A_1 : i32
    "tpu.region"() ({
      %run_scoped3A = tpu.sem_alloc : memref<!tpu.dma_semaphore, #tpu.memory_space<semaphore_mem>>
      %dma_start3A = arith.constant 0 : i32
      %dma_start3A_87 = arith.constant 0 : i32
      %dma_start3A_88 = tpu.memref_slice %arg14[%dma_start3A, %dma_start3A_87] : memref<321x128xf32, #tpu.memory_space<vmem>> -> memref<320x128xf32, #tpu.memory_space<vmem>>
      %dma_start3A_89 = arith.constant 0 : i32
      %dma_start3A_90 = tpu.memref_slice %arg3[%mul3A_2, %dma_start3A_89] : memref<10240x128xf32, #tpu.memory_space<hbm>> -> memref<320x128xf32, #tpu.memory_space<hbm>>
      %dma_start3A_91 = arith.constant 0 : i32
      %dma_start3A_92 = arith.constant 0 : i32
      %dma_start3A_93 = tpu.memref_slice %arg14[%dma_start3A_91, %dma_start3A_92] : memref<321x128xf32, #tpu.memory_space<vmem>> -> memref<320x128xf32, #tpu.memory_space<vmem>>
      %dma_start3A_94 = arith.constant 0 : i32
      %dma_start3A_95 = tpu.memref_slice %arg3[%mul3A_2, %dma_start3A_94] : memref<10240x128xf32, #tpu.memory_space<hbm>> -> memref<320x128xf32, #tpu.memory_space<hbm>>
      tpu.enqueue_dma source(%dma_start3A_95 : memref<320x128xf32, #tpu.memory_space<hbm>>) target(%dma_start3A_93 : memref<320x128xf32, #tpu.memory_space<vmem>>) target_semaphore(%run_scoped3A : memref<!tpu.dma_semaphore, #tpu.memory_space<semaphore_mem>>)
      %dma_wait3A = arith.constant 0 : i32
      %dma_wait3A_96 = arith.constant 0 : i32
      %dma_wait3A_97 = tpu.memref_slice %arg14[%dma_wait3A, %dma_wait3A_96] : memref<321x128xf32, #tpu.memory_space<vmem>> -> memref<320x128xf32, #tpu.memory_space<vmem>>
      %dma_wait3A_98 = arith.constant 0 : i32
      %dma_wait3A_99 = tpu.memref_slice %arg3[%mul3A_2, %dma_wait3A_98] : memref<10240x128xf32, #tpu.memory_space<hbm>> -> memref<320x128xf32, #tpu.memory_space<hbm>>
      %dma_wait3A_100 = arith.constant 0 : i32
      %dma_wait3A_101 = arith.constant 0 : i32
      %dma_wait3A_102 = tpu.memref_slice %arg14[%dma_wait3A_100, %dma_wait3A_101] : memref<321x128xf32, #tpu.memory_space<vmem>> -> memref<320x128xf32, #tpu.memory_space<vmem>>
      %dma_wait3A_103 = arith.constant 0 : i32
      %dma_wait3A_104 = tpu.memref_slice %arg3[%mul3A_2, %dma_wait3A_103] : memref<10240x128xf32, #tpu.memory_space<hbm>> -> memref<320x128xf32, #tpu.memory_space<hbm>>
      tpu.wait_dma2 semaphore(%run_scoped3A : memref<!tpu.dma_semaphore, #tpu.memory_space<semaphore_mem>>) src(%dma_wait3A_104 : memref<320x128xf32, #tpu.memory_space<hbm>>) dst(%dma_wait3A_102 : memref<320x128xf32, #tpu.memory_space<vmem>>)
      tpu.yield
    }) : () -> ()
    %mul3A_3 = arith.constant 320 : i32
    %mul3A_4 = arith.muli %add3A, %mul3A_3 : i32
    %add3A_5 = arith.constant 133120 : i32
    %add3A_6 = arith.addi %add3A_5, %mul3A_4 : i32
    %mul3A_7 = arith.constant 128 : i32
    %mul3A_8 = arith.muli %add3A_6, %mul3A_7 : i32
    "tpu.region"() ({
      %run_scoped3A = tpu.sem_alloc : memref<!tpu.dma_semaphore, #tpu.memory_space<semaphore_mem>>
      %dma_start3A = tpu.memref_slice %arg2[%mul3A_8] : memref<35389440xf32, #tpu.memory_space<hbm>> -> memref<40960xf32, #tpu.memory_space<hbm>>
      %dma_start3A_87 = tpu.memref_slice %arg2[%mul3A_8] : memref<35389440xf32, #tpu.memory_space<hbm>> -> memref<40960xf32, #tpu.memory_space<hbm>>
      tpu.enqueue_dma source(%dma_start3A_87 : memref<40960xf32, #tpu.memory_space<hbm>>) target(%arg13 : memref<40960xf32, #tpu.memory_space<vmem>>) target_semaphore(%run_scoped3A : memref<!tpu.dma_semaphore, #tpu.memory_space<semaphore_mem>>)
      %dma_wait3A = tpu.memref_slice %arg2[%mul3A_8] : memref<35389440xf32, #tpu.memory_space<hbm>> -> memref<40960xf32, #tpu.memory_space<hbm>>
      %dma_wait3A_88 = tpu.memref_slice %arg2[%mul3A_8] : memref<35389440xf32, #tpu.memory_space<hbm>> -> memref<40960xf32, #tpu.memory_space<hbm>>
      tpu.wait_dma2 semaphore(%run_scoped3A : memref<!tpu.dma_semaphore, #tpu.memory_space<semaphore_mem>>) src(%dma_wait3A_88 : memref<40960xf32, #tpu.memory_space<hbm>>) dst(%arg13 : memref<40960xf32, #tpu.memory_space<vmem>>)
      tpu.yield
    }) : () -> ()
    %scan3A = arith.constant 0 : i32
    %scan3A_9 = arith.constant 0 : i32
    %scan3A_10 = arith.constant 2560 : i32
    %scan3A_11 = arith.addi %scan3A_9, %scan3A_10 : i32
    %scan3A_12 = arith.constant 1 : i32
    %scan3A_13 = scf.for %scan3A_87 = %scan3A_9 to %scan3A_11 step %scan3A_12 iter_args(%scan3A_88 = %scan3A) -> (i32)  : i32 {
      %jit3A_89 = arith.constant 8 : i32
      %div3A_90 = arith.divsi %scan3A_87, %jit3A_89 : i32
      %sign3A_91 = arith.constant 0 : i32
      %sign3A_92 = arith.cmpi sgt, %scan3A_87, %sign3A_91 : i32
      %sign3A_93 = arith.extui %sign3A_92 : i1 to i32
      %sign3A_94 = arith.constant 0 : i32
      %sign3A_95 = arith.cmpi slt, %scan3A_87, %sign3A_94 : i32
      %sign3A_96 = arith.extui %sign3A_95 : i1 to i32
      %sign3A_97 = arith.subi %sign3A_93, %sign3A_96 : i32
      %sign3A_98 = arith.constant 0 : i32
      %sign3A_99 = arith.cmpi sgt, %jit3A_89, %sign3A_98 : i32
      %sign3A_100 = arith.extui %sign3A_99 : i1 to i32
      %sign3A_101 = arith.constant 0 : i32
      %sign3A_102 = arith.cmpi slt, %jit3A_89, %sign3A_101 : i32
      %sign3A_103 = arith.extui %sign3A_102 : i1 to i32
      %sign3A_104 = arith.subi %sign3A_100, %sign3A_103 : i32
      %ne3A_105 = arith.cmpi ne, %sign3A_97, %sign3A_104 : i32
      %rem3A_106 = arith.remsi %scan3A_87, %jit3A_89 : i32
      %ne3A_107 = arith.constant 0 : i32
      %ne3A_108 = arith.cmpi ne, %rem3A_106, %ne3A_107 : i32
      %and3A_109 = arith.andi %ne3A_105, %ne3A_108 : i1
      %sub3A_110 = arith.constant 1 : i32
      %sub3A_111 = arith.subi %div3A_90, %sub3A_110 : i32
      %select_n3A_112 = arith.select %and3A_109, %sub3A_111, %div3A_90 : i32
      %jit3A_113 = arith.constant 8 : i32
      %eq3A = arith.constant 0 : i32
      %eq3A_114 = arith.cmpi eq, %jit3A_113, %eq3A : i32
      %jit3A_115 = arith.constant 1 : i32
      %select_n3A_116 = arith.select %eq3A_114, %jit3A_115, %jit3A_113 : i32
      %rem3A_117 = arith.remsi %scan3A_87, %select_n3A_116 : i32
      %ne3A_118 = arith.constant 0 : i32
      %ne3A_119 = arith.cmpi ne, %rem3A_117, %ne3A_118 : i32
      %lt3A = arith.constant 0 : i32
      %lt3A_120 = arith.cmpi slt, %rem3A_117, %lt3A : i32
      %lt3A_121 = arith.constant 0 : i32
      %lt3A_122 = arith.cmpi slt, %select_n3A_116, %lt3A_121 : i32
      %ne3A_123 = arith.xori %lt3A_120, %lt3A_122 : i1
      %and3A_124 = arith.andi %ne3A_123, %ne3A_119 : i1
      %add3A_125 = arith.addi %rem3A_117, %select_n3A_116 : i32
      %select_n3A_126 = arith.select %and3A_124, %add3A_125, %rem3A_117 : i32
      %mul3A_127 = arith.constant 16 : i32
      %mul3A_128 = arith.muli %select_n3A_126, %mul3A_127 : i32
      %get3A_129 = arith.index_cast %select_n3A_112 : i32 to index
      %get3A_130 = arith.index_cast %mul3A_128 : i32 to index
      %get3A_131 = tpu.vector_load %arg14[%get3A_129, %get3A_130] {strides = array<i32>} : memref<321x128xf32, #tpu.memory_space<vmem>>, vector<16xf32>,
      %mul3A_132 = arith.constant 128 : i32
      %mul3A_133 = arith.muli %select_n3A_112, %mul3A_132 : i32
      %add3A_134 = arith.addi %mul3A_133, %mul3A_128 : i32
      %get3A_135 = arith.index_cast %add3A_134 : i32 to index
      %get3A_136 = tpu.vector_load %arg13[%get3A_135] {strides = array<i32>} : memref<40960xf32, #tpu.memory_space<vmem>>, vector<16xf32>,
      %add3A_137 = arith.addf %get3A_131, %get3A_136 : vector<16xf32>
      %swap3A = arith.index_cast %select_n3A_112 : i32 to index
      %swap3A_138 = arith.index_cast %mul3A_128 : i32 to index
      %swap3A_139 = tpu.vector_load %arg14[%swap3A, %swap3A_138] {strides = array<i32>} : memref<321x128xf32, #tpu.memory_space<vmem>>, vector<16xf32>,
      tpu.vector_store %arg14[%swap3A, %swap3A_138], %add3A_137 {strides = array<i32>} : memref<321x128xf32, #tpu.memory_space<vmem>>, vector<16xf32>,
      %scan3A_140 = arith.constant 0 : i32
      scf.yield %scan3A_140 : i32
    }
    %scan3A_14 = arith.constant 2560 : i32
    %get3A = arith.constant 0 : index
    %get3A_15 = tpu.vector_load %arg10[%get3A] {strides = array<i32>} : memref<16xi32, #tpu.memory_space<vmem>>, vector<16xi32>,
    %reduce_max3A = arith.constant true
    %reduce_max3A_16 = vector.broadcast %reduce_max3A : i1 to vector<16xi1>
    %reduce_max3A_17 = arith.constant -2147483648 : i32
    %reduce_max3A_18 = vector.broadcast %reduce_max3A_17 : i32 to vector<16xi32>
    %reduce_max3A_19 = arith.xori %get3A_15, %reduce_max3A_18 : vector<16xi32>
    %reduce_max3A_20 = tpu.scan <max>, %reduce_max3A_19 masked %reduce_max3A_16 : vector<16xi32>, vector<16xi1> -> vector<16xi32>
    %reduce_max3A_21 = arith.xori %reduce_max3A_20, %reduce_max3A_18 : vector<16xi32>
    %reduce_max3A_22 = vector.extract %reduce_max3A_21[15] : i32 from vector<16xi32>
    %add3A_23 = arith.constant 8 : i32
    %add3A_24 = arith.addi %reduce_max3A_22, %add3A_23 : i32
    %sub3A = arith.constant 1 : i32
    %sub3A_25 = arith.subi %add3A_24, %sub3A : i32
    %jit3A = arith.constant 8 : i32
    %div3A = arith.divsi %sub3A_25, %jit3A : i32
    %sign3A = arith.constant 0 : i32
    %sign3A_26 = arith.cmpi sgt, %sub3A_25, %sign3A : i32
    %sign3A_27 = arith.extui %sign3A_26 : i1 to i32
    %sign3A_28 = arith.constant 0 : i32
    %sign3A_29 = arith.cmpi slt, %sub3A_25, %sign3A_28 : i32
    %sign3A_30 = arith.extui %sign3A_29 : i1 to i32
    %sign3A_31 = arith.subi %sign3A_27, %sign3A_30 : i32
    %sign3A_32 = arith.constant 0 : i32
    %sign3A_33 = arith.cmpi sgt, %jit3A, %sign3A_32 : i32
    %sign3A_34 = arith.extui %sign3A_33 : i1 to i32
    %sign3A_35 = arith.constant 0 : i32
    %sign3A_36 = arith.cmpi slt, %jit3A, %sign3A_35 : i32
    %sign3A_37 = arith.extui %sign3A_36 : i1 to i32
    %sign3A_38 = arith.subi %sign3A_34, %sign3A_37 : i32
    %ne3A = arith.cmpi ne, %sign3A_31, %sign3A_38 : i32
    %rem3A = arith.remsi %sub3A_25, %jit3A : i32
    %ne3A_39 = arith.constant 0 : i32
    %ne3A_40 = arith.cmpi ne, %rem3A, %ne3A_39 : i32
    %and3A = arith.andi %ne3A, %ne3A_40 : i1
    %sub3A_41 = arith.constant 1 : i32
    %sub3A_42 = arith.subi %div3A, %sub3A_41 : i32
    %select_n3A = arith.select %and3A, %sub3A_42, %div3A : i32
    %iota3A = tpu.iota {dimensions = array<i32: 0>} : vector<16xi32>
    %add3A_43 = arith.constant 0 : i32
    %add3A_44 = vector.broadcast %add3A_43 : i32 to vector<16xi32>
    %add3A_45 = arith.addi %add3A_44, %iota3A : vector<16xi32>
    %iota3A_46 = tpu.iota {dimensions = array<i32: 0>} : vector<16xi32>
    %add3A_47 = arith.constant 16 : i32
    %add3A_48 = vector.broadcast %add3A_47 : i32 to vector<16xi32>
    %add3A_49 = arith.addi %add3A_48, %iota3A_46 : vector<16xi32>
    %iota3A_50 = tpu.iota {dimensions = array<i32: 0>} : vector<16xi32>
    %add3A_51 = arith.constant 32 : i32
    %add3A_52 = vector.broadcast %add3A_51 : i32 to vector<16xi32>
    %add3A_53 = arith.addi %add3A_52, %iota3A_50 : vector<16xi32>
    %iota3A_54 = tpu.iota {dimensions = array<i32: 0>} : vector<16xi32>
    %add3A_55 = arith.constant 48 : i32
    %add3A_56 = vector.broadcast %add3A_55 : i32 to vector<16xi32>
    %add3A_57 = arith.addi %add3A_56, %iota3A_54 : vector<16xi32>
    %iota3A_58 = tpu.iota {dimensions = array<i32: 0>} : vector<16xi32>
    %add3A_59 = arith.constant 64 : i32
    %add3A_60 = vector.broadcast %add3A_59 : i32 to vector<16xi32>
    %add3A_61 = arith.addi %add3A_60, %iota3A_58 : vector<16xi32>
    %iota3A_62 = tpu.iota {dimensions = array<i32: 0>} : vector<16xi32>
    %add3A_63 = arith.constant 80 : i32
    %add3A_64 = vector.broadcast %add3A_63 : i32 to vector<16xi32>
    %add3A_65 = arith.addi %add3A_64, %iota3A_62 : vector<16xi32>
    %iota3A_66 = tpu.iota {dimensions = array<i32: 0>} : vector<16xi32>
    %add3A_67 = arith.constant 96 : i32
    %add3A_68 = vector.broadcast %add3A_67 : i32 to vector<16xi32>
    %add3A_69 = arith.addi %add3A_68, %iota3A_66 : vector<16xi32>
    %iota3A_70 = tpu.iota {dimensions = array<i32: 0>} : vector<16xi32>
    %add3A_71 = arith.constant 112 : i32
    %add3A_72 = vector.broadcast %add3A_71 : i32 to vector<16xi32>
    %add3A_73 = arith.addi %add3A_72, %iota3A_70 : vector<16xi32>
    %while3A = arith.constant 0 : i32
    %while3A_74 = arith.constant 0 : i32
    %while3A_75 = arith.subi %select_n3A, %while3A : i32
    %while3A_76 = arith.addi %while3A, %while3A_75 : i32
    %while3A_77 = arith.constant 1 : i32
    %while3A_78 = arith.divsi %while3A_75, %while3A_77 : i32
    %while3A_79 = arith.muli %while3A_78, %while3A_77 : i32
    %while3A_80 = arith.addi %while3A, %while3A_79 : i32
    %while3A_81 = arith.constant 1 : i32
    %while3A_82 = scf.for %while3A_87 = %while3A to %while3A_80 step %while3A_81 iter_args(%while3A_88 = %while3A_74) -> (i32)  : i32 {
      %scan3A_89 = arith.constant 0 : i32
      %scan3A_90 = arith.constant 0 : i32
      %scan3A_91 = arith.constant 32 : i32
      %scan3A_92 = arith.addi %scan3A_90, %scan3A_91 : i32
      %scan3A_93 = arith.constant 1 : i32
      %scan3A_94 = scf.for %scan3A_164 = %scan3A_90 to %scan3A_92 step %scan3A_93 iter_args(%scan3A_165 = %scan3A_89) -> (i32)  : i32 {
        %jit3A_166 = arith.constant 16 : i32
        %div3A_167 = arith.divsi %scan3A_164, %jit3A_166 : i32
        %sign3A_168 = arith.constant 0 : i32
        %sign3A_169 = arith.cmpi sgt, %scan3A_164, %sign3A_168 : i32
        %sign3A_170 = arith.extui %sign3A_169 : i1 to i32
        %sign3A_171 = arith.constant 0 : i32
        %sign3A_172 = arith.cmpi slt, %scan3A_164, %sign3A_171 : i32
        %sign3A_173 = arith.extui %sign3A_172 : i1 to i32
        %sign3A_174 = arith.subi %sign3A_170, %sign3A_173 : i32
        %sign3A_175 = arith.constant 0 : i32
        %sign3A_176 = arith.cmpi sgt, %jit3A_166, %sign3A_175 : i32
        %sign3A_177 = arith.extui %sign3A_176 : i1 to i32
        %sign3A_178 = arith.constant 0 : i32
        %sign3A_179 = arith.cmpi slt, %jit3A_166, %sign3A_178 : i32
        %sign3A_180 = arith.extui %sign3A_179 : i1 to i32
        %sign3A_181 = arith.subi %sign3A_177, %sign3A_180 : i32
        %ne3A_182 = arith.cmpi ne, %sign3A_174, %sign3A_181 : i32
        %rem3A_183 = arith.remsi %scan3A_164, %jit3A_166 : i32
        %ne3A_184 = arith.constant 0 : i32
        %ne3A_185 = arith.cmpi ne, %rem3A_183, %ne3A_184 : i32
        %and3A_186 = arith.andi %ne3A_182, %ne3A_185 : i1
        %sub3A_187 = arith.constant 1 : i32
        %sub3A_188 = arith.subi %div3A_167, %sub3A_187 : i32
        %select_n3A_189 = arith.select %and3A_186, %sub3A_188, %div3A_167 : i32
        %mul3A_190 = arith.constant 16 : i32
        %mul3A_191 = arith.muli %select_n3A_189, %mul3A_190 : i32
        %get3A_192 = arith.index_cast %while3A_87 : i32 to index
        %get3A_193 = arith.index_cast %mul3A_191 : i32 to index
        %get3A_194 = tpu.vector_load %arg8[%get3A_192, %get3A_193] {strides = array<i32>} : memref<68x128xi32, #tpu.memory_space<vmem>>, vector<16xi32>,
        %iota3A_195 = tpu.iota {dimensions = array<i32: 0>} : vector<16xi32>
        %and3A_196 = arith.constant 15 : i32
        %and3A_197 = arith.andi %scan3A_164, %and3A_196 : i32
        %eq3A = vector.broadcast %and3A_197 : i32 to vector<16xi32>
        %eq3A_198 = arith.cmpi eq, %iota3A_195, %eq3A : vector<16xi32>
        %jit3A_199 = arith.constant 0 : i32
        %broadcast_in_dim3A = vector.broadcast %jit3A_199 : i32 to vector<16xi32>
        %select_n3A_200 = arith.select %eq3A_198, %get3A_194, %broadcast_in_dim3A : vector<16xi1>, vector<16xi32>
        %reduce_max3A_201 = arith.constant true
        %reduce_max3A_202 = vector.broadcast %reduce_max3A_201 : i1 to vector<16xi1>
        %reduce_max3A_203 = arith.constant -2147483648 : i32
        %reduce_max3A_204 = vector.broadcast %reduce_max3A_203 : i32 to vector<16xi32>
        %reduce_max3A_205 = arith.xori %select_n3A_200, %reduce_max3A_204 : vector<16xi32>
        %reduce_max3A_206 = tpu.scan <max>, %reduce_max3A_205 masked %reduce_max3A_202 : vector<16xi32>, vector<16xi1> -> vector<16xi32>
        %reduce_max3A_207 = arith.xori %reduce_max3A_206, %reduce_max3A_204 : vector<16xi32>
        %reduce_max3A_208 = vector.extract %reduce_max3A_207[15] : i32 from vector<16xi32>
        %mul3A_209 = arith.constant 128 : i32
        %mul3A_210 = arith.muli %reduce_max3A_208, %mul3A_209 : i32
        %dma_start3A = arith.constant 0 : i32
        %dma_start3A_211 = tpu.memref_slice %arg11[%scan3A_164, %dma_start3A] : memref<128x128xf32, #tpu.memory_space<vmem>> -> memref<1x128xf32, #tpu.memory_space<vmem>>
        %dma_start3A_212 = tpu.memref_squeeze %dma_start3A_211 : memref<1x128xf32, #tpu.memory_space<vmem>> -> memref<128xf32, #tpu.memory_space<vmem>>
        %dma_start3A_213 = tpu.memref_slice %arg2[%mul3A_210] : memref<35389440xf32, #tpu.memory_space<hbm>> -> memref<128xf32, #tpu.memory_space<hbm>>
        %dma_start3A_214 = arith.constant 0 : i32
        %dma_start3A_215 = tpu.memref_slice %arg11[%scan3A_164, %dma_start3A_214] : memref<128x128xf32, #tpu.memory_space<vmem>> -> memref<1x128xf32, #tpu.memory_space<vmem>>
        %dma_start3A_216 = tpu.memref_squeeze %dma_start3A_215 : memref<1x128xf32, #tpu.memory_space<vmem>> -> memref<128xf32, #tpu.memory_space<vmem>>
        %dma_start3A_217 = tpu.memref_slice %arg2[%mul3A_210] : memref<35389440xf32, #tpu.memory_space<hbm>> -> memref<128xf32, #tpu.memory_space<hbm>>
        tpu.enqueue_dma source(%dma_start3A_217 : memref<128xf32, #tpu.memory_space<hbm>>) target(%dma_start3A_216 : memref<128xf32, #tpu.memory_space<vmem>>) target_semaphore(%arg15 : memref<!tpu.dma_semaphore, #tpu.memory_space<semaphore_mem>>)
        %scan3A_218 = arith.constant 0 : i32
        scf.yield %scan3A_218 : i32
      }
      %scan3A_95 = arith.constant 32 : i32
      %dma_wait3A = arith.constant 0 : i32
      %dma_wait3A_96 = tpu.memref_slice %arg2[%dma_wait3A] : memref<35389440xf32, #tpu.memory_space<hbm>> -> memref<4096xf32, #tpu.memory_space<hbm>>
      %dma_wait3A_97 = arith.constant 0 : i32
      %dma_wait3A_98 = tpu.memref_slice %arg2[%dma_wait3A_97] : memref<35389440xf32, #tpu.memory_space<hbm>> -> memref<4096xf32, #tpu.memory_space<hbm>>
      tpu.wait_dma2 semaphore(%arg15 : memref<!tpu.dma_semaphore, #tpu.memory_space<semaphore_mem>>) src(%dma_wait3A_98 : memref<4096xf32, #tpu.memory_space<hbm>>) dst(%arg12 : memref<4096xf32, #tpu.memory_space<vmem>>)
      %scan3A_99 = arith.constant 0 : i32
      %scan3A_100 = arith.constant 32 : i32
      %scan3A_101 = arith.constant 32 : i32
      %scan3A_102 = arith.addi %scan3A_100, %scan3A_101 : i32
      %scan3A_103 = arith.constant 1 : i32
      %scan3A_104 = scf.for %scan3A_164 = %scan3A_100 to %scan3A_102 step %scan3A_103 iter_args(%scan3A_165 = %scan3A_99) -> (i32)  : i32 {
        %jit3A_166 = arith.constant 16 : i32
        %div3A_167 = arith.divsi %scan3A_164, %jit3A_166 : i32
        %sign3A_168 = arith.constant 0 : i32
        %sign3A_169 = arith.cmpi sgt, %scan3A_164, %sign3A_168 : i32
        %sign3A_170 = arith.extui %sign3A_169 : i1 to i32
        %sign3A_171 = arith.constant 0 : i32
        %sign3A_172 = arith.cmpi slt, %scan3A_164, %sign3A_171 : i32
        %sign3A_173 = arith.extui %sign3A_172 : i1 to i32
        %sign3A_174 = arith.subi %sign3A_170, %sign3A_173 : i32
        %sign3A_175 = arith.constant 0 : i32
        %sign3A_176 = arith.cmpi sgt, %jit3A_166, %sign3A_175 : i32
        %sign3A_177 = arith.extui %sign3A_176 : i1 to i32
        %sign3A_178 = arith.constant 0 : i32
        %sign3A_179 = arith.cmpi slt, %jit3A_166, %sign3A_178 : i32
        %sign3A_180 = arith.extui %sign3A_179 : i1 to i32
        %sign3A_181 = arith.subi %sign3A_177, %sign3A_180 : i32
        %ne3A_182 = arith.cmpi ne, %sign3A_174, %sign3A_181 : i32
        %rem3A_183 = arith.remsi %scan3A_164, %jit3A_166 : i32
        %ne3A_184 = arith.constant 0 : i32
        %ne3A_185 = arith.cmpi ne, %rem3A_183, %ne3A_184 : i32
        %and3A_186 = arith.andi %ne3A_182, %ne3A_185 : i1
        %sub3A_187 = arith.constant 1 : i32
        %sub3A_188 = arith.subi %div3A_167, %sub3A_187 : i32
        %select_n3A_189 = arith.select %and3A_186, %sub3A_188, %div3A_167 : i32
        %mul3A_190 = arith.constant 16 : i32
        %mul3A_191 = arith.muli %select_n3A_189, %mul3A_190 : i32
        %get3A_192 = arith.index_cast %while3A_87 : i32 to index
        %get3A_193 = arith.index_cast %mul3A_191 : i32 to index
        %get3A_194 = tpu.vector_load %arg8[%get3A_192, %get3A_193] {strides = array<i32>} : memref<68x128xi32, #tpu.memory_space<vmem>>, vector<16xi32>,
        %iota3A_195 = tpu.iota {dimensions = array<i32: 0>} : vector<16xi32>
        %and3A_196 = arith.constant 15 : i32
        %and3A_197 = arith.andi %scan3A_164, %and3A_196 : i32
        %eq3A = vector.broadcast %and3A_197 : i32 to vector<16xi32>
        %eq3A_198 = arith.cmpi eq, %iota3A_195, %eq3A : vector<16xi32>
        %jit3A_199 = arith.constant 0 : i32
        %broadcast_in_dim3A = vector.broadcast %jit3A_199 : i32 to vector<16xi32>
        %select_n3A_200 = arith.select %eq3A_198, %get3A_194, %broadcast_in_dim3A : vector<16xi1>, vector<16xi32>
        %reduce_max3A_201 = arith.constant true
        %reduce_max3A_202 = vector.broadcast %reduce_max3A_201 : i1 to vector<16xi1>
        %reduce_max3A_203 = arith.constant -2147483648 : i32
        %reduce_max3A_204 = vector.broadcast %reduce_max3A_203 : i32 to vector<16xi32>
        %reduce_max3A_205 = arith.xori %select_n3A_200, %reduce_max3A_204 : vector<16xi32>
        %reduce_max3A_206 = tpu.scan <max>, %reduce_max3A_205 masked %reduce_max3A_202 : vector<16xi32>, vector<16xi1> -> vector<16xi32>
        %reduce_max3A_207 = arith.xori %reduce_max3A_206, %reduce_max3A_204 : vector<16xi32>
        %reduce_max3A_208 = vector.extract %reduce_max3A_207[15] : i32 from vector<16xi32>
        %mul3A_209 = arith.constant 128 : i32
        %mul3A_210 = arith.muli %reduce_max3A_208, %mul3A_209 : i32
        %dma_start3A = arith.constant 0 : i32
        %dma_start3A_211 = tpu.memref_slice %arg11[%scan3A_164, %dma_start3A] : memref<128x128xf32, #tpu.memory_space<vmem>> -> memref<1x128xf32, #tpu.memory_space<vmem>>
        %dma_start3A_212 = tpu.memref_squeeze %dma_start3A_211 : memref<1x128xf32, #tpu.memory_space<vmem>> -> memref<128xf32, #tpu.memory_space<vmem>>
        %dma_start3A_213 = tpu.memref_slice %arg2[%mul3A_210] : memref<35389440xf32, #tpu.memory_space<hbm>> -> memref<128xf32, #tpu.memory_space<hbm>>
        %dma_start3A_214 = arith.constant 0 : i32
        %dma_start3A_215 = tpu.memref_slice %arg11[%scan3A_164, %dma_start3A_214] : memref<128x128xf32, #tpu.memory_space<vmem>> -> memref<1x128xf32, #tpu.memory_space<vmem>>
        %dma_start3A_216 = tpu.memref_squeeze %dma_start3A_215 : memref<1x128xf32, #tpu.memory_space<vmem>> -> memref<128xf32, #tpu.memory_space<vmem>>
        %dma_start3A_217 = tpu.memref_slice %arg2[%mul3A_210] : memref<35389440xf32, #tpu.memory_space<hbm>> -> memref<128xf32, #tpu.memory_space<hbm>>
        tpu.enqueue_dma source(%dma_start3A_217 : memref<128xf32, #tpu.memory_space<hbm>>) target(%dma_start3A_216 : memref<128xf32, #tpu.memory_space<vmem>>) target_semaphore(%arg15 : memref<!tpu.dma_semaphore, #tpu.memory_space<semaphore_mem>>)
        %scan3A_218 = arith.constant 0 : i32
        scf.yield %scan3A_218 : i32
      }
      %scan3A_105 = arith.constant 32 : i32
      %dma_wait3A_106 = arith.constant 0 : i32
      %dma_wait3A_107 = tpu.memref_slice %arg2[%dma_wait3A_106] : memref<35389440xf32, #tpu.memory_space<hbm>> -> memref<4096xf32, #tpu.memory_space<hbm>>
      %dma_wait3A_108 = arith.constant 0 : i32
      %dma_wait3A_109 = tpu.memref_slice %arg2[%dma_wait3A_108] : memref<35389440xf32, #tpu.memory_space<hbm>> -> memref<4096xf32, #tpu.memory_space<hbm>>
      tpu.wait_dma2 semaphore(%arg15 : memref<!tpu.dma_semaphore, #tpu.memory_space<semaphore_mem>>) src(%dma_wait3A_109 : memref<4096xf32, #tpu.memory_space<hbm>>) dst(%arg12 : memref<4096xf32, #tpu.memory_space<vmem>>)
      %scan3A_110 = arith.constant 0 : i32
      %scan3A_111 = arith.constant 64 : i32
      %scan3A_112 = arith.constant 32 : i32
      %scan3A_113 = arith.addi %scan3A_111, %scan3A_112 : i32
      %scan3A_114 = arith.constant 1 : i32
      %scan3A_115 = scf.for %scan3A_164 = %scan3A_111 to %scan3A_113 step %scan3A_114 iter_args(%scan3A_165 = %scan3A_110) -> (i32)  : i32 {
        %jit3A_166 = arith.constant 16 : i32
        %div3A_167 = arith.divsi %scan3A_164, %jit3A_166 : i32
        %sign3A_168 = arith.constant 0 : i32
        %sign3A_169 = arith.cmpi sgt, %scan3A_164, %sign3A_168 : i32
        %sign3A_170 = arith.extui %sign3A_169 : i1 to i32
        %sign3A_171 = arith.constant 0 : i32
        %sign3A_172 = arith.cmpi slt, %scan3A_164, %sign3A_171 : i32
        %sign3A_173 = arith.extui %sign3A_172 : i1 to i32
        %sign3A_174 = arith.subi %sign3A_170, %sign3A_173 : i32
        %sign3A_175 = arith.constant 0 : i32
        %sign3A_176 = arith.cmpi sgt, %jit3A_166, %sign3A_175 : i32
        %sign3A_177 = arith.extui %sign3A_176 : i1 to i32
        %sign3A_178 = arith.constant 0 : i32
        %sign3A_179 = arith.cmpi slt, %jit3A_166, %sign3A_178 : i32
        %sign3A_180 = arith.extui %sign3A_179 : i1 to i32
        %sign3A_181 = arith.subi %sign3A_177, %sign3A_180 : i32
        %ne3A_182 = arith.cmpi ne, %sign3A_174, %sign3A_181 : i32
        %rem3A_183 = arith.remsi %scan3A_164, %jit3A_166 : i32
        %ne3A_184 = arith.constant 0 : i32
        %ne3A_185 = arith.cmpi ne, %rem3A_183, %ne3A_184 : i32
        %and3A_186 = arith.andi %ne3A_182, %ne3A_185 : i1
        %sub3A_187 = arith.constant 1 : i32
        %sub3A_188 = arith.subi %div3A_167, %sub3A_187 : i32
        %select_n3A_189 = arith.select %and3A_186, %sub3A_188, %div3A_167 : i32
        %mul3A_190 = arith.constant 16 : i32
        %mul3A_191 = arith.muli %select_n3A_189, %mul3A_190 : i32
        %get3A_192 = arith.index_cast %while3A_87 : i32 to index
        %get3A_193 = arith.index_cast %mul3A_191 : i32 to index
        %get3A_194 = tpu.vector_load %arg8[%get3A_192, %get3A_193] {strides = array<i32>} : memref<68x128xi32, #tpu.memory_space<vmem>>, vector<16xi32>,
        %iota3A_195 = tpu.iota {dimensions = array<i32: 0>} : vector<16xi32>
        %and3A_196 = arith.constant 15 : i32
        %and3A_197 = arith.andi %scan3A_164, %and3A_196 : i32
        %eq3A = vector.broadcast %and3A_197 : i32 to vector<16xi32>
        %eq3A_198 = arith.cmpi eq, %iota3A_195, %eq3A : vector<16xi32>
        %jit3A_199 = arith.constant 0 : i32
        %broadcast_in_dim3A = vector.broadcast %jit3A_199 : i32 to vector<16xi32>
        %select_n3A_200 = arith.select %eq3A_198, %get3A_194, %broadcast_in_dim3A : vector<16xi1>, vector<16xi32>
        %reduce_max3A_201 = arith.constant true
        %reduce_max3A_202 = vector.broadcast %reduce_max3A_201 : i1 to vector<16xi1>
        %reduce_max3A_203 = arith.constant -2147483648 : i32
        %reduce_max3A_204 = vector.broadcast %reduce_max3A_203 : i32 to vector<16xi32>
        %reduce_max3A_205 = arith.xori %select_n3A_200, %reduce_max3A_204 : vector<16xi32>
        %reduce_max3A_206 = tpu.scan <max>, %reduce_max3A_205 masked %reduce_max3A_202 : vector<16xi32>, vector<16xi1> -> vector<16xi32>
        %reduce_max3A_207 = arith.xori %reduce_max3A_206, %reduce_max3A_204 : vector<16xi32>
        %reduce_max3A_208 = vector.extract %reduce_max3A_207[15] : i32 from vector<16xi32>
        %mul3A_209 = arith.constant 128 : i32
        %mul3A_210 = arith.muli %reduce_max3A_208, %mul3A_209 : i32
        %dma_start3A = arith.constant 0 : i32
        %dma_start3A_211 = tpu.memref_slice %arg11[%scan3A_164, %dma_start3A] : memref<128x128xf32, #tpu.memory_space<vmem>> -> memref<1x128xf32, #tpu.memory_space<vmem>>
        %dma_start3A_212 = tpu.memref_squeeze %dma_start3A_211 : memref<1x128xf32, #tpu.memory_space<vmem>> -> memref<128xf32, #tpu.memory_space<vmem>>
        %dma_start3A_213 = tpu.memref_slice %arg2[%mul3A_210] : memref<35389440xf32, #tpu.memory_space<hbm>> -> memref<128xf32, #tpu.memory_space<hbm>>
        %dma_start3A_214 = arith.constant 0 : i32
        %dma_start3A_215 = tpu.memref_slice %arg11[%scan3A_164, %dma_start3A_214] : memref<128x128xf32, #tpu.memory_space<vmem>> -> memref<1x128xf32, #tpu.memory_space<vmem>>
        %dma_start3A_216 = tpu.memref_squeeze %dma_start3A_215 : memref<1x128xf32, #tpu.memory_space<vmem>> -> memref<128xf32, #tpu.memory_space<vmem>>
        %dma_start3A_217 = tpu.memref_slice %arg2[%mul3A_210] : memref<35389440xf32, #tpu.memory_space<hbm>> -> memref<128xf32, #tpu.memory_space<hbm>>
        tpu.enqueue_dma source(%dma_start3A_217 : memref<128xf32, #tpu.memory_space<hbm>>) target(%dma_start3A_216 : memref<128xf32, #tpu.memory_space<vmem>>) target_semaphore(%arg15 : memref<!tpu.dma_semaphore, #tpu.memory_space<semaphore_mem>>)
        %scan3A_218 = arith.constant 0 : i32
        scf.yield %scan3A_218 : i32
      }
      %scan3A_116 = arith.constant 32 : i32
      %dma_wait3A_117 = arith.constant 0 : i32
      %dma_wait3A_118 = tpu.memref_slice %arg2[%dma_wait3A_117] : memref<35389440xf32, #tpu.memory_space<hbm>> -> memref<4096xf32, #tpu.memory_space<hbm>>
      %dma_wait3A_119 = arith.constant 0 : i32
      %dma_wait3A_120 = tpu.memref_slice %arg2[%dma_wait3A_119] : memref<35389440xf32, #tpu.memory_space<hbm>> -> memref<4096xf32, #tpu.memory_space<hbm>>
      tpu.wait_dma2 semaphore(%arg15 : memref<!tpu.dma_semaphore, #tpu.memory_space<semaphore_mem>>) src(%dma_wait3A_120 : memref<4096xf32, #tpu.memory_space<hbm>>) dst(%arg12 : memref<4096xf32, #tpu.memory_space<vmem>>)
      %scan3A_121 = arith.constant 0 : i32
      %scan3A_122 = arith.constant 96 : i32
      %scan3A_123 = arith.constant 32 : i32
      %scan3A_124 = arith.addi %scan3A_122, %scan3A_123 : i32
      %scan3A_125 = arith.constant 1 : i32
      %scan3A_126 = scf.for %scan3A_164 = %scan3A_122 to %scan3A_124 step %scan3A_125 iter_args(%scan3A_165 = %scan3A_121) -> (i32)  : i32 {
        %jit3A_166 = arith.constant 16 : i32
        %div3A_167 = arith.divsi %scan3A_164, %jit3A_166 : i32
        %sign3A_168 = arith.constant 0 : i32
        %sign3A_169 = arith.cmpi sgt, %scan3A_164, %sign3A_168 : i32
        %sign3A_170 = arith.extui %sign3A_169 : i1 to i32
        %sign3A_171 = arith.constant 0 : i32
        %sign3A_172 = arith.cmpi slt, %scan3A_164, %sign3A_171 : i32
        %sign3A_173 = arith.extui %sign3A_172 : i1 to i32
        %sign3A_174 = arith.subi %sign3A_170, %sign3A_173 : i32
        %sign3A_175 = arith.constant 0 : i32
        %sign3A_176 = arith.cmpi sgt, %jit3A_166, %sign3A_175 : i32
        %sign3A_177 = arith.extui %sign3A_176 : i1 to i32
        %sign3A_178 = arith.constant 0 : i32
        %sign3A_179 = arith.cmpi slt, %jit3A_166, %sign3A_178 : i32
        %sign3A_180 = arith.extui %sign3A_179 : i1 to i32
        %sign3A_181 = arith.subi %sign3A_177, %sign3A_180 : i32
        %ne3A_182 = arith.cmpi ne, %sign3A_174, %sign3A_181 : i32
        %rem3A_183 = arith.remsi %scan3A_164, %jit3A_166 : i32
        %ne3A_184 = arith.constant 0 : i32
        %ne3A_185 = arith.cmpi ne, %rem3A_183, %ne3A_184 : i32
        %and3A_186 = arith.andi %ne3A_182, %ne3A_185 : i1
        %sub3A_187 = arith.constant 1 : i32
        %sub3A_188 = arith.subi %div3A_167, %sub3A_187 : i32
        %select_n3A_189 = arith.select %and3A_186, %sub3A_188, %div3A_167 : i32
        %mul3A_190 = arith.constant 16 : i32
        %mul3A_191 = arith.muli %select_n3A_189, %mul3A_190 : i32
        %get3A_192 = arith.index_cast %while3A_87 : i32 to index
        %get3A_193 = arith.index_cast %mul3A_191 : i32 to index
        %get3A_194 = tpu.vector_load %arg8[%get3A_192, %get3A_193] {strides = array<i32>} : memref<68x128xi32, #tpu.memory_space<vmem>>, vector<16xi32>,
        %iota3A_195 = tpu.iota {dimensions = array<i32: 0>} : vector<16xi32>
        %and3A_196 = arith.constant 15 : i32
        %and3A_197 = arith.andi %scan3A_164, %and3A_196 : i32
        %eq3A = vector.broadcast %and3A_197 : i32 to vector<16xi32>
        %eq3A_198 = arith.cmpi eq, %iota3A_195, %eq3A : vector<16xi32>
        %jit3A_199 = arith.constant 0 : i32
        %broadcast_in_dim3A = vector.broadcast %jit3A_199 : i32 to vector<16xi32>
        %select_n3A_200 = arith.select %eq3A_198, %get3A_194, %broadcast_in_dim3A : vector<16xi1>, vector<16xi32>
        %reduce_max3A_201 = arith.constant true
        %reduce_max3A_202 = vector.broadcast %reduce_max3A_201 : i1 to vector<16xi1>
        %reduce_max3A_203 = arith.constant -2147483648 : i32
        %reduce_max3A_204 = vector.broadcast %reduce_max3A_203 : i32 to vector<16xi32>
        %reduce_max3A_205 = arith.xori %select_n3A_200, %reduce_max3A_204 : vector<16xi32>
        %reduce_max3A_206 = tpu.scan <max>, %reduce_max3A_205 masked %reduce_max3A_202 : vector<16xi32>, vector<16xi1> -> vector<16xi32>
        %reduce_max3A_207 = arith.xori %reduce_max3A_206, %reduce_max3A_204 : vector<16xi32>
        %reduce_max3A_208 = vector.extract %reduce_max3A_207[15] : i32 from vector<16xi32>
        %mul3A_209 = arith.constant 128 : i32
        %mul3A_210 = arith.muli %reduce_max3A_208, %mul3A_209 : i32
        %dma_start3A = arith.constant 0 : i32
        %dma_start3A_211 = tpu.memref_slice %arg11[%scan3A_164, %dma_start3A] : memref<128x128xf32, #tpu.memory_space<vmem>> -> memref<1x128xf32, #tpu.memory_space<vmem>>
        %dma_start3A_212 = tpu.memref_squeeze %dma_start3A_211 : memref<1x128xf32, #tpu.memory_space<vmem>> -> memref<128xf32, #tpu.memory_space<vmem>>
        %dma_start3A_213 = tpu.memref_slice %arg2[%mul3A_210] : memref<35389440xf32, #tpu.memory_space<hbm>> -> memref<128xf32, #tpu.memory_space<hbm>>
        %dma_start3A_214 = arith.constant 0 : i32
        %dma_start3A_215 = tpu.memref_slice %arg11[%scan3A_164, %dma_start3A_214] : memref<128x128xf32, #tpu.memory_space<vmem>> -> memref<1x128xf32, #tpu.memory_space<vmem>>
        %dma_start3A_216 = tpu.memref_squeeze %dma_start3A_215 : memref<1x128xf32, #tpu.memory_space<vmem>> -> memref<128xf32, #tpu.memory_space<vmem>>
        %dma_start3A_217 = tpu.memref_slice %arg2[%mul3A_210] : memref<35389440xf32, #tpu.memory_space<hbm>> -> memref<128xf32, #tpu.memory_space<hbm>>
        tpu.enqueue_dma source(%dma_start3A_217 : memref<128xf32, #tpu.memory_space<hbm>>) target(%dma_start3A_216 : memref<128xf32, #tpu.memory_space<vmem>>) target_semaphore(%arg15 : memref<!tpu.dma_semaphore, #tpu.memory_space<semaphore_mem>>)
        %scan3A_218 = arith.constant 0 : i32
        scf.yield %scan3A_218 : i32
      }
      %scan3A_127 = arith.constant 32 : i32
      %dma_wait3A_128 = arith.constant 0 : i32
      %dma_wait3A_129 = tpu.memref_slice %arg2[%dma_wait3A_128] : memref<35389440xf32, #tpu.memory_space<hbm>> -> memref<4096xf32, #tpu.memory_space<hbm>>
      %dma_wait3A_130 = arith.constant 0 : i32
      %dma_wait3A_131 = tpu.memref_slice %arg2[%dma_wait3A_130] : memref<35389440xf32, #tpu.memory_space<hbm>> -> memref<4096xf32, #tpu.memory_space<hbm>>
      tpu.wait_dma2 semaphore(%arg15 : memref<!tpu.dma_semaphore, #tpu.memory_space<semaphore_mem>>) src(%dma_wait3A_131 : memref<4096xf32, #tpu.memory_space<hbm>>) dst(%arg12 : memref<4096xf32, #tpu.memory_space<vmem>>)
      %get3A_132 = arith.index_cast %while3A_87 : i32 to index
      %get3A_133 = arith.constant 0 : index
      %get3A_134 = tpu.vector_load %arg9[%get3A_132, %get3A_133] {strides = array<i32>} : memref<68x128xi32, #tpu.memory_space<vmem>>, vector<16xi32>,
      %get3A_135 = arith.index_cast %while3A_87 : i32 to index
      %get3A_136 = arith.constant 16 : index
      %get3A_137 = tpu.vector_load %arg9[%get3A_135, %get3A_136] {strides = array<i32>} : memref<68x128xi32, #tpu.memory_space<vmem>>, vector<16xi32>,
      %get3A_138 = arith.index_cast %while3A_87 : i32 to index
      %get3A_139 = arith.constant 32 : index
      %get3A_140 = tpu.vector_load %arg9[%get3A_138, %get3A_139] {strides = array<i32>} : memref<68x128xi32, #tpu.memory_space<vmem>>, vector<16xi32>,
      %get3A_141 = arith.index_cast %while3A_87 : i32 to index
      %get3A_142 = arith.constant 48 : index
      %get3A_143 = tpu.vector_load %arg9[%get3A_141, %get3A_142] {strides = array<i32>} : memref<68x128xi32, #tpu.memory_space<vmem>>, vector<16xi32>,
      %get3A_144 = arith.index_cast %while3A_87 : i32 to index
      %get3A_145 = arith.constant 64 : index
      %get3A_146 = tpu.vector_load %arg9[%get3A_144, %get3A_145] {strides = array<i32>} : memref<68x128xi32, #tpu.memory_space<vmem>>, vector<16xi32>,
      %get3A_147 = arith.index_cast %while3A_87 : i32 to index
      %get3A_148 = arith.constant 80 : index
      %get3A_149 = tpu.vector_load %arg9[%get3A_147, %get3A_148] {strides = array<i32>} : memref<68x128xi32, #tpu.memory_space<vmem>>, vector<16xi32>,
      %get3A_150 = arith.index_cast %while3A_87 : i32 to index
      %get3A_151 = arith.constant 96 : index
      %get3A_152 = tpu.vector_load %arg9[%get3A_150, %get3A_151] {strides = array<i32>} : memref<68x128xi32, #tpu.memory_space<vmem>>, vector<16xi32>,
      %get3A_153 = arith.index_cast %while3A_87 : i32 to index
      %get3A_154 = arith.constant 112 : index
      %get3A_155 = tpu.vector_load %arg9[%get3A_153, %get3A_154] {strides = array<i32>} : memref<68x128xi32, #tpu.memory_space<vmem>>, vector<16xi32>,
      %scan3A_156 = arith.constant 0 : i32
      %scan3A_157 = arith.constant 0 : i32
      %scan3A_158 = arith.constant 128 : i32
      %scan3A_159 = arith.addi %scan3A_157, %scan3A_158 : i32
      %scan3A_160 = arith.constant 1 : i32
      %scan3A_161 = scf.for %scan3A_164 = %scan3A_157 to %scan3A_159 step %scan3A_160 iter_args(%scan3A_165 = %scan3A_156) -> (i32)  : i32 {
        %broadcast_in_dim3A = arith.constant 0 : i32
        %broadcast_in_dim3A_166 = vector.broadcast %broadcast_in_dim3A : i32 to vector<16xi32>
        %add3A_167 = vector.broadcast %scan3A_164 : i32 to vector<16xi32>
        %add3A_168 = arith.addi %broadcast_in_dim3A_166, %add3A_167 : vector<16xi32>
        %gather3A = tpu.vector_load_idx %arg11[%add3A_45, %add3A_168] : memref<128x128xf32, #tpu.memory_space<vmem>>[vector<16xi32>, vector<16xi32>], vector<16xf32>,
        %gather3A_169 = tpu.vector_load_idx %arg11[%add3A_49, %add3A_168] : memref<128x128xf32, #tpu.memory_space<vmem>>[vector<16xi32>, vector<16xi32>], vector<16xf32>,
        %gather3A_170 = tpu.vector_load_idx %arg11[%add3A_53, %add3A_168] : memref<128x128xf32, #tpu.memory_space<vmem>>[vector<16xi32>, vector<16xi32>], vector<16xf32>,
        %gather3A_171 = tpu.vector_load_idx %arg11[%add3A_57, %add3A_168] : memref<128x128xf32, #tpu.memory_space<vmem>>[vector<16xi32>, vector<16xi32>], vector<16xf32>,
        %gather3A_172 = tpu.vector_load_idx %arg11[%add3A_61, %add3A_168] : memref<128x128xf32, #tpu.memory_space<vmem>>[vector<16xi32>, vector<16xi32>], vector<16xf32>,
        %gather3A_173 = tpu.vector_load_idx %arg11[%add3A_65, %add3A_168] : memref<128x128xf32, #tpu.memory_space<vmem>>[vector<16xi32>, vector<16xi32>], vector<16xf32>,
        %gather3A_174 = tpu.vector_load_idx %arg11[%add3A_69, %add3A_168] : memref<128x128xf32, #tpu.memory_space<vmem>>[vector<16xi32>, vector<16xi32>], vector<16xf32>,
        %gather3A_175 = tpu.vector_load_idx %arg11[%add3A_73, %add3A_168] : memref<128x128xf32, #tpu.memory_space<vmem>>[vector<16xi32>, vector<16xi32>], vector<16xf32>,
        tpu.vector_store_idx %arg14[%get3A_134, %add3A_168], %gather3A {add = true} : memref<321x128xf32, #tpu.memory_space<vmem>>[vector<16xi32>, vector<16xi32>], vector<16xf32>,
        tpu.vector_store_idx %arg14[%get3A_137, %add3A_168], %gather3A_169 {add = true} : memref<321x128xf32, #tpu.memory_space<vmem>>[vector<16xi32>, vector<16xi32>], vector<16xf32>,
        tpu.vector_store_idx %arg14[%get3A_140, %add3A_168], %gather3A_170 {add = true} : memref<321x128xf32, #tpu.memory_space<vmem>>[vector<16xi32>, vector<16xi32>], vector<16xf32>,
        tpu.vector_store_idx %arg14[%get3A_143, %add3A_168], %gather3A_171 {add = true} : memref<321x128xf32, #tpu.memory_space<vmem>>[vector<16xi32>, vector<16xi32>], vector<16xf32>,
        tpu.vector_store_idx %arg14[%get3A_146, %add3A_168], %gather3A_172 {add = true} : memref<321x128xf32, #tpu.memory_space<vmem>>[vector<16xi32>, vector<16xi32>], vector<16xf32>,
        tpu.vector_store_idx %arg14[%get3A_149, %add3A_168], %gather3A_173 {add = true} : memref<321x128xf32, #tpu.memory_space<vmem>>[vector<16xi32>, vector<16xi32>], vector<16xf32>,
        tpu.vector_store_idx %arg14[%get3A_152, %add3A_168], %gather3A_174 {add = true} : memref<321x128xf32, #tpu.memory_space<vmem>>[vector<16xi32>, vector<16xi32>], vector<16xf32>,
        tpu.vector_store_idx %arg14[%get3A_155, %add3A_168], %gather3A_175 {add = true} : memref<321x128xf32, #tpu.memory_space<vmem>>[vector<16xi32>, vector<16xi32>], vector<16xf32>,
        %scan3A_176 = arith.constant 0 : i32
        scf.yield %scan3A_176 : i32
      }
      %scan3A_162 = arith.constant 128 : i32
      %while3A_163 = arith.constant 0 : i32
      scf.yield %while3A_163 : i32
    }
    %while3A_83 = arith.constant 1 : i32
    %while3A_84 = scf.for %while3A_87 = %while3A_80 to %while3A_76 step %while3A_83 iter_args(%while3A_88 = %while3A_82) -> (i32)  : i32 {
      %scan3A_89 = arith.constant 0 : i32
      %scan3A_90 = arith.constant 0 : i32
      %scan3A_91 = arith.constant 32 : i32
      %scan3A_92 = arith.addi %scan3A_90, %scan3A_91 : i32
      %scan3A_93 = arith.constant 1 : i32
      %scan3A_94 = scf.for %scan3A_164 = %scan3A_90 to %scan3A_92 step %scan3A_93 iter_args(%scan3A_165 = %scan3A_89) -> (i32)  : i32 {
        %jit3A_166 = arith.constant 16 : i32
        %div3A_167 = arith.divsi %scan3A_164, %jit3A_166 : i32
        %sign3A_168 = arith.constant 0 : i32
        %sign3A_169 = arith.cmpi sgt, %scan3A_164, %sign3A_168 : i32
        %sign3A_170 = arith.extui %sign3A_169 : i1 to i32
        %sign3A_171 = arith.constant 0 : i32
        %sign3A_172 = arith.cmpi slt, %scan3A_164, %sign3A_171 : i32
        %sign3A_173 = arith.extui %sign3A_172 : i1 to i32
        %sign3A_174 = arith.subi %sign3A_170, %sign3A_173 : i32
        %sign3A_175 = arith.constant 0 : i32
        %sign3A_176 = arith.cmpi sgt, %jit3A_166, %sign3A_175 : i32
        %sign3A_177 = arith.extui %sign3A_176 : i1 to i32
        %sign3A_178 = arith.constant 0 : i32
        %sign3A_179 = arith.cmpi slt, %jit3A_166, %sign3A_178 : i32
        %sign3A_180 = arith.extui %sign3A_179 : i1 to i32
        %sign3A_181 = arith.subi %sign3A_177, %sign3A_180 : i32
        %ne3A_182 = arith.cmpi ne, %sign3A_174, %sign3A_181 : i32
        %rem3A_183 = arith.remsi %scan3A_164, %jit3A_166 : i32
        %ne3A_184 = arith.constant 0 : i32
        %ne3A_185 = arith.cmpi ne, %rem3A_183, %ne3A_184 : i32
        %and3A_186 = arith.andi %ne3A_182, %ne3A_185 : i1
        %sub3A_187 = arith.constant 1 : i32
        %sub3A_188 = arith.subi %div3A_167, %sub3A_187 : i32
        %select_n3A_189 = arith.select %and3A_186, %sub3A_188, %div3A_167 : i32
        %mul3A_190 = arith.constant 16 : i32
        %mul3A_191 = arith.muli %select_n3A_189, %mul3A_190 : i32
        %get3A_192 = arith.index_cast %while3A_87 : i32 to index
        %get3A_193 = arith.index_cast %mul3A_191 : i32 to index
        %get3A_194 = tpu.vector_load %arg8[%get3A_192, %get3A_193] {strides = array<i32>} : memref<68x128xi32, #tpu.memory_space<vmem>>, vector<16xi32>,
        %iota3A_195 = tpu.iota {dimensions = array<i32: 0>} : vector<16xi32>
        %and3A_196 = arith.constant 15 : i32
        %and3A_197 = arith.andi %scan3A_164, %and3A_196 : i32
        %eq3A = vector.broadcast %and3A_197 : i32 to vector<16xi32>
        %eq3A_198 = arith.cmpi eq, %iota3A_195, %eq3A : vector<16xi32>
        %jit3A_199 = arith.constant 0 : i32
        %broadcast_in_dim3A = vector.broadcast %jit3A_199 : i32 to vector<16xi32>
        %select_n3A_200 = arith.select %eq3A_198, %get3A_194, %broadcast_in_dim3A : vector<16xi1>, vector<16xi32>
        %reduce_max3A_201 = arith.constant true
        %reduce_max3A_202 = vector.broadcast %reduce_max3A_201 : i1 to vector<16xi1>
        %reduce_max3A_203 = arith.constant -2147483648 : i32
        %reduce_max3A_204 = vector.broadcast %reduce_max3A_203 : i32 to vector<16xi32>
        %reduce_max3A_205 = arith.xori %select_n3A_200, %reduce_max3A_204 : vector<16xi32>
        %reduce_max3A_206 = tpu.scan <max>, %reduce_max3A_205 masked %reduce_max3A_202 : vector<16xi32>, vector<16xi1> -> vector<16xi32>
        %reduce_max3A_207 = arith.xori %reduce_max3A_206, %reduce_max3A_204 : vector<16xi32>
        %reduce_max3A_208 = vector.extract %reduce_max3A_207[15] : i32 from vector<16xi32>
        %mul3A_209 = arith.constant 128 : i32
        %mul3A_210 = arith.muli %reduce_max3A_208, %mul3A_209 : i32
        %dma_start3A = arith.constant 0 : i32
        %dma_start3A_211 = tpu.memref_slice %arg11[%scan3A_164, %dma_start3A] : memref<128x128xf32, #tpu.memory_space<vmem>> -> memref<1x128xf32, #tpu.memory_space<vmem>>
        %dma_start3A_212 = tpu.memref_squeeze %dma_start3A_211 : memref<1x128xf32, #tpu.memory_space<vmem>> -> memref<128xf32, #tpu.memory_space<vmem>>
        %dma_start3A_213 = tpu.memref_slice %arg2[%mul3A_210] : memref<35389440xf32, #tpu.memory_space<hbm>> -> memref<128xf32, #tpu.memory_space<hbm>>
        %dma_start3A_214 = arith.constant 0 : i32
        %dma_start3A_215 = tpu.memref_slice %arg11[%scan3A_164, %dma_start3A_214] : memref<128x128xf32, #tpu.memory_space<vmem>> -> memref<1x128xf32, #tpu.memory_space<vmem>>
        %dma_start3A_216 = tpu.memref_squeeze %dma_start3A_215 : memref<1x128xf32, #tpu.memory_space<vmem>> -> memref<128xf32, #tpu.memory_space<vmem>>
        %dma_start3A_217 = tpu.memref_slice %arg2[%mul3A_210] : memref<35389440xf32, #tpu.memory_space<hbm>> -> memref<128xf32, #tpu.memory_space<hbm>>
        tpu.enqueue_dma source(%dma_start3A_217 : memref<128xf32, #tpu.memory_space<hbm>>) target(%dma_start3A_216 : memref<128xf32, #tpu.memory_space<vmem>>) target_semaphore(%arg15 : memref<!tpu.dma_semaphore, #tpu.memory_space<semaphore_mem>>)
        %scan3A_218 = arith.constant 0 : i32
        scf.yield %scan3A_218 : i32
      }
      %scan3A_95 = arith.constant 32 : i32
      %dma_wait3A = arith.constant 0 : i32
      %dma_wait3A_96 = tpu.memref_slice %arg2[%dma_wait3A] : memref<35389440xf32, #tpu.memory_space<hbm>> -> memref<4096xf32, #tpu.memory_space<hbm>>
      %dma_wait3A_97 = arith.constant 0 : i32
      %dma_wait3A_98 = tpu.memref_slice %arg2[%dma_wait3A_97] : memref<35389440xf32, #tpu.memory_space<hbm>> -> memref<4096xf32, #tpu.memory_space<hbm>>
      tpu.wait_dma2 semaphore(%arg15 : memref<!tpu.dma_semaphore, #tpu.memory_space<semaphore_mem>>) src(%dma_wait3A_98 : memref<4096xf32, #tpu.memory_space<hbm>>) dst(%arg12 : memref<4096xf32, #tpu.memory_space<vmem>>)
      %scan3A_99 = arith.constant 0 : i32
      %scan3A_100 = arith.constant 32 : i32
      %scan3A_101 = arith.constant 32 : i32
      %scan3A_102 = arith.addi %scan3A_100, %scan3A_101 : i32
      %scan3A_103 = arith.constant 1 : i32
      %scan3A_104 = scf.for %scan3A_164 = %scan3A_100 to %scan3A_102 step %scan3A_103 iter_args(%scan3A_165 = %scan3A_99) -> (i32)  : i32 {
        %jit3A_166 = arith.constant 16 : i32
        %div3A_167 = arith.divsi %scan3A_164, %jit3A_166 : i32
        %sign3A_168 = arith.constant 0 : i32
        %sign3A_169 = arith.cmpi sgt, %scan3A_164, %sign3A_168 : i32
        %sign3A_170 = arith.extui %sign3A_169 : i1 to i32
        %sign3A_171 = arith.constant 0 : i32
        %sign3A_172 = arith.cmpi slt, %scan3A_164, %sign3A_171 : i32
        %sign3A_173 = arith.extui %sign3A_172 : i1 to i32
        %sign3A_174 = arith.subi %sign3A_170, %sign3A_173 : i32
        %sign3A_175 = arith.constant 0 : i32
        %sign3A_176 = arith.cmpi sgt, %jit3A_166, %sign3A_175 : i32
        %sign3A_177 = arith.extui %sign3A_176 : i1 to i32
        %sign3A_178 = arith.constant 0 : i32
        %sign3A_179 = arith.cmpi slt, %jit3A_166, %sign3A_178 : i32
        %sign3A_180 = arith.extui %sign3A_179 : i1 to i32
        %sign3A_181 = arith.subi %sign3A_177, %sign3A_180 : i32
        %ne3A_182 = arith.cmpi ne, %sign3A_174, %sign3A_181 : i32
        %rem3A_183 = arith.remsi %scan3A_164, %jit3A_166 : i32
        %ne3A_184 = arith.constant 0 : i32
        %ne3A_185 = arith.cmpi ne, %rem3A_183, %ne3A_184 : i32
        %and3A_186 = arith.andi %ne3A_182, %ne3A_185 : i1
        %sub3A_187 = arith.constant 1 : i32
        %sub3A_188 = arith.subi %div3A_167, %sub3A_187 : i32
        %select_n3A_189 = arith.select %and3A_186, %sub3A_188, %div3A_167 : i32
        %mul3A_190 = arith.constant 16 : i32
        %mul3A_191 = arith.muli %select_n3A_189, %mul3A_190 : i32
        %get3A_192 = arith.index_cast %while3A_87 : i32 to index
        %get3A_193 = arith.index_cast %mul3A_191 : i32 to index
        %get3A_194 = tpu.vector_load %arg8[%get3A_192, %get3A_193] {strides = array<i32>} : memref<68x128xi32, #tpu.memory_space<vmem>>, vector<16xi32>,
        %iota3A_195 = tpu.iota {dimensions = array<i32: 0>} : vector<16xi32>
        %and3A_196 = arith.constant 15 : i32
        %and3A_197 = arith.andi %scan3A_164, %and3A_196 : i32
        %eq3A = vector.broadcast %and3A_197 : i32 to vector<16xi32>
        %eq3A_198 = arith.cmpi eq, %iota3A_195, %eq3A : vector<16xi32>
        %jit3A_199 = arith.constant 0 : i32
        %broadcast_in_dim3A = vector.broadcast %jit3A_199 : i32 to vector<16xi32>
        %select_n3A_200 = arith.select %eq3A_198, %get3A_194, %broadcast_in_dim3A : vector<16xi1>, vector<16xi32>
        %reduce_max3A_201 = arith.constant true
        %reduce_max3A_202 = vector.broadcast %reduce_max3A_201 : i1 to vector<16xi1>
        %reduce_max3A_203 = arith.constant -2147483648 : i32
        %reduce_max3A_204 = vector.broadcast %reduce_max3A_203 : i32 to vector<16xi32>
        %reduce_max3A_205 = arith.xori %select_n3A_200, %reduce_max3A_204 : vector<16xi32>
        %reduce_max3A_206 = tpu.scan <max>, %reduce_max3A_205 masked %reduce_max3A_202 : vector<16xi32>, vector<16xi1> -> vector<16xi32>
        %reduce_max3A_207 = arith.xori %reduce_max3A_206, %reduce_max3A_204 : vector<16xi32>
        %reduce_max3A_208 = vector.extract %reduce_max3A_207[15] : i32 from vector<16xi32>
        %mul3A_209 = arith.constant 128 : i32
        %mul3A_210 = arith.muli %reduce_max3A_208, %mul3A_209 : i32
        %dma_start3A = arith.constant 0 : i32
        %dma_start3A_211 = tpu.memref_slice %arg11[%scan3A_164, %dma_start3A] : memref<128x128xf32, #tpu.memory_space<vmem>> -> memref<1x128xf32, #tpu.memory_space<vmem>>
        %dma_start3A_212 = tpu.memref_squeeze %dma_start3A_211 : memref<1x128xf32, #tpu.memory_space<vmem>> -> memref<128xf32, #tpu.memory_space<vmem>>
        %dma_start3A_213 = tpu.memref_slice %arg2[%mul3A_210] : memref<35389440xf32, #tpu.memory_space<hbm>> -> memref<128xf32, #tpu.memory_space<hbm>>
        %dma_start3A_214 = arith.constant 0 : i32
        %dma_start3A_215 = tpu.memref_slice %arg11[%scan3A_164, %dma_start3A_214] : memref<128x128xf32, #tpu.memory_space<vmem>> -> memref<1x128xf32, #tpu.memory_space<vmem>>
        %dma_start3A_216 = tpu.memref_squeeze %dma_start3A_215 : memref<1x128xf32, #tpu.memory_space<vmem>> -> memref<128xf32, #tpu.memory_space<vmem>>
        %dma_start3A_217 = tpu.memref_slice %arg2[%mul3A_210] : memref<35389440xf32, #tpu.memory_space<hbm>> -> memref<128xf32, #tpu.memory_space<hbm>>
        tpu.enqueue_dma source(%dma_start3A_217 : memref<128xf32, #tpu.memory_space<hbm>>) target(%dma_start3A_216 : memref<128xf32, #tpu.memory_space<vmem>>) target_semaphore(%arg15 : memref<!tpu.dma_semaphore, #tpu.memory_space<semaphore_mem>>)
        %scan3A_218 = arith.constant 0 : i32
        scf.yield %scan3A_218 : i32
      }
      %scan3A_105 = arith.constant 32 : i32
      %dma_wait3A_106 = arith.constant 0 : i32
      %dma_wait3A_107 = tpu.memref_slice %arg2[%dma_wait3A_106] : memref<35389440xf32, #tpu.memory_space<hbm>> -> memref<4096xf32, #tpu.memory_space<hbm>>
      %dma_wait3A_108 = arith.constant 0 : i32
      %dma_wait3A_109 = tpu.memref_slice %arg2[%dma_wait3A_108] : memref<35389440xf32, #tpu.memory_space<hbm>> -> memref<4096xf32, #tpu.memory_space<hbm>>
      tpu.wait_dma2 semaphore(%arg15 : memref<!tpu.dma_semaphore, #tpu.memory_space<semaphore_mem>>) src(%dma_wait3A_109 : memref<4096xf32, #tpu.memory_space<hbm>>) dst(%arg12 : memref<4096xf32, #tpu.memory_space<vmem>>)
      %scan3A_110 = arith.constant 0 : i32
      %scan3A_111 = arith.constant 64 : i32
      %scan3A_112 = arith.constant 32 : i32
      %scan3A_113 = arith.addi %scan3A_111, %scan3A_112 : i32
      %scan3A_114 = arith.constant 1 : i32
      %scan3A_115 = scf.for %scan3A_164 = %scan3A_111 to %scan3A_113 step %scan3A_114 iter_args(%scan3A_165 = %scan3A_110) -> (i32)  : i32 {
        %jit3A_166 = arith.constant 16 : i32
        %div3A_167 = arith.divsi %scan3A_164, %jit3A_166 : i32
        %sign3A_168 = arith.constant 0 : i32
        %sign3A_169 = arith.cmpi sgt, %scan3A_164, %sign3A_168 : i32
        %sign3A_170 = arith.extui %sign3A_169 : i1 to i32
        %sign3A_171 = arith.constant 0 : i32
        %sign3A_172 = arith.cmpi slt, %scan3A_164, %sign3A_171 : i32
        %sign3A_173 = arith.extui %sign3A_172 : i1 to i32
        %sign3A_174 = arith.subi %sign3A_170, %sign3A_173 : i32
        %sign3A_175 = arith.constant 0 : i32
        %sign3A_176 = arith.cmpi sgt, %jit3A_166, %sign3A_175 : i32
        %sign3A_177 = arith.extui %sign3A_176 : i1 to i32
        %sign3A_178 = arith.constant 0 : i32
        %sign3A_179 = arith.cmpi slt, %jit3A_166, %sign3A_178 : i32
        %sign3A_180 = arith.extui %sign3A_179 : i1 to i32
        %sign3A_181 = arith.subi %sign3A_177, %sign3A_180 : i32
        %ne3A_182 = arith.cmpi ne, %sign3A_174, %sign3A_181 : i32
        %rem3A_183 = arith.remsi %scan3A_164, %jit3A_166 : i32
        %ne3A_184 = arith.constant 0 : i32
        %ne3A_185 = arith.cmpi ne, %rem3A_183, %ne3A_184 : i32
        %and3A_186 = arith.andi %ne3A_182, %ne3A_185 : i1
        %sub3A_187 = arith.constant 1 : i32
        %sub3A_188 = arith.subi %div3A_167, %sub3A_187 : i32
        %select_n3A_189 = arith.select %and3A_186, %sub3A_188, %div3A_167 : i32
        %mul3A_190 = arith.constant 16 : i32
        %mul3A_191 = arith.muli %select_n3A_189, %mul3A_190 : i32
        %get3A_192 = arith.index_cast %while3A_87 : i32 to index
        %get3A_193 = arith.index_cast %mul3A_191 : i32 to index
        %get3A_194 = tpu.vector_load %arg8[%get3A_192, %get3A_193] {strides = array<i32>} : memref<68x128xi32, #tpu.memory_space<vmem>>, vector<16xi32>,
        %iota3A_195 = tpu.iota {dimensions = array<i32: 0>} : vector<16xi32>
        %and3A_196 = arith.constant 15 : i32
        %and3A_197 = arith.andi %scan3A_164, %and3A_196 : i32
        %eq3A = vector.broadcast %and3A_197 : i32 to vector<16xi32>
        %eq3A_198 = arith.cmpi eq, %iota3A_195, %eq3A : vector<16xi32>
        %jit3A_199 = arith.constant 0 : i32
        %broadcast_in_dim3A = vector.broadcast %jit3A_199 : i32 to vector<16xi32>
        %select_n3A_200 = arith.select %eq3A_198, %get3A_194, %broadcast_in_dim3A : vector<16xi1>, vector<16xi32>
        %reduce_max3A_201 = arith.constant true
        %reduce_max3A_202 = vector.broadcast %reduce_max3A_201 : i1 to vector<16xi1>
        %reduce_max3A_203 = arith.constant -2147483648 : i32
        %reduce_max3A_204 = vector.broadcast %reduce_max3A_203 : i32 to vector<16xi32>
        %reduce_max3A_205 = arith.xori %select_n3A_200, %reduce_max3A_204 : vector<16xi32>
        %reduce_max3A_206 = tpu.scan <max>, %reduce_max3A_205 masked %reduce_max3A_202 : vector<16xi32>, vector<16xi1> -> vector<16xi32>
        %reduce_max3A_207 = arith.xori %reduce_max3A_206, %reduce_max3A_204 : vector<16xi32>
        %reduce_max3A_208 = vector.extract %reduce_max3A_207[15] : i32 from vector<16xi32>
        %mul3A_209 = arith.constant 128 : i32
        %mul3A_210 = arith.muli %reduce_max3A_208, %mul3A_209 : i32
        %dma_start3A = arith.constant 0 : i32
        %dma_start3A_211 = tpu.memref_slice %arg11[%scan3A_164, %dma_start3A] : memref<128x128xf32, #tpu.memory_space<vmem>> -> memref<1x128xf32, #tpu.memory_space<vmem>>
        %dma_start3A_212 = tpu.memref_squeeze %dma_start3A_211 : memref<1x128xf32, #tpu.memory_space<vmem>> -> memref<128xf32, #tpu.memory_space<vmem>>
        %dma_start3A_213 = tpu.memref_slice %arg2[%mul3A_210] : memref<35389440xf32, #tpu.memory_space<hbm>> -> memref<128xf32, #tpu.memory_space<hbm>>
        %dma_start3A_214 = arith.constant 0 : i32
        %dma_start3A_215 = tpu.memref_slice %arg11[%scan3A_164, %dma_start3A_214] : memref<128x128xf32, #tpu.memory_space<vmem>> -> memref<1x128xf32, #tpu.memory_space<vmem>>
        %dma_start3A_216 = tpu.memref_squeeze %dma_start3A_215 : memref<1x128xf32, #tpu.memory_space<vmem>> -> memref<128xf32, #tpu.memory_space<vmem>>
        %dma_start3A_217 = tpu.memref_slice %arg2[%mul3A_210] : memref<35389440xf32, #tpu.memory_space<hbm>> -> memref<128xf32, #tpu.memory_space<hbm>>
        tpu.enqueue_dma source(%dma_start3A_217 : memref<128xf32, #tpu.memory_space<hbm>>) target(%dma_start3A_216 : memref<128xf32, #tpu.memory_space<vmem>>) target_semaphore(%arg15 : memref<!tpu.dma_semaphore, #tpu.memory_space<semaphore_mem>>)
        %scan3A_218 = arith.constant 0 : i32
        scf.yield %scan3A_218 : i32
      }
      %scan3A_116 = arith.constant 32 : i32
      %dma_wait3A_117 = arith.constant 0 : i32
      %dma_wait3A_118 = tpu.memref_slice %arg2[%dma_wait3A_117] : memref<35389440xf32, #tpu.memory_space<hbm>> -> memref<4096xf32, #tpu.memory_space<hbm>>
      %dma_wait3A_119 = arith.constant 0 : i32
      %dma_wait3A_120 = tpu.memref_slice %arg2[%dma_wait3A_119] : memref<35389440xf32, #tpu.memory_space<hbm>> -> memref<4096xf32, #tpu.memory_space<hbm>>
      tpu.wait_dma2 semaphore(%arg15 : memref<!tpu.dma_semaphore, #tpu.memory_space<semaphore_mem>>) src(%dma_wait3A_120 : memref<4096xf32, #tpu.memory_space<hbm>>) dst(%arg12 : memref<4096xf32, #tpu.memory_space<vmem>>)
      %scan3A_121 = arith.constant 0 : i32
      %scan3A_122 = arith.constant 96 : i32
      %scan3A_123 = arith.constant 32 : i32
      %scan3A_124 = arith.addi %scan3A_122, %scan3A_123 : i32
      %scan3A_125 = arith.constant 1 : i32
      %scan3A_126 = scf.for %scan3A_164 = %scan3A_122 to %scan3A_124 step %scan3A_125 iter_args(%scan3A_165 = %scan3A_121) -> (i32)  : i32 {
        %jit3A_166 = arith.constant 16 : i32
        %div3A_167 = arith.divsi %scan3A_164, %jit3A_166 : i32
        %sign3A_168 = arith.constant 0 : i32
        %sign3A_169 = arith.cmpi sgt, %scan3A_164, %sign3A_168 : i32
        %sign3A_170 = arith.extui %sign3A_169 : i1 to i32
        %sign3A_171 = arith.constant 0 : i32
        %sign3A_172 = arith.cmpi slt, %scan3A_164, %sign3A_171 : i32
        %sign3A_173 = arith.extui %sign3A_172 : i1 to i32
        %sign3A_174 = arith.subi %sign3A_170, %sign3A_173 : i32
        %sign3A_175 = arith.constant 0 : i32
        %sign3A_176 = arith.cmpi sgt, %jit3A_166, %sign3A_175 : i32
        %sign3A_177 = arith.extui %sign3A_176 : i1 to i32
        %sign3A_178 = arith.constant 0 : i32
        %sign3A_179 = arith.cmpi slt, %jit3A_166, %sign3A_178 : i32
        %sign3A_180 = arith.extui %sign3A_179 : i1 to i32
        %sign3A_181 = arith.subi %sign3A_177, %sign3A_180 : i32
        %ne3A_182 = arith.cmpi ne, %sign3A_174, %sign3A_181 : i32
        %rem3A_183 = arith.remsi %scan3A_164, %jit3A_166 : i32
        %ne3A_184 = arith.constant 0 : i32
        %ne3A_185 = arith.cmpi ne, %rem3A_183, %ne3A_184 : i32
        %and3A_186 = arith.andi %ne3A_182, %ne3A_185 : i1
        %sub3A_187 = arith.constant 1 : i32
        %sub3A_188 = arith.subi %div3A_167, %sub3A_187 : i32
        %select_n3A_189 = arith.select %and3A_186, %sub3A_188, %div3A_167 : i32
        %mul3A_190 = arith.constant 16 : i32
        %mul3A_191 = arith.muli %select_n3A_189, %mul3A_190 : i32
        %get3A_192 = arith.index_cast %while3A_87 : i32 to index
        %get3A_193 = arith.index_cast %mul3A_191 : i32 to index
        %get3A_194 = tpu.vector_load %arg8[%get3A_192, %get3A_193] {strides = array<i32>} : memref<68x128xi32, #tpu.memory_space<vmem>>, vector<16xi32>,
        %iota3A_195 = tpu.iota {dimensions = array<i32: 0>} : vector<16xi32>
        %and3A_196 = arith.constant 15 : i32
        %and3A_197 = arith.andi %scan3A_164, %and3A_196 : i32
        %eq3A = vector.broadcast %and3A_197 : i32 to vector<16xi32>
        %eq3A_198 = arith.cmpi eq, %iota3A_195, %eq3A : vector<16xi32>
        %jit3A_199 = arith.constant 0 : i32
        %broadcast_in_dim3A = vector.broadcast %jit3A_199 : i32 to vector<16xi32>
        %select_n3A_200 = arith.select %eq3A_198, %get3A_194, %broadcast_in_dim3A : vector<16xi1>, vector<16xi32>
        %reduce_max3A_201 = arith.constant true
        %reduce_max3A_202 = vector.broadcast %reduce_max3A_201 : i1 to vector<16xi1>
        %reduce_max3A_203 = arith.constant -2147483648 : i32
        %reduce_max3A_204 = vector.broadcast %reduce_max3A_203 : i32 to vector<16xi32>
        %reduce_max3A_205 = arith.xori %select_n3A_200, %reduce_max3A_204 : vector<16xi32>
        %reduce_max3A_206 = tpu.scan <max>, %reduce_max3A_205 masked %reduce_max3A_202 : vector<16xi32>, vector<16xi1> -> vector<16xi32>
        %reduce_max3A_207 = arith.xori %reduce_max3A_206, %reduce_max3A_204 : vector<16xi32>
        %reduce_max3A_208 = vector.extract %reduce_max3A_207[15] : i32 from vector<16xi32>
        %mul3A_209 = arith.constant 128 : i32
        %mul3A_210 = arith.muli %reduce_max3A_208, %mul3A_209 : i32
        %dma_start3A = arith.constant 0 : i32
        %dma_start3A_211 = tpu.memref_slice %arg11[%scan3A_164, %dma_start3A] : memref<128x128xf32, #tpu.memory_space<vmem>> -> memref<1x128xf32, #tpu.memory_space<vmem>>
        %dma_start3A_212 = tpu.memref_squeeze %dma_start3A_211 : memref<1x128xf32, #tpu.memory_space<vmem>> -> memref<128xf32, #tpu.memory_space<vmem>>
        %dma_start3A_213 = tpu.memref_slice %arg2[%mul3A_210] : memref<35389440xf32, #tpu.memory_space<hbm>> -> memref<128xf32, #tpu.memory_space<hbm>>
        %dma_start3A_214 = arith.constant 0 : i32
        %dma_start3A_215 = tpu.memref_slice %arg11[%scan3A_164, %dma_start3A_214] : memref<128x128xf32, #tpu.memory_space<vmem>> -> memref<1x128xf32, #tpu.memory_space<vmem>>
        %dma_start3A_216 = tpu.memref_squeeze %dma_start3A_215 : memref<1x128xf32, #tpu.memory_space<vmem>> -> memref<128xf32, #tpu.memory_space<vmem>>
        %dma_start3A_217 = tpu.memref_slice %arg2[%mul3A_210] : memref<35389440xf32, #tpu.memory_space<hbm>> -> memref<128xf32, #tpu.memory_space<hbm>>
        tpu.enqueue_dma source(%dma_start3A_217 : memref<128xf32, #tpu.memory_space<hbm>>) target(%dma_start3A_216 : memref<128xf32, #tpu.memory_space<vmem>>) target_semaphore(%arg15 : memref<!tpu.dma_semaphore, #tpu.memory_space<semaphore_mem>>)
        %scan3A_218 = arith.constant 0 : i32
        scf.yield %scan3A_218 : i32
      }
      %scan3A_127 = arith.constant 32 : i32
      %dma_wait3A_128 = arith.constant 0 : i32
      %dma_wait3A_129 = tpu.memref_slice %arg2[%dma_wait3A_128] : memref<35389440xf32, #tpu.memory_space<hbm>> -> memref<4096xf32, #tpu.memory_space<hbm>>
      %dma_wait3A_130 = arith.constant 0 : i32
      %dma_wait3A_131 = tpu.memref_slice %arg2[%dma_wait3A_130] : memref<35389440xf32, #tpu.memory_space<hbm>> -> memref<4096xf32, #tpu.memory_space<hbm>>
      tpu.wait_dma2 semaphore(%arg15 : memref<!tpu.dma_semaphore, #tpu.memory_space<semaphore_mem>>) src(%dma_wait3A_131 : memref<4096xf32, #tpu.memory_space<hbm>>) dst(%arg12 : memref<4096xf32, #tpu.memory_space<vmem>>)
      %get3A_132 = arith.index_cast %while3A_87 : i32 to index
      %get3A_133 = arith.constant 0 : index
      %get3A_134 = tpu.vector_load %arg9[%get3A_132, %get3A_133] {strides = array<i32>} : memref<68x128xi32, #tpu.memory_space<vmem>>, vector<16xi32>,
      %get3A_135 = arith.index_cast %while3A_87 : i32 to index
      %get3A_136 = arith.constant 16 : index
      %get3A_137 = tpu.vector_load %arg9[%get3A_135, %get3A_136] {strides = array<i32>} : memref<68x128xi32, #tpu.memory_space<vmem>>, vector<16xi32>,
      %get3A_138 = arith.index_cast %while3A_87 : i32 to index
      %get3A_139 = arith.constant 32 : index
      %get3A_140 = tpu.vector_load %arg9[%get3A_138, %get3A_139] {strides = array<i32>} : memref<68x128xi32, #tpu.memory_space<vmem>>, vector<16xi32>,
      %get3A_141 = arith.index_cast %while3A_87 : i32 to index
      %get3A_142 = arith.constant 48 : index
      %get3A_143 = tpu.vector_load %arg9[%get3A_141, %get3A_142] {strides = array<i32>} : memref<68x128xi32, #tpu.memory_space<vmem>>, vector<16xi32>,
      %get3A_144 = arith.index_cast %while3A_87 : i32 to index
      %get3A_145 = arith.constant 64 : index
      %get3A_146 = tpu.vector_load %arg9[%get3A_144, %get3A_145] {strides = array<i32>} : memref<68x128xi32, #tpu.memory_space<vmem>>, vector<16xi32>,
      %get3A_147 = arith.index_cast %while3A_87 : i32 to index
      %get3A_148 = arith.constant 80 : index
      %get3A_149 = tpu.vector_load %arg9[%get3A_147, %get3A_148] {strides = array<i32>} : memref<68x128xi32, #tpu.memory_space<vmem>>, vector<16xi32>,
      %get3A_150 = arith.index_cast %while3A_87 : i32 to index
      %get3A_151 = arith.constant 96 : index
      %get3A_152 = tpu.vector_load %arg9[%get3A_150, %get3A_151] {strides = array<i32>} : memref<68x128xi32, #tpu.memory_space<vmem>>, vector<16xi32>,
      %get3A_153 = arith.index_cast %while3A_87 : i32 to index
      %get3A_154 = arith.constant 112 : index
      %get3A_155 = tpu.vector_load %arg9[%get3A_153, %get3A_154] {strides = array<i32>} : memref<68x128xi32, #tpu.memory_space<vmem>>, vector<16xi32>,
      %scan3A_156 = arith.constant 0 : i32
      %scan3A_157 = arith.constant 0 : i32
      %scan3A_158 = arith.constant 128 : i32
      %scan3A_159 = arith.addi %scan3A_157, %scan3A_158 : i32
      %scan3A_160 = arith.constant 1 : i32
      %scan3A_161 = scf.for %scan3A_164 = %scan3A_157 to %scan3A_159 step %scan3A_160 iter_args(%scan3A_165 = %scan3A_156) -> (i32)  : i32 {
        %broadcast_in_dim3A = arith.constant 0 : i32
        %broadcast_in_dim3A_166 = vector.broadcast %broadcast_in_dim3A : i32 to vector<16xi32>
        %add3A_167 = vector.broadcast %scan3A_164 : i32 to vector<16xi32>
        %add3A_168 = arith.addi %broadcast_in_dim3A_166, %add3A_167 : vector<16xi32>
        %gather3A = tpu.vector_load_idx %arg11[%add3A_45, %add3A_168] : memref<128x128xf32, #tpu.memory_space<vmem>>[vector<16xi32>, vector<16xi32>], vector<16xf32>,
        %gather3A_169 = tpu.vector_load_idx %arg11[%add3A_49, %add3A_168] : memref<128x128xf32, #tpu.memory_space<vmem>>[vector<16xi32>, vector<16xi32>], vector<16xf32>,
        %gather3A_170 = tpu.vector_load_idx %arg11[%add3A_53, %add3A_168] : memref<128x128xf32, #tpu.memory_space<vmem>>[vector<16xi32>, vector<16xi32>], vector<16xf32>,
        %gather3A_171 = tpu.vector_load_idx %arg11[%add3A_57, %add3A_168] : memref<128x128xf32, #tpu.memory_space<vmem>>[vector<16xi32>, vector<16xi32>], vector<16xf32>,
        %gather3A_172 = tpu.vector_load_idx %arg11[%add3A_61, %add3A_168] : memref<128x128xf32, #tpu.memory_space<vmem>>[vector<16xi32>, vector<16xi32>], vector<16xf32>,
        %gather3A_173 = tpu.vector_load_idx %arg11[%add3A_65, %add3A_168] : memref<128x128xf32, #tpu.memory_space<vmem>>[vector<16xi32>, vector<16xi32>], vector<16xf32>,
        %gather3A_174 = tpu.vector_load_idx %arg11[%add3A_69, %add3A_168] : memref<128x128xf32, #tpu.memory_space<vmem>>[vector<16xi32>, vector<16xi32>], vector<16xf32>,
        %gather3A_175 = tpu.vector_load_idx %arg11[%add3A_73, %add3A_168] : memref<128x128xf32, #tpu.memory_space<vmem>>[vector<16xi32>, vector<16xi32>], vector<16xf32>,
        tpu.vector_store_idx %arg14[%get3A_134, %add3A_168], %gather3A {add = true} : memref<321x128xf32, #tpu.memory_space<vmem>>[vector<16xi32>, vector<16xi32>], vector<16xf32>,
        tpu.vector_store_idx %arg14[%get3A_137, %add3A_168], %gather3A_169 {add = true} : memref<321x128xf32, #tpu.memory_space<vmem>>[vector<16xi32>, vector<16xi32>], vector<16xf32>,
        tpu.vector_store_idx %arg14[%get3A_140, %add3A_168], %gather3A_170 {add = true} : memref<321x128xf32, #tpu.memory_space<vmem>>[vector<16xi32>, vector<16xi32>], vector<16xf32>,
        tpu.vector_store_idx %arg14[%get3A_143, %add3A_168], %gather3A_171 {add = true} : memref<321x128xf32, #tpu.memory_space<vmem>>[vector<16xi32>, vector<16xi32>], vector<16xf32>,
        tpu.vector_store_idx %arg14[%get3A_146, %add3A_168], %gather3A_172 {add = true} : memref<321x128xf32, #tpu.memory_space<vmem>>[vector<16xi32>, vector<16xi32>], vector<16xf32>,
        tpu.vector_store_idx %arg14[%get3A_149, %add3A_168], %gather3A_173 {add = true} : memref<321x128xf32, #tpu.memory_space<vmem>>[vector<16xi32>, vector<16xi32>], vector<16xf32>,
        tpu.vector_store_idx %arg14[%get3A_152, %add3A_168], %gather3A_174 {add = true} : memref<321x128xf32, #tpu.memory_space<vmem>>[vector<16xi32>, vector<16xi32>], vector<16xf32>,
        tpu.vector_store_idx %arg14[%get3A_155, %add3A_168], %gather3A_175 {add = true} : memref<321x128xf32, #tpu.memory_space<vmem>>[vector<16xi32>, vector<16xi32>], vector<16xf32>,
        %scan3A_176 = arith.constant 0 : i32
        scf.yield %scan3A_176 : i32
      }
      %scan3A_162 = arith.constant 128 : i32
      %while3A_163 = arith.constant 0 : i32
      scf.yield %while3A_163 : i32
    }
    %mul3A_85 = arith.constant 320 : i32
    %mul3A_86 = arith.muli %add3A, %mul3A_85 : i32
    "tpu.region"() ({
      %run_scoped3A = tpu.sem_alloc : memref<!tpu.dma_semaphore, #tpu.memory_space<semaphore_mem>>
      %dma_start3A = arith.constant 0 : i32
      %dma_start3A_87 = arith.constant 0 : i32
      %dma_start3A_88 = tpu.memref_slice %arg14[%dma_start3A, %dma_start3A_87] : memref<321x128xf32, #tpu.memory_space<vmem>> -> memref<320x128xf32, #tpu.memory_space<vmem>>
      %dma_start3A_89 = arith.constant 0 : i32
      %dma_start3A_90 = tpu.memref_slice %arg7[%mul3A_86, %dma_start3A_89] : memref<10240x128xf32, #tpu.memory_space<hbm>> -> memref<320x128xf32, #tpu.memory_space<hbm>>
      %dma_start3A_91 = arith.constant 0 : i32
      %dma_start3A_92 = tpu.memref_slice %arg7[%mul3A_86, %dma_start3A_91] : memref<10240x128xf32, #tpu.memory_space<hbm>> -> memref<320x128xf32, #tpu.memory_space<hbm>>
      %dma_start3A_93 = arith.constant 0 : i32
      %dma_start3A_94 = arith.constant 0 : i32
      %dma_start3A_95 = tpu.memref_slice %arg14[%dma_start3A_93, %dma_start3A_94] : memref<321x128xf32, #tpu.memory_space<vmem>> -> memref<320x128xf32, #tpu.memory_space<vmem>>
      tpu.enqueue_dma source(%dma_start3A_95 : memref<320x128xf32, #tpu.memory_space<vmem>>) target(%dma_start3A_92 : memref<320x128xf32, #tpu.memory_space<hbm>>) target_semaphore(%run_scoped3A : memref<!tpu.dma_semaphore, #tpu.memory_space<semaphore_mem>>)
      %dma_wait3A = arith.constant 0 : i32
      %dma_wait3A_96 = arith.constant 0 : i32
      %dma_wait3A_97 = tpu.memref_slice %arg14[%dma_wait3A, %dma_wait3A_96] : memref<321x128xf32, #tpu.memory_space<vmem>> -> memref<320x128xf32, #tpu.memory_space<vmem>>
      %dma_wait3A_98 = arith.constant 0 : i32
      %dma_wait3A_99 = tpu.memref_slice %arg7[%mul3A_86, %dma_wait3A_98] : memref<10240x128xf32, #tpu.memory_space<hbm>> -> memref<320x128xf32, #tpu.memory_space<hbm>>
      %dma_wait3A_100 = arith.constant 0 : i32
      %dma_wait3A_101 = tpu.memref_slice %arg7[%mul3A_86, %dma_wait3A_100] : memref<10240x128xf32, #tpu.memory_space<hbm>> -> memref<320x128xf32, #tpu.memory_space<hbm>>
      %dma_wait3A_102 = arith.constant 0 : i32
      %dma_wait3A_103 = arith.constant 0 : i32
      %dma_wait3A_104 = tpu.memref_slice %arg14[%dma_wait3A_102, %dma_wait3A_103] : memref<321x128xf32, #tpu.memory_space<vmem>> -> memref<320x128xf32, #tpu.memory_space<vmem>>
      tpu.wait_dma2 semaphore(%run_scoped3A : memref<!tpu.dma_semaphore, #tpu.memory_space<semaphore_mem>>) src(%dma_wait3A_104 : memref<320x128xf32, #tpu.memory_space<vmem>>) dst(%dma_wait3A_101 : memref<320x128xf32, #tpu.memory_space<hbm>>)
      tpu.yield
    }) : () -> ()
    return
  }
}

module attributes {stable_mosaic.version = 14 : i64} {
  func.func @_mm_body(%arg0: i32, %arg1: memref<512x128xf32, #tpu.memory_space<vmem>>, %arg2: memref<128x3456xf32, #tpu.memory_space<vmem>>, %arg3: memref<1x128xf32, #tpu.memory_space<vmem>>, %arg4: memref<1x128xf32, #tpu.memory_space<vmem>>, %arg5: memref<27x512x128xf32, #tpu.memory_space<vmem>>) attributes {dimension_semantics = [#tpu.dimension_semantics<arbitrary>], iteration_bounds = array<i64: 20>, scalar_prefetch = 0 : i64, scratch_operands = 0 : i64, tpu.core_type = #tpu.core_type<tc>, window_params = [{transform_indices = @transform_0, window_bounds = array<i64: 512, 128>}, {pipeline_mode = #tpu.pipeline_mode<synchronous>, transform_indices = @transform_1, window_bounds = array<i64: 128, 3456>}, {pipeline_mode = #tpu.pipeline_mode<synchronous>, transform_indices = @transform_2, window_bounds = array<i64: 1, 128>}, {pipeline_mode = #tpu.pipeline_mode<synchronous>, transform_indices = @transform_3, window_bounds = array<i64: 1, 128>}, {transform_indices = @transform_4, window_bounds = array<i64: 27, 512, 128>}]} {
    %get3A = arith.constant 0 : index
    %get3A_0 = arith.constant 0 : index
    %get3A_1 = vector.load %arg1[%get3A, %get3A_0] : memref<512x128xf32, #tpu.memory_space<vmem>>, vector<512x128xf32>
    %get3A_2 = arith.constant 0 : index
    %get3A_3 = arith.constant 0 : index
    %get3A_4 = vector.load %arg3[%get3A_2, %get3A_3] : memref<1x128xf32, #tpu.memory_space<vmem>>, vector<1x128xf32>
    %mul3A = arith.constant 0.999949991 : f32
    %mul3A_5 = vector.broadcast %mul3A : f32 to vector<1x128xf32>
    %mul3A_6 = arith.mulf %get3A_4, %mul3A_5 : vector<1x128xf32>
    %mul3A_7 = vector.broadcast %mul3A_6 : vector<1x128xf32> to vector<512x128xf32>
    %mul3A_8 = arith.mulf %get3A_1, %mul3A_7 : vector<512x128xf32>
    %get3A_9 = arith.constant 0 : index
    %get3A_10 = arith.constant 0 : index
    %get3A_11 = vector.load %arg4[%get3A_9, %get3A_10] : memref<1x128xf32, #tpu.memory_space<vmem>>, vector<1x128xf32>
    %add3A = vector.broadcast %get3A_11 : vector<1x128xf32> to vector<512x128xf32>
    %add3A_12 = arith.addf %mul3A_8, %add3A : vector<512x128xf32>
    %max3A = arith.constant 0.000000e+00 : f32
    %max3A_13 = vector.broadcast %max3A : f32 to vector<512x128xf32>
    %max3A_14 = arith.maximumf %add3A_12, %max3A_13 : vector<512x128xf32>
    %get3A_15 = arith.constant 0 : index
    %get3A_16 = arith.constant 0 : index
    %get3A_17 = vector.load %arg2[%get3A_15, %get3A_16] : memref<128x3456xf32, #tpu.memory_space<vmem>>, vector<128x3456xf32>
    %dot_general3A = arith.constant dense<0.000000e+00> : vector<512x3456xf32>
    %dot_general3A_18 = tpu.matmul %max3A_14, %get3A_17, %dot_general3A {dimension_numbers = #tpu.dot_dimension_numbers<[1], [0], [0], [1], [0, 0, 1, 1], [], []>, transpose_lhs_hint = false} : vector<512x128xf32>, vector<128x3456xf32>, vector<512x3456xf32> -> vector<512x3456xf32>
    %slice3A = vector.extract_strided_slice %dot_general3A_18 {offsets = [0, 0], sizes = [512, 128], strides = [1, 1]} : vector<512x3456xf32> to vector<512x128xf32>
    %swap3A = arith.constant 0 : index
    %swap3A_19 = arith.constant 0 : index
    %swap3A_20 = arith.constant 0 : index
    %swap3A_21 = vector.load %arg5[%swap3A, %swap3A_19, %swap3A_20] : memref<27x512x128xf32, #tpu.memory_space<vmem>>, vector<1x512x128xf32>
    %swap3A_22 = vector.shape_cast %swap3A_21 : vector<1x512x128xf32> to vector<512x128xf32>
    %swap3A_23 = vector.shape_cast %slice3A : vector<512x128xf32> to vector<1x512x128xf32>
    tpu.vector_store %arg5[%swap3A, %swap3A_19, %swap3A_20], %swap3A_23 {strides = array<i32>} : memref<27x512x128xf32, #tpu.memory_space<vmem>>, vector<1x512x128xf32>,
    %slice3A_24 = vector.extract_strided_slice %dot_general3A_18 {offsets = [0, 128], sizes = [512, 128], strides = [1, 1]} : vector<512x3456xf32> to vector<512x128xf32>
    %swap3A_25 = arith.constant 1 : index
    %swap3A_26 = arith.constant 0 : index
    %swap3A_27 = arith.constant 0 : index
    %swap3A_28 = vector.load %arg5[%swap3A_25, %swap3A_26, %swap3A_27] : memref<27x512x128xf32, #tpu.memory_space<vmem>>, vector<1x512x128xf32>
    %swap3A_29 = vector.shape_cast %swap3A_28 : vector<1x512x128xf32> to vector<512x128xf32>
    %swap3A_30 = vector.shape_cast %slice3A_24 : vector<512x128xf32> to vector<1x512x128xf32>
    tpu.vector_store %arg5[%swap3A_25, %swap3A_26, %swap3A_27], %swap3A_30 {strides = array<i32>} : memref<27x512x128xf32, #tpu.memory_space<vmem>>, vector<1x512x128xf32>,
    %slice3A_31 = vector.extract_strided_slice %dot_general3A_18 {offsets = [0, 256], sizes = [512, 128], strides = [1, 1]} : vector<512x3456xf32> to vector<512x128xf32>
    %swap3A_32 = arith.constant 2 : index
    %swap3A_33 = arith.constant 0 : index
    %swap3A_34 = arith.constant 0 : index
    %swap3A_35 = vector.load %arg5[%swap3A_32, %swap3A_33, %swap3A_34] : memref<27x512x128xf32, #tpu.memory_space<vmem>>, vector<1x512x128xf32>
    %swap3A_36 = vector.shape_cast %swap3A_35 : vector<1x512x128xf32> to vector<512x128xf32>
    %swap3A_37 = vector.shape_cast %slice3A_31 : vector<512x128xf32> to vector<1x512x128xf32>
    tpu.vector_store %arg5[%swap3A_32, %swap3A_33, %swap3A_34], %swap3A_37 {strides = array<i32>} : memref<27x512x128xf32, #tpu.memory_space<vmem>>, vector<1x512x128xf32>,
    %slice3A_38 = vector.extract_strided_slice %dot_general3A_18 {offsets = [0, 384], sizes = [512, 128], strides = [1, 1]} : vector<512x3456xf32> to vector<512x128xf32>
    %swap3A_39 = arith.constant 3 : index
    %swap3A_40 = arith.constant 0 : index
    %swap3A_41 = arith.constant 0 : index
    %swap3A_42 = vector.load %arg5[%swap3A_39, %swap3A_40, %swap3A_41] : memref<27x512x128xf32, #tpu.memory_space<vmem>>, vector<1x512x128xf32>
    %swap3A_43 = vector.shape_cast %swap3A_42 : vector<1x512x128xf32> to vector<512x128xf32>
    %swap3A_44 = vector.shape_cast %slice3A_38 : vector<512x128xf32> to vector<1x512x128xf32>
    tpu.vector_store %arg5[%swap3A_39, %swap3A_40, %swap3A_41], %swap3A_44 {strides = array<i32>} : memref<27x512x128xf32, #tpu.memory_space<vmem>>, vector<1x512x128xf32>,
    %slice3A_45 = vector.extract_strided_slice %dot_general3A_18 {offsets = [0, 512], sizes = [512, 128], strides = [1, 1]} : vector<512x3456xf32> to vector<512x128xf32>
    %swap3A_46 = arith.constant 4 : index
    %swap3A_47 = arith.constant 0 : index
    %swap3A_48 = arith.constant 0 : index
    %swap3A_49 = vector.load %arg5[%swap3A_46, %swap3A_47, %swap3A_48] : memref<27x512x128xf32, #tpu.memory_space<vmem>>, vector<1x512x128xf32>
    %swap3A_50 = vector.shape_cast %swap3A_49 : vector<1x512x128xf32> to vector<512x128xf32>
    %swap3A_51 = vector.shape_cast %slice3A_45 : vector<512x128xf32> to vector<1x512x128xf32>
    tpu.vector_store %arg5[%swap3A_46, %swap3A_47, %swap3A_48], %swap3A_51 {strides = array<i32>} : memref<27x512x128xf32, #tpu.memory_space<vmem>>, vector<1x512x128xf32>,
    %slice3A_52 = vector.extract_strided_slice %dot_general3A_18 {offsets = [0, 640], sizes = [512, 128], strides = [1, 1]} : vector<512x3456xf32> to vector<512x128xf32>
    %swap3A_53 = arith.constant 5 : index
    %swap3A_54 = arith.constant 0 : index
    %swap3A_55 = arith.constant 0 : index
    %swap3A_56 = vector.load %arg5[%swap3A_53, %swap3A_54, %swap3A_55] : memref<27x512x128xf32, #tpu.memory_space<vmem>>, vector<1x512x128xf32>
    %swap3A_57 = vector.shape_cast %swap3A_56 : vector<1x512x128xf32> to vector<512x128xf32>
    %swap3A_58 = vector.shape_cast %slice3A_52 : vector<512x128xf32> to vector<1x512x128xf32>
    tpu.vector_store %arg5[%swap3A_53, %swap3A_54, %swap3A_55], %swap3A_58 {strides = array<i32>} : memref<27x512x128xf32, #tpu.memory_space<vmem>>, vector<1x512x128xf32>,
    %slice3A_59 = vector.extract_strided_slice %dot_general3A_18 {offsets = [0, 768], sizes = [512, 128], strides = [1, 1]} : vector<512x3456xf32> to vector<512x128xf32>
    %swap3A_60 = arith.constant 6 : index
    %swap3A_61 = arith.constant 0 : index
    %swap3A_62 = arith.constant 0 : index
    %swap3A_63 = vector.load %arg5[%swap3A_60, %swap3A_61, %swap3A_62] : memref<27x512x128xf32, #tpu.memory_space<vmem>>, vector<1x512x128xf32>
    %swap3A_64 = vector.shape_cast %swap3A_63 : vector<1x512x128xf32> to vector<512x128xf32>
    %swap3A_65 = vector.shape_cast %slice3A_59 : vector<512x128xf32> to vector<1x512x128xf32>
    tpu.vector_store %arg5[%swap3A_60, %swap3A_61, %swap3A_62], %swap3A_65 {strides = array<i32>} : memref<27x512x128xf32, #tpu.memory_space<vmem>>, vector<1x512x128xf32>,
    %slice3A_66 = vector.extract_strided_slice %dot_general3A_18 {offsets = [0, 896], sizes = [512, 128], strides = [1, 1]} : vector<512x3456xf32> to vector<512x128xf32>
    %swap3A_67 = arith.constant 7 : index
    %swap3A_68 = arith.constant 0 : index
    %swap3A_69 = arith.constant 0 : index
    %swap3A_70 = vector.load %arg5[%swap3A_67, %swap3A_68, %swap3A_69] : memref<27x512x128xf32, #tpu.memory_space<vmem>>, vector<1x512x128xf32>
    %swap3A_71 = vector.shape_cast %swap3A_70 : vector<1x512x128xf32> to vector<512x128xf32>
    %swap3A_72 = vector.shape_cast %slice3A_66 : vector<512x128xf32> to vector<1x512x128xf32>
    tpu.vector_store %arg5[%swap3A_67, %swap3A_68, %swap3A_69], %swap3A_72 {strides = array<i32>} : memref<27x512x128xf32, #tpu.memory_space<vmem>>, vector<1x512x128xf32>,
    %slice3A_73 = vector.extract_strided_slice %dot_general3A_18 {offsets = [0, 1024], sizes = [512, 128], strides = [1, 1]} : vector<512x3456xf32> to vector<512x128xf32>
    %swap3A_74 = arith.constant 8 : index
    %swap3A_75 = arith.constant 0 : index
    %swap3A_76 = arith.constant 0 : index
    %swap3A_77 = vector.load %arg5[%swap3A_74, %swap3A_75, %swap3A_76] : memref<27x512x128xf32, #tpu.memory_space<vmem>>, vector<1x512x128xf32>
    %swap3A_78 = vector.shape_cast %swap3A_77 : vector<1x512x128xf32> to vector<512x128xf32>
    %swap3A_79 = vector.shape_cast %slice3A_73 : vector<512x128xf32> to vector<1x512x128xf32>
    tpu.vector_store %arg5[%swap3A_74, %swap3A_75, %swap3A_76], %swap3A_79 {strides = array<i32>} : memref<27x512x128xf32, #tpu.memory_space<vmem>>, vector<1x512x128xf32>,
    %slice3A_80 = vector.extract_strided_slice %dot_general3A_18 {offsets = [0, 1152], sizes = [512, 128], strides = [1, 1]} : vector<512x3456xf32> to vector<512x128xf32>
    %swap3A_81 = arith.constant 9 : index
    %swap3A_82 = arith.constant 0 : index
    %swap3A_83 = arith.constant 0 : index
    %swap3A_84 = vector.load %arg5[%swap3A_81, %swap3A_82, %swap3A_83] : memref<27x512x128xf32, #tpu.memory_space<vmem>>, vector<1x512x128xf32>
    %swap3A_85 = vector.shape_cast %swap3A_84 : vector<1x512x128xf32> to vector<512x128xf32>
    %swap3A_86 = vector.shape_cast %slice3A_80 : vector<512x128xf32> to vector<1x512x128xf32>
    tpu.vector_store %arg5[%swap3A_81, %swap3A_82, %swap3A_83], %swap3A_86 {strides = array<i32>} : memref<27x512x128xf32, #tpu.memory_space<vmem>>, vector<1x512x128xf32>,
    %slice3A_87 = vector.extract_strided_slice %dot_general3A_18 {offsets = [0, 1280], sizes = [512, 128], strides = [1, 1]} : vector<512x3456xf32> to vector<512x128xf32>
    %swap3A_88 = arith.constant 10 : index
    %swap3A_89 = arith.constant 0 : index
    %swap3A_90 = arith.constant 0 : index
    %swap3A_91 = vector.load %arg5[%swap3A_88, %swap3A_89, %swap3A_90] : memref<27x512x128xf32, #tpu.memory_space<vmem>>, vector<1x512x128xf32>
    %swap3A_92 = vector.shape_cast %swap3A_91 : vector<1x512x128xf32> to vector<512x128xf32>
    %swap3A_93 = vector.shape_cast %slice3A_87 : vector<512x128xf32> to vector<1x512x128xf32>
    tpu.vector_store %arg5[%swap3A_88, %swap3A_89, %swap3A_90], %swap3A_93 {strides = array<i32>} : memref<27x512x128xf32, #tpu.memory_space<vmem>>, vector<1x512x128xf32>,
    %slice3A_94 = vector.extract_strided_slice %dot_general3A_18 {offsets = [0, 1408], sizes = [512, 128], strides = [1, 1]} : vector<512x3456xf32> to vector<512x128xf32>
    %swap3A_95 = arith.constant 11 : index
    %swap3A_96 = arith.constant 0 : index
    %swap3A_97 = arith.constant 0 : index
    %swap3A_98 = vector.load %arg5[%swap3A_95, %swap3A_96, %swap3A_97] : memref<27x512x128xf32, #tpu.memory_space<vmem>>, vector<1x512x128xf32>
    %swap3A_99 = vector.shape_cast %swap3A_98 : vector<1x512x128xf32> to vector<512x128xf32>
    %swap3A_100 = vector.shape_cast %slice3A_94 : vector<512x128xf32> to vector<1x512x128xf32>
    tpu.vector_store %arg5[%swap3A_95, %swap3A_96, %swap3A_97], %swap3A_100 {strides = array<i32>} : memref<27x512x128xf32, #tpu.memory_space<vmem>>, vector<1x512x128xf32>,
    %slice3A_101 = vector.extract_strided_slice %dot_general3A_18 {offsets = [0, 1536], sizes = [512, 128], strides = [1, 1]} : vector<512x3456xf32> to vector<512x128xf32>
    %swap3A_102 = arith.constant 12 : index
    %swap3A_103 = arith.constant 0 : index
    %swap3A_104 = arith.constant 0 : index
    %swap3A_105 = vector.load %arg5[%swap3A_102, %swap3A_103, %swap3A_104] : memref<27x512x128xf32, #tpu.memory_space<vmem>>, vector<1x512x128xf32>
    %swap3A_106 = vector.shape_cast %swap3A_105 : vector<1x512x128xf32> to vector<512x128xf32>
    %swap3A_107 = vector.shape_cast %slice3A_101 : vector<512x128xf32> to vector<1x512x128xf32>
    tpu.vector_store %arg5[%swap3A_102, %swap3A_103, %swap3A_104], %swap3A_107 {strides = array<i32>} : memref<27x512x128xf32, #tpu.memory_space<vmem>>, vector<1x512x128xf32>,
    %slice3A_108 = vector.extract_strided_slice %dot_general3A_18 {offsets = [0, 1664], sizes = [512, 128], strides = [1, 1]} : vector<512x3456xf32> to vector<512x128xf32>
    %swap3A_109 = arith.constant 13 : index
    %swap3A_110 = arith.constant 0 : index
    %swap3A_111 = arith.constant 0 : index
    %swap3A_112 = vector.load %arg5[%swap3A_109, %swap3A_110, %swap3A_111] : memref<27x512x128xf32, #tpu.memory_space<vmem>>, vector<1x512x128xf32>
    %swap3A_113 = vector.shape_cast %swap3A_112 : vector<1x512x128xf32> to vector<512x128xf32>
    %swap3A_114 = vector.shape_cast %slice3A_108 : vector<512x128xf32> to vector<1x512x128xf32>
    tpu.vector_store %arg5[%swap3A_109, %swap3A_110, %swap3A_111], %swap3A_114 {strides = array<i32>} : memref<27x512x128xf32, #tpu.memory_space<vmem>>, vector<1x512x128xf32>,
    %slice3A_115 = vector.extract_strided_slice %dot_general3A_18 {offsets = [0, 1792], sizes = [512, 128], strides = [1, 1]} : vector<512x3456xf32> to vector<512x128xf32>
    %swap3A_116 = arith.constant 14 : index
    %swap3A_117 = arith.constant 0 : index
    %swap3A_118 = arith.constant 0 : index
    %swap3A_119 = vector.load %arg5[%swap3A_116, %swap3A_117, %swap3A_118] : memref<27x512x128xf32, #tpu.memory_space<vmem>>, vector<1x512x128xf32>
    %swap3A_120 = vector.shape_cast %swap3A_119 : vector<1x512x128xf32> to vector<512x128xf32>
    %swap3A_121 = vector.shape_cast %slice3A_115 : vector<512x128xf32> to vector<1x512x128xf32>
    tpu.vector_store %arg5[%swap3A_116, %swap3A_117, %swap3A_118], %swap3A_121 {strides = array<i32>} : memref<27x512x128xf32, #tpu.memory_space<vmem>>, vector<1x512x128xf32>,
    %slice3A_122 = vector.extract_strided_slice %dot_general3A_18 {offsets = [0, 1920], sizes = [512, 128], strides = [1, 1]} : vector<512x3456xf32> to vector<512x128xf32>
    %swap3A_123 = arith.constant 15 : index
    %swap3A_124 = arith.constant 0 : index
    %swap3A_125 = arith.constant 0 : index
    %swap3A_126 = vector.load %arg5[%swap3A_123, %swap3A_124, %swap3A_125] : memref<27x512x128xf32, #tpu.memory_space<vmem>>, vector<1x512x128xf32>
    %swap3A_127 = vector.shape_cast %swap3A_126 : vector<1x512x128xf32> to vector<512x128xf32>
    %swap3A_128 = vector.shape_cast %slice3A_122 : vector<512x128xf32> to vector<1x512x128xf32>
    tpu.vector_store %arg5[%swap3A_123, %swap3A_124, %swap3A_125], %swap3A_128 {strides = array<i32>} : memref<27x512x128xf32, #tpu.memory_space<vmem>>, vector<1x512x128xf32>,
    %slice3A_129 = vector.extract_strided_slice %dot_general3A_18 {offsets = [0, 2048], sizes = [512, 128], strides = [1, 1]} : vector<512x3456xf32> to vector<512x128xf32>
    %swap3A_130 = arith.constant 16 : index
    %swap3A_131 = arith.constant 0 : index
    %swap3A_132 = arith.constant 0 : index
    %swap3A_133 = vector.load %arg5[%swap3A_130, %swap3A_131, %swap3A_132] : memref<27x512x128xf32, #tpu.memory_space<vmem>>, vector<1x512x128xf32>
    %swap3A_134 = vector.shape_cast %swap3A_133 : vector<1x512x128xf32> to vector<512x128xf32>
    %swap3A_135 = vector.shape_cast %slice3A_129 : vector<512x128xf32> to vector<1x512x128xf32>
    tpu.vector_store %arg5[%swap3A_130, %swap3A_131, %swap3A_132], %swap3A_135 {strides = array<i32>} : memref<27x512x128xf32, #tpu.memory_space<vmem>>, vector<1x512x128xf32>,
    %slice3A_136 = vector.extract_strided_slice %dot_general3A_18 {offsets = [0, 2176], sizes = [512, 128], strides = [1, 1]} : vector<512x3456xf32> to vector<512x128xf32>
    %swap3A_137 = arith.constant 17 : index
    %swap3A_138 = arith.constant 0 : index
    %swap3A_139 = arith.constant 0 : index
    %swap3A_140 = vector.load %arg5[%swap3A_137, %swap3A_138, %swap3A_139] : memref<27x512x128xf32, #tpu.memory_space<vmem>>, vector<1x512x128xf32>
    %swap3A_141 = vector.shape_cast %swap3A_140 : vector<1x512x128xf32> to vector<512x128xf32>
    %swap3A_142 = vector.shape_cast %slice3A_136 : vector<512x128xf32> to vector<1x512x128xf32>
    tpu.vector_store %arg5[%swap3A_137, %swap3A_138, %swap3A_139], %swap3A_142 {strides = array<i32>} : memref<27x512x128xf32, #tpu.memory_space<vmem>>, vector<1x512x128xf32>,
    %slice3A_143 = vector.extract_strided_slice %dot_general3A_18 {offsets = [0, 2304], sizes = [512, 128], strides = [1, 1]} : vector<512x3456xf32> to vector<512x128xf32>
    %swap3A_144 = arith.constant 18 : index
    %swap3A_145 = arith.constant 0 : index
    %swap3A_146 = arith.constant 0 : index
    %swap3A_147 = vector.load %arg5[%swap3A_144, %swap3A_145, %swap3A_146] : memref<27x512x128xf32, #tpu.memory_space<vmem>>, vector<1x512x128xf32>
    %swap3A_148 = vector.shape_cast %swap3A_147 : vector<1x512x128xf32> to vector<512x128xf32>
    %swap3A_149 = vector.shape_cast %slice3A_143 : vector<512x128xf32> to vector<1x512x128xf32>
    tpu.vector_store %arg5[%swap3A_144, %swap3A_145, %swap3A_146], %swap3A_149 {strides = array<i32>} : memref<27x512x128xf32, #tpu.memory_space<vmem>>, vector<1x512x128xf32>,
    %slice3A_150 = vector.extract_strided_slice %dot_general3A_18 {offsets = [0, 2432], sizes = [512, 128], strides = [1, 1]} : vector<512x3456xf32> to vector<512x128xf32>
    %swap3A_151 = arith.constant 19 : index
    %swap3A_152 = arith.constant 0 : index
    %swap3A_153 = arith.constant 0 : index
    %swap3A_154 = vector.load %arg5[%swap3A_151, %swap3A_152, %swap3A_153] : memref<27x512x128xf32, #tpu.memory_space<vmem>>, vector<1x512x128xf32>
    %swap3A_155 = vector.shape_cast %swap3A_154 : vector<1x512x128xf32> to vector<512x128xf32>
    %swap3A_156 = vector.shape_cast %slice3A_150 : vector<512x128xf32> to vector<1x512x128xf32>
    tpu.vector_store %arg5[%swap3A_151, %swap3A_152, %swap3A_153], %swap3A_156 {strides = array<i32>} : memref<27x512x128xf32, #tpu.memory_space<vmem>>, vector<1x512x128xf32>,
    %slice3A_157 = vector.extract_strided_slice %dot_general3A_18 {offsets = [0, 2560], sizes = [512, 128], strides = [1, 1]} : vector<512x3456xf32> to vector<512x128xf32>
    %swap3A_158 = arith.constant 20 : index
    %swap3A_159 = arith.constant 0 : index
    %swap3A_160 = arith.constant 0 : index
    %swap3A_161 = vector.load %arg5[%swap3A_158, %swap3A_159, %swap3A_160] : memref<27x512x128xf32, #tpu.memory_space<vmem>>, vector<1x512x128xf32>
    %swap3A_162 = vector.shape_cast %swap3A_161 : vector<1x512x128xf32> to vector<512x128xf32>
    %swap3A_163 = vector.shape_cast %slice3A_157 : vector<512x128xf32> to vector<1x512x128xf32>
    tpu.vector_store %arg5[%swap3A_158, %swap3A_159, %swap3A_160], %swap3A_163 {strides = array<i32>} : memref<27x512x128xf32, #tpu.memory_space<vmem>>, vector<1x512x128xf32>,
    %slice3A_164 = vector.extract_strided_slice %dot_general3A_18 {offsets = [0, 2688], sizes = [512, 128], strides = [1, 1]} : vector<512x3456xf32> to vector<512x128xf32>
    %swap3A_165 = arith.constant 21 : index
    %swap3A_166 = arith.constant 0 : index
    %swap3A_167 = arith.constant 0 : index
    %swap3A_168 = vector.load %arg5[%swap3A_165, %swap3A_166, %swap3A_167] : memref<27x512x128xf32, #tpu.memory_space<vmem>>, vector<1x512x128xf32>
    %swap3A_169 = vector.shape_cast %swap3A_168 : vector<1x512x128xf32> to vector<512x128xf32>
    %swap3A_170 = vector.shape_cast %slice3A_164 : vector<512x128xf32> to vector<1x512x128xf32>
    tpu.vector_store %arg5[%swap3A_165, %swap3A_166, %swap3A_167], %swap3A_170 {strides = array<i32>} : memref<27x512x128xf32, #tpu.memory_space<vmem>>, vector<1x512x128xf32>,
    %slice3A_171 = vector.extract_strided_slice %dot_general3A_18 {offsets = [0, 2816], sizes = [512, 128], strides = [1, 1]} : vector<512x3456xf32> to vector<512x128xf32>
    %swap3A_172 = arith.constant 22 : index
    %swap3A_173 = arith.constant 0 : index
    %swap3A_174 = arith.constant 0 : index
    %swap3A_175 = vector.load %arg5[%swap3A_172, %swap3A_173, %swap3A_174] : memref<27x512x128xf32, #tpu.memory_space<vmem>>, vector<1x512x128xf32>
    %swap3A_176 = vector.shape_cast %swap3A_175 : vector<1x512x128xf32> to vector<512x128xf32>
    %swap3A_177 = vector.shape_cast %slice3A_171 : vector<512x128xf32> to vector<1x512x128xf32>
    tpu.vector_store %arg5[%swap3A_172, %swap3A_173, %swap3A_174], %swap3A_177 {strides = array<i32>} : memref<27x512x128xf32, #tpu.memory_space<vmem>>, vector<1x512x128xf32>,
    %slice3A_178 = vector.extract_strided_slice %dot_general3A_18 {offsets = [0, 2944], sizes = [512, 128], strides = [1, 1]} : vector<512x3456xf32> to vector<512x128xf32>
    %swap3A_179 = arith.constant 23 : index
    %swap3A_180 = arith.constant 0 : index
    %swap3A_181 = arith.constant 0 : index
    %swap3A_182 = vector.load %arg5[%swap3A_179, %swap3A_180, %swap3A_181] : memref<27x512x128xf32, #tpu.memory_space<vmem>>, vector<1x512x128xf32>
    %swap3A_183 = vector.shape_cast %swap3A_182 : vector<1x512x128xf32> to vector<512x128xf32>
    %swap3A_184 = vector.shape_cast %slice3A_178 : vector<512x128xf32> to vector<1x512x128xf32>
    tpu.vector_store %arg5[%swap3A_179, %swap3A_180, %swap3A_181], %swap3A_184 {strides = array<i32>} : memref<27x512x128xf32, #tpu.memory_space<vmem>>, vector<1x512x128xf32>,
    %slice3A_185 = vector.extract_strided_slice %dot_general3A_18 {offsets = [0, 3072], sizes = [512, 128], strides = [1, 1]} : vector<512x3456xf32> to vector<512x128xf32>
    %swap3A_186 = arith.constant 24 : index
    %swap3A_187 = arith.constant 0 : index
    %swap3A_188 = arith.constant 0 : index
    %swap3A_189 = vector.load %arg5[%swap3A_186, %swap3A_187, %swap3A_188] : memref<27x512x128xf32, #tpu.memory_space<vmem>>, vector<1x512x128xf32>
    %swap3A_190 = vector.shape_cast %swap3A_189 : vector<1x512x128xf32> to vector<512x128xf32>
    %swap3A_191 = vector.shape_cast %slice3A_185 : vector<512x128xf32> to vector<1x512x128xf32>
    tpu.vector_store %arg5[%swap3A_186, %swap3A_187, %swap3A_188], %swap3A_191 {strides = array<i32>} : memref<27x512x128xf32, #tpu.memory_space<vmem>>, vector<1x512x128xf32>,
    %slice3A_192 = vector.extract_strided_slice %dot_general3A_18 {offsets = [0, 3200], sizes = [512, 128], strides = [1, 1]} : vector<512x3456xf32> to vector<512x128xf32>
    %swap3A_193 = arith.constant 25 : index
    %swap3A_194 = arith.constant 0 : index
    %swap3A_195 = arith.constant 0 : index
    %swap3A_196 = vector.load %arg5[%swap3A_193, %swap3A_194, %swap3A_195] : memref<27x512x128xf32, #tpu.memory_space<vmem>>, vector<1x512x128xf32>
    %swap3A_197 = vector.shape_cast %swap3A_196 : vector<1x512x128xf32> to vector<512x128xf32>
    %swap3A_198 = vector.shape_cast %slice3A_192 : vector<512x128xf32> to vector<1x512x128xf32>
    tpu.vector_store %arg5[%swap3A_193, %swap3A_194, %swap3A_195], %swap3A_198 {strides = array<i32>} : memref<27x512x128xf32, #tpu.memory_space<vmem>>, vector<1x512x128xf32>,
    %slice3A_199 = vector.extract_strided_slice %dot_general3A_18 {offsets = [0, 3328], sizes = [512, 128], strides = [1, 1]} : vector<512x3456xf32> to vector<512x128xf32>
    %swap3A_200 = arith.constant 26 : index
    %swap3A_201 = arith.constant 0 : index
    %swap3A_202 = arith.constant 0 : index
    %swap3A_203 = vector.load %arg5[%swap3A_200, %swap3A_201, %swap3A_202] : memref<27x512x128xf32, #tpu.memory_space<vmem>>, vector<1x512x128xf32>
    %swap3A_204 = vector.shape_cast %swap3A_203 : vector<1x512x128xf32> to vector<512x128xf32>
    %swap3A_205 = vector.shape_cast %slice3A_199 : vector<512x128xf32> to vector<1x512x128xf32>
    tpu.vector_store %arg5[%swap3A_200, %swap3A_201, %swap3A_202], %swap3A_205 {strides = array<i32>} : memref<27x512x128xf32, #tpu.memory_space<vmem>>, vector<1x512x128xf32>,
    return
  }
  func.func @transform_0(%arg0: i32) -> (i32, i32) {
    %c0_i32 = arith.constant 0 : i32
    %c0_i32_0 = arith.constant 0 : i32
    return %arg0, %c0_i32 : i32, i32
  }
  func.func @transform_1(%arg0: i32) -> (i32, i32) {
    %c0_i32 = arith.constant 0 : i32
    %c0_i32_0 = arith.constant 0 : i32
    %c0_i32_1 = arith.constant 0 : i32
    return %c0_i32, %c0_i32_0 : i32, i32
  }
  func.func @transform_2(%arg0: i32) -> (i32, i32) {
    %c0_i32 = arith.constant 0 : i32
    %c0_i32_0 = arith.constant 0 : i32
    %c0_i32_1 = arith.constant 0 : i32
    return %c0_i32, %c0_i32_0 : i32, i32
  }
  func.func @transform_3(%arg0: i32) -> (i32, i32) {
    %c0_i32 = arith.constant 0 : i32
    %c0_i32_0 = arith.constant 0 : i32
    %c0_i32_1 = arith.constant 0 : i32
    return %c0_i32, %c0_i32_0 : i32, i32
  }
  func.func @transform_4(%arg0: i32) -> (i32, i32, i32) {
    %c0_i32 = arith.constant 0 : i32
    %c0_i32_0 = arith.constant 0 : i32
    %c0_i32_1 = arith.constant 0 : i32
    return %c0_i32, %arg0, %c0_i32_0 : i32, i32, i32
  }
}

</mosaic_0001>

<sc_bundles>
// kernel: kernel.11.cloned.1.call-start
scs
__scs_entry_jumppad:
0x0: {  	(pc) =	sbr.rel $0x88, $3  }
0x1: {  	(tag) =	ssettag $0x0;
	lr =	simm.s32 $0x1  }
0x2: {  	[smem:$0x3F99] =	sst lr;
	_ =	strace $0xD0000000  }
0x3: {  	_ = 	snop  }
0x4: {  	_ = 	snop  }
0x5: {  	_ = 	snop  }
0x6: {  	_ = 	snop  }
0x7: {  	_ = 	snop  }
__scs_overlays_trampoline_lowered:
0x8: {  	[smem:$0x3FA8] =	sst s0  }
0x9: {  	[smem:$0x3FA9] =	sst s1  }
0xa: {  	[smem:$0x3FAA] =	sst s2  }
0xb: {  	[smem:$0x3FAB] =	sst s3  }
0xc: {  	[smem:$0x3FAC] =	sst s4  }
0xd: {  	[smem:$0x3FAD] =	sst s5  }
0xe: {  	[smem:$0x3FAE] =	sst s6  }
0xf: {  	[smem:$0x3FAF] =	sst s7  }
0x10: {  	[smem:$0x3FB0] =	sst s8  }
0x11: {  	[smem:$0x3FB1] =	sst s9;
	s0 =	simm.s32 @!p0 $0x0  }
0x12: {  	s1 =	sld [smem:$0x3F97];
	s0 =	simm.s32 @p0 $0x1  }
0x13: {  	[smem:$0x3FB2] =	sst s0;
	s0 =	simm.s32 @!p1 $0x0  }
0x14: {  	s2 =	sld [smem:$0x3F96];
	s0 =	simm.s32 @p1 $0x1  }
0x15: {  	[smem:$0x3FB3] =	sst s0;
	s0 =	simm.s32 @!p2 $0x0  }
0x16: {  	s3 =	sld [smem:$0x3FDB];
	s0 =	simm.s32 @p2 $0x1  }
0x17: {  	s4 =	simm.s32 $0x1BF5;
	[smem:$0x3FB5] =	sst s0  }
0x18: {  	s0 =	sld [smem:$0x3F98];
	_ =	swait.ge [sflag:s4], $0x0  }
0x19: {  	s7 =	sld [smem:$0x3F99]  }
0x1a: {  	s8 =	sadd.s32 $0xFFFFE003, lr  }
0x1b: {  	s9 =	sadd.s32 $0xFFFFFEF7, lr;
	s5 =	simm.s32 $0xFFFFFFFF;
	p2 =	slt.u32 s8, $0xFFFFF086  }
0x1c: {  	p1 =	slt.u32 s9, $0xF7A;
	s5 =	simm.s32 @!p2 $0x0  }
0x1d: {  	s5 =	simm.s32 @p1 $0x1;
	p0 =	seq.s32 s7, s2  }
0x1e: {  	s7 =	smul.u32 @!p0 $0xF7A, s2;
	p2 =	seq.s32 @!p0 s5, $0x0  }
0x1f: {  	s9 =	smul.u32 $0xF7A, s1;
	s8 =	simm.s32 @!p0 $0x1BF5;
	p2 =	por !p2, p0  }
0x20: {  	[sflag:s8] =	ssyncset.s32 @!p0 $0xFFFFF086;
	s6 =	sadd.s32 @!p0 s3, s7;
	s7 =	simm.s32 @!p0 $0x108  }
0x21: {  	s3 =	sadd.s32 s3, s9;
	s6 =	sadd.s32 @!p0 $0x88, s6;
	s7 =	simm.s32 @p2 $0x1082  }
0x22: {  	[simem:s7], [sflag:s8] =	dma.local @!p0 [hbm:s6], $0xF7A  }
0x23: {  	s9 =	sor.u32 $0xD0000000, s2;
	s6 =	simm.s32 $0x108;
	_ =	swait.ge @!p0 [sflag:s8], $0x0  }
0x24: {  	s3 =	sadd.s32 $0x88, s3;
	s6 =	simm.s32 @!p1 $0x1082;
	[sflag:s4] =	ssyncset.s32 $0xFFFFF086  }
0x25: {  	[simem:s6], [sflag:s4] =	dma.local [hbm:s3], $0xF7A  }
0x26: {  	[smem:$0x3F99] =	sst s1;
	(tag) =	ssettag s2;
	_ =	strace s9  }
0x27: {  	s1 =	sld [smem:$0x3FA9]  }
0x28: {  	s2 =	sld [smem:$0x3FAA]  }
0x29: {  	s4 =	sld [smem:$0x3FAC]  }
0x2a: {  	p0 =	seq.s32 s5, $0x0;
	s5 =	sld [smem:$0x3FAD]  }
0x2b: {  	s6 =	sld [smem:$0x3FAE]  }
0x2c: {  	s7 =	sld [smem:$0x3FAF]  }
0x2d: {  	s3 =	simm.s32 $0x108;
	s8 =	sld [smem:$0x3FB0]  }
0x2e: {  	s3 =	simm.s32 @!p0 $0x1082;
	s9 =	sld [smem:$0x3FB1]  }
0x2f: {  	lr =	sadd.s32 s0, s3;
	s0 =	sld [smem:$0x3FA8]  }
0x30: {  	s3 =	sld [smem:$0x3FAB]  }
0x31: {  	[smem:$0x3FB4] =	sst s10  }
0x32: {  	s10 =	sld [smem:$0x3FB2];
	_ =	sdelay $0x3  }
0x33: {  	p0 =	seq.s32 s10, $0x1;
	s10 =	sld [smem:$0x3FB4];
	_ =	sdelay $0x3  }
0x34: {  	[smem:$0x3FB4] =	sst s10  }
0x35: {  	s10 =	sld [smem:$0x3FB3];
	_ =	sdelay $0x3  }
0x36: {  	p1 =	seq.s32 s10, $0x1;
	s10 =	sld [smem:$0x3FB4];
	_ =	sdelay $0x3  }
0x37: {  	[smem:$0x3FB4] =	sst s10  }
0x38: {  	s10 =	sld [smem:$0x3FB5]  }
0x39: {  	_ = 	snop;
	(pc) =	sbr.ind lr, $3  }
0x3a: {  	_ = 	snop  }
0x3b: {  	_ = 	snop  }
0x3c: {  	p2 =	seq.s32 s10, $0x1;
	s10 =	sld [smem:$0x3FB4]  }
0x3d: {  	_ =	shalt  }
0x3e: {  	_ =	shalt  }
0x3f: {  	_ =	shalt  }
0x40: {  	_ =	shalt  }
0x41: {  	_ =	shalt  }
0x42: {  	_ =	shalt  }
0x43: {  	_ =	shalt  }
0x44: {  	_ =	shalt  }
0x45: {  	_ =	shalt  }
0x46: {  	_ =	shalt  }
0x47: {  	_ =	shalt  }
0x48: {  	_ =	shalt  }
0x49: {  	_ =	shalt  }
0x4a: {  	_ =	shalt  }
0x4b: {  	_ =	shalt  }
0x4c: {  	_ =	shalt  }
0x4d: {  	_ =	shalt  }
0x4e: {  	_ =	shalt  }
0x4f: {  	_ =	shalt  }
0x50: {  	_ =	shalt  }
0x51: {  	_ =	shalt  }
0x52: {  	_ =	shalt  }
0x53: {  	_ =	shalt  }
0x54: {  	_ =	shalt  }
0x55: {  	_ =	shalt  }
0x56: {  	_ =	shalt  }
0x57: {  	_ =	shalt  }
0x58: {  	_ =	shalt  }
0x59: {  	_ =	shalt  }
0x5a: {  	_ =	shalt  }
0x5b: {  	_ =	shalt  }
0x5c: {  	_ =	shalt  }
0x5d: {  	_ =	shalt  }
0x5e: {  	_ =	shalt  }
0x5f: {  	_ =	shalt  }
0x60: {  	_ =	shalt  }
0x61: {  	_ =	shalt  }
0x62: {  	_ =	shalt  }
0x63: {  	_ =	shalt  }
0x64: {  	_ =	shalt  }
0x65: {  	_ =	shalt  }
0x66: {  	_ =	shalt  }
0x67: {  	_ =	shalt  }
0x68: {  	_ =	shalt  }
0x69: {  	_ =	shalt  }
0x6a: {  	_ =	shalt  }
0x6b: {  	_ =	shalt  }
0x6c: {  	_ =	shalt  }
0x6d: {  	_ =	shalt  }
0x6e: {  	_ =	shalt  }
0x6f: {  	_ =	shalt  }
0x70: {  	_ =	shalt  }
0x71: {  	_ =	shalt  }
0x72: {  	_ =	shalt  }
0x73: {  	_ =	shalt  }
0x74: {  	_ =	shalt  }
0x75: {  	_ =	shalt  }
0x76: {  	_ =	shalt  }
0x77: {  	_ =	shalt  }
0x78: {  	_ =	shalt  }
0x79: {  	_ =	shalt  }
0x7a: {  	_ =	shalt  }
0x7b: {  	_ =	shalt  }
0x7c: {  	_ =	shalt  }
0x7d: {  	_ =	shalt  }
0x7e: {  	_ =	shalt  }
0x7f: {  	_ =	shalt  }
0x80: {  	_ =	shalt  }
0x81: {  	_ =	shalt  }
0x82: {  	_ =	shalt  }
0x83: {  	_ =	shalt  }
0x84: {  	_ =	shalt  }
0x85: {  	_ =	shalt  }
0x86: {  	_ =	shalt  }
0x87: {  	_ =	shalt  }
.Lfunc_end0:
.L_simem_size_0:
called_computation.1_lowered:
.L_overlay_start_0:
0x88: {  	s2 =	sld [smem:$0x3FD9]  }
0x89: {  	s3 =	sld [smem:$0x3FFE];
	_ =	sdelay $0x1  }
0x8a: {  	s1 =	srdreg.scid  }
0x8b: {  	s0 =	sand.u32 $0x1, s1  }
0x8c: {  	s17 =	sshll.u32 s0, $0xA;
	s2 =	sadd.s32 s3, s2  }
0x8d: {  	s2 =	sadd.s32 s2, s17  }
0x8e: {  	[smem:$0x3FC0] =	sst s2  }
0x8f: {  	_ = 	snop  }
0x90: {  	s2 =	sld [smem:$0x3FD0];
	(tm) =	ssettm $0x1  }
0x91: {  	s18 =	sld [smem:$0x3FFB];
	_ =	sdelay $0x3  }
0x92: {  	_ =	strace s18  }
0x93: {  	s3 =	sld [smem:$0x3FFC];
	_ =	sdelay $0x3  }
0x94: {  	_ =	strace s3  }
0x95: {  	s3 =	sld [smem:$0x3FFD];
	_ =	sdelay $0x3  }
0x96: {  	_ =	strace s3  }
0x97: {  	_ =	strace $0x8FFFFFFF  }
0x98: {  	s19 =	sld [smem:$0x3FDB];
	_ =	sdelay $0x1  }
0x99: {  	s4 =	simm.s32 $_scs_section_size  }
0x9a: {  	s5 =	simm.s32 $_size__tile_overlayer_lowered;
	s6 =	simm.s32 $_tile_overlayer_lowered  }
0x9b: {  	s22 =	simm.s32 $0x1BFF;
	s21 =	sshll.u32 s6, $0x1;
	s3 =	sadd.s32 s4, s19  }
0x9c: {  	s7 =	simm.s32 $0x0;
	s20 =	sshll.u32 s5, $0x1;
	s5 =	sadd.s32 s21, s3  }
0x9d: {  	[timem:s7], [sflag:s22] =	dma.local [hbm:s5], s20  }
0x9e: {  	_ =	swait.ge [sflag:s22], s20  }
0x9f: {  	s4 =	ssub.s32 $0x0, s20;
	[sflag:s22] =	ssyncset.done $0x0  }
0xa0: {  	[sflag:s22] =	ssyncadd.s32 s4;
	_ =	sdelay $0x1  }
0xa1: {  	s23 =	simm.s32 $0x1B8B  }
0xa2: {  	_ =	swait.ge [sflag:s23], $0x1  }
0xa3: {  	[sflag:s23] =	ssyncset.done $0x0  }
0xa4: {  	s25 =	simm.s32 $0x1B8E;
	s24 =	sld [smem:$0x3FFE];
	[sflag:s23] =	ssyncadd.s32 $0xFFFFFFFF  }
0xa5: {  	s26 =	simm.s32 $execute0_lowered;
	[smem:$0x3FD2] =	sst s25  }
0xa6: {  	s5 =	sshll.u32 s26, $0x1;
	_ =	strace $0x80000049;
	[dreg:$0x1] =	wrdreg $0xFFFFFFFF  }
0xa7: {  	s28 =	simm.s32 $_size_execute0_lowered;
	s3 =	sadd.s32 s3, s5;
	[dreg:$0x0] =	wrdreg $0x0  }
0xa8: {  	s5 =	sshll.u32 s28, $0x1;
	[dreg:$0x2] =	wrdreg s3  }
0xa9: {  	[dreg:$0x3] =	wrdreg s5  }
0xaa: {  	[dreg:$0x4] =	wrdreg $0xC0  }
0xab: {  	_ =	task [dreg:s7], $0x5FFFF  }
0xac: {  	[dreg:$0x1] =	wrdreg $0xFFFFFFFF  }
0xad: {  	[dreg:$0x0] =	wrdreg $0x60  }
0xae: {  	[dreg:$0x2] =	wrdreg s24  }
0xaf: {  	[dreg:$0x3] =	wrdreg s2  }
0xb0: {  	[dreg:$0x4] =	wrdreg $0x9  }
0xb1: {  	_ =	task.clear_ibuf [dreg:s7], $0x5FFFF;
	_ =	strace $0x90000049  }
0xb2: {  	s29 =	simm.s32 $0x9;
	_ =	strace $0x8000004B  }
0xb3: {  	_ =	swait.ge [sflag:s29], $0x1  }
0xb4: {  	[sflag:s29] =	ssyncadd.s32 $0xFFFFFFFF  }
0xb5: {  	_ =	strace $0x9000004B  }
0xb6: {  	_ =	sfence  }
0xb7: {  	s30 =	sld [smem:$0x0];
	_ =	sdelay $0x2  }
0xb8: {  	s31 =	sshll.u32 s1, $0xD;
	s1 =	sshrl.u32 s1, $0x2  }
0xb9: {  	s3 =	sand.u32 $0x4000, s31;
	s1 =	sadd.s32 s1, s30  }
0xba: {  	s0 =	sor.u32 s3, s0;
	s1 =	sshll.u32 s1, $0x11  }
0xbb: {  	s0 =	sor.u32 s1, s0  }
0xbc: {  	s0 =	sadd.s32 $0x8F2B, s0  }
0xbd: {  	[sflag:s0] =	ssyncadd.remote.s32 $0x1  }
0xbe: {  	_ =	sfence.sel $0xFFFF  }
0xbf: {  	[dreg:$0x0] =	wrdreg $0xFFFFFFFF;
	(pc) =	sbr.abs _section_cstart, $3  }
0xc0: {  	[dreg:$0x1] =	wrdreg $0xFFFFFFFF  }
0xc1: {  	_ =	task.clear_ibuf [dreg:s7], $0x2FFFF;
	_ =	strace $0x9FFFFFFF  }
0xc2: {  	(tm) =	ssettm $0x7FFFFFFF  }
0xc3: {  	_ =	shalt  }
tec
execute0_lowered:
.L_overlay_start_1:
0x0: {  	(tag) =	ssettag $0x1  }
0x1: {  	s5 =	rddreg [dreg:$0x0]  }
0x2: {  	s6 =	rddreg [dreg:$0x1];
	s1 =	srdreg.scid  }
0x3: {  	s0 =	rddreg [dreg:$0x2];
	s2 =	simm.s32 $0x0;
	s15 =	simm.s32 $0x0  }
0x4: {  	s7 =	sand.u32 $0x1, s1;
	s1 =	stileid.u32;
	[smem:$0x7FF] =	sst s2  }
0x5: {  	s4 =	sadd.s32 $0x3C00, s5;
	s3 =	sshll.u32 s7, $0x4;
	_ =	strace $0x8000004A  }
0x6: {  	s10 =	sshll.u32 s1, $0x4;
	s7 =	ssub.s32 $0x2, s7;
	s8 =	sor.u32 s1, s3  }
0x7: {  	s3 =	sadd.s32 $0x2C00, s5;
	s10 =	sand.u32 $0x70, s10;
	s30 =	sshrl.u32 s7, $0x1  }
0x8: {  	s9 =	smul.u32 $0x480, s8;
	s10 =	sadd.s32 s10, s5;
	s12 =	sshll.u32 s8, $0x4  }
0x9: {  	s13 =	ssub.s32 s7, s30;
	s14 =	smul.u32 $0x140, s8;
	s31 =	sand.u32 $0x180, s12  }
0xa: {  	s8 =	smax.u32 s13, $0x1;
	s12 =	simm.s32 $0xE180;
	s13 =	simm.s32 $0x10580  }
0xb: {  	s11 =	sadd.s32 s9, s5;
	s5 =	sadd.s32 s6, s9;
	s7 =	sadd.s32 s31, s10  }
0xc: {  	v1 =	vlaneseq.u32;
	s9 =	simm.s32 $0x2;
	v0 =	vmov s14;
	s10 =	simm.s32 $0x80;
	s14 =	simm.s32 $0x12980  }
0xd: {  	v2 =	vimm.s32 $0x0;
	v3 =	vimm.s32 $0x140;
	vm0 =	vmxor vm0, vm0;
	s6 =	sadd.s32 $0xBC00, s11;
	s7 =	sadd.s32 $0x14C00, s7;
	s11 =	simm.s32 $0x1  }
.LBB2_1:
0xe: {  	[tilespmem:s2], [sflag:$0x2] =	stream.linear.gather [hbm4b:s3+s2], $0x7580, $0x38;
	[tilespmem:$0x12A00] =	vst v63  }
0xf: {  	_ =	swait.ge [sflag:s9], $0x7580  }
0x10: {  	s16 =	simm.s32 $0x7580;
	[sflag:s9] =	ssyncset.done $0x0  }
0x11: {  	s17 =	simm.s32 $0x9980;
	s18 =	simm.s32 $0x0;
	[sflag:s9] =	ssyncadd.s32 $0xFFFF8A80  }
.LBB2_2:
0x12: {  	s19 =	sshll.u32 s18, $0x4  }
0x13: {  	v4 =	vadd.s32 s19, v0  }
0x14: {  	v7 =	vadd.s32 v1, v4  }
0x15: {  	v4 =	vmin.u32 v7, $0x270F  }
0x16: {  	v4 =	vmul.u32 $0x3, v4;
	_ =	sdelay $0x1  }
0x17: {  	v5 =	vadd.s32 $0x2, v4  }
0x18: {  	s30 =	simm.s32 $0x0;
	v6 =	vadd.s32 $0x1, v4  }
0x19: {  	s20 =	smul.u32 $0xAB, s30;
	_ =	sdelay $0x1  }
0x1a: {  	s20 =	sshrl.u32 s20, $0x9;
	v4 =	vld.idx.msk [tilespmem:v4+s30+$0x0], $0xffff  }
0x1b: {  	s21 =	smul.u32 $0x39, s30;
	s20 =	sand.u32 $0x7F, s20;
	v5 =	vld.idx.msk [tilespmem:v5+s30+$0x0], $0xffff  }
0x1c: {  	s31 =	simm.s32 $0x1;
	s22 =	smul.u32 $0x56, s20;
	v6 =	vld.idx.msk [tilespmem:v6+s30+$0x0], $0xffff  }
0x1d: {  	s23 =	smul.u32 $0xAB, s31  }
0x1e: {  	s24 =	smul.u32 $0x3, s20;
	s22 =	sshrl.u32 s22, $0x8  }
0x1f: {  	s22 =	smul.u32 $0x3, s22;
	v4 =	vtrunc.f32 v4  }
0x20: {  	s21 =	sshrl.u32 s21, $0x9;
	s23 =	sshrl.u32 s23, $0x9;
	s24 =	ssub.s32 $0x0, s24;
	v4 =	vcvt.f32.s32 v4;
	v5 =	vtrunc.f32 v5  }
0x21: {  	s21 =	sand.u32 $0x7F, s21;
	s24 =	sand.u32 $0xFF, s24;
	s20 =	ssub.s32 s20, s22;
	v6 =	vtrunc.f32 v6;
	v5 =	vcvt.f32.s32 v5  }
0x22: {  	s21 =	sadd.s32 $0xFFFFFFFF, s21;
	s25 =	sadd.s32 $0xFFFFFFFF, s24;
	s20 =	sand.u32 $0xFF, s20;
	v6 =	vcvt.f32.s32 v6  }
0x23: {  	s19 =	smul.u32 $0x39, s31;
	s26 =	sand.u32 $0x7F, s23;
	s28 =	sadd.s32 $0xFFFFFFFF, s20;
	v8 =	vadd.s32 s21, v4;
	v9 =	vadd.s32 s25, v5  }
0x24: {  	s29 =	smul.u32 $0x56, s26;
	s20 =	simm.s32 $0x2;
	v10 =	vadd.s32 s28, v6;
	v11 =	vor.u32 v8, v9  }
0x25: {  	vm1 =	vlt.u32 v7, $0x2710;
	s19 =	sshrl.u32 s19, $0x9;
	s30 =	smul.u32 $0xAB, s20;
	v8 =	vshll.u32 v8, $0xC;
	v7 =	vor.u32 v10, v11  }
0x26: {  	s19 =	sand.u32 $0x7F, s19;
	s21 =	sshrl.u32 s29, $0x8;
	s25 =	smul.u32 $0x3, s26;
	v8 =	vadd.s32 v9, v8;
	vm2 =	vlt.u32 v7, $0x40;
	v7 =	vshll.u32 v10, $0x6  }
0x27: {  	s23 =	sadd.s32 $0xFFFFFFFF, s19;
	s19 =	smov.u32 s17;
	s21 =	smul.u32 $0x3, s21;
	vm2 =	vmand vm1, vm2;
	v7 =	vadd.s32 v7, v8  }
0x28: {  	s22 =	simm.s32 $0x3;
	s24 =	sshrl.u32 s30, $0x9;
	s31 =	ssub.s32 $0x1, s25;
	v7 =	vnsel vm2, $0x0, v7  }
0x29: {  	s26 =	ssub.s32 s26, s21;
	s21 =	smov.u32 s16;
	s25 =	sand.u32 $0xFF, s31;
	[tilespmem:s16+$0x0] =	vst v7;
	v7 =	vsel vm2, $0x1, v2  }
.LBB2_3:
0x2a: {  	p0 =	sne.s32 s22, $0x1A;
	s26 =	sand.u32 $0xFF, s26  }
0x2b: {  	s25 =	sadd.s32 $0xFFFFFFFF, s25;
	[tilespmem:s19+$0x0] =	vst v7;
	s28 =	smul.u32 $0x39, s20;
	s29 =	sand.u32 $0x7F, s24  }
0x2c: {  	v7 =	vadd.s32 s23, v4;
	s24 =	sadd.s32 $0xFFFFFFFF, s26;
	v8 =	vadd.s32 s25, v5;
	s23 =	smul.u32 $0x56, s29  }
0x2d: {  	s25 =	smov.u32 s20;
	s20 =	smov.u32 s22;
	v9 =	vadd.s32 s24, v6;
	v10 =	vor.u32 v7, v8;
	s24 =	smul.u32 $0xAB, s22  }
.Ltmp0:
0x2e: {  	s21 =	sadd.s32 $0x140, s21;
	v7 =	vshll.u32 v7, $0xC;
	v10 =	vor.u32 v9, v10;
	(pc) =	sbr.rel @p0 .LBB2_3-.Ltmp0, $4  }
0x2f: {  	s26 =	sshrl.u32 s28, $0x9;
	s28 =	smul.u32 $0x3, s29;
	s23 =	sshrl.u32 s23, $0x8;
	v9 =	vshll.u32 v9, $0x6;
	v7 =	vadd.s32 v8, v7;
	vm2 =	vlt.u32 v10, $0x40  }
0x30: {  	s19 =	sadd.s32 $0x140, s19;
	s26 =	sand.u32 $0x7F, s26;
	s30 =	smul.u32 $0x3, s23;
	v7 =	vadd.s32 v9, v7;
	vm2 =	vmand vm1, vm2  }
0x31: {  	s24 =	sshrl.u32 s24, $0x9;
	s23 =	sadd.s32 $0xFFFFFFFF, s26;
	s25 =	ssub.s32 s25, s28;
	v7 =	vnsel vm2, $0x0, v7  }
0x32: {  	s22 =	sadd.s32 $0x1, s22;
	s25 =	sand.u32 $0xFF, s25;
	s26 =	ssub.s32 s29, s30;
	[tilespmem:s21+$0x0] =	vst v7;
	v7 =	vsel vm2, $0x1, v2  }
0x33: {  	s22 =	sand.u32 $0x7F, s24  }
0x34: {  	s24 =	smul.u32 $0x56, s22  }
0x35: {  	s26 =	sand.u32 $0xFF, s26;
	s28 =	smul.u32 $0x39, s20  }
0x36: {  	s25 =	sadd.s32 $0xFFFFFFFF, s25;
	s29 =	smul.u32 $0x3, s22;
	s24 =	sshrl.u32 s24, $0x8  }
0x37: {  	v8 =	vadd.s32 s23, v4;
	v9 =	vadd.s32 s25, v5;
	s26 =	sadd.s32 $0xFFFFFFFF, s26;
	s24 =	smul.u32 $0x3, s24  }
0x38: {  	v10 =	vadd.s32 s26, v6;
	v11 =	vor.u32 v8, v9;
	s28 =	sshrl.u32 s28, $0x9;
	s29 =	ssub.s32 s20, s29  }
0x39: {  	v8 =	vshll.u32 v8, $0xC;
	v11 =	vor.u32 v10, v11;
	s23 =	sand.u32 $0x7F, s28;
	s20 =	sand.u32 $0xFF, s29;
	s22 =	ssub.s32 s22, s24  }
0x3a: {  	v8 =	vadd.s32 v9, v8;
	v61 =	vshll.u32 v10, $0x6;
	vm2 =	vlt.u32 v11, $0x40;
	s23 =	sadd.s32 $0xFFFFFFFF, s23;
	s20 =	sadd.s32 $0xFFFFFFFF, s20;
	s22 =	sand.u32 $0xFF, s22  }
0x3b: {  	v8 =	vadd.s32 v61, v8;
	v4 =	vadd.s32 s23, v4;
	v5 =	vadd.s32 s20, v5;
	s22 =	sadd.s32 $0xFFFFFFFF, s22  }
0x3c: {  	s18 =	sadd.s32 $0x1, s18;
	vm2 =	vmand vm1, vm2;
	v63 =	vor.u32 v4, v5;
	v62 =	vadd.s32 s22, v6  }
0x3d: {  	p0 =	sne.s32 s18, $0x14;
	v8 =	vnsel vm2, $0x0, v8;
	v4 =	vshll.u32 v4, $0xC;
	v9 =	vor.u32 v62, v63  }
.Ltmp1:
0x3e: {  	[tilespmem:s19+$0x0] =	vst v7;
	s30 =	sadd.s32 $0x140, s21;
	v4 =	vadd.s32 v5, v4;
	v6 =	vshll.u32 v62, $0x6;
	vm3 =	vlt.u32 v9, $0x40;
	(pc) =	sbr.rel @p0 .LBB2_2-.Ltmp1, $4  }
0x3f: {  	s31 =	sadd.s32 $0x140, s19;
	[tilespmem:s30+$0x0] =	vst v8;
	v5 =	vsel vm2, $0x1, v2;
	v4 =	vadd.s32 v6, v4;
	vm1 =	vmand vm1, vm3  }
0x40: {  	s20 =	sadd.s32 $0x140, s30;
	[tilespmem:s31+$0x0] =	vst v5;
	v4 =	vnsel vm1, $0x0, v4  }
0x41: {  	s19 =	sadd.s32 $0x140, s31;
	[tilespmem:s20+$0x0] =	vst v4;
	v4 =	vsel vm1, $0x1, v2  }
0x42: {  	s16 =	sadd.s32 $0x10, s16;
	s17 =	sadd.s32 $0x10, s17;
	[tilespmem:s19+$0x0] =	vst v4  }
0x43: {  	s16 =	simm.s32 $0x200;
	s17 =	simm.s32 $0xBD80;
	s18 =	simm.s32 $0x7580  }
.LBB2_6:
0x44: {  	[tilespmem:s17], [sflag:$0x1] =	stream.indirect.gather [hbm4b:s4+s10], $0x1, s18, s10, $0xb8;
	[tilespmem:$0x12A00] =	vst v63  }
0x45: {  	s17 =	smov.u32 s16;
	p0 =	sne.s32 s16, $0x8600  }
.Ltmp2:
0x46: {  	s16 =	sadd.s32 $0x200, s16;
	(pc) =	sbr.rel @p0 .LBB2_6-.Ltmp2, $3  }
0x47: {  	_ =	sdelay $0x1  }
0x48: {  	s18 =	sshra.s32 s17, $0x2  }
0x49: {  	s17 =	sadd.s32 $0xBD80, s18;
	s18 =	sadd.s32 $0x7580, s18  }
0x4a: {  	[tilespmem:s17], [sflag:$0x1] =	stream.indirect.gather [hbm4b:s4+s10], $0x1, s18, s10, $0xb8;
	[tilespmem:$0x12A00] =	vst v63  }
0x4b: {  	_ =	swait.ge [sflag:s11], $0x2200  }
0x4c: {  	[sflag:s11] =	ssyncset.done $0x0  }
0x4d: {  	s16 =	simm.s32 $0x0;
	s17 =	simm.s32 $0x0;
	[sflag:s11] =	ssyncadd.s32 $0xFFFFDE00  }
.LBB2_8:
0x4e: {  	p0 =	sne.s32 s17, $0x87C0  }
.Ltmp3:
0x4f: {  	_ = 	snop;
	(pc) =	sbr.rel @p0 .LBB2_8-.Ltmp3, $4  }
0x50: {  	_ = 	snop  }
0x51: {  	s18 =	sshra.s32 s17, $0x2;
	v4 =	vimm.s32 $0x0  }
0x52: {  	[tilespmem:s18+$0xE180] =	vst v4  }
0x53: {  	s17 =	sadd.s32 $0x40, s17;
	[tilespmem:s18+$0x10580] =	vst v3  }
0x54: {  	s17 =	simm.s32 $0xBD80;
	s18 =	simm.s32 $0x9980  }
.LBB2_10:
0x55: {  	s19 =	smul.u32 $0x2800, s16;
	v7 =	vld [tilespmem:s18+$0x0]  }
0x56: {  	p0 =	sne.s32 s16, $0xD;
	vm1 =	vmmov vm0;
	v6 =	vld [tilespmem:s17+$0x0];
	s20 =	simm.s32 $0x10  }
0x57: {  	s21 =	smov.u32 s18;
	s22 =	smov.u32 s17;
	vm1 =	vmneg @p0 vm1;
	v5 =	vmov s19;
	s19 =	simm.s32 $0x0  }
.LBB2_11:
0x58: {  	p0 =	sne.s32 s20, $0x130;
	_ =	sdelay $0x2  }
0x59: {  	vm2 =	vgt.s32 v7, $0x0;
	vm3 =	vgt.s32 v6, $0xFFFFFFFF;
	v6 =	vadd.s32 v5, v6  }
0x5a: {  	vm2 =	vmand vm3, vm2  }
0x5b: {  	v7 =	vshll.u32 v4, $0x4;
	vm2 =	vmand vm1, vm2  }
0x5c: {  	v7 =	vor.u32 v1, v7;
	v8 =	vsel vm2, $0x1, v2  }
0x5d: {  	v4 =	vadd.s32 v8, v4;
	_ =	sdelay $0x3  }
.Ltmp4:
0x5e: {  	v8 =	vor.u32 s19, v1;
	s19 =	smov.u32 s20;
	[tilespmem:v7+s12+$0x0] =	vst.idx.msk vm2, v6;
	(pc) =	sbr.rel @p0 .LBB2_11-.Ltmp4, $4  }
0x5f: {  	s21 =	sadd.s32 $0x10, s21;
	[tilespmem:v7+s13+$0x0] =	vst.idx.msk vm2, v8  }
0x60: {  	s22 =	sadd.s32 $0x10, s22;
	v7 =	vld [tilespmem:s21+$0x0]  }
0x61: {  	v6 =	vld [tilespmem:s22+$0x0]  }
0x62: {  	s20 =	sadd.s32 $0x10, s20  }
0x63: {  	_ =	sdelay $0x2  }
0x64: {  	vm2 =	vgt.s32 v7, $0x0;
	vm3 =	vgt.s32 v6, $0xFFFFFFFF  }
0x65: {  	vm2 =	vmand vm3, vm2  }
0x66: {  	v7 =	vshll.u32 v4, $0x4;
	vm1 =	vmand vm1, vm2  }
0x67: {  	s16 =	sadd.s32 $0x1, s16;
	v7 =	vor.u32 v1, v7  }
0x68: {  	p0 =	sne.s32 s16, $0x1B  }
.Ltmp5:
0x69: {  	_ = 	snop;
	(pc) =	sbr.rel @p0 .LBB2_10-.Ltmp5, $4  }
0x6a: {  	_ = 	snop  }
0x6b: {  	v5 =	vadd.s32 v5, v6  }
0x6c: {  	v6 =	vsel vm1, $0x1, v2;
	[tilespmem:v7+s12+$0x0] =	vst.idx.msk vm1, v5;
	v5 =	vor.u32 s19, v1  }
0x6d: {  	s17 =	sadd.s32 $0x140, s17;
	s18 =	sadd.s32 $0x140, s18;
	v4 =	vadd.s32 v6, v4;
	[tilespmem:v7+s13+$0x0] =	vst.idx.msk vm1, v5  }
0x6e: {  	[tilespmem:$0x12980] =	vst v4  }
0x6f: {  	[hbm4b:s5+s2] =	stream.linear.scatter [tilespmem:s12], [sflag:$0x2], $0x2200, $0x38;
	[tilespmem:$0x12A00] =	vst v63  }
0x70: {  	_ =	swait.ge [sflag:s9], $0x2200  }
0x71: {  	[sflag:s9] =	ssyncset.done $0x0  }
0x72: {  	[sflag:s9] =	ssyncadd.s32 $0xFFFFDE00  }
0x73: {  	[hbm4b:s6+s2] =	stream.linear.scatter [tilespmem:s13], [sflag:$0x2], $0x2200, $0x38;
	[tilespmem:$0x12A00] =	vst v63  }
0x74: {  	s15 =	sadd.s32 $0x1, s15;
	_ =	swait.ge [sflag:s9], $0x2200  }
0x75: {  	p0 =	sne.s32 s15, s8;
	[sflag:s9] =	ssyncset.done $0x0  }
.Ltmp6:
0x76: {  	[sflag:s9] =	ssyncadd.s32 $0xFFFFDE00;
	(pc) =	sbr.rel @p0 .LBB2_1-.Ltmp6, $4  }
0x77: {  	[hbm4b:s7+s2] =	stream.linear.scatter [tilespmem:s14], [sflag:$0x2], $0x80, $0x38;
	[tilespmem:$0x12A00] =	vst v63  }
0x78: {  	_ =	swait.ge [sflag:s9], $0x80  }
0x79: {  	[sflag:s9] =	ssyncset.done $0x0  }
0x7a: {  	[sflag:s9] =	ssyncadd.s32 $0xFFFFFF80  }
0x7b: {  	_ =	sfence.sel $0x180000  }
0x7c: {  	[bflag:$0x0] =	sbarrier.arrive $0xFFFF  }
0x7d: {  	p0 =	sne.s32 s1, $0x0;
	_ =	strace $0x9000004A  }
0x7e: {  	s0 =	sadd.s32 @!p0 $0x100000, s0;
	[bflag:$0x2] =	sbarrier.arrive $0xFFFF  }
0x7f: {  	[sflag:s0] =	ssyncadd.tile.s32 @!p0 $0x1;
	_ =	shalt  }
.Lfunc_end2:
_tile_overlayer_lowered:
.L_overlay_start_2:
0x80: {  	(tag) =	ssettag $0x2  }
0x81: {  	s0 =	rddreg [dreg:$0x0];
	s2 =	stileid.u32  }
0x82: {  	s1 =	rddreg [dreg:$0x1];
	p0 =	sne.s32 s2, $0x0  }
0x83: {  	s3 =	rddreg [dreg:$0x2];
	[bflag:$0x3] =	sbarrier.arrive $0xFFFF;
	s2 =	simm.s32 @!p0 $0x1C02  }
0x84: {  	[timem:s3], [sflag:s2] =	dma.local @!p0 [hbm:s0], s1  }
0x85: {  	s0 =	simm.s32 @!p0 $0x2  }
0x86: {  	_ =	swait.ge @!p0 [sflag:s0], s1  }
0x87: {  	s1 =	ssub.s32 @!p0 $0x0, s1;
	[sflag:s0] =	ssyncset.done @!p0 $0x0  }
0x88: {  	[sflag:s0] =	ssyncadd.s32 @!p0 s1  }
0x89: {  	[bflag:$0x3] =	sbarrier.arrive $0xFFFF  }
0x8a: {  	_ =	shalt  }

// kernel: kernel.14.cloned.1.call-start
scs
__scs_entry_jumppad:
0x0: {  	(pc) =	sbr.rel $0x88, $3  }
0x1: {  	(tag) =	ssettag $0x0;
	lr =	simm.s32 $0x1  }
0x2: {  	[smem:$0x3F99] =	sst lr;
	_ =	strace $0xD0000000  }
0x3: {  	_ = 	snop  }
0x4: {  	_ = 	snop  }
0x5: {  	_ = 	snop  }
0x6: {  	_ = 	snop  }
0x7: {  	_ = 	snop  }
__scs_overlays_trampoline_lowered:
0x8: {  	[smem:$0x3FA8] =	sst s0  }
0x9: {  	[smem:$0x3FA9] =	sst s1  }
0xa: {  	[smem:$0x3FAA] =	sst s2  }
0xb: {  	[smem:$0x3FAB] =	sst s3  }
0xc: {  	[smem:$0x3FAC] =	sst s4  }
0xd: {  	[smem:$0x3FAD] =	sst s5  }
0xe: {  	[smem:$0x3FAE] =	sst s6  }
0xf: {  	[smem:$0x3FAF] =	sst s7  }
0x10: {  	[smem:$0x3FB0] =	sst s8  }
0x11: {  	[smem:$0x3FB1] =	sst s9;
	s0 =	simm.s32 @!p0 $0x0  }
0x12: {  	s1 =	sld [smem:$0x3F97];
	s0 =	simm.s32 @p0 $0x1  }
0x13: {  	[smem:$0x3FB2] =	sst s0;
	s0 =	simm.s32 @!p1 $0x0  }
0x14: {  	s2 =	sld [smem:$0x3F96];
	s0 =	simm.s32 @p1 $0x1  }
0x15: {  	[smem:$0x3FB3] =	sst s0;
	s0 =	simm.s32 @!p2 $0x0  }
0x16: {  	s3 =	sld [smem:$0x3FDB];
	s0 =	simm.s32 @p2 $0x1  }
0x17: {  	s4 =	simm.s32 $0x1BF5;
	[smem:$0x3FB5] =	sst s0  }
0x18: {  	s0 =	sld [smem:$0x3F98];
	_ =	swait.ge [sflag:s4], $0x0  }
0x19: {  	s7 =	sld [smem:$0x3F99]  }
0x1a: {  	s8 =	sadd.s32 $0xFFFFE003, lr  }
0x1b: {  	s9 =	sadd.s32 $0xFFFFFEF7, lr;
	s5 =	simm.s32 $0xFFFFFFFF;
	p2 =	slt.u32 s8, $0xFFFFF086  }
0x1c: {  	p1 =	slt.u32 s9, $0xF7A;
	s5 =	simm.s32 @!p2 $0x0  }
0x1d: {  	s5 =	simm.s32 @p1 $0x1;
	p0 =	seq.s32 s7, s2  }
0x1e: {  	s7 =	smul.u32 @!p0 $0xF7A, s2;
	p2 =	seq.s32 @!p0 s5, $0x0  }
0x1f: {  	s9 =	smul.u32 $0xF7A, s1;
	s8 =	simm.s32 @!p0 $0x1BF5;
	p2 =	por !p2, p0  }
0x20: {  	[sflag:s8] =	ssyncset.s32 @!p0 $0xFFFFF086;
	s6 =	sadd.s32 @!p0 s3, s7;
	s7 =	simm.s32 @!p0 $0x108  }
0x21: {  	s3 =	sadd.s32 s3, s9;
	s6 =	sadd.s32 @!p0 $0x88, s6;
	s7 =	simm.s32 @p2 $0x1082  }
0x22: {  	[simem:s7], [sflag:s8] =	dma.local @!p0 [hbm:s6], $0xF7A  }
0x23: {  	s9 =	sor.u32 $0xD0000000, s2;
	s6 =	simm.s32 $0x108;
	_ =	swait.ge @!p0 [sflag:s8], $0x0  }
0x24: {  	s3 =	sadd.s32 $0x88, s3;
	s6 =	simm.s32 @!p1 $0x1082;
	[sflag:s4] =	ssyncset.s32 $0xFFFFF086  }
0x25: {  	[simem:s6], [sflag:s4] =	dma.local [hbm:s3], $0xF7A  }
0x26: {  	[smem:$0x3F99] =	sst s1;
	(tag) =	ssettag s2;
	_ =	strace s9  }
0x27: {  	s1 =	sld [smem:$0x3FA9]  }
0x28: {  	s2 =	sld [smem:$0x3FAA]  }
0x29: {  	s4 =	sld [smem:$0x3FAC]  }
0x2a: {  	p0 =	seq.s32 s5, $0x0;
	s5 =	sld [smem:$0x3FAD]  }
0x2b: {  	s6 =	sld [smem:$0x3FAE]  }
0x2c: {  	s7 =	sld [smem:$0x3FAF]  }
0x2d: {  	s3 =	simm.s32 $0x108;
	s8 =	sld [smem:$0x3FB0]  }
0x2e: {  	s3 =	simm.s32 @!p0 $0x1082;
	s9 =	sld [smem:$0x3FB1]  }
0x2f: {  	lr =	sadd.s32 s0, s3;
	s0 =	sld [smem:$0x3FA8]  }
0x30: {  	s3 =	sld [smem:$0x3FAB]  }
0x31: {  	[smem:$0x3FB4] =	sst s10  }
0x32: {  	s10 =	sld [smem:$0x3FB2];
	_ =	sdelay $0x3  }
0x33: {  	p0 =	seq.s32 s10, $0x1;
	s10 =	sld [smem:$0x3FB4];
	_ =	sdelay $0x3  }
0x34: {  	[smem:$0x3FB4] =	sst s10  }
0x35: {  	s10 =	sld [smem:$0x3FB3];
	_ =	sdelay $0x3  }
0x36: {  	p1 =	seq.s32 s10, $0x1;
	s10 =	sld [smem:$0x3FB4];
	_ =	sdelay $0x3  }
0x37: {  	[smem:$0x3FB4] =	sst s10  }
0x38: {  	s10 =	sld [smem:$0x3FB5]  }
0x39: {  	_ = 	snop;
	(pc) =	sbr.ind lr, $3  }
0x3a: {  	_ = 	snop  }
0x3b: {  	_ = 	snop  }
0x3c: {  	p2 =	seq.s32 s10, $0x1;
	s10 =	sld [smem:$0x3FB4]  }
0x3d: {  	_ =	shalt  }
0x3e: {  	_ =	shalt  }
0x3f: {  	_ =	shalt  }
0x40: {  	_ =	shalt  }
0x41: {  	_ =	shalt  }
0x42: {  	_ =	shalt  }
0x43: {  	_ =	shalt  }
0x44: {  	_ =	shalt  }
0x45: {  	_ =	shalt  }
0x46: {  	_ =	shalt  }
0x47: {  	_ =	shalt  }
0x48: {  	_ =	shalt  }
0x49: {  	_ =	shalt  }
0x4a: {  	_ =	shalt  }
0x4b: {  	_ =	shalt  }
0x4c: {  	_ =	shalt  }
0x4d: {  	_ =	shalt  }
0x4e: {  	_ =	shalt  }
0x4f: {  	_ =	shalt  }
0x50: {  	_ =	shalt  }
0x51: {  	_ =	shalt  }
0x52: {  	_ =	shalt  }
0x53: {  	_ =	shalt  }
0x54: {  	_ =	shalt  }
0x55: {  	_ =	shalt  }
0x56: {  	_ =	shalt  }
0x57: {  	_ =	shalt  }
0x58: {  	_ =	shalt  }
0x59: {  	_ =	shalt  }
0x5a: {  	_ =	shalt  }
0x5b: {  	_ =	shalt  }
0x5c: {  	_ =	shalt  }
0x5d: {  	_ =	shalt  }
0x5e: {  	_ =	shalt  }
0x5f: {  	_ =	shalt  }
0x60: {  	_ =	shalt  }
0x61: {  	_ =	shalt  }
0x62: {  	_ =	shalt  }
0x63: {  	_ =	shalt  }
0x64: {  	_ =	shalt  }
0x65: {  	_ =	shalt  }
0x66: {  	_ =	shalt  }
0x67: {  	_ =	shalt  }
0x68: {  	_ =	shalt  }
0x69: {  	_ =	shalt  }
0x6a: {  	_ =	shalt  }
0x6b: {  	_ =	shalt  }
0x6c: {  	_ =	shalt  }
0x6d: {  	_ =	shalt  }
0x6e: {  	_ =	shalt  }
0x6f: {  	_ =	shalt  }
0x70: {  	_ =	shalt  }
0x71: {  	_ =	shalt  }
0x72: {  	_ =	shalt  }
0x73: {  	_ =	shalt  }
0x74: {  	_ =	shalt  }
0x75: {  	_ =	shalt  }
0x76: {  	_ =	shalt  }
0x77: {  	_ =	shalt  }
0x78: {  	_ =	shalt  }
0x79: {  	_ =	shalt  }
0x7a: {  	_ =	shalt  }
0x7b: {  	_ =	shalt  }
0x7c: {  	_ =	shalt  }
0x7d: {  	_ =	shalt  }
0x7e: {  	_ =	shalt  }
0x7f: {  	_ =	shalt  }
0x80: {  	_ =	shalt  }
0x81: {  	_ =	shalt  }
0x82: {  	_ =	shalt  }
0x83: {  	_ =	shalt  }
0x84: {  	_ =	shalt  }
0x85: {  	_ =	shalt  }
0x86: {  	_ =	shalt  }
0x87: {  	_ =	shalt  }
.Lfunc_end0:
.L_simem_size_0:
called_computation.2_lowered:
.L_overlay_start_0:
0x88: {  	s2 =	sld [smem:$0x3FD9]  }
0x89: {  	s3 =	sld [smem:$0x3FFE];
	_ =	sdelay $0x1  }
0x8a: {  	s1 =	srdreg.scid  }
0x8b: {  	s0 =	sand.u32 $0x1, s1  }
0x8c: {  	s17 =	sshll.u32 s0, $0xA;
	s2 =	sadd.s32 s3, s2  }
0x8d: {  	s2 =	sadd.s32 s2, s17  }
0x8e: {  	[smem:$0x3FC0] =	sst s2  }
0x8f: {  	_ = 	snop  }
0x90: {  	s2 =	sld [smem:$0x3FD0];
	(tm) =	ssettm $0x1  }
0x91: {  	s18 =	sld [smem:$0x3FFB];
	_ =	sdelay $0x3  }
0x92: {  	_ =	strace s18  }
0x93: {  	s3 =	sld [smem:$0x3FFC];
	_ =	sdelay $0x3  }
0x94: {  	_ =	strace s3  }
0x95: {  	s3 =	sld [smem:$0x3FFD];
	_ =	sdelay $0x3  }
0x96: {  	_ =	strace s3  }
0x97: {  	_ =	strace $0x8FFFFFFF  }
0x98: {  	s19 =	sld [smem:$0x3FDB];
	_ =	sdelay $0x1  }
0x99: {  	s4 =	simm.s32 $_scs_section_size  }
0x9a: {  	s5 =	simm.s32 $_size__tile_overlayer_lowered;
	s6 =	simm.s32 $_tile_overlayer_lowered  }
0x9b: {  	s22 =	simm.s32 $0x1BFF;
	s21 =	sshll.u32 s6, $0x1;
	s3 =	sadd.s32 s4, s19  }
0x9c: {  	s7 =	simm.s32 $0x0;
	s20 =	sshll.u32 s5, $0x1;
	s5 =	sadd.s32 s21, s3  }
0x9d: {  	[timem:s7], [sflag:s22] =	dma.local [hbm:s5], s20  }
0x9e: {  	_ =	swait.ge [sflag:s22], s20  }
0x9f: {  	s4 =	ssub.s32 $0x0, s20;
	[sflag:s22] =	ssyncset.done $0x0  }
0xa0: {  	[sflag:s22] =	ssyncadd.s32 s4;
	_ =	sdelay $0x1  }
0xa1: {  	s23 =	simm.s32 $0x1B8B  }
0xa2: {  	_ =	swait.ge [sflag:s23], $0x1  }
0xa3: {  	[sflag:s23] =	ssyncset.done $0x0  }
0xa4: {  	s25 =	simm.s32 $0x1B8E;
	s24 =	sld [smem:$0x3FFE];
	[sflag:s23] =	ssyncadd.s32 $0xFFFFFFFF  }
0xa5: {  	s26 =	simm.s32 $execute0_lowered;
	[smem:$0x3FD2] =	sst s25  }
0xa6: {  	s5 =	sshll.u32 s26, $0x1;
	_ =	strace $0x8000004C;
	[dreg:$0x1] =	wrdreg $0xFFFFFFFF  }
0xa7: {  	s28 =	simm.s32 $_size_execute0_lowered;
	s3 =	sadd.s32 s3, s5;
	[dreg:$0x0] =	wrdreg $0x0  }
0xa8: {  	s5 =	sshll.u32 s28, $0x1;
	[dreg:$0x2] =	wrdreg s3  }
0xa9: {  	[dreg:$0x3] =	wrdreg s5  }
0xaa: {  	[dreg:$0x4] =	wrdreg $0xC0  }
0xab: {  	_ =	task [dreg:s7], $0x5FFFF  }
0xac: {  	[dreg:$0x1] =	wrdreg $0xFFFFFFFF  }
0xad: {  	[dreg:$0x0] =	wrdreg $0x60  }
0xae: {  	[dreg:$0x2] =	wrdreg s24  }
0xaf: {  	[dreg:$0x3] =	wrdreg s2  }
0xb0: {  	[dreg:$0x4] =	wrdreg $0x9  }
0xb1: {  	_ =	task.clear_ibuf [dreg:s7], $0x5FFFF;
	_ =	strace $0x9000004C  }
0xb2: {  	s29 =	simm.s32 $0x9;
	_ =	strace $0x8000004E  }
0xb3: {  	_ =	swait.ge [sflag:s29], $0x1  }
0xb4: {  	[sflag:s29] =	ssyncadd.s32 $0xFFFFFFFF  }
0xb5: {  	_ =	strace $0x9000004E  }
0xb6: {  	_ =	sfence  }
0xb7: {  	s30 =	sld [smem:$0x0];
	_ =	sdelay $0x2  }
0xb8: {  	s31 =	sshll.u32 s1, $0xD;
	s1 =	sshrl.u32 s1, $0x2  }
0xb9: {  	s3 =	sand.u32 $0x4000, s31;
	s1 =	sadd.s32 s1, s30  }
0xba: {  	s0 =	sor.u32 s3, s0;
	s1 =	sshll.u32 s1, $0x11  }
0xbb: {  	s0 =	sor.u32 s1, s0  }
0xbc: {  	s0 =	sadd.s32 $0x8F2B, s0  }
0xbd: {  	[sflag:s0] =	ssyncadd.remote.s32 $0x1  }
0xbe: {  	_ =	sfence.sel $0xFFFF  }
0xbf: {  	[dreg:$0x0] =	wrdreg $0xFFFFFFFF;
	(pc) =	sbr.abs _section_cstart, $3  }
0xc0: {  	[dreg:$0x1] =	wrdreg $0xFFFFFFFF  }
0xc1: {  	_ =	task.clear_ibuf [dreg:s7], $0x2FFFF;
	_ =	strace $0x9FFFFFFF  }
0xc2: {  	(tm) =	ssettm $0x7FFFFFFF  }
0xc3: {  	_ =	shalt  }
tec
execute0_lowered:
.L_overlay_start_1:
0x0: {  	(tag) =	ssettag $0x1  }
0x1: {  	s4 =	rddreg [dreg:$0x0]  }
0x2: {  	s5 =	rddreg [dreg:$0x1]  }
0x3: {  	s1 =	srdreg.scid;
	s0 =	rddreg [dreg:$0x2];
	s2 =	simm.s32 $0x0  }
0x4: {  	s14 =	simm.s32 $0x12880;
	s15 =	simm.s32 $0x8880;
	s16 =	simm.s32 $0x1  }
0x5: {  	s17 =	simm.s32 $0x4880;
	s18 =	simm.s32 $0x0;
	s6 =	sand.u32 $0x1, s1  }
0x6: {  	s1 =	stileid.u32;
	[smem:$0x7FF] =	sst s2;
	s3 =	sshll.u32 s6, $0x4  }
0x7: {  	_ =	strace $0x8000004D;
	s9 =	sshll.u32 s1, $0x4;
	s7 =	sor.u32 s1, s3  }
0x8: {  	s6 =	ssub.s32 $0x2, s6;
	s3 =	sadd.s32 $0x3CE00, s4;
	s8 =	smul.u32 $0x480, s7  }
0x9: {  	s9 =	sand.u32 $0x70, s9;
	s26 =	sshrl.u32 s6, $0x1;
	s10 =	smul.u32 $0x1400, s7  }
0xa: {  	s9 =	sadd.s32 s9, s4;
	s12 =	smul.u32 $0xA000, s7;
	s28 =	sshll.u32 s7, $0x4  }
0xb: {  	v0 =	vlaneseq.u32;
	s13 =	ssub.s32 s6, s26;
	s6 =	sand.u32 $0x180, s28;
	s11 =	sadd.s32 s8, s4  }
.Ltmp0:
0xc: {  	v1 =	vmul.u32 $0x80, v0;
	s10 =	sadd.s32 s10, s4;
	s4 =	sadd.s32 s5, s8;
	(pc) =	sbr.rel .LBB2_1-.Ltmp0, $4  }
0xd: {  	s29 =	sshrl.u32 s12, $0x3;
	s30 =	sadd.s32 s6, s9;
	s12 =	simm.s32 $0x2400  }
0xe: {  	v2 =	vor.u32 $0x800, v1;
	s5 =	sadd.s32 $0xBC00, s11;
	s6 =	sadd.s32 $0x474E00, s10;
	s31 =	sadd.s32 s3, s29  }
0xf: {  	v3 =	vor.u32 $0x1000, v1;
	v4 =	vor.u32 $0x1800, v1;
	v5 =	vor.u32 $0x2000, v1;
	s7 =	sadd.s32 $0x14C00, s30;
	s9 =	sadd.s32 $0x49CE00, s10;
	s10 =	smax.u32 s13, $0x1  }
0x10: {  	v6 =	vor.u32 $0x2800, v1;
	v7 =	vor.u32 $0x3000, v1;
	v8 =	vor.u32 $0x3800, v1;
	s11 =	simm.s32 $0x2;
	s13 =	simm.s32 $0x4800;
	s8 =	sadd.s32 $0x208000, s31  }
.LBB2_15:
0x11: {  	s18 =	sadd.s32 $0x1, s18  }
0x12: {  	p0 =	sne.s32 s18, s10  }
.Ltmp1:
0x13: {  	_ = 	snop;
	(pc) =	sbr.rel @!p0 .LBB2_16-.Ltmp1, $4  }
0x14: {  	[hbm4b:s9+s2] =	stream.linear.scatter [tilespmem:s14], [sflag:$0x2], $0xA000, $0x38;
	[tilespmem:$0x1CC80] =	vst v63  }
0x15: {  	_ =	swait.ge [sflag:s11], $0xA000  }
0x16: {  	[sflag:s11] =	ssyncset.done $0x0  }
0x17: {  	[sflag:s11] =	ssyncadd.s32 $0xFFFF6000  }
.LBB2_1:
0x18: {  	[tilespmem:s2], [sflag:$0x2] =	stream.linear.gather [hbm4b:s4+s2], $0x2200, $0x38;
	[tilespmem:$0x1CC80] =	vst v63  }
0x19: {  	_ =	swait.ge [sflag:s11], $0x2200  }
0x1a: {  	[sflag:s11] =	ssyncset.done $0x0  }
0x1b: {  	[sflag:s11] =	ssyncadd.s32 $0xFFFFDE00  }
0x1c: {  	[tilespmem:s12], [sflag:$0x2] =	stream.linear.gather [hbm4b:s5+s2], $0x2200, $0x38;
	[tilespmem:$0x1CC80] =	vst v63  }
0x1d: {  	_ =	swait.ge [sflag:s11], $0x2200  }
0x1e: {  	[sflag:s11] =	ssyncset.done $0x0  }
0x1f: {  	[sflag:s11] =	ssyncadd.s32 $0xFFFFDE00  }
0x20: {  	[tilespmem:s13], [sflag:$0x2] =	stream.linear.gather [hbm4b:s7+s2], $0x80, $0x38;
	[tilespmem:$0x1CC80] =	vst v63  }
0x21: {  	_ =	swait.ge [sflag:s11], $0x80  }
0x22: {  	[sflag:s11] =	ssyncset.done $0x0  }
0x23: {  	[sflag:s11] =	ssyncadd.s32 $0xFFFFFF80  }
0x24: {  	[tilespmem:s14], [sflag:$0x2] =	stream.linear.gather [hbm4b:s6+s2], $0xA000, $0x38;
	[tilespmem:$0x1CC80] =	vst v63  }
0x25: {  	_ =	swait.ge [sflag:s11], $0xA000  }
0x26: {  	[sflag:s11] =	ssyncset.done $0x0  }
0x27: {  	[sflag:s11] =	ssyncadd.s32 $0xFFFF6000  }
0x28: {  	[tilespmem:s15], [sflag:$0x2] =	stream.linear.gather [hbm4b:s8+s2], $0xA000, $0x38;
	[tilespmem:$0x1CC80] =	vst v63  }
0x29: {  	s19 =	simm.s32 $0x0;
	_ =	swait.ge [sflag:s11], $0xA000  }
0x2a: {  	s20 =	sand.u32 $0x70, s2;
	s19 =	sand.u32 $0xFF80, s19;
	[sflag:s11] =	ssyncset.done $0x0  }
0x2b: {  	s19 =	sor.u32 s20, s19;
	[sflag:s11] =	ssyncadd.s32 $0xFFFF6000  }
0x2c: {  	v9 =	vld [tilespmem:s19+$0x8880]  }
0x2d: {  	v10 =	vld [tilespmem:s19+$0x12880];
	_ =	sdelay $0x3  }
0x2e: {  	s21 =	simm.s32 $0x10;
	s20 =	simm.s32 $0x10  }
0x2f: {  	s23 =	sand.u32 $0xFF80, s21;
	s21 =	simm.s32 $0x80;
	s22 =	sand.u32 $0x70, s20;
	v9 =	vadd.f32 v9, v10  }
.LBB2_2:
0x30: {  	p0 =	sne.s32 s21, $0x27FC0;
	s22 =	sor.u32 s22, s23  }
0x31: {  	v10 =	vld [tilespmem:s22+$0x8880];
	[tilespmem:s19+$0x12880] =	vst v9;
	s19 =	smov.u32 s22  }
0x32: {  	v9 =	vld [tilespmem:s19+$0x12880]  }
.Ltmp2:
0x33: {  	(pc) =	sbr.rel @p0 .LBB2_2-.Ltmp2, $3  }
0x34: {  	_ =	sdelay $0x1  }
0x35: {  	s23 =	sshrl.u32 s21, $0x2;
	s20 =	sadd.s32 $0x10, s20  }
0x36: {  	s21 =	sadd.s32 $0x40, s21;
	s22 =	sand.u32 $0x70, s20;
	s23 =	sand.u32 $0xFF80, s23;
	v9 =	vadd.f32 v10, v9  }
0x37: {  	s20 =	sor.u32 s22, s23  }
0x38: {  	v10 =	vld [tilespmem:s20+$0x8880];
	[tilespmem:s19+$0x12880] =	vst v9  }
0x39: {  	v9 =	vld [tilespmem:s20+$0x12880];
	_ =	sdelay $0x4  }
0x3a: {  	v9 =	vadd.f32 v10, v9;
	_ =	sdelay $0x1  }
0x3b: {  	[tilespmem:s20+$0x12880] =	vst v9  }
0x3c: {  	v9 =	vld [tilespmem:$0x4800];
	_ =	sdelay $0x4  }
0x3d: {  	v9 =	vxor.u32 $0x80000000, v9  }
0x3e: {  	(xrf0) =	vmax.scan.msk.u32 $0xffff, v9;
	_ =	sdelay $0x5  }
0x3f: {  	v9, _, _ =	vpop (xrf0)  }
0x40: {  	(v2sf) =	vpush v9, $0xF;
	_ =	sdelay $0xe  }
0x41: {  	s29 =	spop (v2sf)  }
0x42: {  	s19 =	sadd.s32 $0x80000007, s29  }
0x43: {  	s30 =	sand.u32 $0x7, s19  }
0x44: {  	s21 =	sshra.s32 s19, $0x1F;
	p0 =	slt.s32 s19, $0x1;
	p1 =	sne.s32 s30, $0x0  }
0x45: {  	s31 =	sshrl.u32 s21, $0x1D;
	p0 =	por !p0, !p1  }
0x46: {  	s20 =	simm.s32 $0x1;
	s19 =	sadd.s32 s31, s19;
	p0 =	por !p0, !p0  }
0x47: {  	s19 =	sshra.s32 s19, $0x3;
	s20 =	simm.s32 @!p0 $0x0  }
0x48: {  	s19 =	ssub.s32 s19, s20  }
0x49: {  	p0 =	slt.s32 s19, $0x1  }
.Ltmp3:
0x4a: {  	_ = 	snop;
	(pc) =	sbr.rel @p0 .LBB2_15-.Ltmp3, $2  }
0x4b: {  	_ =	sdelay $0x2  }
0x4c: {  	s21 =	simm.s32 $0x0;
	s20 =	simm.s32 $0x0  }
.LBB2_4:
0x4d: {  	s22 =	sshll.u32 s21, $0x9  }
0x4e: {  	s22 =	sshra.s32 s22, $0x2  }
0x4f: {  	v9 =	vmov s22;
	_ =	sdelay $0x3  }
0x50: {  	s23 =	sand.u32 $0x10, s20  }
0x51: {  	v10 =	vld.idx.msk [tilespmem:v9+s23+$0x0 ss:$0x1], $0xffff;
	_ =	sdelay $0x2  }
0x52: {  	s29 =	sand.u32 $0xF, s20  }
0x53: {  	v11 =	vmov s29  }
0x54: {  	vm0 =	veq.s32 v11, v0;
	v10 =	vxor.u32 $0x80000000, v10  }
0x55: {  	v10 =	vnsel vm0, $0x80000000, v10  }
0x56: {  	(xrf0) =	vmax.scan.msk.u32 $0xffff, v10;
	_ =	sdelay $0x5  }
0x57: {  	v10, _, _ =	vpop (xrf0)  }
0x58: {  	(v2sf) =	vpush v10, $0xF;
	_ =	sdelay $0xe  }
0x59: {  	s30 =	spop (v2sf)  }
0x5a: {  	s23 =	sshll.u32 s30, $0x4  }
0x5b: {  	s24 =	simm.s32 $0x1;
	s25 =	sand.u32 $0x1FFFFFF0, s23  }
0x5c: {  	s31 =	sand.u32 $0x10, s24;
	s23 =	simm.s32 $0x4880;
	s25 =	sadd.s32 s3, s25  }
0x5d: {  	[tilespmem:s23], [sflag:$0x1] =	stream.linear.gather [hbm4b:s25+s2], $0x80, $0x38;
	[tilespmem:$0x1CC80] =	vst v63  }
0x5e: {  	s25 =	simm.s32 $0x2;
	v10 =	vld.idx.msk [tilespmem:v9+s31+$0x0 ss:$0x1], $0xffff  }
.LBB2_5:
0x5f: {  	p0 =	sne.s32 s25, $0x1F;
	_ =	sdelay $0x2  }
0x60: {  	s26 =	sand.u32 $0xF, s24;
	s24 =	smov.u32 s25  }
0x61: {  	v11 =	vmov s26  }
0x62: {  	vm0 =	veq.s32 v11, v0;
	v10 =	vxor.u32 $0x80000000, v10  }
0x63: {  	v10 =	vnsel vm0, $0x80000000, v10  }
0x64: {  	(xrf0) =	vmax.scan.msk.u32 $0xffff, v10;
	_ =	sdelay $0x5  }
0x65: {  	v10, _, _ =	vpop (xrf0)  }
0x66: {  	(v2sf) =	vpush v10, $0xF;
	_ =	sdelay $0xe  }
0x67: {  	s26 =	spop (v2sf)  }
.Ltmp4:
0x68: {  	s26 =	sshll.u32 s26, $0x4;
	(pc) =	sbr.rel @p0 .LBB2_5-.Ltmp4, $4  }
0x69: {  	s26 =	sand.u32 $0x1FFFFFF0, s26  }
0x6a: {  	s28 =	sand.u32 $0x10, s25;
	s23 =	sadd.s32 $0x80, s23;
	s26 =	sadd.s32 s3, s26  }
0x6b: {  	[tilespmem:s23], [sflag:$0x1] =	stream.linear.gather [hbm4b:s26+s2], $0x80, $0x38;
	[tilespmem:$0x1CC80] =	vst v63  }
0x6c: {  	s25 =	sadd.s32 $0x1, s25;
	v10 =	vld.idx.msk [tilespmem:v9+s28+$0x0 ss:$0x1], $0xffff  }
0x6d: {  	_ =	sdelay $0x1  }
0x6e: {  	s24 =	sand.u32 $0xF, s24  }
0x6f: {  	v11 =	vmov s24  }
0x70: {  	vm0 =	veq.s32 v11, v0;
	v10 =	vxor.u32 $0x80000000, v10  }
0x71: {  	v10 =	vnsel vm0, $0x80000000, v10  }
0x72: {  	(xrf0) =	vmax.scan.msk.u32 $0xffff, v10;
	_ =	sdelay $0x5  }
0x73: {  	v10, _, _ =	vpop (xrf0)  }
0x74: {  	(v2sf) =	vpush v10, $0xF;
	_ =	sdelay $0xe  }
0x75: {  	s26 =	spop (v2sf)  }
0x76: {  	s24 =	sshll.u32 s26, $0x4  }
0x77: {  	s24 =	sand.u32 $0x1FFFFFF0, s24  }
0x78: {  	s23 =	sadd.s32 $0x80, s23;
	s24 =	sadd.s32 s3, s24  }
0x79: {  	[tilespmem:s23], [sflag:$0x1] =	stream.linear.gather [hbm4b:s24+s2], $0x80, $0x38;
	[tilespmem:$0x1CC80] =	vst v63  }
0x7a: {  	_ =	swait.ge [sflag:s16], $0x1000  }
0x7b: {  	s28 =	simm.s32 $0x20;
	[sflag:s16] =	ssyncset.done $0x0  }
0x7c: {  	s29 =	sand.u32 $0x30, s28;
	[sflag:s16] =	ssyncadd.s32 $0xFFFFF000  }
0x7d: {  	v10 =	vld.idx.msk [tilespmem:v9+s29+$0x0 ss:$0x1], $0xffff;
	_ =	sdelay $0x2  }
0x7e: {  	s23 =	sand.u32 $0xF, s28  }
0x7f: {  	v11 =	vmov s23  }
0x80: {  	vm15 =	veq.s32 v11, v0;
	v10 =	vxor.u32 $0x80000000, v10  }
0x81: {  	v10 =	vnsel vm15, $0x80000000, v10  }
0x82: {  	(xrf0) =	vmax.scan.msk.u32 $0xffff, v10;
	_ =	sdelay $0x5  }
0x83: {  	v10, _, _ =	vpop (xrf0)  }
0x84: {  	(v2sf) =	vpush v10, $0xF;
	_ =	sdelay $0xe  }
0x85: {  	s30 =	spop (v2sf)  }
0x86: {  	s23 =	sshll.u32 s30, $0x4  }
0x87: {  	s24 =	simm.s32 $0x21;
	s25 =	sand.u32 $0x1FFFFFF0, s23  }
0x88: {  	s31 =	sand.u32 $0x30, s24;
	s23 =	simm.s32 $0x5880;
	s25 =	sadd.s32 s3, s25  }
0x89: {  	[tilespmem:s23], [sflag:$0x1] =	stream.linear.gather [hbm4b:s25+s2], $0x80, $0x38;
	[tilespmem:$0x1CC80] =	vst v63  }
0x8a: {  	s25 =	simm.s32 $0x22;
	v10 =	vld.idx.msk [tilespmem:v9+s31+$0x0 ss:$0x1], $0xffff  }
.LBB2_7:
0x8b: {  	p0 =	sne.s32 s25, $0x3F;
	_ =	sdelay $0x2  }
0x8c: {  	s26 =	sand.u32 $0xF, s24;
	s24 =	smov.u32 s25  }
0x8d: {  	v11 =	vmov s26  }
0x8e: {  	vm0 =	veq.s32 v11, v0;
	v10 =	vxor.u32 $0x80000000, v10  }
0x8f: {  	v10 =	vnsel vm0, $0x80000000, v10  }
0x90: {  	(xrf0) =	vmax.scan.msk.u32 $0xffff, v10;
	_ =	sdelay $0x5  }
0x91: {  	v10, _, _ =	vpop (xrf0)  }
0x92: {  	(v2sf) =	vpush v10, $0xF;
	_ =	sdelay $0xe  }
0x93: {  	s26 =	spop (v2sf)  }
.Ltmp5:
0x94: {  	s26 =	sshll.u32 s26, $0x4;
	(pc) =	sbr.rel @p0 .LBB2_7-.Ltmp5, $4  }
0x95: {  	s26 =	sand.u32 $0x1FFFFFF0, s26  }
0x96: {  	s28 =	sand.u32 $0x30, s25;
	s23 =	sadd.s32 $0x80, s23;
	s26 =	sadd.s32 s3, s26  }
0x97: {  	[tilespmem:s23], [sflag:$0x1] =	stream.linear.gather [hbm4b:s26+s2], $0x80, $0x38;
	[tilespmem:$0x1CC80] =	vst v63  }
0x98: {  	s25 =	sadd.s32 $0x1, s25;
	v10 =	vld.idx.msk [tilespmem:v9+s28+$0x0 ss:$0x1], $0xffff  }
0x99: {  	_ =	sdelay $0x1  }
0x9a: {  	s24 =	sand.u32 $0xF, s24  }
0x9b: {  	v11 =	vmov s24  }
0x9c: {  	vm0 =	veq.s32 v11, v0;
	v10 =	vxor.u32 $0x80000000, v10  }
0x9d: {  	v10 =	vnsel vm0, $0x80000000, v10  }
0x9e: {  	(xrf0) =	vmax.scan.msk.u32 $0xffff, v10;
	_ =	sdelay $0x5  }
0x9f: {  	v10, _, _ =	vpop (xrf0)  }
0xa0: {  	(v2sf) =	vpush v10, $0xF;
	_ =	sdelay $0xe  }
0xa1: {  	s26 =	spop (v2sf)  }
0xa2: {  	s24 =	sshll.u32 s26, $0x4  }
0xa3: {  	s24 =	sand.u32 $0x1FFFFFF0, s24  }
0xa4: {  	s23 =	sadd.s32 $0x80, s23;
	s24 =	sadd.s32 s3, s24  }
0xa5: {  	[tilespmem:s23], [sflag:$0x1] =	stream.linear.gather [hbm4b:s24+s2], $0x80, $0x38;
	[tilespmem:$0x1CC80] =	vst v63  }
0xa6: {  	_ =	swait.ge [sflag:s16], $0x1000  }
0xa7: {  	s28 =	simm.s32 $0x40;
	[sflag:s16] =	ssyncset.done $0x0  }
0xa8: {  	s29 =	sand.u32 $0x70, s28;
	[sflag:s16] =	ssyncadd.s32 $0xFFFFF000  }
0xa9: {  	v10 =	vld.idx.msk [tilespmem:v9+s29+$0x0 ss:$0x1], $0xffff;
	_ =	sdelay $0x2  }
0xaa: {  	s23 =	sand.u32 $0xF, s28  }
0xab: {  	v11 =	vmov s23  }
0xac: {  	vm15 =	veq.s32 v11, v0;
	v10 =	vxor.u32 $0x80000000, v10  }
0xad: {  	v10 =	vnsel vm15, $0x80000000, v10  }
0xae: {  	(xrf0) =	vmax.scan.msk.u32 $0xffff, v10;
	_ =	sdelay $0x5  }
0xaf: {  	v10, _, _ =	vpop (xrf0)  }
0xb0: {  	(v2sf) =	vpush v10, $0xF;
	_ =	sdelay $0xe  }
0xb1: {  	s30 =	spop (v2sf)  }
0xb2: {  	s23 =	sshll.u32 s30, $0x4  }
0xb3: {  	s24 =	simm.s32 $0x41;
	s25 =	sand.u32 $0x1FFFFFF0, s23  }
0xb4: {  	s31 =	sand.u32 $0x70, s24;
	s23 =	simm.s32 $0x6880;
	s25 =	sadd.s32 s3, s25  }
0xb5: {  	[tilespmem:s23], [sflag:$0x1] =	stream.linear.gather [hbm4b:s25+s2], $0x80, $0x38;
	[tilespmem:$0x1CC80] =	vst v63  }
0xb6: {  	s25 =	simm.s32 $0x42;
	v10 =	vld.idx.msk [tilespmem:v9+s31+$0x0 ss:$0x1], $0xffff  }
.LBB2_9:
0xb7: {  	p0 =	sne.s32 s25, $0x5F;
	_ =	sdelay $0x2  }
0xb8: {  	s26 =	sand.u32 $0xF, s24;
	s24 =	smov.u32 s25  }
0xb9: {  	v11 =	vmov s26  }
0xba: {  	vm0 =	veq.s32 v11, v0;
	v10 =	vxor.u32 $0x80000000, v10  }
0xbb: {  	v10 =	vnsel vm0, $0x80000000, v10  }
0xbc: {  	(xrf0) =	vmax.scan.msk.u32 $0xffff, v10;
	_ =	sdelay $0x5  }
0xbd: {  	v10, _, _ =	vpop (xrf0)  }
0xbe: {  	(v2sf) =	vpush v10, $0xF;
	_ =	sdelay $0xe  }
0xbf: {  	s26 =	spop (v2sf)  }
.Ltmp6:
0xc0: {  	s26 =	sshll.u32 s26, $0x4;
	(pc) =	sbr.rel @p0 .LBB2_9-.Ltmp6, $4  }
0xc1: {  	s26 =	sand.u32 $0x1FFFFFF0, s26  }
0xc2: {  	s28 =	sand.u32 $0x70, s25;
	s23 =	sadd.s32 $0x80, s23;
	s26 =	sadd.s32 s3, s26  }
0xc3: {  	[tilespmem:s23], [sflag:$0x1] =	stream.linear.gather [hbm4b:s26+s2], $0x80, $0x38;
	[tilespmem:$0x1CC80] =	vst v63  }
0xc4: {  	s25 =	sadd.s32 $0x1, s25;
	v10 =	vld.idx.msk [tilespmem:v9+s28+$0x0 ss:$0x1], $0xffff  }
0xc5: {  	_ =	sdelay $0x1  }
0xc6: {  	s24 =	sand.u32 $0xF, s24  }
0xc7: {  	v11 =	vmov s24  }
0xc8: {  	vm0 =	veq.s32 v11, v0;
	v10 =	vxor.u32 $0x80000000, v10  }
0xc9: {  	v10 =	vnsel vm0, $0x80000000, v10  }
0xca: {  	(xrf0) =	vmax.scan.msk.u32 $0xffff, v10;
	_ =	sdelay $0x5  }
0xcb: {  	v10, _, _ =	vpop (xrf0)  }
0xcc: {  	(v2sf) =	vpush v10, $0xF;
	_ =	sdelay $0xe  }
0xcd: {  	s26 =	spop (v2sf)  }
0xce: {  	s24 =	sshll.u32 s26, $0x4  }
0xcf: {  	s24 =	sand.u32 $0x1FFFFFF0, s24  }
0xd0: {  	s23 =	sadd.s32 $0x80, s23;
	s24 =	sadd.s32 s3, s24  }
0xd1: {  	[tilespmem:s23], [sflag:$0x1] =	stream.linear.gather [hbm4b:s24+s2], $0x80, $0x38;
	[tilespmem:$0x1CC80] =	vst v63  }
0xd2: {  	_ =	swait.ge [sflag:s16], $0x1000  }
0xd3: {  	s28 =	simm.s32 $0x60;
	[sflag:s16] =	ssyncset.done $0x0  }
0xd4: {  	s29 =	sand.u32 $0x70, s28;
	[sflag:s16] =	ssyncadd.s32 $0xFFFFF000  }
0xd5: {  	v10 =	vld.idx.msk [tilespmem:v9+s29+$0x0 ss:$0x1], $0xffff;
	_ =	sdelay $0x2  }
0xd6: {  	s23 =	sand.u32 $0xF, s28  }
0xd7: {  	v11 =	vmov s23  }
0xd8: {  	vm15 =	veq.s32 v11, v0;
	v10 =	vxor.u32 $0x80000000, v10  }
0xd9: {  	v10 =	vnsel vm15, $0x80000000, v10  }
0xda: {  	(xrf0) =	vmax.scan.msk.u32 $0xffff, v10;
	_ =	sdelay $0x5  }
0xdb: {  	v10, _, _ =	vpop (xrf0)  }
0xdc: {  	(v2sf) =	vpush v10, $0xF;
	_ =	sdelay $0xe  }
0xdd: {  	s30 =	spop (v2sf)  }
0xde: {  	s23 =	sshll.u32 s30, $0x4  }
0xdf: {  	s24 =	simm.s32 $0x61;
	s25 =	sand.u32 $0x1FFFFFF0, s23  }
0xe0: {  	s31 =	sand.u32 $0x70, s24;
	s23 =	simm.s32 $0x7880;
	s25 =	sadd.s32 s3, s25  }
0xe1: {  	[tilespmem:s23], [sflag:$0x1] =	stream.linear.gather [hbm4b:s25+s2], $0x80, $0x38;
	[tilespmem:$0x1CC80] =	vst v63  }
0xe2: {  	s25 =	simm.s32 $0x62;
	v10 =	vld.idx.msk [tilespmem:v9+s31+$0x0 ss:$0x1], $0xffff  }
.LBB2_11:
0xe3: {  	p0 =	sne.s32 s25, $0x7F;
	_ =	sdelay $0x2  }
0xe4: {  	s26 =	sand.u32 $0xF, s24;
	s24 =	smov.u32 s25  }
0xe5: {  	v11 =	vmov s26  }
0xe6: {  	vm0 =	veq.s32 v11, v0;
	v10 =	vxor.u32 $0x80000000, v10  }
0xe7: {  	v10 =	vnsel vm0, $0x80000000, v10  }
0xe8: {  	(xrf0) =	vmax.scan.msk.u32 $0xffff, v10;
	_ =	sdelay $0x5  }
0xe9: {  	v10, _, _ =	vpop (xrf0)  }
0xea: {  	(v2sf) =	vpush v10, $0xF;
	_ =	sdelay $0xe  }
0xeb: {  	s26 =	spop (v2sf)  }
.Ltmp7:
0xec: {  	s26 =	sshll.u32 s26, $0x4;
	(pc) =	sbr.rel @p0 .LBB2_11-.Ltmp7, $4  }
0xed: {  	s26 =	sand.u32 $0x1FFFFFF0, s26  }
0xee: {  	s28 =	sand.u32 $0x70, s25;
	s23 =	sadd.s32 $0x80, s23;
	s26 =	sadd.s32 s3, s26  }
0xef: {  	[tilespmem:s23], [sflag:$0x1] =	stream.linear.gather [hbm4b:s26+s2], $0x80, $0x38;
	[tilespmem:$0x1CC80] =	vst v63  }
0xf0: {  	s25 =	sadd.s32 $0x1, s25;
	v10 =	vld.idx.msk [tilespmem:v9+s28+$0x0 ss:$0x1], $0xffff  }
0xf1: {  	_ =	sdelay $0x1  }
0xf2: {  	s24 =	sand.u32 $0xF, s24  }
0xf3: {  	v9 =	vmov s24  }
0xf4: {  	vm0 =	veq.s32 v9, v0;
	v9 =	vxor.u32 $0x80000000, v10  }
0xf5: {  	v9 =	vnsel vm0, $0x80000000, v9  }
0xf6: {  	(xrf0) =	vmax.scan.msk.u32 $0xffff, v9;
	_ =	sdelay $0x5  }
0xf7: {  	v9, _, _ =	vpop (xrf0)  }
0xf8: {  	(v2sf) =	vpush v9, $0xF;
	_ =	sdelay $0xe  }
0xf9: {  	s30 =	spop (v2sf)  }
0xfa: {  	s24 =	sshll.u32 s30, $0x4  }
0xfb: {  	s24 =	sand.u32 $0x1FFFFFF0, s24  }
0xfc: {  	s23 =	sadd.s32 $0x80, s23;
	s24 =	sadd.s32 s3, s24  }
0xfd: {  	[tilespmem:s23], [sflag:$0x1] =	stream.linear.gather [hbm4b:s24+s2], $0x80, $0x38;
	[tilespmem:$0x1CC80] =	vst v63  }
0xfe: {  	_ =	swait.ge [sflag:s16], $0x1000  }
0xff: {  	s31 =	simm.s32 $0x0;
	[sflag:s16] =	ssyncset.done $0x0  }
0x100: {  	v9 =	vmov s31;
	[sflag:s16] =	ssyncadd.s32 $0xFFFFF000  }
0x101: {  	v9 =	vand.u32 $0x7F, v9;
	v10 =	vld [tilespmem:s22+$0x2400]  }
0x102: {  	v9 =	vbroadcast v9, $0x0;
	v13 =	vld [tilespmem:s22+$0x2410]  }
0x103: {  	v14 =	vld [tilespmem:s22+$0x2420]  }
0x104: {  	v11 =	vor.u32 v5, v9;
	v16 =	vld [tilespmem:s22+$0x2430]  }
0x105: {  	v22 =	vor.u32 v1, v9;
	v17 =	vld [tilespmem:s22+$0x2440]  }
0x106: {  	v25 =	vor.u32 v2, v9;
	v21 =	vld [tilespmem:s22+$0x2460]  }
0x107: {  	v18 =	vor.u32 v8, v9;
	v20 =	vld [tilespmem:s22+$0x2450]  }
0x108: {  	v30 =	vor.u32 v4, v9;
	v23 =	vld [tilespmem:s22+$0x2470]  }
0x109: {  	v27 =	vor.u32 v3, v9;
	v11 =	vld.idx.msk [tilespmem:v11+s17+$0x0], $0xffff  }
0x10a: {  	v24 =	vld.idx.msk [tilespmem:v22+s17+$0x0], $0xffff;
	v22 =	vor.u32 v6, v9;
	v12 =	vshll.u32 v10, $0x7  }
0x10b: {  	v26 =	vld.idx.msk [tilespmem:v25+s17+$0x0], $0xffff;
	v15 =	vshll.u32 v13, $0x7;
	v13 =	vshll.u32 v21, $0x7;
	v21 =	vor.u32 v7, v9  }
0x10c: {  	v10 =	vld.idx.msk [tilespmem:v18+s17+$0x0], $0xffff;
	v18 =	vshll.u32 v14, $0x7;
	v19 =	vshll.u32 v16, $0x7;
	v29 =	vor.u32 v12, v9  }
0x10d: {  	v25 =	vld.idx.msk [tilespmem:v30+s17+$0x0], $0xffff;
	v16 =	vshll.u32 v17, $0x7;
	v17 =	vshll.u32 v20, $0x7;
	v28 =	vor.u32 v15, v9  }
0x10e: {  	s22 =	simm.s32 $0x1;
	v14 =	vshll.u32 v23, $0x7;
	v23 =	vld.idx.msk [tilespmem:v27+s17+$0x0], $0xffff;
	v20 =	vor.u32 v19, v9;
	v27 =	vor.u32 v18, v9  }
.LBB2_13:
0x10f: {  	v30 =	vmov s22;
	p0 =	sne.s32 s22, $0x7F;
	s22 =	sadd.s32 $0x1, s22;
	v31 =	vld.idx.msk [tilespmem:v22+s17+$0x0], $0xffff  }
0x110: {  	v32 =	vor.u32 v16, v9;
	v22 =	vand.u32 $0x7F, v30;
	v30 =	vld.idx.msk [tilespmem:v21+s17+$0x0], $0xffff  }
0x111: {  	v22 =	vbroadcast v22, $0x0;
	[tilespmem:v29+s14+$0x0] =	vst.idx.add.f32.msk $0xffff, v24;
	v24 =	vor.u32 v17, v9  }
0x112: {  	[tilespmem:v28+s14+$0x0] =	vst.idx.add.f32.msk $0xffff, v26;
	v26 =	vor.u32 v13, v9;
	v28 =	vor.u32 v14, v9  }
0x113: {  	v29 =	vor.u32 v1, v22;
	v21 =	vor.u32 v7, v22;
	[tilespmem:v27+s14+$0x0] =	vst.idx.add.f32.msk $0xffff, v23;
	v9 =	vmov v22  }
0x114: {  	v23 =	vor.u32 v2, v9;
	v27 =	vor.u32 v5, v9;
	[tilespmem:v20+s14+$0x0] =	vst.idx.add.f32.msk $0xffff, v25  }
0x115: {  	v22 =	vor.u32 v6, v9;
	v25 =	vor.u32 v8, v9;
	[tilespmem:v32+s14+$0x0] =	vst.idx.add.f32.msk $0xffff, v11  }
0x116: {  	v20 =	vor.u32 v19, v9;
	[tilespmem:v24+s14+$0x0] =	vst.idx.add.f32.msk $0xffff, v31  }
0x117: {  	v31 =	vor.u32 v3, v9;
	[tilespmem:v26+s14+$0x0] =	vst.idx.add.f32.msk $0xffff, v30  }
0x118: {  	v30 =	vor.u32 v4, v9;
	[tilespmem:v28+s14+$0x0] =	vst.idx.add.f32.msk $0xffff, v10  }
0x119: {  	v11 =	vld.idx.msk [tilespmem:v27+s17+$0x0], $0xffff  }
.Ltmp8:
0x11a: {  	v10 =	vld.idx.msk [tilespmem:v25+s17+$0x0], $0xffff;
	(pc) =	sbr.rel @p0 .LBB2_13-.Ltmp8, $4  }
0x11b: {  	v24 =	vld.idx.msk [tilespmem:v29+s17+$0x0], $0xffff  }
0x11c: {  	v29 =	vor.u32 v12, v9;
	v26 =	vld.idx.msk [tilespmem:v23+s17+$0x0], $0xffff  }
0x11d: {  	v28 =	vor.u32 v15, v9;
	v23 =	vld.idx.msk [tilespmem:v31+s17+$0x0], $0xffff  }
0x11e: {  	v27 =	vor.u32 v18, v9;
	v25 =	vld.idx.msk [tilespmem:v30+s17+$0x0], $0xffff  }
0x11f: {  	_ =	sdelay $0x3  }
0x120: {  	v12 =	vld.idx.msk [tilespmem:v22+s17+$0x0], $0xffff  }
0x121: {  	v15 =	vld.idx.msk [tilespmem:v21+s17+$0x0], $0xffff;
	v16 =	vor.u32 v16, v9  }
0x122: {  	v17 =	vor.u32 v17, v9;
	[tilespmem:v29+s14+$0x0] =	vst.idx.add.f32.msk $0xffff, v24  }
0x123: {  	v13 =	vor.u32 v13, v9;
	s21 =	sadd.s32 $0x1, s21;
	[tilespmem:v28+s14+$0x0] =	vst.idx.add.f32.msk $0xffff, v26  }
0x124: {  	v9 =	vor.u32 v14, v9;
	p0 =	sne.s32 s21, s19;
	[tilespmem:v27+s14+$0x0] =	vst.idx.add.f32.msk $0xffff, v23  }
.Ltmp9:
0x125: {  	[tilespmem:v20+s14+$0x0] =	vst.idx.add.f32.msk $0xffff, v25;
	(pc) =	sbr.rel @p0 .LBB2_4-.Ltmp9, $4  }
.Ltmp10:
0x126: {  	[tilespmem:v16+s14+$0x0] =	vst.idx.add.f32.msk $0xffff, v11;
	(pc) =	sbr.rel @!p0 .LBB2_15-.Ltmp10, $4  }
0x127: {  	[tilespmem:v17+s14+$0x0] =	vst.idx.add.f32.msk $0xffff, v12  }
0x128: {  	[tilespmem:v13+s14+$0x0] =	vst.idx.add.f32.msk $0xffff, v15  }
0x129: {  	[tilespmem:v9+s14+$0x0] =	vst.idx.add.f32.msk $0xffff, v10  }
0x12a: {  	_ = 	snop  }
.LBB2_16:
0x12b: {  	_ =	sfence.sel $0x180000  }
0x12c: {  	[bflag:$0x0] =	sbarrier.arrive $0xFFFF  }
0x12d: {  	p0 =	sne.s32 s1, $0x0;
	_ =	strace $0x9000004D  }
0x12e: {  	s0 =	sadd.s32 @!p0 $0x100000, s0;
	[bflag:$0x2] =	sbarrier.arrive $0xFFFF  }
0x12f: {  	[sflag:s0] =	ssyncadd.tile.s32 @!p0 $0x1;
	_ =	shalt  }
.Lfunc_end2:
_tile_overlayer_lowered:
.L_overlay_start_2:
0x130: {  	(tag) =	ssettag $0x2  }
0x131: {  	s0 =	rddreg [dreg:$0x0];
	s2 =	stileid.u32  }
0x132: {  	s1 =	rddreg [dreg:$0x1];
	p0 =	sne.s32 s2, $0x0  }
0x133: {  	s3 =	rddreg [dreg:$0x2];
	[bflag:$0x3] =	sbarrier.arrive $0xFFFF;
	s2 =	simm.s32 @!p0 $0x1C02  }
0x134: {  	[timem:s3], [sflag:s2] =	dma.local @!p0 [hbm:s0], s1  }
0x135: {  	s0 =	simm.s32 @!p0 $0x2  }
0x136: {  	_ =	swait.ge @!p0 [sflag:s0], s1  }
0x137: {  	s1 =	ssub.s32 @!p0 $0x0, s1;
	[sflag:s0] =	ssyncset.done @!p0 $0x0  }
0x138: {  	[sflag:s0] =	ssyncadd.s32 @!p0 s1  }
0x139: {  	[bflag:$0x3] =	sbarrier.arrive $0xFFFF  }
0x13a: {  	_ =	shalt  }

// kernel: kernel.17.cloned.1.call-start
scs
__scs_entry_jumppad:
0x0: {  	(pc) =	sbr.rel $0x88, $3  }
0x1: {  	(tag) =	ssettag $0x0;
	lr =	simm.s32 $0x1  }
0x2: {  	[smem:$0x3F99] =	sst lr;
	_ =	strace $0xD0000000  }
0x3: {  	_ = 	snop  }
0x4: {  	_ = 	snop  }
0x5: {  	_ = 	snop  }
0x6: {  	_ = 	snop  }
0x7: {  	_ = 	snop  }
__scs_overlays_trampoline_lowered:
0x8: {  	[smem:$0x3FA8] =	sst s0  }
0x9: {  	[smem:$0x3FA9] =	sst s1  }
0xa: {  	[smem:$0x3FAA] =	sst s2  }
0xb: {  	[smem:$0x3FAB] =	sst s3  }
0xc: {  	[smem:$0x3FAC] =	sst s4  }
0xd: {  	[smem:$0x3FAD] =	sst s5  }
0xe: {  	[smem:$0x3FAE] =	sst s6  }
0xf: {  	[smem:$0x3FAF] =	sst s7  }
0x10: {  	[smem:$0x3FB0] =	sst s8  }
0x11: {  	[smem:$0x3FB1] =	sst s9;
	s0 =	simm.s32 @!p0 $0x0  }
0x12: {  	s1 =	sld [smem:$0x3F97];
	s0 =	simm.s32 @p0 $0x1  }
0x13: {  	[smem:$0x3FB2] =	sst s0;
	s0 =	simm.s32 @!p1 $0x0  }
0x14: {  	s2 =	sld [smem:$0x3F96];
	s0 =	simm.s32 @p1 $0x1  }
0x15: {  	[smem:$0x3FB3] =	sst s0;
	s0 =	simm.s32 @!p2 $0x0  }
0x16: {  	s3 =	sld [smem:$0x3FDB];
	s0 =	simm.s32 @p2 $0x1  }
0x17: {  	s4 =	simm.s32 $0x1BF5;
	[smem:$0x3FB5] =	sst s0  }
0x18: {  	s0 =	sld [smem:$0x3F98];
	_ =	swait.ge [sflag:s4], $0x0  }
0x19: {  	s7 =	sld [smem:$0x3F99]  }
0x1a: {  	s8 =	sadd.s32 $0xFFFFE003, lr  }
0x1b: {  	s9 =	sadd.s32 $0xFFFFFEF7, lr;
	s5 =	simm.s32 $0xFFFFFFFF;
	p2 =	slt.u32 s8, $0xFFFFF086  }
0x1c: {  	p1 =	slt.u32 s9, $0xF7A;
	s5 =	simm.s32 @!p2 $0x0  }
0x1d: {  	s5 =	simm.s32 @p1 $0x1;
	p0 =	seq.s32 s7, s2  }
0x1e: {  	s7 =	smul.u32 @!p0 $0xF7A, s2;
	p2 =	seq.s32 @!p0 s5, $0x0  }
0x1f: {  	s9 =	smul.u32 $0xF7A, s1;
	s8 =	simm.s32 @!p0 $0x1BF5;
	p2 =	por !p2, p0  }
0x20: {  	[sflag:s8] =	ssyncset.s32 @!p0 $0xFFFFF086;
	s6 =	sadd.s32 @!p0 s3, s7;
	s7 =	simm.s32 @!p0 $0x108  }
0x21: {  	s3 =	sadd.s32 s3, s9;
	s6 =	sadd.s32 @!p0 $0x88, s6;
	s7 =	simm.s32 @p2 $0x1082  }
0x22: {  	[simem:s7], [sflag:s8] =	dma.local @!p0 [hbm:s6], $0xF7A  }
0x23: {  	s9 =	sor.u32 $0xD0000000, s2;
	s6 =	simm.s32 $0x108;
	_ =	swait.ge @!p0 [sflag:s8], $0x0  }
0x24: {  	s3 =	sadd.s32 $0x88, s3;
	s6 =	simm.s32 @!p1 $0x1082;
	[sflag:s4] =	ssyncset.s32 $0xFFFFF086  }
0x25: {  	[simem:s6], [sflag:s4] =	dma.local [hbm:s3], $0xF7A  }
0x26: {  	[smem:$0x3F99] =	sst s1;
	(tag) =	ssettag s2;
	_ =	strace s9  }
0x27: {  	s1 =	sld [smem:$0x3FA9]  }
0x28: {  	s2 =	sld [smem:$0x3FAA]  }
0x29: {  	s4 =	sld [smem:$0x3FAC]  }
0x2a: {  	p0 =	seq.s32 s5, $0x0;
	s5 =	sld [smem:$0x3FAD]  }
0x2b: {  	s6 =	sld [smem:$0x3FAE]  }
0x2c: {  	s7 =	sld [smem:$0x3FAF]  }
0x2d: {  	s3 =	simm.s32 $0x108;
	s8 =	sld [smem:$0x3FB0]  }
0x2e: {  	s3 =	simm.s32 @!p0 $0x1082;
	s9 =	sld [smem:$0x3FB1]  }
0x2f: {  	lr =	sadd.s32 s0, s3;
	s0 =	sld [smem:$0x3FA8]  }
0x30: {  	s3 =	sld [smem:$0x3FAB]  }
0x31: {  	[smem:$0x3FB4] =	sst s10  }
0x32: {  	s10 =	sld [smem:$0x3FB2];
	_ =	sdelay $0x3  }
0x33: {  	p0 =	seq.s32 s10, $0x1;
	s10 =	sld [smem:$0x3FB4];
	_ =	sdelay $0x3  }
0x34: {  	[smem:$0x3FB4] =	sst s10  }
0x35: {  	s10 =	sld [smem:$0x3FB3];
	_ =	sdelay $0x3  }
0x36: {  	p1 =	seq.s32 s10, $0x1;
	s10 =	sld [smem:$0x3FB4];
	_ =	sdelay $0x3  }
0x37: {  	[smem:$0x3FB4] =	sst s10  }
0x38: {  	s10 =	sld [smem:$0x3FB5]  }
0x39: {  	_ = 	snop;
	(pc) =	sbr.ind lr, $3  }
0x3a: {  	_ = 	snop  }
0x3b: {  	_ = 	snop  }
0x3c: {  	p2 =	seq.s32 s10, $0x1;
	s10 =	sld [smem:$0x3FB4]  }
0x3d: {  	_ =	shalt  }
0x3e: {  	_ =	shalt  }
0x3f: {  	_ =	shalt  }
0x40: {  	_ =	shalt  }
0x41: {  	_ =	shalt  }
0x42: {  	_ =	shalt  }
0x43: {  	_ =	shalt  }
0x44: {  	_ =	shalt  }
0x45: {  	_ =	shalt  }
0x46: {  	_ =	shalt  }
0x47: {  	_ =	shalt  }
0x48: {  	_ =	shalt  }
0x49: {  	_ =	shalt  }
0x4a: {  	_ =	shalt  }
0x4b: {  	_ =	shalt  }
0x4c: {  	_ =	shalt  }
0x4d: {  	_ =	shalt  }
0x4e: {  	_ =	shalt  }
0x4f: {  	_ =	shalt  }
0x50: {  	_ =	shalt  }
0x51: {  	_ =	shalt  }
0x52: {  	_ =	shalt  }
0x53: {  	_ =	shalt  }
0x54: {  	_ =	shalt  }
0x55: {  	_ =	shalt  }
0x56: {  	_ =	shalt  }
0x57: {  	_ =	shalt  }
0x58: {  	_ =	shalt  }
0x59: {  	_ =	shalt  }
0x5a: {  	_ =	shalt  }
0x5b: {  	_ =	shalt  }
0x5c: {  	_ =	shalt  }
0x5d: {  	_ =	shalt  }
0x5e: {  	_ =	shalt  }
0x5f: {  	_ =	shalt  }
0x60: {  	_ =	shalt  }
0x61: {  	_ =	shalt  }
0x62: {  	_ =	shalt  }
0x63: {  	_ =	shalt  }
0x64: {  	_ =	shalt  }
0x65: {  	_ =	shalt  }
0x66: {  	_ =	shalt  }
0x67: {  	_ =	shalt  }
0x68: {  	_ =	shalt  }
0x69: {  	_ =	shalt  }
0x6a: {  	_ =	shalt  }
0x6b: {  	_ =	shalt  }
0x6c: {  	_ =	shalt  }
0x6d: {  	_ =	shalt  }
0x6e: {  	_ =	shalt  }
0x6f: {  	_ =	shalt  }
0x70: {  	_ =	shalt  }
0x71: {  	_ =	shalt  }
0x72: {  	_ =	shalt  }
0x73: {  	_ =	shalt  }
0x74: {  	_ =	shalt  }
0x75: {  	_ =	shalt  }
0x76: {  	_ =	shalt  }
0x77: {  	_ =	shalt  }
0x78: {  	_ =	shalt  }
0x79: {  	_ =	shalt  }
0x7a: {  	_ =	shalt  }
0x7b: {  	_ =	shalt  }
0x7c: {  	_ =	shalt  }
0x7d: {  	_ =	shalt  }
0x7e: {  	_ =	shalt  }
0x7f: {  	_ =	shalt  }
0x80: {  	_ =	shalt  }
0x81: {  	_ =	shalt  }
0x82: {  	_ =	shalt  }
0x83: {  	_ =	shalt  }
0x84: {  	_ =	shalt  }
0x85: {  	_ =	shalt  }
0x86: {  	_ =	shalt  }
0x87: {  	_ =	shalt  }
.Lfunc_end0:
.L_simem_size_0:
called_computation.3_lowered:
.L_overlay_start_0:
0x88: {  	s2 =	sld [smem:$0x3FD9]  }
0x89: {  	s3 =	sld [smem:$0x3FFE];
	_ =	sdelay $0x1  }
0x8a: {  	s1 =	srdreg.scid  }
0x8b: {  	s0 =	sand.u32 $0x1, s1  }
0x8c: {  	s17 =	sshll.u32 s0, $0xA;
	s2 =	sadd.s32 s3, s2  }
0x8d: {  	s2 =	sadd.s32 s2, s17  }
0x8e: {  	[smem:$0x3FC0] =	sst s2  }
0x8f: {  	_ = 	snop  }
0x90: {  	s2 =	sld [smem:$0x3FD0];
	(tm) =	ssettm $0x1  }
0x91: {  	s18 =	sld [smem:$0x3FFB];
	_ =	sdelay $0x3  }
0x92: {  	_ =	strace s18  }
0x93: {  	s3 =	sld [smem:$0x3FFC];
	_ =	sdelay $0x3  }
0x94: {  	_ =	strace s3  }
0x95: {  	s3 =	sld [smem:$0x3FFD];
	_ =	sdelay $0x3  }
0x96: {  	_ =	strace s3  }
0x97: {  	_ =	strace $0x8FFFFFFF  }
0x98: {  	s19 =	sld [smem:$0x3FDB];
	_ =	sdelay $0x1  }
0x99: {  	s4 =	simm.s32 $_scs_section_size  }
0x9a: {  	s5 =	simm.s32 $_size__tile_overlayer_lowered;
	s6 =	simm.s32 $_tile_overlayer_lowered  }
0x9b: {  	s22 =	simm.s32 $0x1BFF;
	s21 =	sshll.u32 s6, $0x1;
	s3 =	sadd.s32 s4, s19  }
0x9c: {  	s7 =	simm.s32 $0x0;
	s20 =	sshll.u32 s5, $0x1;
	s5 =	sadd.s32 s21, s3  }
0x9d: {  	[timem:s7], [sflag:s22] =	dma.local [hbm:s5], s20  }
0x9e: {  	_ =	swait.ge [sflag:s22], s20  }
0x9f: {  	s4 =	ssub.s32 $0x0, s20;
	[sflag:s22] =	ssyncset.done $0x0  }
0xa0: {  	[sflag:s22] =	ssyncadd.s32 s4;
	_ =	sdelay $0x1  }
0xa1: {  	s23 =	simm.s32 $0x1B8B  }
0xa2: {  	_ =	swait.ge [sflag:s23], $0x1  }
0xa3: {  	[sflag:s23] =	ssyncset.done $0x0  }
0xa4: {  	s25 =	simm.s32 $0x1B8E;
	s24 =	sld [smem:$0x3FFE];
	[sflag:s23] =	ssyncadd.s32 $0xFFFFFFFF  }
0xa5: {  	s26 =	simm.s32 $execute0_lowered;
	[smem:$0x3FD2] =	sst s25  }
0xa6: {  	s5 =	sshll.u32 s26, $0x1;
	_ =	strace $0x8000004F;
	[dreg:$0x1] =	wrdreg $0xFFFFFFFF  }
0xa7: {  	s28 =	simm.s32 $_size_execute0_lowered;
	s3 =	sadd.s32 s3, s5;
	[dreg:$0x0] =	wrdreg $0x0  }
0xa8: {  	s5 =	sshll.u32 s28, $0x1;
	[dreg:$0x2] =	wrdreg s3  }
0xa9: {  	[dreg:$0x3] =	wrdreg s5  }
0xaa: {  	[dreg:$0x4] =	wrdreg $0xC0  }
0xab: {  	_ =	task [dreg:s7], $0x5FFFF  }
0xac: {  	[dreg:$0x1] =	wrdreg $0xFFFFFFFF  }
0xad: {  	[dreg:$0x0] =	wrdreg $0x60  }
0xae: {  	[dreg:$0x2] =	wrdreg s24  }
0xaf: {  	[dreg:$0x3] =	wrdreg s2  }
0xb0: {  	[dreg:$0x4] =	wrdreg $0x9  }
0xb1: {  	_ =	task.clear_ibuf [dreg:s7], $0x5FFFF;
	_ =	strace $0x9000004F  }
0xb2: {  	s29 =	simm.s32 $0x9;
	_ =	strace $0x80000051  }
0xb3: {  	_ =	swait.ge [sflag:s29], $0x1  }
0xb4: {  	[sflag:s29] =	ssyncadd.s32 $0xFFFFFFFF  }
0xb5: {  	_ =	strace $0x90000051  }
0xb6: {  	_ =	sfence  }
0xb7: {  	s30 =	sld [smem:$0x0];
	_ =	sdelay $0x2  }
0xb8: {  	s31 =	sshll.u32 s1, $0xD;
	s1 =	sshrl.u32 s1, $0x2  }
0xb9: {  	s3 =	sand.u32 $0x4000, s31;
	s1 =	sadd.s32 s1, s30  }
0xba: {  	s0 =	sor.u32 s3, s0;
	s1 =	sshll.u32 s1, $0x11  }
0xbb: {  	s0 =	sor.u32 s1, s0  }
0xbc: {  	s0 =	sadd.s32 $0x8F2B, s0  }
0xbd: {  	[sflag:s0] =	ssyncadd.remote.s32 $0x1  }
0xbe: {  	_ =	sfence.sel $0xFFFF  }
0xbf: {  	[dreg:$0x0] =	wrdreg $0xFFFFFFFF;
	(pc) =	sbr.abs _section_cstart, $3  }
0xc0: {  	[dreg:$0x1] =	wrdreg $0xFFFFFFFF  }
0xc1: {  	_ =	task.clear_ibuf [dreg:s7], $0x2FFFF;
	_ =	strace $0x9FFFFFFF  }
0xc2: {  	(tm) =	ssettm $0x7FFFFFFF  }
0xc3: {  	_ =	shalt  }
tec
execute0_lowered:
.L_overlay_start_1:
0x0: {  	(tag) =	ssettag $0x1  }
0x1: {  	s0 =	srdreg.scid;
	s4 =	rddreg [dreg:$0x0]  }
0x2: {  	s6 =	rddreg [dreg:$0x1];
	s1 =	stileid.u32;
	s2 =	simm.s32 $0x0  }
0x3: {  	s14 =	simm.s32 $0x12880;
	s15 =	simm.s32 $0x8880;
	s16 =	simm.s32 $0x1  }
0x4: {  	s17 =	simm.s32 $0x4880;
	s5 =	sand.u32 $0x1, s0;
	s0 =	rddreg [dreg:$0x2]  }
0x5: {  	s18 =	simm.s32 $0x0;
	[smem:$0x7FF] =	sst s2;
	s3 =	sshll.u32 s5, $0x4  }
0x6: {  	s9 =	sshll.u32 s1, $0x4;
	_ =	strace $0x80000050;
	s7 =	sor.u32 s1, s3  }
0x7: {  	s9 =	sand.u32 $0x70, s9;
	s5 =	ssub.s32 $0x2, s5;
	s8 =	smul.u32 $0x480, s7  }
0x8: {  	s3 =	sadd.s32 $0x3CE00, s4;
	s9 =	sadd.s32 s9, s4;
	s11 =	smul.u32 $0x1400, s7  }
0x9: {  	s12 =	sshrl.u32 s5, $0x1;
	s13 =	sshll.u32 s7, $0x4;
	s7 =	smul.u32 $0xA000, s7  }
0xa: {  	v0 =	vlaneseq.u32;
	s12 =	ssub.s32 s5, s12;
	s29 =	sand.u32 $0x180, s13;
	s13 =	simm.s32 $0x4800  }
.Ltmp0:
0xb: {  	v1 =	vmul.u32 $0x80, v0;
	s10 =	sadd.s32 s8, s4;
	s11 =	sadd.s32 s11, s4;
	(pc) =	sbr.rel .LBB2_1-.Ltmp0, $4  }
0xc: {  	s4 =	sadd.s32 s6, s8;
	s30 =	sadd.s32 s29, s9;
	s7 =	sshrl.u32 s7, $0x3  }
0xd: {  	v2 =	vor.u32 $0x800, v1;
	s5 =	sadd.s32 $0xBC00, s10;
	s6 =	sadd.s32 $0x14C00, s30;
	s31 =	sadd.s32 s3, s7  }
0xe: {  	v3 =	vor.u32 $0x1000, v1;
	v4 =	vor.u32 $0x1800, v1;
	v5 =	vor.u32 $0x2000, v1;
	s7 =	sadd.s32 $0x14E00, s11;
	s9 =	sadd.s32 $0x474E00, s11;
	s10 =	smax.u32 s12, $0x1  }
0xf: {  	v6 =	vor.u32 $0x2800, v1;
	v7 =	vor.u32 $0x3000, v1;
	v8 =	vor.u32 $0x3800, v1;
	s11 =	simm.s32 $0x2;
	s12 =	simm.s32 $0x2400;
	s8 =	sadd.s32 $0x208000, s31  }
.LBB2_15:
0x10: {  	s18 =	sadd.s32 $0x1, s18  }
0x11: {  	p0 =	sne.s32 s18, s10  }
.Ltmp1:
0x12: {  	_ = 	snop;
	(pc) =	sbr.rel @!p0 .LBB2_16-.Ltmp1, $4  }
0x13: {  	[hbm4b:s9+s2] =	stream.linear.scatter [tilespmem:s14], [sflag:$0x2], $0xA000, $0x38;
	[tilespmem:$0x1CC80] =	vst v63  }
0x14: {  	_ =	swait.ge [sflag:s11], $0xA000  }
0x15: {  	[sflag:s11] =	ssyncset.done $0x0  }
0x16: {  	[sflag:s11] =	ssyncadd.s32 $0xFFFF6000  }
.LBB2_1:
0x17: {  	[tilespmem:s2], [sflag:$0x2] =	stream.linear.gather [hbm4b:s4+s2], $0x2200, $0x38;
	[tilespmem:$0x1CC80] =	vst v63  }
0x18: {  	_ =	swait.ge [sflag:s11], $0x2200  }
0x19: {  	[sflag:s11] =	ssyncset.done $0x0  }
0x1a: {  	[sflag:s11] =	ssyncadd.s32 $0xFFFFDE00  }
0x1b: {  	[tilespmem:s12], [sflag:$0x2] =	stream.linear.gather [hbm4b:s5+s2], $0x2200, $0x38;
	[tilespmem:$0x1CC80] =	vst v63  }
0x1c: {  	_ =	swait.ge [sflag:s11], $0x2200  }
0x1d: {  	[sflag:s11] =	ssyncset.done $0x0  }
0x1e: {  	[sflag:s11] =	ssyncadd.s32 $0xFFFFDE00  }
0x1f: {  	[tilespmem:s13], [sflag:$0x2] =	stream.linear.gather [hbm4b:s6+s2], $0x80, $0x38;
	[tilespmem:$0x1CC80] =	vst v63  }
0x20: {  	_ =	swait.ge [sflag:s11], $0x80  }
0x21: {  	[sflag:s11] =	ssyncset.done $0x0  }
0x22: {  	[sflag:s11] =	ssyncadd.s32 $0xFFFFFF80  }
0x23: {  	[tilespmem:s14], [sflag:$0x2] =	stream.linear.gather [hbm4b:s7+s2], $0xA000, $0x38;
	[tilespmem:$0x1CC80] =	vst v63  }
0x24: {  	_ =	swait.ge [sflag:s11], $0xA000  }
0x25: {  	[sflag:s11] =	ssyncset.done $0x0  }
0x26: {  	[sflag:s11] =	ssyncadd.s32 $0xFFFF6000  }
0x27: {  	[tilespmem:s15], [sflag:$0x2] =	stream.linear.gather [hbm4b:s8+s2], $0xA000, $0x38;
	[tilespmem:$0x1CC80] =	vst v63  }
0x28: {  	s19 =	simm.s32 $0x0;
	_ =	swait.ge [sflag:s11], $0xA000  }
0x29: {  	s20 =	sand.u32 $0x70, s2;
	s19 =	sand.u32 $0xFF80, s19;
	[sflag:s11] =	ssyncset.done $0x0  }
0x2a: {  	s19 =	sor.u32 s20, s19;
	[sflag:s11] =	ssyncadd.s32 $0xFFFF6000  }
0x2b: {  	v9 =	vld [tilespmem:s19+$0x8880]  }
0x2c: {  	v10 =	vld [tilespmem:s19+$0x12880];
	_ =	sdelay $0x3  }
0x2d: {  	s21 =	simm.s32 $0x10;
	s20 =	simm.s32 $0x10  }
0x2e: {  	s23 =	sand.u32 $0xFF80, s21;
	s21 =	simm.s32 $0x80;
	s22 =	sand.u32 $0x70, s20;
	v9 =	vadd.f32 v9, v10  }
.LBB2_2:
0x2f: {  	p0 =	sne.s32 s21, $0x27FC0;
	s22 =	sor.u32 s22, s23  }
0x30: {  	v10 =	vld [tilespmem:s22+$0x8880];
	[tilespmem:s19+$0x12880] =	vst v9;
	s19 =	smov.u32 s22  }
0x31: {  	v9 =	vld [tilespmem:s19+$0x12880]  }
.Ltmp2:
0x32: {  	(pc) =	sbr.rel @p0 .LBB2_2-.Ltmp2, $3  }
0x33: {  	_ =	sdelay $0x1  }
0x34: {  	s23 =	sshrl.u32 s21, $0x2;
	s20 =	sadd.s32 $0x10, s20  }
0x35: {  	s21 =	sadd.s32 $0x40, s21;
	s22 =	sand.u32 $0x70, s20;
	s23 =	sand.u32 $0xFF80, s23;
	v9 =	vadd.f32 v10, v9  }
0x36: {  	s20 =	sor.u32 s22, s23  }
0x37: {  	v10 =	vld [tilespmem:s20+$0x8880];
	[tilespmem:s19+$0x12880] =	vst v9  }
0x38: {  	v9 =	vld [tilespmem:s20+$0x12880];
	_ =	sdelay $0x4  }
0x39: {  	v9 =	vadd.f32 v10, v9;
	_ =	sdelay $0x1  }
0x3a: {  	[tilespmem:s20+$0x12880] =	vst v9  }
0x3b: {  	v9 =	vld [tilespmem:$0x4800];
	_ =	sdelay $0x4  }
0x3c: {  	v9 =	vxor.u32 $0x80000000, v9  }
0x3d: {  	(xrf0) =	vmax.scan.msk.u32 $0xffff, v9;
	_ =	sdelay $0x5  }
0x3e: {  	v9, _, _ =	vpop (xrf0)  }
0x3f: {  	(v2sf) =	vpush v9, $0xF;
	_ =	sdelay $0xe  }
0x40: {  	s29 =	spop (v2sf)  }
0x41: {  	s19 =	sadd.s32 $0x80000007, s29  }
0x42: {  	s30 =	sand.u32 $0x7, s19  }
0x43: {  	s21 =	sshra.s32 s19, $0x1F;
	p0 =	slt.s32 s19, $0x1;
	p1 =	sne.s32 s30, $0x0  }
0x44: {  	s31 =	sshrl.u32 s21, $0x1D;
	p0 =	por !p0, !p1  }
0x45: {  	s20 =	simm.s32 $0x1;
	s19 =	sadd.s32 s31, s19;
	p0 =	por !p0, !p0  }
0x46: {  	s19 =	sshra.s32 s19, $0x3;
	s20 =	simm.s32 @!p0 $0x0  }
0x47: {  	s19 =	ssub.s32 s19, s20  }
0x48: {  	p0 =	slt.s32 s19, $0x1  }
.Ltmp3:
0x49: {  	_ = 	snop;
	(pc) =	sbr.rel @p0 .LBB2_15-.Ltmp3, $2  }
0x4a: {  	_ =	sdelay $0x2  }
0x4b: {  	s21 =	simm.s32 $0x0;
	s20 =	simm.s32 $0x0  }
.LBB2_4:
0x4c: {  	s22 =	sshll.u32 s21, $0x9  }
0x4d: {  	s22 =	sshra.s32 s22, $0x2  }
0x4e: {  	v9 =	vmov s22;
	_ =	sdelay $0x3  }
0x4f: {  	s23 =	sand.u32 $0x10, s20  }
0x50: {  	v10 =	vld.idx.msk [tilespmem:v9+s23+$0x0 ss:$0x1], $0xffff;
	_ =	sdelay $0x2  }
0x51: {  	s29 =	sand.u32 $0xF, s20  }
0x52: {  	v11 =	vmov s29  }
0x53: {  	vm0 =	veq.s32 v11, v0;
	v10 =	vxor.u32 $0x80000000, v10  }
0x54: {  	v10 =	vnsel vm0, $0x80000000, v10  }
0x55: {  	(xrf0) =	vmax.scan.msk.u32 $0xffff, v10;
	_ =	sdelay $0x5  }
0x56: {  	v10, _, _ =	vpop (xrf0)  }
0x57: {  	(v2sf) =	vpush v10, $0xF;
	_ =	sdelay $0xe  }
0x58: {  	s30 =	spop (v2sf)  }
0x59: {  	s23 =	sshll.u32 s30, $0x4  }
0x5a: {  	s24 =	simm.s32 $0x1;
	s25 =	sand.u32 $0x1FFFFFF0, s23  }
0x5b: {  	s31 =	sand.u32 $0x10, s24;
	s23 =	simm.s32 $0x4880;
	s25 =	sadd.s32 s3, s25  }
0x5c: {  	[tilespmem:s23], [sflag:$0x1] =	stream.linear.gather [hbm4b:s25+s2], $0x80, $0x38;
	[tilespmem:$0x1CC80] =	vst v63  }
0x5d: {  	s25 =	simm.s32 $0x2;
	v10 =	vld.idx.msk [tilespmem:v9+s31+$0x0 ss:$0x1], $0xffff  }
.LBB2_5:
0x5e: {  	p0 =	sne.s32 s25, $0x1F;
	_ =	sdelay $0x2  }
0x5f: {  	s26 =	sand.u32 $0xF, s24;
	s24 =	smov.u32 s25  }
0x60: {  	v11 =	vmov s26  }
0x61: {  	vm0 =	veq.s32 v11, v0;
	v10 =	vxor.u32 $0x80000000, v10  }
0x62: {  	v10 =	vnsel vm0, $0x80000000, v10  }
0x63: {  	(xrf0) =	vmax.scan.msk.u32 $0xffff, v10;
	_ =	sdelay $0x5  }
0x64: {  	v10, _, _ =	vpop (xrf0)  }
0x65: {  	(v2sf) =	vpush v10, $0xF;
	_ =	sdelay $0xe  }
0x66: {  	s26 =	spop (v2sf)  }
.Ltmp4:
0x67: {  	s26 =	sshll.u32 s26, $0x4;
	(pc) =	sbr.rel @p0 .LBB2_5-.Ltmp4, $4  }
0x68: {  	s26 =	sand.u32 $0x1FFFFFF0, s26  }
0x69: {  	s28 =	sand.u32 $0x10, s25;
	s23 =	sadd.s32 $0x80, s23;
	s26 =	sadd.s32 s3, s26  }
0x6a: {  	[tilespmem:s23], [sflag:$0x1] =	stream.linear.gather [hbm4b:s26+s2], $0x80, $0x38;
	[tilespmem:$0x1CC80] =	vst v63  }
0x6b: {  	s25 =	sadd.s32 $0x1, s25;
	v10 =	vld.idx.msk [tilespmem:v9+s28+$0x0 ss:$0x1], $0xffff  }
0x6c: {  	_ =	sdelay $0x1  }
0x6d: {  	s24 =	sand.u32 $0xF, s24  }
0x6e: {  	v11 =	vmov s24  }
0x6f: {  	vm0 =	veq.s32 v11, v0;
	v10 =	vxor.u32 $0x80000000, v10  }
0x70: {  	v10 =	vnsel vm0, $0x80000000, v10  }
0x71: {  	(xrf0) =	vmax.scan.msk.u32 $0xffff, v10;
	_ =	sdelay $0x5  }
0x72: {  	v10, _, _ =	vpop (xrf0)  }
0x73: {  	(v2sf) =	vpush v10, $0xF;
	_ =	sdelay $0xe  }
0x74: {  	s26 =	spop (v2sf)  }
0x75: {  	s24 =	sshll.u32 s26, $0x4  }
0x76: {  	s24 =	sand.u32 $0x1FFFFFF0, s24  }
0x77: {  	s23 =	sadd.s32 $0x80, s23;
	s24 =	sadd.s32 s3, s24  }
0x78: {  	[tilespmem:s23], [sflag:$0x1] =	stream.linear.gather [hbm4b:s24+s2], $0x80, $0x38;
	[tilespmem:$0x1CC80] =	vst v63  }
0x79: {  	_ =	swait.ge [sflag:s16], $0x1000  }
0x7a: {  	s28 =	simm.s32 $0x20;
	[sflag:s16] =	ssyncset.done $0x0  }
0x7b: {  	s29 =	sand.u32 $0x30, s28;
	[sflag:s16] =	ssyncadd.s32 $0xFFFFF000  }
0x7c: {  	v10 =	vld.idx.msk [tilespmem:v9+s29+$0x0 ss:$0x1], $0xffff;
	_ =	sdelay $0x2  }
0x7d: {  	s23 =	sand.u32 $0xF, s28  }
0x7e: {  	v11 =	vmov s23  }
0x7f: {  	vm15 =	veq.s32 v11, v0;
	v10 =	vxor.u32 $0x80000000, v10  }
0x80: {  	v10 =	vnsel vm15, $0x80000000, v10  }
0x81: {  	(xrf0) =	vmax.scan.msk.u32 $0xffff, v10;
	_ =	sdelay $0x5  }
0x82: {  	v10, _, _ =	vpop (xrf0)  }
0x83: {  	(v2sf) =	vpush v10, $0xF;
	_ =	sdelay $0xe  }
0x84: {  	s30 =	spop (v2sf)  }
0x85: {  	s23 =	sshll.u32 s30, $0x4  }
0x86: {  	s24 =	simm.s32 $0x21;
	s25 =	sand.u32 $0x1FFFFFF0, s23  }
0x87: {  	s31 =	sand.u32 $0x30, s24;
	s23 =	simm.s32 $0x5880;
	s25 =	sadd.s32 s3, s25  }
0x88: {  	[tilespmem:s23], [sflag:$0x1] =	stream.linear.gather [hbm4b:s25+s2], $0x80, $0x38;
	[tilespmem:$0x1CC80] =	vst v63  }
0x89: {  	s25 =	simm.s32 $0x22;
	v10 =	vld.idx.msk [tilespmem:v9+s31+$0x0 ss:$0x1], $0xffff  }
.LBB2_7:
0x8a: {  	p0 =	sne.s32 s25, $0x3F;
	_ =	sdelay $0x2  }
0x8b: {  	s26 =	sand.u32 $0xF, s24;
	s24 =	smov.u32 s25  }
0x8c: {  	v11 =	vmov s26  }
0x8d: {  	vm0 =	veq.s32 v11, v0;
	v10 =	vxor.u32 $0x80000000, v10  }
0x8e: {  	v10 =	vnsel vm0, $0x80000000, v10  }
0x8f: {  	(xrf0) =	vmax.scan.msk.u32 $0xffff, v10;
	_ =	sdelay $0x5  }
0x90: {  	v10, _, _ =	vpop (xrf0)  }
0x91: {  	(v2sf) =	vpush v10, $0xF;
	_ =	sdelay $0xe  }
0x92: {  	s26 =	spop (v2sf)  }
.Ltmp5:
0x93: {  	s26 =	sshll.u32 s26, $0x4;
	(pc) =	sbr.rel @p0 .LBB2_7-.Ltmp5, $4  }
0x94: {  	s26 =	sand.u32 $0x1FFFFFF0, s26  }
0x95: {  	s28 =	sand.u32 $0x30, s25;
	s23 =	sadd.s32 $0x80, s23;
	s26 =	sadd.s32 s3, s26  }
0x96: {  	[tilespmem:s23], [sflag:$0x1] =	stream.linear.gather [hbm4b:s26+s2], $0x80, $0x38;
	[tilespmem:$0x1CC80] =	vst v63  }
0x97: {  	s25 =	sadd.s32 $0x1, s25;
	v10 =	vld.idx.msk [tilespmem:v9+s28+$0x0 ss:$0x1], $0xffff  }
0x98: {  	_ =	sdelay $0x1  }
0x99: {  	s24 =	sand.u32 $0xF, s24  }
0x9a: {  	v11 =	vmov s24  }
0x9b: {  	vm0 =	veq.s32 v11, v0;
	v10 =	vxor.u32 $0x80000000, v10  }
0x9c: {  	v10 =	vnsel vm0, $0x80000000, v10  }
0x9d: {  	(xrf0) =	vmax.scan.msk.u32 $0xffff, v10;
	_ =	sdelay $0x5  }
0x9e: {  	v10, _, _ =	vpop (xrf0)  }
0x9f: {  	(v2sf) =	vpush v10, $0xF;
	_ =	sdelay $0xe  }
0xa0: {  	s26 =	spop (v2sf)  }
0xa1: {  	s24 =	sshll.u32 s26, $0x4  }
0xa2: {  	s24 =	sand.u32 $0x1FFFFFF0, s24  }
0xa3: {  	s23 =	sadd.s32 $0x80, s23;
	s24 =	sadd.s32 s3, s24  }
0xa4: {  	[tilespmem:s23], [sflag:$0x1] =	stream.linear.gather [hbm4b:s24+s2], $0x80, $0x38;
	[tilespmem:$0x1CC80] =	vst v63  }
0xa5: {  	_ =	swait.ge [sflag:s16], $0x1000  }
0xa6: {  	s28 =	simm.s32 $0x40;
	[sflag:s16] =	ssyncset.done $0x0  }
0xa7: {  	s29 =	sand.u32 $0x70, s28;
	[sflag:s16] =	ssyncadd.s32 $0xFFFFF000  }
0xa8: {  	v10 =	vld.idx.msk [tilespmem:v9+s29+$0x0 ss:$0x1], $0xffff;
	_ =	sdelay $0x2  }
0xa9: {  	s23 =	sand.u32 $0xF, s28  }
0xaa: {  	v11 =	vmov s23  }
0xab: {  	vm15 =	veq.s32 v11, v0;
	v10 =	vxor.u32 $0x80000000, v10  }
0xac: {  	v10 =	vnsel vm15, $0x80000000, v10  }
0xad: {  	(xrf0) =	vmax.scan.msk.u32 $0xffff, v10;
	_ =	sdelay $0x5  }
0xae: {  	v10, _, _ =	vpop (xrf0)  }
0xaf: {  	(v2sf) =	vpush v10, $0xF;
	_ =	sdelay $0xe  }
0xb0: {  	s30 =	spop (v2sf)  }
0xb1: {  	s23 =	sshll.u32 s30, $0x4  }
0xb2: {  	s24 =	simm.s32 $0x41;
	s25 =	sand.u32 $0x1FFFFFF0, s23  }
0xb3: {  	s31 =	sand.u32 $0x70, s24;
	s23 =	simm.s32 $0x6880;
	s25 =	sadd.s32 s3, s25  }
0xb4: {  	[tilespmem:s23], [sflag:$0x1] =	stream.linear.gather [hbm4b:s25+s2], $0x80, $0x38;
	[tilespmem:$0x1CC80] =	vst v63  }
0xb5: {  	s25 =	simm.s32 $0x42;
	v10 =	vld.idx.msk [tilespmem:v9+s31+$0x0 ss:$0x1], $0xffff  }
.LBB2_9:
0xb6: {  	p0 =	sne.s32 s25, $0x5F;
	_ =	sdelay $0x2  }
0xb7: {  	s26 =	sand.u32 $0xF, s24;
	s24 =	smov.u32 s25  }
0xb8: {  	v11 =	vmov s26  }
0xb9: {  	vm0 =	veq.s32 v11, v0;
	v10 =	vxor.u32 $0x80000000, v10  }
0xba: {  	v10 =	vnsel vm0, $0x80000000, v10  }
0xbb: {  	(xrf0) =	vmax.scan.msk.u32 $0xffff, v10;
	_ =	sdelay $0x5  }
0xbc: {  	v10, _, _ =	vpop (xrf0)  }
0xbd: {  	(v2sf) =	vpush v10, $0xF;
	_ =	sdelay $0xe  }
0xbe: {  	s26 =	spop (v2sf)  }
.Ltmp6:
0xbf: {  	s26 =	sshll.u32 s26, $0x4;
	(pc) =	sbr.rel @p0 .LBB2_9-.Ltmp6, $4  }
0xc0: {  	s26 =	sand.u32 $0x1FFFFFF0, s26  }
0xc1: {  	s28 =	sand.u32 $0x70, s25;
	s23 =	sadd.s32 $0x80, s23;
	s26 =	sadd.s32 s3, s26  }
0xc2: {  	[tilespmem:s23], [sflag:$0x1] =	stream.linear.gather [hbm4b:s26+s2], $0x80, $0x38;
	[tilespmem:$0x1CC80] =	vst v63  }
0xc3: {  	s25 =	sadd.s32 $0x1, s25;
	v10 =	vld.idx.msk [tilespmem:v9+s28+$0x0 ss:$0x1], $0xffff  }
0xc4: {  	_ =	sdelay $0x1  }
0xc5: {  	s24 =	sand.u32 $0xF, s24  }
0xc6: {  	v11 =	vmov s24  }
0xc7: {  	vm0 =	veq.s32 v11, v0;
	v10 =	vxor.u32 $0x80000000, v10  }
0xc8: {  	v10 =	vnsel vm0, $0x80000000, v10  }
0xc9: {  	(xrf0) =	vmax.scan.msk.u32 $0xffff, v10;
	_ =	sdelay $0x5  }
0xca: {  	v10, _, _ =	vpop (xrf0)  }
0xcb: {  	(v2sf) =	vpush v10, $0xF;
	_ =	sdelay $0xe  }
0xcc: {  	s26 =	spop (v2sf)  }
0xcd: {  	s24 =	sshll.u32 s26, $0x4  }
0xce: {  	s24 =	sand.u32 $0x1FFFFFF0, s24  }
0xcf: {  	s23 =	sadd.s32 $0x80, s23;
	s24 =	sadd.s32 s3, s24  }
0xd0: {  	[tilespmem:s23], [sflag:$0x1] =	stream.linear.gather [hbm4b:s24+s2], $0x80, $0x38;
	[tilespmem:$0x1CC80] =	vst v63  }
0xd1: {  	_ =	swait.ge [sflag:s16], $0x1000  }
0xd2: {  	s28 =	simm.s32 $0x60;
	[sflag:s16] =	ssyncset.done $0x0  }
0xd3: {  	s29 =	sand.u32 $0x70, s28;
	[sflag:s16] =	ssyncadd.s32 $0xFFFFF000  }
0xd4: {  	v10 =	vld.idx.msk [tilespmem:v9+s29+$0x0 ss:$0x1], $0xffff;
	_ =	sdelay $0x2  }
0xd5: {  	s23 =	sand.u32 $0xF, s28  }
0xd6: {  	v11 =	vmov s23  }
0xd7: {  	vm15 =	veq.s32 v11, v0;
	v10 =	vxor.u32 $0x80000000, v10  }
0xd8: {  	v10 =	vnsel vm15, $0x80000000, v10  }
0xd9: {  	(xrf0) =	vmax.scan.msk.u32 $0xffff, v10;
	_ =	sdelay $0x5  }
0xda: {  	v10, _, _ =	vpop (xrf0)  }
0xdb: {  	(v2sf) =	vpush v10, $0xF;
	_ =	sdelay $0xe  }
0xdc: {  	s30 =	spop (v2sf)  }
0xdd: {  	s23 =	sshll.u32 s30, $0x4  }
0xde: {  	s24 =	simm.s32 $0x61;
	s25 =	sand.u32 $0x1FFFFFF0, s23  }
0xdf: {  	s31 =	sand.u32 $0x70, s24;
	s23 =	simm.s32 $0x7880;
	s25 =	sadd.s32 s3, s25  }
0xe0: {  	[tilespmem:s23], [sflag:$0x1] =	stream.linear.gather [hbm4b:s25+s2], $0x80, $0x38;
	[tilespmem:$0x1CC80] =	vst v63  }
0xe1: {  	s25 =	simm.s32 $0x62;
	v10 =	vld.idx.msk [tilespmem:v9+s31+$0x0 ss:$0x1], $0xffff  }
.LBB2_11:
0xe2: {  	p0 =	sne.s32 s25, $0x7F;
	_ =	sdelay $0x2  }
0xe3: {  	s26 =	sand.u32 $0xF, s24;
	s24 =	smov.u32 s25  }
0xe4: {  	v11 =	vmov s26  }
0xe5: {  	vm0 =	veq.s32 v11, v0;
	v10 =	vxor.u32 $0x80000000, v10  }
0xe6: {  	v10 =	vnsel vm0, $0x80000000, v10  }
0xe7: {  	(xrf0) =	vmax.scan.msk.u32 $0xffff, v10;
	_ =	sdelay $0x5  }
0xe8: {  	v10, _, _ =	vpop (xrf0)  }
0xe9: {  	(v2sf) =	vpush v10, $0xF;
	_ =	sdelay $0xe  }
0xea: {  	s26 =	spop (v2sf)  }
.Ltmp7:
0xeb: {  	s26 =	sshll.u32 s26, $0x4;
	(pc) =	sbr.rel @p0 .LBB2_11-.Ltmp7, $4  }
0xec: {  	s26 =	sand.u32 $0x1FFFFFF0, s26  }
0xed: {  	s28 =	sand.u32 $0x70, s25;
	s23 =	sadd.s32 $0x80, s23;
	s26 =	sadd.s32 s3, s26  }
0xee: {  	[tilespmem:s23], [sflag:$0x1] =	stream.linear.gather [hbm4b:s26+s2], $0x80, $0x38;
	[tilespmem:$0x1CC80] =	vst v63  }
0xef: {  	s25 =	sadd.s32 $0x1, s25;
	v10 =	vld.idx.msk [tilespmem:v9+s28+$0x0 ss:$0x1], $0xffff  }
0xf0: {  	_ =	sdelay $0x1  }
0xf1: {  	s24 =	sand.u32 $0xF, s24  }
0xf2: {  	v9 =	vmov s24  }
0xf3: {  	vm0 =	veq.s32 v9, v0;
	v9 =	vxor.u32 $0x80000000, v10  }
0xf4: {  	v9 =	vnsel vm0, $0x80000000, v9  }
0xf5: {  	(xrf0) =	vmax.scan.msk.u32 $0xffff, v9;
	_ =	sdelay $0x5  }
0xf6: {  	v9, _, _ =	vpop (xrf0)  }
0xf7: {  	(v2sf) =	vpush v9, $0xF;
	_ =	sdelay $0xe  }
0xf8: {  	s30 =	spop (v2sf)  }
0xf9: {  	s24 =	sshll.u32 s30, $0x4  }
0xfa: {  	s24 =	sand.u32 $0x1FFFFFF0, s24  }
0xfb: {  	s23 =	sadd.s32 $0x80, s23;
	s24 =	sadd.s32 s3, s24  }
0xfc: {  	[tilespmem:s23], [sflag:$0x1] =	stream.linear.gather [hbm4b:s24+s2], $0x80, $0x38;
	[tilespmem:$0x1CC80] =	vst v63  }
0xfd: {  	_ =	swait.ge [sflag:s16], $0x1000  }
0xfe: {  	s31 =	simm.s32 $0x0;
	[sflag:s16] =	ssyncset.done $0x0  }
0xff: {  	v9 =	vmov s31;
	[sflag:s16] =	ssyncadd.s32 $0xFFFFF000  }
0x100: {  	v9 =	vand.u32 $0x7F, v9;
	v10 =	vld [tilespmem:s22+$0x2400]  }
0x101: {  	v9 =	vbroadcast v9, $0x0;
	v13 =	vld [tilespmem:s22+$0x2410]  }
0x102: {  	v14 =	vld [tilespmem:s22+$0x2420]  }
0x103: {  	v11 =	vor.u32 v5, v9;
	v16 =	vld [tilespmem:s22+$0x2430]  }
0x104: {  	v22 =	vor.u32 v1, v9;
	v17 =	vld [tilespmem:s22+$0x2440]  }
0x105: {  	v25 =	vor.u32 v2, v9;
	v21 =	vld [tilespmem:s22+$0x2460]  }
0x106: {  	v18 =	vor.u32 v8, v9;
	v20 =	vld [tilespmem:s22+$0x2450]  }
0x107: {  	v30 =	vor.u32 v4, v9;
	v23 =	vld [tilespmem:s22+$0x2470]  }
0x108: {  	v27 =	vor.u32 v3, v9;
	v11 =	vld.idx.msk [tilespmem:v11+s17+$0x0], $0xffff  }
0x109: {  	v24 =	vld.idx.msk [tilespmem:v22+s17+$0x0], $0xffff;
	v22 =	vor.u32 v6, v9;
	v12 =	vshll.u32 v10, $0x7  }
0x10a: {  	v26 =	vld.idx.msk [tilespmem:v25+s17+$0x0], $0xffff;
	v15 =	vshll.u32 v13, $0x7;
	v13 =	vshll.u32 v21, $0x7;
	v21 =	vor.u32 v7, v9  }
0x10b: {  	v10 =	vld.idx.msk [tilespmem:v18+s17+$0x0], $0xffff;
	v18 =	vshll.u32 v14, $0x7;
	v19 =	vshll.u32 v16, $0x7;
	v29 =	vor.u32 v12, v9  }
0x10c: {  	v25 =	vld.idx.msk [tilespmem:v30+s17+$0x0], $0xffff;
	v16 =	vshll.u32 v17, $0x7;
	v17 =	vshll.u32 v20, $0x7;
	v28 =	vor.u32 v15, v9  }
0x10d: {  	s22 =	simm.s32 $0x1;
	v14 =	vshll.u32 v23, $0x7;
	v23 =	vld.idx.msk [tilespmem:v27+s17+$0x0], $0xffff;
	v20 =	vor.u32 v19, v9;
	v27 =	vor.u32 v18, v9  }
.LBB2_13:
0x10e: {  	v30 =	vmov s22;
	p0 =	sne.s32 s22, $0x7F;
	s22 =	sadd.s32 $0x1, s22;
	v31 =	vld.idx.msk [tilespmem:v22+s17+$0x0], $0xffff  }
0x10f: {  	v32 =	vor.u32 v16, v9;
	v22 =	vand.u32 $0x7F, v30;
	v30 =	vld.idx.msk [tilespmem:v21+s17+$0x0], $0xffff  }
0x110: {  	v22 =	vbroadcast v22, $0x0;
	[tilespmem:v29+s14+$0x0] =	vst.idx.add.f32.msk $0xffff, v24;
	v24 =	vor.u32 v17, v9  }
0x111: {  	[tilespmem:v28+s14+$0x0] =	vst.idx.add.f32.msk $0xffff, v26;
	v26 =	vor.u32 v13, v9;
	v28 =	vor.u32 v14, v9  }
0x112: {  	v29 =	vor.u32 v1, v22;
	v21 =	vor.u32 v7, v22;
	[tilespmem:v27+s14+$0x0] =	vst.idx.add.f32.msk $0xffff, v23;
	v9 =	vmov v22  }
0x113: {  	v23 =	vor.u32 v2, v9;
	v27 =	vor.u32 v5, v9;
	[tilespmem:v20+s14+$0x0] =	vst.idx.add.f32.msk $0xffff, v25  }
0x114: {  	v22 =	vor.u32 v6, v9;
	v25 =	vor.u32 v8, v9;
	[tilespmem:v32+s14+$0x0] =	vst.idx.add.f32.msk $0xffff, v11  }
0x115: {  	v20 =	vor.u32 v19, v9;
	[tilespmem:v24+s14+$0x0] =	vst.idx.add.f32.msk $0xffff, v31  }
0x116: {  	v31 =	vor.u32 v3, v9;
	[tilespmem:v26+s14+$0x0] =	vst.idx.add.f32.msk $0xffff, v30  }
0x117: {  	v30 =	vor.u32 v4, v9;
	[tilespmem:v28+s14+$0x0] =	vst.idx.add.f32.msk $0xffff, v10  }
0x118: {  	v11 =	vld.idx.msk [tilespmem:v27+s17+$0x0], $0xffff  }
.Ltmp8:
0x119: {  	v10 =	vld.idx.msk [tilespmem:v25+s17+$0x0], $0xffff;
	(pc) =	sbr.rel @p0 .LBB2_13-.Ltmp8, $4  }
0x11a: {  	v24 =	vld.idx.msk [tilespmem:v29+s17+$0x0], $0xffff  }
0x11b: {  	v29 =	vor.u32 v12, v9;
	v26 =	vld.idx.msk [tilespmem:v23+s17+$0x0], $0xffff  }
0x11c: {  	v28 =	vor.u32 v15, v9;
	v23 =	vld.idx.msk [tilespmem:v31+s17+$0x0], $0xffff  }
0x11d: {  	v27 =	vor.u32 v18, v9;
	v25 =	vld.idx.msk [tilespmem:v30+s17+$0x0], $0xffff  }
0x11e: {  	_ =	sdelay $0x3  }
0x11f: {  	v12 =	vld.idx.msk [tilespmem:v22+s17+$0x0], $0xffff  }
0x120: {  	v15 =	vld.idx.msk [tilespmem:v21+s17+$0x0], $0xffff;
	v16 =	vor.u32 v16, v9  }
0x121: {  	v17 =	vor.u32 v17, v9;
	[tilespmem:v29+s14+$0x0] =	vst.idx.add.f32.msk $0xffff, v24  }
0x122: {  	v13 =	vor.u32 v13, v9;
	s21 =	sadd.s32 $0x1, s21;
	[tilespmem:v28+s14+$0x0] =	vst.idx.add.f32.msk $0xffff, v26  }
0x123: {  	v9 =	vor.u32 v14, v9;
	p0 =	sne.s32 s21, s19;
	[tilespmem:v27+s14+$0x0] =	vst.idx.add.f32.msk $0xffff, v23  }
.Ltmp9:
0x124: {  	[tilespmem:v20+s14+$0x0] =	vst.idx.add.f32.msk $0xffff, v25;
	(pc) =	sbr.rel @p0 .LBB2_4-.Ltmp9, $4  }
.Ltmp10:
0x125: {  	[tilespmem:v16+s14+$0x0] =	vst.idx.add.f32.msk $0xffff, v11;
	(pc) =	sbr.rel @!p0 .LBB2_15-.Ltmp10, $4  }
0x126: {  	[tilespmem:v17+s14+$0x0] =	vst.idx.add.f32.msk $0xffff, v12  }
0x127: {  	[tilespmem:v13+s14+$0x0] =	vst.idx.add.f32.msk $0xffff, v15  }
0x128: {  	[tilespmem:v9+s14+$0x0] =	vst.idx.add.f32.msk $0xffff, v10  }
0x129: {  	_ = 	snop  }
.LBB2_16:
0x12a: {  	_ =	sfence.sel $0x180000  }
0x12b: {  	[bflag:$0x0] =	sbarrier.arrive $0xFFFF  }
0x12c: {  	p0 =	sne.s32 s1, $0x0;
	_ =	strace $0x90000050  }
0x12d: {  	s0 =	sadd.s32 @!p0 $0x100000, s0;
	[bflag:$0x2] =	sbarrier.arrive $0xFFFF  }
0x12e: {  	[sflag:s0] =	ssyncadd.tile.s32 @!p0 $0x1;
	_ =	shalt  }
.Lfunc_end2:
_tile_overlayer_lowered:
.L_overlay_start_2:
0x12f: {  	(tag) =	ssettag $0x2  }
0x130: {  	s0 =	rddreg [dreg:$0x0];
	s2 =	stileid.u32  }
0x131: {  	s1 =	rddreg [dreg:$0x1];
	p0 =	sne.s32 s2, $0x0  }
0x132: {  	s3 =	rddreg [dreg:$0x2];
	[bflag:$0x3] =	sbarrier.arrive $0xFFFF;
	s2 =	simm.s32 @!p0 $0x1C02  }
0x133: {  	[timem:s3], [sflag:s2] =	dma.local @!p0 [hbm:s0], s1  }
0x134: {  	s0 =	simm.s32 @!p0 $0x2  }
0x135: {  	_ =	swait.ge @!p0 [sflag:s0], s1  }
0x136: {  	s1 =	ssub.s32 @!p0 $0x0, s1;
	[sflag:s0] =	ssyncset.done @!p0 $0x0  }
0x137: {  	[sflag:s0] =	ssyncadd.s32 @!p0 s1  }
0x138: {  	[bflag:$0x3] =	sbarrier.arrive $0xFFFF  }
0x139: {  	_ =	shalt  }

// kernel: kernel.8.cloned.1.call-start
scs
__scs_entry_jumppad:
0x0: {  	(pc) =	sbr.rel $0x88, $3  }
0x1: {  	(tag) =	ssettag $0x0;
	lr =	simm.s32 $0x1  }
0x2: {  	[smem:$0x3F99] =	sst lr;
	_ =	strace $0xD0000000  }
0x3: {  	_ = 	snop  }
0x4: {  	_ = 	snop  }
0x5: {  	_ = 	snop  }
0x6: {  	_ = 	snop  }
0x7: {  	_ = 	snop  }
__scs_overlays_trampoline_lowered:
0x8: {  	[smem:$0x3FA8] =	sst s0  }
0x9: {  	[smem:$0x3FA9] =	sst s1  }
0xa: {  	[smem:$0x3FAA] =	sst s2  }
0xb: {  	[smem:$0x3FAB] =	sst s3  }
0xc: {  	[smem:$0x3FAC] =	sst s4  }
0xd: {  	[smem:$0x3FAD] =	sst s5  }
0xe: {  	[smem:$0x3FAE] =	sst s6  }
0xf: {  	[smem:$0x3FAF] =	sst s7  }
0x10: {  	[smem:$0x3FB0] =	sst s8  }
0x11: {  	[smem:$0x3FB1] =	sst s9;
	s0 =	simm.s32 @!p0 $0x0  }
0x12: {  	s1 =	sld [smem:$0x3F97];
	s0 =	simm.s32 @p0 $0x1  }
0x13: {  	[smem:$0x3FB2] =	sst s0;
	s0 =	simm.s32 @!p1 $0x0  }
0x14: {  	s2 =	sld [smem:$0x3F96];
	s0 =	simm.s32 @p1 $0x1  }
0x15: {  	[smem:$0x3FB3] =	sst s0;
	s0 =	simm.s32 @!p2 $0x0  }
0x16: {  	s3 =	sld [smem:$0x3FDB];
	s0 =	simm.s32 @p2 $0x1  }
0x17: {  	s4 =	simm.s32 $0x1BF5;
	[smem:$0x3FB5] =	sst s0  }
0x18: {  	s0 =	sld [smem:$0x3F98];
	_ =	swait.ge [sflag:s4], $0x0  }
0x19: {  	s7 =	sld [smem:$0x3F99]  }
0x1a: {  	s8 =	sadd.s32 $0xFFFFE003, lr  }
0x1b: {  	s9 =	sadd.s32 $0xFFFFFEF7, lr;
	s5 =	simm.s32 $0xFFFFFFFF;
	p2 =	slt.u32 s8, $0xFFFFF086  }
0x1c: {  	p1 =	slt.u32 s9, $0xF7A;
	s5 =	simm.s32 @!p2 $0x0  }
0x1d: {  	s5 =	simm.s32 @p1 $0x1;
	p0 =	seq.s32 s7, s2  }
0x1e: {  	s7 =	smul.u32 @!p0 $0xF7A, s2;
	p2 =	seq.s32 @!p0 s5, $0x0  }
0x1f: {  	s9 =	smul.u32 $0xF7A, s1;
	s8 =	simm.s32 @!p0 $0x1BF5;
	p2 =	por !p2, p0  }
0x20: {  	[sflag:s8] =	ssyncset.s32 @!p0 $0xFFFFF086;
	s6 =	sadd.s32 @!p0 s3, s7;
	s7 =	simm.s32 @!p0 $0x108  }
0x21: {  	s3 =	sadd.s32 s3, s9;
	s6 =	sadd.s32 @!p0 $0x88, s6;
	s7 =	simm.s32 @p2 $0x1082  }
0x22: {  	[simem:s7], [sflag:s8] =	dma.local @!p0 [hbm:s6], $0xF7A  }
0x23: {  	s9 =	sor.u32 $0xD0000000, s2;
	s6 =	simm.s32 $0x108;
	_ =	swait.ge @!p0 [sflag:s8], $0x0  }
0x24: {  	s3 =	sadd.s32 $0x88, s3;
	s6 =	simm.s32 @!p1 $0x1082;
	[sflag:s4] =	ssyncset.s32 $0xFFFFF086  }
0x25: {  	[simem:s6], [sflag:s4] =	dma.local [hbm:s3], $0xF7A  }
0x26: {  	[smem:$0x3F99] =	sst s1;
	(tag) =	ssettag s2;
	_ =	strace s9  }
0x27: {  	s1 =	sld [smem:$0x3FA9]  }
0x28: {  	s2 =	sld [smem:$0x3FAA]  }
0x29: {  	s4 =	sld [smem:$0x3FAC]  }
0x2a: {  	p0 =	seq.s32 s5, $0x0;
	s5 =	sld [smem:$0x3FAD]  }
0x2b: {  	s6 =	sld [smem:$0x3FAE]  }
0x2c: {  	s7 =	sld [smem:$0x3FAF]  }
0x2d: {  	s3 =	simm.s32 $0x108;
	s8 =	sld [smem:$0x3FB0]  }
0x2e: {  	s3 =	simm.s32 @!p0 $0x1082;
	s9 =	sld [smem:$0x3FB1]  }
0x2f: {  	lr =	sadd.s32 s0, s3;
	s0 =	sld [smem:$0x3FA8]  }
0x30: {  	s3 =	sld [smem:$0x3FAB]  }
0x31: {  	[smem:$0x3FB4] =	sst s10  }
0x32: {  	s10 =	sld [smem:$0x3FB2];
	_ =	sdelay $0x3  }
0x33: {  	p0 =	seq.s32 s10, $0x1;
	s10 =	sld [smem:$0x3FB4];
	_ =	sdelay $0x3  }
0x34: {  	[smem:$0x3FB4] =	sst s10  }
0x35: {  	s10 =	sld [smem:$0x3FB3];
	_ =	sdelay $0x3  }
0x36: {  	p1 =	seq.s32 s10, $0x1;
	s10 =	sld [smem:$0x3FB4];
	_ =	sdelay $0x3  }
0x37: {  	[smem:$0x3FB4] =	sst s10  }
0x38: {  	s10 =	sld [smem:$0x3FB5]  }
0x39: {  	_ = 	snop;
	(pc) =	sbr.ind lr, $3  }
0x3a: {  	_ = 	snop  }
0x3b: {  	_ = 	snop  }
0x3c: {  	p2 =	seq.s32 s10, $0x1;
	s10 =	sld [smem:$0x3FB4]  }
0x3d: {  	_ =	shalt  }
0x3e: {  	_ =	shalt  }
0x3f: {  	_ =	shalt  }
0x40: {  	_ =	shalt  }
0x41: {  	_ =	shalt  }
0x42: {  	_ =	shalt  }
0x43: {  	_ =	shalt  }
0x44: {  	_ =	shalt  }
0x45: {  	_ =	shalt  }
0x46: {  	_ =	shalt  }
0x47: {  	_ =	shalt  }
0x48: {  	_ =	shalt  }
0x49: {  	_ =	shalt  }
0x4a: {  	_ =	shalt  }
0x4b: {  	_ =	shalt  }
0x4c: {  	_ =	shalt  }
0x4d: {  	_ =	shalt  }
0x4e: {  	_ =	shalt  }
0x4f: {  	_ =	shalt  }
0x50: {  	_ =	shalt  }
0x51: {  	_ =	shalt  }
0x52: {  	_ =	shalt  }
0x53: {  	_ =	shalt  }
0x54: {  	_ =	shalt  }
0x55: {  	_ =	shalt  }
0x56: {  	_ =	shalt  }
0x57: {  	_ =	shalt  }
0x58: {  	_ =	shalt  }
0x59: {  	_ =	shalt  }
0x5a: {  	_ =	shalt  }
0x5b: {  	_ =	shalt  }
0x5c: {  	_ =	shalt  }
0x5d: {  	_ =	shalt  }
0x5e: {  	_ =	shalt  }
0x5f: {  	_ =	shalt  }
0x60: {  	_ =	shalt  }
0x61: {  	_ =	shalt  }
0x62: {  	_ =	shalt  }
0x63: {  	_ =	shalt  }
0x64: {  	_ =	shalt  }
0x65: {  	_ =	shalt  }
0x66: {  	_ =	shalt  }
0x67: {  	_ =	shalt  }
0x68: {  	_ =	shalt  }
0x69: {  	_ =	shalt  }
0x6a: {  	_ =	shalt  }
0x6b: {  	_ =	shalt  }
0x6c: {  	_ =	shalt  }
0x6d: {  	_ =	shalt  }
0x6e: {  	_ =	shalt  }
0x6f: {  	_ =	shalt  }
0x70: {  	_ =	shalt  }
0x71: {  	_ =	shalt  }
0x72: {  	_ =	shalt  }
0x73: {  	_ =	shalt  }
0x74: {  	_ =	shalt  }
0x75: {  	_ =	shalt  }
0x76: {  	_ =	shalt  }
0x77: {  	_ =	shalt  }
0x78: {  	_ =	shalt  }
0x79: {  	_ =	shalt  }
0x7a: {  	_ =	shalt  }
0x7b: {  	_ =	shalt  }
0x7c: {  	_ =	shalt  }
0x7d: {  	_ =	shalt  }
0x7e: {  	_ =	shalt  }
0x7f: {  	_ =	shalt  }
0x80: {  	_ =	shalt  }
0x81: {  	_ =	shalt  }
0x82: {  	_ =	shalt  }
0x83: {  	_ =	shalt  }
0x84: {  	_ =	shalt  }
0x85: {  	_ =	shalt  }
0x86: {  	_ =	shalt  }
0x87: {  	_ =	shalt  }
.Lfunc_end0:
.L_simem_size_0:
called_computation_lowered:
.L_overlay_start_0:
0x88: {  	s2 =	sld [smem:$0x3FD9]  }
0x89: {  	s3 =	sld [smem:$0x3FFE];
	_ =	sdelay $0x1  }
0x8a: {  	s1 =	srdreg.scid  }
0x8b: {  	s0 =	sand.u32 $0x1, s1  }
0x8c: {  	s16 =	sshll.u32 s0, $0xA;
	s2 =	sadd.s32 s3, s2  }
0x8d: {  	s2 =	sadd.s32 s2, s16  }
0x8e: {  	[smem:$0x3FC0] =	sst s2  }
0x8f: {  	_ = 	snop  }
0x90: {  	(tm) =	ssettm $0x1  }
0x91: {  	s17 =	sld [smem:$0x3FFB];
	_ =	sdelay $0x3  }
0x92: {  	_ =	strace s17  }
0x93: {  	s2 =	sld [smem:$0x3FFC];
	_ =	sdelay $0x3  }
0x94: {  	_ =	strace s2  }
0x95: {  	s2 =	sld [smem:$0x3FFD];
	_ =	sdelay $0x3  }
0x96: {  	_ =	strace s2  }
0x97: {  	_ =	strace $0x8FFFFFFF  }
0x98: {  	s18 =	sld [smem:$0x3FDB];
	_ =	sdelay $0x1  }
0x99: {  	s19 =	simm.s32 $_scs_section_size  }
0x9a: {  	s4 =	simm.s32 $_size__tile_overlayer_lowered;
	s5 =	simm.s32 $_tile_overlayer_lowered  }
0x9b: {  	s22 =	simm.s32 $0x1BFF;
	s21 =	sshll.u32 s5, $0x1;
	s2 =	sadd.s32 s19, s18  }
0x9c: {  	s6 =	simm.s32 $0x0;
	s20 =	sshll.u32 s4, $0x1;
	s4 =	sadd.s32 s21, s2  }
0x9d: {  	[timem:s6], [sflag:s22] =	dma.local [hbm:s4], s20  }
0x9e: {  	_ =	swait.ge [sflag:s22], s20  }
0x9f: {  	s3 =	ssub.s32 $0x0, s20;
	[sflag:s22] =	ssyncset.done $0x0  }
0xa0: {  	[sflag:s22] =	ssyncadd.s32 s3;
	_ =	sdelay $0x1  }
0xa1: {  	s23 =	simm.s32 $0x1B8B  }
0xa2: {  	_ =	swait.ge [sflag:s23], $0x1  }
0xa3: {  	[sflag:s23] =	ssyncset.done $0x0  }
0xa4: {  	s25 =	simm.s32 $0x1B8E;
	s24 =	sld [smem:$0x3FFE];
	[sflag:s23] =	ssyncadd.s32 $0xFFFFFFFF  }
0xa5: {  	s26 =	simm.s32 $execute0_lowered;
	[smem:$0x3FD2] =	sst s25  }
0xa6: {  	s4 =	sshll.u32 s26, $0x1;
	_ =	strace $0x80000046;
	[dreg:$0x1] =	wrdreg $0xFFFFFFFF  }
0xa7: {  	s28 =	simm.s32 $_size_execute0_lowered;
	s2 =	sadd.s32 s2, s4;
	[dreg:$0x0] =	wrdreg $0x0  }
0xa8: {  	s4 =	sshll.u32 s28, $0x1;
	[dreg:$0x2] =	wrdreg s2  }
0xa9: {  	[dreg:$0x3] =	wrdreg s4  }
0xaa: {  	[dreg:$0x4] =	wrdreg $0xC0  }
0xab: {  	_ =	task [dreg:s6], $0x5FFFF  }
0xac: {  	[dreg:$0x1] =	wrdreg $0xFFFFFFFF  }
0xad: {  	[dreg:$0x0] =	wrdreg $0x60  }
0xae: {  	[dreg:$0x2] =	wrdreg s24  }
0xaf: {  	[dreg:$0x3] =	wrdreg $0x9  }
0xb0: {  	_ =	task.clear_ibuf [dreg:s6], $0x4FFFF;
	_ =	strace $0x90000046  }
0xb1: {  	s29 =	simm.s32 $0x9;
	_ =	strace $0x80000048  }
0xb2: {  	_ =	swait.ge [sflag:s29], $0x1  }
0xb3: {  	[sflag:s29] =	ssyncadd.s32 $0xFFFFFFFF  }
0xb4: {  	_ =	strace $0x90000048  }
0xb5: {  	_ =	sfence  }
0xb6: {  	s30 =	sld [smem:$0x0];
	_ =	sdelay $0x2  }
0xb7: {  	s31 =	sshll.u32 s1, $0xD;
	s1 =	sshrl.u32 s1, $0x2  }
0xb8: {  	s3 =	sand.u32 $0x4000, s31;
	s1 =	sadd.s32 s1, s30  }
0xb9: {  	s0 =	sor.u32 s3, s0;
	s1 =	sshll.u32 s1, $0x11  }
0xba: {  	s0 =	sor.u32 s1, s0  }
0xbb: {  	s0 =	sadd.s32 $0x8F2B, s0  }
0xbc: {  	[sflag:s0] =	ssyncadd.remote.s32 $0x1  }
0xbd: {  	_ =	sfence.sel $0xFFFF  }
0xbe: {  	[dreg:$0x0] =	wrdreg $0xFFFFFFFF;
	(pc) =	sbr.abs _section_cstart, $3  }
0xbf: {  	[dreg:$0x1] =	wrdreg $0xFFFFFFFF  }
0xc0: {  	_ =	task.clear_ibuf [dreg:s6], $0x2FFFF;
	_ =	strace $0x9FFFFFFF  }
0xc1: {  	(tm) =	ssettm $0x7FFFFFFF  }
tec
execute0_lowered:
.L_overlay_start_1:
0x0: {  	(tag) =	ssettag $0x1  }
0x1: {  	s4 =	rddreg [dreg:$0x0];
	s2 =	srdreg.scid  }
0x2: {  	s0 =	rddreg [dreg:$0x1];
	s1 =	stileid.u32;
	s3 =	sand.u32 $0x1, s2  }
0x3: {  	s2 =	simm.s32 $0x0;
	s6 =	sshll.u32 s1, $0xD;
	s5 =	sshll.u32 s3, $0x11  }
0x4: {  	[smem:$0x7FF] =	sst s2;
	s30 =	ssub.s32 $0x2, s3;
	s3 =	sadd.s32 $0x2C00, s4  }
0x5: {  	s5 =	sor.u32 s6, s5;
	_ =	strace $0x80000047;
	s8 =	sshrl.u32 s30, $0x1  }
0x6: {  	s7 =	sshrl.u32 s5, $0x3;
	s6 =	ssub.s32 s30, s8;
	s31 =	sadd.s32 $0x2000, s5  }
0x7: {  	v0 =	vmov s5;
	s8 =	simm.s32 $0x0;
	s4 =	sadd.s32 s7, s4;
	s5 =	smax.u32 s6, $0x1  }
0x8: {  	v2 =	vimm.s32 $0xFFFFFFFF;
	v3 =	vlaneseq.u32;
	v1 =	vmov s31;
	s6 =	simm.s32 $0x1;
	s7 =	simm.s32 $0x7580;
	s4 =	sadd.s32 $0x3C00, s4  }
.LBB2_1:
0x9: {  	[tilespmem:s2], [sflag:$0x1] =	stream.linear.gather [hbm4b:s3+s2], $0x7580, $0x38;
	[tilespmem:$0x9580] =	vst v63  }
0xa: {  	_ =	swait.ge [sflag:s6], $0x7580  }
0xb: {  	[sflag:s6] =	ssyncset.done $0x0  }
0xc: {  	s9 =	simm.s32 $0x0;
	[sflag:s6] =	ssyncadd.s32 $0xFFFF8A80  }
.LBB2_2:
0xd: {  	p0 =	sne.s32 s9, $0x7FC0  }
.Ltmp0:
0xe: {  	_ = 	snop;
	(pc) =	sbr.rel @p0 .LBB2_2-.Ltmp0, $3  }
0xf: {  	_ =	sdelay $0x1  }
0x10: {  	s10 =	sshra.s32 s9, $0x2  }
0x11: {  	s9 =	sadd.s32 $0x40, s9;
	[tilespmem:s10+$0x7580] =	vst v2  }
0x12: {  	s9 =	simm.s32 $0x0  }
0x13: {  	v4 =	vor.u32 s9, v3  }
0x14: {  	v5 =	vmul.u32 $0x3, v4;
	_ =	sdelay $0x1  }
0x15: {  	v6 =	vadd.s32 $0x1, v5;
	_ =	sdelay $0x1  }
0x16: {  	v7 =	vadd.s32 $0x2, v5;
	_ =	sdelay $0x1  }
0x17: {  	v5 =	vld.idx.msk [tilespmem:v5+s2+$0x0], $0xffff  }
0x18: {  	v6 =	vld.idx.msk [tilespmem:v6+s2+$0x0], $0xffff;
	_ =	sdelay $0x1  }
0x19: {  	v7 =	vld.idx.msk [tilespmem:v7+s2+$0x0], $0xffff;
	_ =	sdelay $0x2  }
0x1a: {  	v5 =	vtrunc.f32 v5;
	v6 =	vtrunc.f32 v6  }
0x1b: {  	v5 =	vcvt.f32.s32 v5;
	v6 =	vcvt.f32.s32 v6  }
0x1c: {  	v7 =	vtrunc.f32 v7  }
0x1d: {  	s31 =	simm.s32 $0x10;
	v7 =	vcvt.f32.s32 v7;
	v8 =	vshll.u32 v5, $0xC;
	v6 =	vshll.u32 v6, $0x6  }
0x1e: {  	v5 =	vor.u32 s31, v3;
	v8 =	vadd.s32 v8, v6  }
0x1f: {  	v6 =	vmul.u32 $0x3, v5;
	v8 =	vadd.s32 v7, v8  }
0x20: {  	vm0 =	vge.s32 v8, v0;
	vm1 =	vlt.s32 v8, v1;
	v7 =	vsub.s32 v8, v0  }
0x21: {  	s9 =	simm.s32 $0x20;
	v8 =	vand.u32 $0x7F, v8;
	vm0 =	vmand vm0, vm1;
	v7 =	vand.u32 $0xFFFFFF80, v7  }
.LBB2_4:
0x22: {  	p0 =	sne.s32 s9, $0x2700;
	v7 =	vor.u32 v8, v7  }
0x23: {  	v8 =	vadd.s32 $0x1, v6;
	_ =	sdelay $0x2  }
0x24: {  	v9 =	vadd.s32 $0x2, v6  }
0x25: {  	[tilespmem:v7+s7+$0x0] =	vst.idx.msk vm0, v4;
	v4 =	vmov v5  }
0x26: {  	v5 =	vld.idx.msk [tilespmem:v8+s2+$0x0], $0xffff  }
0x27: {  	v6 =	vld.idx.msk [tilespmem:v6+s2+$0x0], $0xffff;
	_ =	sdelay $0x1  }
0x28: {  	v7 =	vld.idx.msk [tilespmem:v9+s2+$0x0], $0xffff;
	_ =	sdelay $0x3  }
0x29: {  	v5 =	vtrunc.f32 v5;
	v6 =	vtrunc.f32 v6  }
0x2a: {  	v5 =	vcvt.f32.s32 v5;
	v6 =	vcvt.f32.s32 v6  }
0x2b: {  	v7 =	vtrunc.f32 v7  }
.Ltmp1:
0x2c: {  	v8 =	vshll.u32 v5, $0x6;
	v7 =	vcvt.f32.s32 v7;
	v6 =	vshll.u32 v6, $0xC;
	(pc) =	sbr.rel @p0 .LBB2_4-.Ltmp1, $4  }
0x2d: {  	v5 =	vor.u32 s9, v3;
	v8 =	vadd.s32 v6, v8  }
0x2e: {  	v6 =	vmul.u32 $0x3, v5;
	v8 =	vadd.s32 v7, v8  }
0x2f: {  	vm0 =	vge.s32 v8, v0;
	vm1 =	vlt.s32 v8, v1;
	v7 =	vsub.s32 v8, v0  }
0x30: {  	s9 =	sadd.s32 $0x10, s9;
	v8 =	vand.u32 $0x7F, v8;
	vm0 =	vmand vm0, vm1;
	v7 =	vand.u32 $0xFFFFFF80, v7  }
0x31: {  	v7 =	vor.u32 v8, v7  }
0x32: {  	v61 =	vadd.s32 $0x1, v6;
	_ =	sdelay $0x2  }
0x33: {  	v9 =	vadd.s32 $0x2, v6  }
0x34: {  	[tilespmem:v7+s7+$0x0] =	vst.idx.msk vm0, v4  }
0x35: {  	v4 =	vld.idx.msk [tilespmem:v61+s2+$0x0], $0xffff  }
0x36: {  	v62 =	vld.idx.msk [tilespmem:v6+s2+$0x0], $0xffff;
	_ =	sdelay $0x1  }
0x37: {  	v7 =	vld.idx.msk [tilespmem:v9+s2+$0x0], $0xffff;
	_ =	sdelay $0x2  }
0x38: {  	v6 =	vtrunc.f32 v62;
	v4 =	vtrunc.f32 v4  }
0x39: {  	v6 =	vcvt.f32.s32 v6;
	v4 =	vcvt.f32.s32 v4  }
0x3a: {  	v7 =	vtrunc.f32 v7  }
0x3b: {  	v7 =	vcvt.f32.s32 v7;
	v6 =	vshll.u32 v6, $0xC;
	v4 =	vshll.u32 v4, $0x6  }
0x3c: {  	v4 =	vadd.s32 v6, v4  }
0x3d: {  	v4 =	vadd.s32 v7, v4  }
0x3e: {  	vm15 =	vge.s32 v4, v0;
	vm1 =	vlt.s32 v4, v1;
	v63 =	vsub.s32 v4, v0  }
0x3f: {  	v4 =	vand.u32 $0x7F, v4;
	vm0 =	vmand vm15, vm1;
	v6 =	vand.u32 $0xFFFFFF80, v63  }
0x40: {  	v4 =	vor.u32 v4, v6;
	_ =	sdelay $0x2  }
0x41: {  	s8 =	sadd.s32 $0x1, s8  }
0x42: {  	p0 =	sne.s32 s8, s5  }
.Ltmp2:
0x43: {  	[tilespmem:v4+s7+$0x0] =	vst.idx.msk vm0, v5;
	(pc) =	sbr.rel @p0 .LBB2_1-.Ltmp2, $4  }
0x44: {  	[hbm4b:s4+s2] =	stream.linear.scatter [tilespmem:s7], [sflag:$0x1], $0x2000, $0x38;
	[tilespmem:$0x9580] =	vst v63  }
0x45: {  	_ =	swait.ge [sflag:s6], $0x2000  }
0x46: {  	[sflag:s6] =	ssyncset.done $0x0  }
0x47: {  	[sflag:s6] =	ssyncadd.s32 $0xFFFFE000  }
0x48: {  	_ =	sfence.sel $0x180000  }
0x49: {  	[bflag:$0x0] =	sbarrier.arrive $0xFFFF  }
0x4a: {  	p0 =	sne.s32 s1, $0x0;
	_ =	strace $0x90000047  }
0x4b: {  	s0 =	sadd.s32 @!p0 $0x100000, s0;
	[bflag:$0x2] =	sbarrier.arrive $0xFFFF  }
0x4c: {  	[sflag:s0] =	ssyncadd.tile.s32 @!p0 $0x1;
	_ =	shalt  }
.Lfunc_end2:
_tile_overlayer_lowered:
.L_overlay_start_2:
0x4d: {  	(tag) =	ssettag $0x2  }
0x4e: {  	s0 =	rddreg [dreg:$0x0];
	s2 =	stileid.u32  }
0x4f: {  	s1 =	rddreg [dreg:$0x1];
	p0 =	sne.s32 s2, $0x0  }
0x50: {  	s3 =	rddreg [dreg:$0x2];
	[bflag:$0x3] =	sbarrier.arrive $0xFFFF;
	s2 =	simm.s32 @!p0 $0x1C01  }
0x51: {  	[timem:s3], [sflag:s2] =	dma.local @!p0 [hbm:s0], s1  }
0x52: {  	s0 =	simm.s32 @!p0 $0x1  }
0x53: {  	_ =	swait.ge @!p0 [sflag:s0], s1  }
0x54: {  	s1 =	ssub.s32 @!p0 $0x0, s1;
	[sflag:s0] =	ssyncset.done @!p0 $0x0  }
0x55: {  	[sflag:s0] =	ssyncadd.s32 @!p0 s1  }
0x56: {  	[bflag:$0x3] =	sbarrier.arrive $0xFFFF  }
0x57: {  	_ =	shalt  }

</sc_bundles>
